<compile_context>
chip_gen: v7x
topology: tpu7x:2x2x1
jax: 0.10.2.dev20260603
libtpu: 0.0.44.dev20260713+nightly
codegen_flags: <defaults>
</compile_context>

<pallas_src>
import functools

import jax
import jax.numpy as jnp
from jax import lax
from jax.experimental import pallas as pl
from jax.experimental.pallas import tpu as pltpu
from jax.experimental.pallas import tpu_sc as plsc

N = 10000
E = 160000
NODE_TYPES = 100
FEAT = 28
H = 32
B = 64
MP_ITER = 3
S2S_ITER = 4

NB = 512
NP = 10240
NGRID = NP // NB
EP = 163840
WCH = 40
CH = 128
EROWS = EP // CH
NROWS = NP + 128
ZR = NROWS // 16

_f32 = jnp.float32



def _tflat_body(we1_ref, be1_ref, we2_ref, be2_ref, out_ref):
    a = jnp.maximum(we1_ref[...] + be1_ref[...], 0.0)
    out_ref[...] = (
        jnp.dot(a, we2_ref[...], preferred_element_type=_f32) + be2_ref[...]
    )


def _tflat_call(W_e1, b_e1, W_e2, b_e2):
    return pl.pallas_call(
        _tflat_body,
        out_shape=jax.ShapeDtypeStruct((16, H * H), _f32),
    )(W_e1, b_e1.reshape(1, H), W_e2, b_e2.reshape(1, H * H))


def _pack4d(ht):
    return jnp.transpose(ht.reshape(NB // 8, 8, 4, 128), (0, 2, 1, 3))


def _prep_body(nt_ref, feat_ref, wemb_ref, wf_ref, bemb_ref, tcat_ref,
               h_ref, ht_ref):
    nt = nt_ref[...]
    iot = lax.broadcasted_iota(jnp.int32, (NB, 128), 1)
    oh = (iot == nt).astype(_f32)
    h = (jnp.dot(oh, wemb_ref[...], preferred_element_type=_f32)
         + jnp.dot(feat_ref[...], wf_ref[...], preferred_element_type=_f32)
         + bemb_ref[...])
    h_ref[...] = h
    ht_ref[...] = _pack4d(jnp.dot(h, tcat_ref[...],
                                  preferred_element_type=_f32))


def _prep_call(nt_p, feat_p, W_emb, W_f, b_emb, Tcat):
    return pl.pallas_call(
        _prep_body,
        grid=(NGRID,),
        in_specs=[
            pl.BlockSpec((NB, 1), lambda i: (i, 0)),
            pl.BlockSpec((NB, H), lambda i: (i, 0)),
            pl.BlockSpec((128, H), lambda i: (0, 0)),
            pl.BlockSpec((H, H), lambda i: (0, 0)),
            pl.BlockSpec((1, H), lambda i: (0, 0)),
            pl.BlockSpec((H, 16 * H), lambda i: (0, 0)),
        ],
        out_specs=[
            pl.BlockSpec((NB, H), lambda i: (i, 0)),
            pl.BlockSpec((NB // 8, 4, 8, 128), lambda i: (i, 0, 0, 0)),
        ],
        out_shape=[
            jax.ShapeDtypeStruct((NP, H), _f32),
            jax.ShapeDtypeStruct((NP // 8, 4, 8, 128), _f32),
        ],
    )(nt_p, feat_p, W_emb, W_f, b_emb, Tcat)


def _step_body(agg_ref, h_ref, wr_ref, bc_ref, tcat_ref, hn_ref, ht_ref):
    a2 = agg_ref[0] + agg_ref[1]
    rid = lax.broadcasted_iota(jnp.int32, (NB, NB // 4), 0) // 4
    uid = lax.broadcasted_iota(jnp.int32, (NB, NB // 4), 1)
    rowsel = jnp.dot((rid == uid).astype(_f32), a2,
                     preferred_element_type=_f32)
    lb = lax.broadcasted_iota(jnp.int32, (NB, 1), 0) % 4
    a = (jnp.where(lb == 0, rowsel[:, 0:H], 0.0)
         + jnp.where(lb == 1, rowsel[:, H:2 * H], 0.0)
         + jnp.where(lb == 2, rowsel[:, 2 * H:3 * H], 0.0)
         + jnp.where(lb == 3, rowsel[:, 3 * H:4 * H], 0.0))
    hn = a + jnp.dot(h_ref[...], wr_ref[...], preferred_element_type=_f32) \
        + bc_ref[...]
    hn_ref[...] = hn
    ht_ref[...] = _pack4d(jnp.dot(hn, tcat_ref[...],
                                  preferred_element_type=_f32))


def _step_call(agg, h, Wr, bc, Tcat):
    return pl.pallas_call(
        _step_body,
        grid=(NGRID,),
        in_specs=[
            pl.BlockSpec((2, NB * H // 128, 128), lambda i: (0, i, 0)),
            pl.BlockSpec((NB, H), lambda i: (i, 0)),
            pl.BlockSpec((H, H), lambda i: (0, 0)),
            pl.BlockSpec((1, H), lambda i: (0, 0)),
            pl.BlockSpec((H, 16 * H), lambda i: (0, 0)),
        ],
        out_specs=[
            pl.BlockSpec((NB, H), lambda i: (i, 0)),
            pl.BlockSpec((NB // 8, 4, 8, 128), lambda i: (i, 0, 0, 0)),
        ],
        out_shape=[
            jax.ShapeDtypeStruct((NP, H), _f32),
            jax.ShapeDtypeStruct((NP // 8, 4, 8, 128), _f32),
        ],
    )(agg, h, Wr, bc, Tcat)


def _s2s_body(agg_ref, hp_ref, wr_ref, bc_ref, batch_ref,
              wih_ref, whh_ref, bih_ref, bhh_ref,
              wo1_ref, bo1_ref, wo2_ref, bo2_ref, out_ref):
    h = (agg_ref[0, :NP] + agg_ref[1, :NP]
         + jnp.dot(hp_ref[...], wr_ref[...], preferred_element_type=_f32)
         + bc_ref[...])
    h_t = jnp.transpose(h)
    bt = batch_ref[...]
    msk = lax.broadcasted_iota(jnp.int32, (B, NP), 0) == bt
    q_star = jnp.zeros((B, 2 * H), _f32)
    hs = jnp.zeros((B, H), _f32)
    cs = jnp.zeros((B, H), _f32)
    for _ in range(S2S_ITER):
        gates = (jnp.dot(q_star, wih_ref[...], preferred_element_type=_f32)
                 + bih_ref[...]
                 + jnp.dot(hs, whh_ref[...], preferred_element_type=_f32)
                 + bhh_ref[...])
        i_g = jax.nn.sigmoid(gates[:, 0:H])
        f_g = jax.nn.sigmoid(gates[:, H:2 * H])
        g_g = jnp.tanh(gates[:, 2 * H:3 * H])
        o_g = jax.nn.sigmoid(gates[:, 3 * H:4 * H])
        cs = f_g * cs + i_g * g_g
        hs = o_g * jnp.tanh(cs)
        q = hs
        s_mat = jnp.dot(q, h_t, preferred_element_type=_f32)
        sm = jnp.where(msk, s_mat, -1e30)
        m = jnp.max(sm, axis=1, keepdims=True)
        m = jnp.where(m > -1e29, m, 0.0)
        p = jnp.exp(jnp.where(msk, s_mat - m, -1e4))
        denom = jnp.sum(p, axis=1, keepdims=True)
        a = p / (denom + 1e-16)
        r = jnp.dot(a, h, preferred_element_type=_f32)
        q_star = jnp.concatenate([q, r], axis=1)
    o1 = jnp.maximum(
        jnp.dot(q_star, wo1_ref[...], preferred_element_type=_f32)
        + bo1_ref[...], 0.0)
    out_ref[...] = jnp.dot(o1, wo2_ref[...], preferred_element_type=_f32) \
        + bo2_ref[...]


def _s2s_call(agg, h, Wr, bc, batch_p, W_ihT, W_hhT, b_ih, b_hh,
              W_o1, b_o1, W_o2, b_o2):
    return pl.pallas_call(
        _s2s_body,
        out_shape=jax.ShapeDtypeStruct((B, 1), _f32),
    )(agg, h, Wr, bc, batch_p, W_ihT, W_hhT,
      b_ih.reshape(1, 4 * H), b_hh.reshape(1, 4 * H),
      W_o1, b_o1.reshape(1, H), W_o2, b_o2.reshape(1, 1))



_NBUF = 5


def _mp_sc_body(src_ref, et_ref, dst_ref, ht_ref, out_ref,
                srcv, etv, dstv, idxv, rows0, rows1, rows2, rows3, rows4,
                zbuf, aggsh, gs0, gs1, gs2, gs3, gs4,
                ss0, ss1, ss2, ss3, ss4):
    rows = (rows0, rows1, rows2, rows3, rows4)
    gsem = (gs0, gs1, gs2, gs3, gs4)
    ssem = (ss0, ss1, ss2, ss3, ss4)
    c = lax.axis_index("c")
    s = lax.axis_index("s")

    def pipeline(off, wch, nbuf):
        pltpu.async_copy(src_ref.at[pl.ds(off * CH, wch * CH)],
                         srcv.at[pl.ds(0, wch * CH)], gs0)
        pltpu.async_copy(et_ref.at[pl.ds(off * CH, wch * CH)],
                         etv.at[pl.ds(0, wch * CH)], gs1)
        pltpu.async_copy(dst_ref.at[pl.ds(off, wch)],
                         dstv.at[pl.ds(0, wch)], gs2)

        z16 = jnp.zeros((16,), _f32)

        def zrow(k, carry):
            for b in range(4):
                zbuf[k * 4 + b, pl.ds(0, 16)] = z16
                zbuf[k * 4 + b, pl.ds(16, 16)] = z16
            return carry

        lax.fori_loop(0, ZR // 4, zrow, 0)
        pltpu.sync_copy(zbuf, aggsh.at[pl.ds(s * ZR, ZR)])

        pltpu.make_async_copy(src_ref.at[pl.ds(off * CH, wch * CH)],
                              srcv.at[pl.ds(0, wch * CH)], gs0).wait()
        pltpu.make_async_copy(et_ref.at[pl.ds(off * CH, wch * CH)],
                              etv.at[pl.ds(0, wch * CH)], gs1).wait()
        pltpu.make_async_copy(dst_ref.at[pl.ds(off, wch)],
                              dstv.at[pl.ds(0, wch)], gs2).wait()

        def idxrow(k, carry):
            for j in range(8):
                sl = pl.ds(j * 16, 16)
                sv = srcv[pl.ds(k * CH + j * 16, 16)]
                ev = etv[pl.ds(k * CH + j * 16, 16)]
                idxv[k, sl] = ((sv >> 3) << 7) + ((ev >> 2) << 5) \
                    + ((sv & 7) << 2) + (ev & 3)
            return carry

        lax.fori_loop(0, wch, idxrow, 0)

        plsc.subcore_barrier()

        for b in range(nbuf):
            pltpu.async_copy(ht_ref.at[idxv.at[b]], rows[b], gsem[b])

        def outer(kk, carry):
            for b in range(nbuf):
                k = kk * nbuf + b
                pltpu.make_async_copy(ht_ref.at[idxv.at[k]], rows[b],
                                      gsem[b]).wait()
                pltpu.async_copy(rows[b], aggsh.at[dstv.at[k]], ssem[b],
                                 add=True)

                @pl.when(kk < wch // nbuf - 1)
                def _():
                    pltpu.make_async_copy(rows[b], aggsh.at[dstv.at[k]],
                                          ssem[b]).wait()
                    pltpu.async_copy(ht_ref.at[idxv.at[k + nbuf]], rows[b],
                                     gsem[b])
            return carry

        lax.fori_loop(0, wch // nbuf, outer, 0)
        for b in range(nbuf):
            k = wch - nbuf + b
            pltpu.make_async_copy(rows[b], aggsh.at[dstv.at[k]],
                                  ssem[b]).wait()

    w = c * 16 + s
    pipeline(w * WCH, WCH, _NBUF)
    plsc.subcore_barrier()

    pltpu.sync_copy(aggsh.at[pl.ds(s * ZR, ZR)], zbuf)
    pltpu.sync_copy(zbuf, out_ref.at[c, pl.ds(s * ZR, ZR)])


@functools.cache
def _mp_sc_call():
    mesh = plsc.VectorSubcoreMesh(core_axis_name="c", subcore_axis_name="s",
                                  num_cores=2, num_subcores=16)
    return pl.kernel(
        _mp_sc_body,
        out_type=jax.ShapeDtypeStruct((2, NROWS, H), _f32),
        mesh=mesh,
        compiler_params=pltpu.CompilerParams(use_tc_tiling_on_sc=False),
        scratch_types=[
            pltpu.VMEM((WCH * CH,), jnp.int32),
            pltpu.VMEM((WCH * CH,), jnp.int32),
            pltpu.VMEM((WCH, CH), jnp.int32),
            pltpu.VMEM((WCH, CH), jnp.int32),
            pltpu.VMEM((CH, H), _f32),
            pltpu.VMEM((CH, H), _f32),
            pltpu.VMEM((CH, H), _f32),
            pltpu.VMEM((CH, H), _f32),
            pltpu.VMEM((CH, H), _f32),
            pltpu.VMEM((ZR, H), _f32),
            pltpu.VMEM_SHARED((NROWS, H), _f32),
            pltpu.SemaphoreType.DMA,
            pltpu.SemaphoreType.DMA,
            pltpu.SemaphoreType.DMA,
            pltpu.SemaphoreType.DMA,
            pltpu.SemaphoreType.DMA,
            pltpu.SemaphoreType.DMA,
            pltpu.SemaphoreType.DMA,
            pltpu.SemaphoreType.DMA,
            pltpu.SemaphoreType.DMA,
            pltpu.SemaphoreType.DMA,
        ],
    )



def kernel(node_type, node_feat, edge_index, edge_type, batch,
           W_emb, b_emb, W_e1, b_e1, W_e2, b_e2, W_root, b_conv,
           W_ih, W_hh, b_ih, b_hh, W_o1, b_o1, W_o2, b_o2):
    i32 = jnp.int32
    nt_p = jnp.pad(node_type.astype(i32), (0, NP - N)).reshape(NP, 1)
    feat_p = jnp.pad(node_feat, ((0, NP - N), (0, H - FEAT)))
    W_f = jnp.pad(W_emb[NODE_TYPES:], ((0, H - FEAT), (0, 0)))
    batch_p = jnp.pad(batch.astype(i32), (0, NP - N),
                      constant_values=127).reshape(1, NP)

    pad_ar = jnp.arange(EP - E, dtype=i32)
    src1 = jnp.concatenate([edge_index[0].astype(i32), pad_ar % N])
    et1 = jnp.pad(edge_type.astype(i32), (0, EP - E))
    pad_dst = NP + (pad_ar % (NROWS - NP))
    dst2 = jnp.concatenate([edge_index[1].astype(i32),
                            pad_dst]).reshape(EROWS, CH)

    tflat = _tflat_call(W_e1, b_e1, W_e2, b_e2)
    tcat = tflat.reshape(16, H, H).transpose(1, 0, 2).reshape(H, 16 * H)

    h, htcat = _prep_call(nt_p, feat_p, W_emb, W_f, b_emb.reshape(1, H), tcat)
    for i in range(MP_ITER - 1):
        agg = _mp_sc_call()(src1, et1, dst2, htcat.reshape(NP * 16, H))
        h, htcat = _step_call(agg.reshape(2, NROWS * H // 128, 128), h,
                              W_root[i], b_conv[i].reshape(1, H), tcat)
    agg = _mp_sc_call()(src1, et1, dst2, htcat.reshape(NP * 16, H))

    return _s2s_call(agg, h, W_root[MP_ITER - 1],
                     b_conv[MP_ITER - 1].reshape(1, H), batch_p,
                     W_ih.T, W_hh.T, b_ih, b_hh, W_o1, b_o1, W_o2, b_o2)

# --- scband reference (transcript-rebuilt; emitter-appended) ---
"""Pipeline reference for scband-mpnnprop-pred-2259152797779 (READ-ONLY COPY).

The authoritative reference and input builder live on the scoring server;
editing this copy changes nothing except your own understanding.
"""

import jax, jax.numpy as jnp
import numpy as np

N = 10000
E = 160000
NODE_TYPES = 100
FEAT = 28
NODE_DIM = 128
EDGE_DIM = 16
H = 32
OUT_DIM = 1
B = 64
MP_ITER = 3
S2S_ITER = 4


def setup_inputs(seed: int = 0) -> dict:
    key = jax.random.key(seed)
    ks = jax.random.split(key, 24)
    s = 0.05
    inp = {}
    inp['node_type'] = jax.random.randint(ks[0], (N,), 0, NODE_TYPES)
    inp['node_feat'] = jax.random.normal(ks[1], (N, FEAT), dtype=jnp.float32)
    inp['edge_index'] = jax.random.randint(ks[2], (2, E), 0, N)
    inp['edge_type'] = jax.random.randint(ks[3], (E,), 0, EDGE_DIM)
    inp['batch'] = jnp.sort(jax.random.randint(ks[4], (N,), 0, B))
    inp['W_emb'] = jax.random.normal(ks[5], (NODE_DIM, H), dtype=jnp.float32) * s
    inp['b_emb'] = jnp.zeros((H,), dtype=jnp.float32)
    inp['W_e1'] = jax.random.normal(ks[6], (EDGE_DIM, H), dtype=jnp.float32) * s
    inp['b_e1'] = jnp.zeros((H,), dtype=jnp.float32)
    inp['W_e2'] = jax.random.normal(ks[7], (H, H * H), dtype=jnp.float32) * s
    inp['b_e2'] = jnp.zeros((H * H,), dtype=jnp.float32)
    inp['W_root'] = jax.random.normal(ks[8], (MP_ITER, H, H), dtype=jnp.float32) * s
    inp['b_conv'] = jnp.zeros((MP_ITER, H), dtype=jnp.float32)
    inp['W_ih'] = jax.random.normal(ks[9], (4 * H, 2 * H), dtype=jnp.float32) * s
    inp['W_hh'] = jax.random.normal(ks[10], (4 * H, H), dtype=jnp.float32) * s
    inp['b_ih'] = jnp.zeros((4 * H,), dtype=jnp.float32)
    inp['b_hh'] = jnp.zeros((4 * H,), dtype=jnp.float32)
    inp['W_o1'] = jax.random.normal(ks[11], (2 * H, H), dtype=jnp.float32) * s
    inp['b_o1'] = jnp.zeros((H,), dtype=jnp.float32)
    inp['W_o2'] = jax.random.normal(ks[12], (H, OUT_DIM), dtype=jnp.float32) * s
    inp['b_o2'] = jnp.zeros((OUT_DIM,), dtype=jnp.float32)
    return inp


def reference(node_type, node_feat, edge_index, edge_type, batch,
              W_emb, b_emb, W_e1, b_e1, W_e2, b_e2, W_root, b_conv,
              W_ih, W_hh, b_ih, b_hh, W_o1, b_o1, W_o2, b_o2):
    # node featurization: one-hot node type (100) ++ continuous feats
    nt = jax.nn.one_hot(node_type, NODE_TYPES, dtype=jnp.float32)
    x = jnp.concatenate([nt, node_feat], axis=-1)
    h = x @ W_emb + b_emb
    # edge-conditioned weights (shared edge_net across all NNConv blocks)
    ea = jax.nn.one_hot(edge_type, EDGE_DIM, dtype=jnp.float32)
    ew = jax.nn.relu(ea @ W_e1 + b_e1) @ W_e2 + b_e2
    ew = ew.reshape(E, H, H)
    src = edge_index[0]
    dst = edge_index[1]
    for i in range(MP_ITER):
        xj = jnp.take(h, src, axis=0)                      # gather source feats [E, H]
        msg = jnp.einsum('eh,eho->eo', xj, ew)             # per-edge matvec
        agg = jax.ops.segment_sum(msg, dst, num_segments=N)  # scatter-add to dst
        h = agg + h @ W_root[i] + b_conv[i]
    # Set2Set global pooling
    q_star = jnp.zeros((B, 2 * H), dtype=h.dtype)
    hs = jnp.zeros((B, H), dtype=h.dtype)
    cs = jnp.zeros((B, H), dtype=h.dtype)
    for _ in range(S2S_ITER):
        gates = q_star @ W_ih.T + b_ih + hs @ W_hh.T + b_hh
        i_g, f_g, g_g, o_g = jnp.split(gates, 4, axis=-1)
        i_g = jax.nn.sigmoid(i_g)
        f_g = jax.nn.sigmoid(f_g)
        g_g = jnp.tanh(g_g)
        o_g = jax.nn.sigmoid(o_g)
        cs = f_g * cs + i_g * g_g
        hs = o_g * jnp.tanh(cs)
        q = hs
        e = jnp.sum(h * jnp.take(q, batch, axis=0), axis=-1)
        m = jax.ops.segment_max(e, batch, num_segments=B)
        m = jnp.where(jnp.isfinite(m), m, 0.0)
        ex = jnp.exp(e - jnp.take(m, batch, axis=0))
        denom = jax.ops.segment_sum(ex, batch, num_segments=B)
        a = ex / (jnp.take(denom, batch, axis=0) + 1e-16)
        r = jax.ops.segment_sum(a[:, None] * h, batch, num_segments=B)
        q_star = jnp.concatenate([q, r], axis=-1)
    out = jax.nn.relu(q_star @ W_o1 + b_o1) @ W_o2 + b_o2
    return out

if __name__ == "__main__":
    import jax
    _d = setup_inputs()
    print(jax.jit(kernel)(*tuple(_d.values())))

</pallas_src>

<mosaic_0001>
#map = affine_map<(d0, d1) -> (0)>
#map1 = affine_map<(d0, d1) -> (0, 0)>
#map2 = affine_map<(d0, d1) -> (0, 0, 0)>
module attributes {stable_mosaic.version = 14 : i64} {
  func.func @_mp_sc_body(%arg0: i32, %arg1: i32, %arg2: memref<163840xi32, #tpu.memory_space<hbm>>, %arg3: memref<163840xi32, #tpu.memory_space<hbm>>, %arg4: memref<1280x128xi32, #tpu.memory_space<hbm>>, %arg5: memref<163840x32xf32, #tpu.memory_space<hbm>>, %arg6: memref<2x10368x32xf32, #tpu.memory_space<hbm>>, %arg7: memref<5120xi32, #tpu.memory_space<vmem>>, %arg8: memref<5120xi32, #tpu.memory_space<vmem>>, %arg9: memref<40x128xi32, #tpu.memory_space<vmem>>, %arg10: memref<40x128xi32, #tpu.memory_space<vmem>>, %arg11: memref<128x32xf32, #tpu.memory_space<vmem>>, %arg12: memref<128x32xf32, #tpu.memory_space<vmem>>, %arg13: memref<128x32xf32, #tpu.memory_space<vmem>>, %arg14: memref<128x32xf32, #tpu.memory_space<vmem>>, %arg15: memref<128x32xf32, #tpu.memory_space<vmem>>, %arg16: memref<648x32xf32, #tpu.memory_space<vmem>>, %arg17: memref<10368x32xf32, #tpu.memory_space<vmem_shared>>, %arg18: memref<!tpu.dma_semaphore, #tpu.memory_space<semaphore_mem>>, %arg19: memref<!tpu.dma_semaphore, #tpu.memory_space<semaphore_mem>>, %arg20: memref<!tpu.dma_semaphore, #tpu.memory_space<semaphore_mem>>, %arg21: memref<!tpu.dma_semaphore, #tpu.memory_space<semaphore_mem>>, %arg22: memref<!tpu.dma_semaphore, #tpu.memory_space<semaphore_mem>>, %arg23: memref<!tpu.dma_semaphore, #tpu.memory_space<semaphore_mem>>, %arg24: memref<!tpu.dma_semaphore, #tpu.memory_space<semaphore_mem>>, %arg25: memref<!tpu.dma_semaphore, #tpu.memory_space<semaphore_mem>>, %arg26: memref<!tpu.dma_semaphore, #tpu.memory_space<semaphore_mem>>, %arg27: memref<!tpu.dma_semaphore, #tpu.memory_space<semaphore_mem>>) attributes {dimension_semantics = [#tpu.dimension_semantics<core_parallel>, #tpu.dimension_semantics<subcore_parallel>], iteration_bounds = array<i64: 2, 16>, scalar_prefetch = 0 : i64, scratch_operands = 21 : i64, tpu.core_type = #tpu.core_type<sc_vector_subcore>, window_params = [{transform_indices = #map}, {transform_indices = #map}, {transform_indices = #map1}, {transform_indices = #map1}, {transform_indices = #map2}]} {
    %mul3A = arith.constant 16 : i32
    %mul3A_0 = arith.muli %arg0, %mul3A : i32
    %add3A = arith.addi %mul3A_0, %arg1 : i32
    %mul3A_1 = arith.constant 40 : i32
    %mul3A_2 = arith.muli %add3A, %mul3A_1 : i32
    %mul3A_3 = arith.constant 128 : i32
    %mul3A_4 = arith.muli %mul3A_2, %mul3A_3 : i32
    %dma_start3A = arith.constant 0 : i32
    %dma_start3A_5 = tpu.memref_slice %arg7[%dma_start3A] : memref<5120xi32, #tpu.memory_space<vmem>> -> memref<5120xi32, #tpu.memory_space<vmem>>
    %dma_start3A_6 = tpu.memref_slice %arg2[%mul3A_4] : memref<163840xi32, #tpu.memory_space<hbm>> -> memref<5120xi32, #tpu.memory_space<hbm>>
    %dma_start3A_7 = arith.constant 0 : i32
    %dma_start3A_8 = tpu.memref_slice %arg7[%dma_start3A_7] : memref<5120xi32, #tpu.memory_space<vmem>> -> memref<5120xi32, #tpu.memory_space<vmem>>
    %dma_start3A_9 = tpu.memref_slice %arg2[%mul3A_4] : memref<163840xi32, #tpu.memory_space<hbm>> -> memref<5120xi32, #tpu.memory_space<hbm>>
    tpu.enqueue_dma source(%dma_start3A_9 : memref<5120xi32, #tpu.memory_space<hbm>>) target(%dma_start3A_8 : memref<5120xi32, #tpu.memory_space<vmem>>) target_semaphore(%arg18 : memref<!tpu.dma_semaphore, #tpu.memory_space<semaphore_mem>>)
    %mul3A_10 = arith.constant 128 : i32
    %mul3A_11 = arith.muli %mul3A_2, %mul3A_10 : i32
    %dma_start3A_12 = arith.constant 0 : i32
    %dma_start3A_13 = tpu.memref_slice %arg8[%dma_start3A_12] : memref<5120xi32, #tpu.memory_space<vmem>> -> memref<5120xi32, #tpu.memory_space<vmem>>
    %dma_start3A_14 = tpu.memref_slice %arg3[%mul3A_11] : memref<163840xi32, #tpu.memory_space<hbm>> -> memref<5120xi32, #tpu.memory_space<hbm>>
    %dma_start3A_15 = arith.constant 0 : i32
    %dma_start3A_16 = tpu.memref_slice %arg8[%dma_start3A_15] : memref<5120xi32, #tpu.memory_space<vmem>> -> memref<5120xi32, #tpu.memory_space<vmem>>
    %dma_start3A_17 = tpu.memref_slice %arg3[%mul3A_11] : memref<163840xi32, #tpu.memory_space<hbm>> -> memref<5120xi32, #tpu.memory_space<hbm>>
    tpu.enqueue_dma source(%dma_start3A_17 : memref<5120xi32, #tpu.memory_space<hbm>>) target(%dma_start3A_16 : memref<5120xi32, #tpu.memory_space<vmem>>) target_semaphore(%arg19 : memref<!tpu.dma_semaphore, #tpu.memory_space<semaphore_mem>>)
    %dma_start3A_18 = arith.constant 0 : i32
    %dma_start3A_19 = arith.constant 0 : i32
    %dma_start3A_20 = tpu.memref_slice %arg9[%dma_start3A_18, %dma_start3A_19] : memref<40x128xi32, #tpu.memory_space<vmem>> -> memref<40x128xi32, #tpu.memory_space<vmem>>
    %dma_start3A_21 = arith.constant 0 : i32
    %dma_start3A_22 = tpu.memref_slice %arg4[%mul3A_2, %dma_start3A_21] : memref<1280x128xi32, #tpu.memory_space<hbm>> -> memref<40x128xi32, #tpu.memory_space<hbm>>
    %dma_start3A_23 = arith.constant 0 : i32
    %dma_start3A_24 = arith.constant 0 : i32
    %dma_start3A_25 = tpu.memref_slice %arg9[%dma_start3A_23, %dma_start3A_24] : memref<40x128xi32, #tpu.memory_space<vmem>> -> memref<40x128xi32, #tpu.memory_space<vmem>>
    %dma_start3A_26 = arith.constant 0 : i32
    %dma_start3A_27 = tpu.memref_slice %arg4[%mul3A_2, %dma_start3A_26] : memref<1280x128xi32, #tpu.memory_space<hbm>> -> memref<40x128xi32, #tpu.memory_space<hbm>>
    tpu.enqueue_dma source(%dma_start3A_27 : memref<40x128xi32, #tpu.memory_space<hbm>>) target(%dma_start3A_25 : memref<40x128xi32, #tpu.memory_space<vmem>>) target_semaphore(%arg20 : memref<!tpu.dma_semaphore, #tpu.memory_space<semaphore_mem>>)
    %broadcast_in_dim3A = arith.constant 0.000000e+00 : f32
    %broadcast_in_dim3A_28 = vector.broadcast %broadcast_in_dim3A : f32 to vector<16xf32>
    %scan3A = arith.constant 0 : i32
    %scan3A_29 = arith.constant 0 : i32
    %scan3A_30 = arith.constant 162 : i32
    %scan3A_31 = arith.addi %scan3A_29, %scan3A_30 : i32
    %scan3A_32 = arith.constant 1 : i32
    scf.for %scan3A_148 = %scan3A_29 to %scan3A_31 step %scan3A_32  : i32 {
      %mul3A_149 = arith.constant 4 : i32
      %mul3A_150 = arith.muli %scan3A_148, %mul3A_149 : i32
      %add3A_151 = arith.constant 0 : i32
      %add3A_152 = arith.addi %mul3A_150, %add3A_151 : i32
      %swap3A = arith.index_cast %add3A_152 : i32 to index
      %swap3A_153 = arith.constant 0 : index
      %swap3A_154 = tpu.vector_load %arg16[%swap3A, %swap3A_153] {strides = array<i32>} : memref<648x32xf32, #tpu.memory_space<vmem>>, vector<1x16xf32>,
      %swap3A_155 = vector.shape_cast %swap3A_154 : vector<1x16xf32> to vector<16xf32>
      %swap3A_156 = vector.shape_cast %broadcast_in_dim3A_28 : vector<16xf32> to vector<1x16xf32>
      tpu.vector_store %arg16[%swap3A, %swap3A_153], %swap3A_156 {strides = array<i32>} : memref<648x32xf32, #tpu.memory_space<vmem>>, vector<1x16xf32>,
      %mul3A_157 = arith.constant 4 : i32
      %mul3A_158 = arith.muli %scan3A_148, %mul3A_157 : i32
      %add3A_159 = arith.constant 0 : i32
      %add3A_160 = arith.addi %mul3A_158, %add3A_159 : i32
      %swap3A_161 = arith.index_cast %add3A_160 : i32 to index
      %swap3A_162 = arith.constant 16 : index
      %swap3A_163 = tpu.vector_load %arg16[%swap3A_161, %swap3A_162] {strides = array<i32>} : memref<648x32xf32, #tpu.memory_space<vmem>>, vector<1x16xf32>,
      %swap3A_164 = vector.shape_cast %swap3A_163 : vector<1x16xf32> to vector<16xf32>
      %swap3A_165 = vector.shape_cast %broadcast_in_dim3A_28 : vector<16xf32> to vector<1x16xf32>
      tpu.vector_store %arg16[%swap3A_161, %swap3A_162], %swap3A_165 {strides = array<i32>} : memref<648x32xf32, #tpu.memory_space<vmem>>, vector<1x16xf32>,
      %mul3A_166 = arith.constant 4 : i32
      %mul3A_167 = arith.muli %scan3A_148, %mul3A_166 : i32
      %add3A_168 = arith.constant 1 : i32
      %add3A_169 = arith.addi %mul3A_167, %add3A_168 : i32
      %swap3A_170 = arith.index_cast %add3A_169 : i32 to index
      %swap3A_171 = arith.constant 0 : index
      %swap3A_172 = tpu.vector_load %arg16[%swap3A_170, %swap3A_171] {strides = array<i32>} : memref<648x32xf32, #tpu.memory_space<vmem>>, vector<1x16xf32>,
      %swap3A_173 = vector.shape_cast %swap3A_172 : vector<1x16xf32> to vector<16xf32>
      %swap3A_174 = vector.shape_cast %broadcast_in_dim3A_28 : vector<16xf32> to vector<1x16xf32>
      tpu.vector_store %arg16[%swap3A_170, %swap3A_171], %swap3A_174 {strides = array<i32>} : memref<648x32xf32, #tpu.memory_space<vmem>>, vector<1x16xf32>,
      %mul3A_175 = arith.constant 4 : i32
      %mul3A_176 = arith.muli %scan3A_148, %mul3A_175 : i32
      %add3A_177 = arith.constant 1 : i32
      %add3A_178 = arith.addi %mul3A_176, %add3A_177 : i32
      %swap3A_179 = arith.index_cast %add3A_178 : i32 to index
      %swap3A_180 = arith.constant 16 : index
      %swap3A_181 = tpu.vector_load %arg16[%swap3A_179, %swap3A_180] {strides = array<i32>} : memref<648x32xf32, #tpu.memory_space<vmem>>, vector<1x16xf32>,
      %swap3A_182 = vector.shape_cast %swap3A_181 : vector<1x16xf32> to vector<16xf32>
      %swap3A_183 = vector.shape_cast %broadcast_in_dim3A_28 : vector<16xf32> to vector<1x16xf32>
      tpu.vector_store %arg16[%swap3A_179, %swap3A_180], %swap3A_183 {strides = array<i32>} : memref<648x32xf32, #tpu.memory_space<vmem>>, vector<1x16xf32>,
      %mul3A_184 = arith.constant 4 : i32
      %mul3A_185 = arith.muli %scan3A_148, %mul3A_184 : i32
      %add3A_186 = arith.constant 2 : i32
      %add3A_187 = arith.addi %mul3A_185, %add3A_186 : i32
      %swap3A_188 = arith.index_cast %add3A_187 : i32 to index
      %swap3A_189 = arith.constant 0 : index
      %swap3A_190 = tpu.vector_load %arg16[%swap3A_188, %swap3A_189] {strides = array<i32>} : memref<648x32xf32, #tpu.memory_space<vmem>>, vector<1x16xf32>,
      %swap3A_191 = vector.shape_cast %swap3A_190 : vector<1x16xf32> to vector<16xf32>
      %swap3A_192 = vector.shape_cast %broadcast_in_dim3A_28 : vector<16xf32> to vector<1x16xf32>
      tpu.vector_store %arg16[%swap3A_188, %swap3A_189], %swap3A_192 {strides = array<i32>} : memref<648x32xf32, #tpu.memory_space<vmem>>, vector<1x16xf32>,
      %mul3A_193 = arith.constant 4 : i32
      %mul3A_194 = arith.muli %scan3A_148, %mul3A_193 : i32
      %add3A_195 = arith.constant 2 : i32
      %add3A_196 = arith.addi %mul3A_194, %add3A_195 : i32
      %swap3A_197 = arith.index_cast %add3A_196 : i32 to index
      %swap3A_198 = arith.constant 16 : index
      %swap3A_199 = tpu.vector_load %arg16[%swap3A_197, %swap3A_198] {strides = array<i32>} : memref<648x32xf32, #tpu.memory_space<vmem>>, vector<1x16xf32>,
      %swap3A_200 = vector.shape_cast %swap3A_199 : vector<1x16xf32> to vector<16xf32>
      %swap3A_201 = vector.shape_cast %broadcast_in_dim3A_28 : vector<16xf32> to vector<1x16xf32>
      tpu.vector_store %arg16[%swap3A_197, %swap3A_198], %swap3A_201 {strides = array<i32>} : memref<648x32xf32, #tpu.memory_space<vmem>>, vector<1x16xf32>,
      %mul3A_202 = arith.constant 4 : i32
      %mul3A_203 = arith.muli %scan3A_148, %mul3A_202 : i32
      %add3A_204 = arith.constant 3 : i32
      %add3A_205 = arith.addi %mul3A_203, %add3A_204 : i32
      %swap3A_206 = arith.index_cast %add3A_205 : i32 to index
      %swap3A_207 = arith.constant 0 : index
      %swap3A_208 = tpu.vector_load %arg16[%swap3A_206, %swap3A_207] {strides = array<i32>} : memref<648x32xf32, #tpu.memory_space<vmem>>, vector<1x16xf32>,
      %swap3A_209 = vector.shape_cast %swap3A_208 : vector<1x16xf32> to vector<16xf32>
      %swap3A_210 = vector.shape_cast %broadcast_in_dim3A_28 : vector<16xf32> to vector<1x16xf32>
      tpu.vector_store %arg16[%swap3A_206, %swap3A_207], %swap3A_210 {strides = array<i32>} : memref<648x32xf32, #tpu.memory_space<vmem>>, vector<1x16xf32>,
      %mul3A_211 = arith.constant 4 : i32
      %mul3A_212 = arith.muli %scan3A_148, %mul3A_211 : i32
      %add3A_213 = arith.constant 3 : i32
      %add3A_214 = arith.addi %mul3A_212, %add3A_213 : i32
      %swap3A_215 = arith.index_cast %add3A_214 : i32 to index
      %swap3A_216 = arith.constant 16 : index
      %swap3A_217 = tpu.vector_load %arg16[%swap3A_215, %swap3A_216] {strides = array<i32>} : memref<648x32xf32, #tpu.memory_space<vmem>>, vector<1x16xf32>,
      %swap3A_218 = vector.shape_cast %swap3A_217 : vector<1x16xf32> to vector<16xf32>
      %swap3A_219 = vector.shape_cast %broadcast_in_dim3A_28 : vector<16xf32> to vector<1x16xf32>
      tpu.vector_store %arg16[%swap3A_215, %swap3A_216], %swap3A_219 {strides = array<i32>} : memref<648x32xf32, #tpu.memory_space<vmem>>, vector<1x16xf32>,
    }
    %scan3A_33 = arith.constant 162 : i32
    %mul3A_34 = arith.constant 648 : i32
    %mul3A_35 = arith.muli %arg1, %mul3A_34 : i32
    "tpu.region"() ({
      %run_scoped3A = tpu.sem_alloc : memref<!tpu.dma_semaphore, #tpu.memory_space<semaphore_mem>>
      %dma_start3A_148 = arith.constant 0 : i32
      %dma_start3A_149 = tpu.memref_slice %arg17[%mul3A_35, %dma_start3A_148] : memref<10368x32xf32, #tpu.memory_space<vmem_shared>> -> memref<648x32xf32, #tpu.memory_space<vmem_shared>>
      %dma_start3A_150 = arith.constant 0 : i32
      %dma_start3A_151 = tpu.memref_slice %arg17[%mul3A_35, %dma_start3A_150] : memref<10368x32xf32, #tpu.memory_space<vmem_shared>> -> memref<648x32xf32, #tpu.memory_space<vmem_shared>>
      tpu.enqueue_dma source(%arg16 : memref<648x32xf32, #tpu.memory_space<vmem>>) target(%dma_start3A_151 : memref<648x32xf32, #tpu.memory_space<vmem_shared>>) target_semaphore(%run_scoped3A : memref<!tpu.dma_semaphore, #tpu.memory_space<semaphore_mem>>)
      %dma_wait3A_152 = arith.constant 0 : i32
      %dma_wait3A_153 = tpu.memref_slice %arg17[%mul3A_35, %dma_wait3A_152] : memref<10368x32xf32, #tpu.memory_space<vmem_shared>> -> memref<648x32xf32, #tpu.memory_space<vmem_shared>>
      %dma_wait3A_154 = arith.constant 0 : i32
      %dma_wait3A_155 = tpu.memref_slice %arg17[%mul3A_35, %dma_wait3A_154] : memref<10368x32xf32, #tpu.memory_space<vmem_shared>> -> memref<648x32xf32, #tpu.memory_space<vmem_shared>>
      tpu.wait_dma2 semaphore(%run_scoped3A : memref<!tpu.dma_semaphore, #tpu.memory_space<semaphore_mem>>) src(%arg16 : memref<648x32xf32, #tpu.memory_space<vmem>>) dst(%dma_wait3A_155 : memref<648x32xf32, #tpu.memory_space<vmem_shared>>)
      tpu.yield
    }) : () -> ()
    %mul3A_36 = arith.constant 128 : i32
    %mul3A_37 = arith.muli %mul3A_2, %mul3A_36 : i32
    %dma_wait3A = arith.constant 0 : i32
    %dma_wait3A_38 = tpu.memref_slice %arg7[%dma_wait3A] : memref<5120xi32, #tpu.memory_space<vmem>> -> memref<5120xi32, #tpu.memory_space<vmem>>
    %dma_wait3A_39 = tpu.memref_slice %arg2[%mul3A_37] : memref<163840xi32, #tpu.memory_space<hbm>> -> memref<5120xi32, #tpu.memory_space<hbm>>
    %dma_wait3A_40 = arith.constant 0 : i32
    %dma_wait3A_41 = tpu.memref_slice %arg7[%dma_wait3A_40] : memref<5120xi32, #tpu.memory_space<vmem>> -> memref<5120xi32, #tpu.memory_space<vmem>>
    %dma_wait3A_42 = tpu.memref_slice %arg2[%mul3A_37] : memref<163840xi32, #tpu.memory_space<hbm>> -> memref<5120xi32, #tpu.memory_space<hbm>>
    tpu.wait_dma2 semaphore(%arg18 : memref<!tpu.dma_semaphore, #tpu.memory_space<semaphore_mem>>) src(%dma_wait3A_42 : memref<5120xi32, #tpu.memory_space<hbm>>) dst(%dma_wait3A_41 : memref<5120xi32, #tpu.memory_space<vmem>>)
    %mul3A_43 = arith.constant 128 : i32
    %mul3A_44 = arith.muli %mul3A_2, %mul3A_43 : i32
    %dma_wait3A_45 = arith.constant 0 : i32
    %dma_wait3A_46 = tpu.memref_slice %arg8[%dma_wait3A_45] : memref<5120xi32, #tpu.memory_space<vmem>> -> memref<5120xi32, #tpu.memory_space<vmem>>
    %dma_wait3A_47 = tpu.memref_slice %arg3[%mul3A_44] : memref<163840xi32, #tpu.memory_space<hbm>> -> memref<5120xi32, #tpu.memory_space<hbm>>
    %dma_wait3A_48 = arith.constant 0 : i32
    %dma_wait3A_49 = tpu.memref_slice %arg8[%dma_wait3A_48] : memref<5120xi32, #tpu.memory_space<vmem>> -> memref<5120xi32, #tpu.memory_space<vmem>>
    %dma_wait3A_50 = tpu.memref_slice %arg3[%mul3A_44] : memref<163840xi32, #tpu.memory_space<hbm>> -> memref<5120xi32, #tpu.memory_space<hbm>>
    tpu.wait_dma2 semaphore(%arg19 : memref<!tpu.dma_semaphore, #tpu.memory_space<semaphore_mem>>) src(%dma_wait3A_50 : memref<5120xi32, #tpu.memory_space<hbm>>) dst(%dma_wait3A_49 : memref<5120xi32, #tpu.memory_space<vmem>>)
    %dma_wait3A_51 = arith.constant 0 : i32
    %dma_wait3A_52 = arith.constant 0 : i32
    %dma_wait3A_53 = tpu.memref_slice %arg9[%dma_wait3A_51, %dma_wait3A_52] : memref<40x128xi32, #tpu.memory_space<vmem>> -> memref<40x128xi32, #tpu.memory_space<vmem>>
    %dma_wait3A_54 = arith.constant 0 : i32
    %dma_wait3A_55 = tpu.memref_slice %arg4[%mul3A_2, %dma_wait3A_54] : memref<1280x128xi32, #tpu.memory_space<hbm>> -> memref<40x128xi32, #tpu.memory_space<hbm>>
    %dma_wait3A_56 = arith.constant 0 : i32
    %dma_wait3A_57 = arith.constant 0 : i32
    %dma_wait3A_58 = tpu.memref_slice %arg9[%dma_wait3A_56, %dma_wait3A_57] : memref<40x128xi32, #tpu.memory_space<vmem>> -> memref<40x128xi32, #tpu.memory_space<vmem>>
    %dma_wait3A_59 = arith.constant 0 : i32
    %dma_wait3A_60 = tpu.memref_slice %arg4[%mul3A_2, %dma_wait3A_59] : memref<1280x128xi32, #tpu.memory_space<hbm>> -> memref<40x128xi32, #tpu.memory_space<hbm>>
    tpu.wait_dma2 semaphore(%arg20 : memref<!tpu.dma_semaphore, #tpu.memory_space<semaphore_mem>>) src(%dma_wait3A_60 : memref<40x128xi32, #tpu.memory_space<hbm>>) dst(%dma_wait3A_58 : memref<40x128xi32, #tpu.memory_space<vmem>>)
    %scan3A_61 = arith.constant 0 : i32
    %scan3A_62 = arith.constant 0 : i32
    %scan3A_63 = arith.constant 40 : i32
    %scan3A_64 = arith.addi %scan3A_62, %scan3A_63 : i32
    %scan3A_65 = arith.constant 1 : i32
    scf.for %scan3A_148 = %scan3A_62 to %scan3A_64 step %scan3A_65  : i32 {
      %mul3A_149 = arith.constant 128 : i32
      %mul3A_150 = arith.muli %scan3A_148, %mul3A_149 : i32
      %add3A_151 = arith.constant 0 : i32
      %add3A_152 = arith.addi %mul3A_150, %add3A_151 : i32
      %get3A = arith.index_cast %add3A_152 : i32 to index
      %get3A_153 = tpu.vector_load %arg7[%get3A] {strides = array<i32>} : memref<5120xi32, #tpu.memory_space<vmem>>, vector<16xi32>,
      %get3A_154 = vector.shape_cast %get3A_153 : vector<16xi32> to vector<16xi32>
      %mul3A_155 = arith.constant 128 : i32
      %mul3A_156 = arith.muli %scan3A_148, %mul3A_155 : i32
      %add3A_157 = arith.constant 0 : i32
      %add3A_158 = arith.addi %mul3A_156, %add3A_157 : i32
      %get3A_159 = arith.index_cast %add3A_158 : i32 to index
      %get3A_160 = tpu.vector_load %arg8[%get3A_159] {strides = array<i32>} : memref<5120xi32, #tpu.memory_space<vmem>>, vector<16xi32>,
      %get3A_161 = vector.shape_cast %get3A_160 : vector<16xi32> to vector<16xi32>
      %shift_right_arithmetic3A = arith.constant 3 : i32
      %shift_right_arithmetic3A_162 = vector.broadcast %shift_right_arithmetic3A : i32 to vector<16xi32>
      %shift_right_arithmetic3A_163 = arith.shrsi %get3A_154, %shift_right_arithmetic3A_162 : vector<16xi32>
      %shift_left3A = arith.constant 7 : i32
      %shift_left3A_164 = vector.broadcast %shift_left3A : i32 to vector<16xi32>
      %shift_left3A_165 = arith.shli %shift_right_arithmetic3A_163, %shift_left3A_164 : vector<16xi32>
      %shift_right_arithmetic3A_166 = arith.constant 2 : i32
      %shift_right_arithmetic3A_167 = vector.broadcast %shift_right_arithmetic3A_166 : i32 to vector<16xi32>
      %shift_right_arithmetic3A_168 = arith.shrsi %get3A_161, %shift_right_arithmetic3A_167 : vector<16xi32>
      %shift_left3A_169 = arith.constant 5 : i32
      %shift_left3A_170 = vector.broadcast %shift_left3A_169 : i32 to vector<16xi32>
      %shift_left3A_171 = arith.shli %shift_right_arithmetic3A_168, %shift_left3A_170 : vector<16xi32>
      %add3A_172 = arith.addi %shift_left3A_165, %shift_left3A_171 : vector<16xi32>
      %and3A = arith.constant 7 : i32
      %and3A_173 = vector.broadcast %and3A : i32 to vector<16xi32>
      %and3A_174 = arith.andi %get3A_154, %and3A_173 : vector<16xi32>
      %shift_left3A_175 = arith.constant 2 : i32
      %shift_left3A_176 = vector.broadcast %shift_left3A_175 : i32 to vector<16xi32>
      %shift_left3A_177 = arith.shli %and3A_174, %shift_left3A_176 : vector<16xi32>
      %add3A_178 = arith.addi %add3A_172, %shift_left3A_177 : vector<16xi32>
      %and3A_179 = arith.constant 3 : i32
      %and3A_180 = vector.broadcast %and3A_179 : i32 to vector<16xi32>
      %and3A_181 = arith.andi %get3A_161, %and3A_180 : vector<16xi32>
      %add3A_182 = arith.addi %add3A_178, %and3A_181 : vector<16xi32>
      %swap3A = arith.index_cast %scan3A_148 : i32 to index
      %swap3A_183 = arith.constant 0 : index
      %swap3A_184 = tpu.vector_load %arg10[%swap3A, %swap3A_183] {strides = array<i32>} : memref<40x128xi32, #tpu.memory_space<vmem>>, vector<1x16xi32>,
      %swap3A_185 = vector.shape_cast %swap3A_184 : vector<1x16xi32> to vector<16xi32>
      %swap3A_186 = vector.shape_cast %add3A_182 : vector<16xi32> to vector<1x16xi32>
      tpu.vector_store %arg10[%swap3A, %swap3A_183], %swap3A_186 {strides = array<i32>} : memref<40x128xi32, #tpu.memory_space<vmem>>, vector<1x16xi32>,
      %mul3A_187 = arith.constant 128 : i32
      %mul3A_188 = arith.muli %scan3A_148, %mul3A_187 : i32
      %add3A_189 = arith.constant 16 : i32
      %add3A_190 = arith.addi %mul3A_188, %add3A_189 : i32
      %get3A_191 = arith.index_cast %add3A_190 : i32 to index
      %get3A_192 = tpu.vector_load %arg7[%get3A_191] {strides = array<i32>} : memref<5120xi32, #tpu.memory_space<vmem>>, vector<16xi32>,
      %get3A_193 = vector.shape_cast %get3A_192 : vector<16xi32> to vector<16xi32>
      %mul3A_194 = arith.constant 128 : i32
      %mul3A_195 = arith.muli %scan3A_148, %mul3A_194 : i32
      %add3A_196 = arith.constant 16 : i32
      %add3A_197 = arith.addi %mul3A_195, %add3A_196 : i32
      %get3A_198 = arith.index_cast %add3A_197 : i32 to index
      %get3A_199 = tpu.vector_load %arg8[%get3A_198] {strides = array<i32>} : memref<5120xi32, #tpu.memory_space<vmem>>, vector<16xi32>,
      %get3A_200 = vector.shape_cast %get3A_199 : vector<16xi32> to vector<16xi32>
      %shift_right_arithmetic3A_201 = arith.constant 3 : i32
      %shift_right_arithmetic3A_202 = vector.broadcast %shift_right_arithmetic3A_201 : i32 to vector<16xi32>
      %shift_right_arithmetic3A_203 = arith.shrsi %get3A_193, %shift_right_arithmetic3A_202 : vector<16xi32>
      %shift_left3A_204 = arith.constant 7 : i32
      %shift_left3A_205 = vector.broadcast %shift_left3A_204 : i32 to vector<16xi32>
      %shift_left3A_206 = arith.shli %shift_right_arithmetic3A_203, %shift_left3A_205 : vector<16xi32>
      %shift_right_arithmetic3A_207 = arith.constant 2 : i32
      %shift_right_arithmetic3A_208 = vector.broadcast %shift_right_arithmetic3A_207 : i32 to vector<16xi32>
      %shift_right_arithmetic3A_209 = arith.shrsi %get3A_200, %shift_right_arithmetic3A_208 : vector<16xi32>
      %shift_left3A_210 = arith.constant 5 : i32
      %shift_left3A_211 = vector.broadcast %shift_left3A_210 : i32 to vector<16xi32>
      %shift_left3A_212 = arith.shli %shift_right_arithmetic3A_209, %shift_left3A_211 : vector<16xi32>
      %add3A_213 = arith.addi %shift_left3A_206, %shift_left3A_212 : vector<16xi32>
      %and3A_214 = arith.constant 7 : i32
      %and3A_215 = vector.broadcast %and3A_214 : i32 to vector<16xi32>
      %and3A_216 = arith.andi %get3A_193, %and3A_215 : vector<16xi32>
      %shift_left3A_217 = arith.constant 2 : i32
      %shift_left3A_218 = vector.broadcast %shift_left3A_217 : i32 to vector<16xi32>
      %shift_left3A_219 = arith.shli %and3A_216, %shift_left3A_218 : vector<16xi32>
      %add3A_220 = arith.addi %add3A_213, %shift_left3A_219 : vector<16xi32>
      %and3A_221 = arith.constant 3 : i32
      %and3A_222 = vector.broadcast %and3A_221 : i32 to vector<16xi32>
      %and3A_223 = arith.andi %get3A_200, %and3A_222 : vector<16xi32>
      %add3A_224 = arith.addi %add3A_220, %and3A_223 : vector<16xi32>
      %swap3A_225 = arith.index_cast %scan3A_148 : i32 to index
      %swap3A_226 = arith.constant 16 : index
      %swap3A_227 = tpu.vector_load %arg10[%swap3A_225, %swap3A_226] {strides = array<i32>} : memref<40x128xi32, #tpu.memory_space<vmem>>, vector<1x16xi32>,
      %swap3A_228 = vector.shape_cast %swap3A_227 : vector<1x16xi32> to vector<16xi32>
      %swap3A_229 = vector.shape_cast %add3A_224 : vector<16xi32> to vector<1x16xi32>
      tpu.vector_store %arg10[%swap3A_225, %swap3A_226], %swap3A_229 {strides = array<i32>} : memref<40x128xi32, #tpu.memory_space<vmem>>, vector<1x16xi32>,
      %mul3A_230 = arith.constant 128 : i32
      %mul3A_231 = arith.muli %scan3A_148, %mul3A_230 : i32
      %add3A_232 = arith.constant 32 : i32
      %add3A_233 = arith.addi %mul3A_231, %add3A_232 : i32
      %get3A_234 = arith.index_cast %add3A_233 : i32 to index
      %get3A_235 = tpu.vector_load %arg7[%get3A_234] {strides = array<i32>} : memref<5120xi32, #tpu.memory_space<vmem>>, vector<16xi32>,
      %get3A_236 = vector.shape_cast %get3A_235 : vector<16xi32> to vector<16xi32>
      %mul3A_237 = arith.constant 128 : i32
      %mul3A_238 = arith.muli %scan3A_148, %mul3A_237 : i32
      %add3A_239 = arith.constant 32 : i32
      %add3A_240 = arith.addi %mul3A_238, %add3A_239 : i32
      %get3A_241 = arith.index_cast %add3A_240 : i32 to index
      %get3A_242 = tpu.vector_load %arg8[%get3A_241] {strides = array<i32>} : memref<5120xi32, #tpu.memory_space<vmem>>, vector<16xi32>,
      %get3A_243 = vector.shape_cast %get3A_242 : vector<16xi32> to vector<16xi32>
      %shift_right_arithmetic3A_244 = arith.constant 3 : i32
      %shift_right_arithmetic3A_245 = vector.broadcast %shift_right_arithmetic3A_244 : i32 to vector<16xi32>
      %shift_right_arithmetic3A_246 = arith.shrsi %get3A_236, %shift_right_arithmetic3A_245 : vector<16xi32>
      %shift_left3A_247 = arith.constant 7 : i32
      %shift_left3A_248 = vector.broadcast %shift_left3A_247 : i32 to vector<16xi32>
      %shift_left3A_249 = arith.shli %shift_right_arithmetic3A_246, %shift_left3A_248 : vector<16xi32>
      %shift_right_arithmetic3A_250 = arith.constant 2 : i32
      %shift_right_arithmetic3A_251 = vector.broadcast %shift_right_arithmetic3A_250 : i32 to vector<16xi32>
      %shift_right_arithmetic3A_252 = arith.shrsi %get3A_243, %shift_right_arithmetic3A_251 : vector<16xi32>
      %shift_left3A_253 = arith.constant 5 : i32
      %shift_left3A_254 = vector.broadcast %shift_left3A_253 : i32 to vector<16xi32>
      %shift_left3A_255 = arith.shli %shift_right_arithmetic3A_252, %shift_left3A_254 : vector<16xi32>
      %add3A_256 = arith.addi %shift_left3A_249, %shift_left3A_255 : vector<16xi32>
      %and3A_257 = arith.constant 7 : i32
      %and3A_258 = vector.broadcast %and3A_257 : i32 to vector<16xi32>
      %and3A_259 = arith.andi %get3A_236, %and3A_258 : vector<16xi32>
      %shift_left3A_260 = arith.constant 2 : i32
      %shift_left3A_261 = vector.broadcast %shift_left3A_260 : i32 to vector<16xi32>
      %shift_left3A_262 = arith.shli %and3A_259, %shift_left3A_261 : vector<16xi32>
      %add3A_263 = arith.addi %add3A_256, %shift_left3A_262 : vector<16xi32>
      %and3A_264 = arith.constant 3 : i32
      %and3A_265 = vector.broadcast %and3A_264 : i32 to vector<16xi32>
      %and3A_266 = arith.andi %get3A_243, %and3A_265 : vector<16xi32>
      %add3A_267 = arith.addi %add3A_263, %and3A_266 : vector<16xi32>
      %swap3A_268 = arith.index_cast %scan3A_148 : i32 to index
      %swap3A_269 = arith.constant 32 : index
      %swap3A_270 = tpu.vector_load %arg10[%swap3A_268, %swap3A_269] {strides = array<i32>} : memref<40x128xi32, #tpu.memory_space<vmem>>, vector<1x16xi32>,
      %swap3A_271 = vector.shape_cast %swap3A_270 : vector<1x16xi32> to vector<16xi32>
      %swap3A_272 = vector.shape_cast %add3A_267 : vector<16xi32> to vector<1x16xi32>
      tpu.vector_store %arg10[%swap3A_268, %swap3A_269], %swap3A_272 {strides = array<i32>} : memref<40x128xi32, #tpu.memory_space<vmem>>, vector<1x16xi32>,
      %mul3A_273 = arith.constant 128 : i32
      %mul3A_274 = arith.muli %scan3A_148, %mul3A_273 : i32
      %add3A_275 = arith.constant 48 : i32
      %add3A_276 = arith.addi %mul3A_274, %add3A_275 : i32
      %get3A_277 = arith.index_cast %add3A_276 : i32 to index
      %get3A_278 = tpu.vector_load %arg7[%get3A_277] {strides = array<i32>} : memref<5120xi32, #tpu.memory_space<vmem>>, vector<16xi32>,
      %get3A_279 = vector.shape_cast %get3A_278 : vector<16xi32> to vector<16xi32>
      %mul3A_280 = arith.constant 128 : i32
      %mul3A_281 = arith.muli %scan3A_148, %mul3A_280 : i32
      %add3A_282 = arith.constant 48 : i32
      %add3A_283 = arith.addi %mul3A_281, %add3A_282 : i32
      %get3A_284 = arith.index_cast %add3A_283 : i32 to index
      %get3A_285 = tpu.vector_load %arg8[%get3A_284] {strides = array<i32>} : memref<5120xi32, #tpu.memory_space<vmem>>, vector<16xi32>,
      %get3A_286 = vector.shape_cast %get3A_285 : vector<16xi32> to vector<16xi32>
      %shift_right_arithmetic3A_287 = arith.constant 3 : i32
      %shift_right_arithmetic3A_288 = vector.broadcast %shift_right_arithmetic3A_287 : i32 to vector<16xi32>
      %shift_right_arithmetic3A_289 = arith.shrsi %get3A_279, %shift_right_arithmetic3A_288 : vector<16xi32>
      %shift_left3A_290 = arith.constant 7 : i32
      %shift_left3A_291 = vector.broadcast %shift_left3A_290 : i32 to vector<16xi32>
      %shift_left3A_292 = arith.shli %shift_right_arithmetic3A_289, %shift_left3A_291 : vector<16xi32>
      %shift_right_arithmetic3A_293 = arith.constant 2 : i32
      %shift_right_arithmetic3A_294 = vector.broadcast %shift_right_arithmetic3A_293 : i32 to vector<16xi32>
      %shift_right_arithmetic3A_295 = arith.shrsi %get3A_286, %shift_right_arithmetic3A_294 : vector<16xi32>
      %shift_left3A_296 = arith.constant 5 : i32
      %shift_left3A_297 = vector.broadcast %shift_left3A_296 : i32 to vector<16xi32>
      %shift_left3A_298 = arith.shli %shift_right_arithmetic3A_295, %shift_left3A_297 : vector<16xi32>
      %add3A_299 = arith.addi %shift_left3A_292, %shift_left3A_298 : vector<16xi32>
      %and3A_300 = arith.constant 7 : i32
      %and3A_301 = vector.broadcast %and3A_300 : i32 to vector<16xi32>
      %and3A_302 = arith.andi %get3A_279, %and3A_301 : vector<16xi32>
      %shift_left3A_303 = arith.constant 2 : i32
      %shift_left3A_304 = vector.broadcast %shift_left3A_303 : i32 to vector<16xi32>
      %shift_left3A_305 = arith.shli %and3A_302, %shift_left3A_304 : vector<16xi32>
      %add3A_306 = arith.addi %add3A_299, %shift_left3A_305 : vector<16xi32>
      %and3A_307 = arith.constant 3 : i32
      %and3A_308 = vector.broadcast %and3A_307 : i32 to vector<16xi32>
      %and3A_309 = arith.andi %get3A_286, %and3A_308 : vector<16xi32>
      %add3A_310 = arith.addi %add3A_306, %and3A_309 : vector<16xi32>
      %swap3A_311 = arith.index_cast %scan3A_148 : i32 to index
      %swap3A_312 = arith.constant 48 : index
      %swap3A_313 = tpu.vector_load %arg10[%swap3A_311, %swap3A_312] {strides = array<i32>} : memref<40x128xi32, #tpu.memory_space<vmem>>, vector<1x16xi32>,
      %swap3A_314 = vector.shape_cast %swap3A_313 : vector<1x16xi32> to vector<16xi32>
      %swap3A_315 = vector.shape_cast %add3A_310 : vector<16xi32> to vector<1x16xi32>
      tpu.vector_store %arg10[%swap3A_311, %swap3A_312], %swap3A_315 {strides = array<i32>} : memref<40x128xi32, #tpu.memory_space<vmem>>, vector<1x16xi32>,
      %mul3A_316 = arith.constant 128 : i32
      %mul3A_317 = arith.muli %scan3A_148, %mul3A_316 : i32
      %add3A_318 = arith.constant 64 : i32
      %add3A_319 = arith.addi %mul3A_317, %add3A_318 : i32
      %get3A_320 = arith.index_cast %add3A_319 : i32 to index
      %get3A_321 = tpu.vector_load %arg7[%get3A_320] {strides = array<i32>} : memref<5120xi32, #tpu.memory_space<vmem>>, vector<16xi32>,
      %get3A_322 = vector.shape_cast %get3A_321 : vector<16xi32> to vector<16xi32>
      %mul3A_323 = arith.constant 128 : i32
      %mul3A_324 = arith.muli %scan3A_148, %mul3A_323 : i32
      %add3A_325 = arith.constant 64 : i32
      %add3A_326 = arith.addi %mul3A_324, %add3A_325 : i32
      %get3A_327 = arith.index_cast %add3A_326 : i32 to index
      %get3A_328 = tpu.vector_load %arg8[%get3A_327] {strides = array<i32>} : memref<5120xi32, #tpu.memory_space<vmem>>, vector<16xi32>,
      %get3A_329 = vector.shape_cast %get3A_328 : vector<16xi32> to vector<16xi32>
      %shift_right_arithmetic3A_330 = arith.constant 3 : i32
      %shift_right_arithmetic3A_331 = vector.broadcast %shift_right_arithmetic3A_330 : i32 to vector<16xi32>
      %shift_right_arithmetic3A_332 = arith.shrsi %get3A_322, %shift_right_arithmetic3A_331 : vector<16xi32>
      %shift_left3A_333 = arith.constant 7 : i32
      %shift_left3A_334 = vector.broadcast %shift_left3A_333 : i32 to vector<16xi32>
      %shift_left3A_335 = arith.shli %shift_right_arithmetic3A_332, %shift_left3A_334 : vector<16xi32>
      %shift_right_arithmetic3A_336 = arith.constant 2 : i32
      %shift_right_arithmetic3A_337 = vector.broadcast %shift_right_arithmetic3A_336 : i32 to vector<16xi32>
      %shift_right_arithmetic3A_338 = arith.shrsi %get3A_329, %shift_right_arithmetic3A_337 : vector<16xi32>
      %shift_left3A_339 = arith.constant 5 : i32
      %shift_left3A_340 = vector.broadcast %shift_left3A_339 : i32 to vector<16xi32>
      %shift_left3A_341 = arith.shli %shift_right_arithmetic3A_338, %shift_left3A_340 : vector<16xi32>
      %add3A_342 = arith.addi %shift_left3A_335, %shift_left3A_341 : vector<16xi32>
      %and3A_343 = arith.constant 7 : i32
      %and3A_344 = vector.broadcast %and3A_343 : i32 to vector<16xi32>
      %and3A_345 = arith.andi %get3A_322, %and3A_344 : vector<16xi32>
      %shift_left3A_346 = arith.constant 2 : i32
      %shift_left3A_347 = vector.broadcast %shift_left3A_346 : i32 to vector<16xi32>
      %shift_left3A_348 = arith.shli %and3A_345, %shift_left3A_347 : vector<16xi32>
      %add3A_349 = arith.addi %add3A_342, %shift_left3A_348 : vector<16xi32>
      %and3A_350 = arith.constant 3 : i32
      %and3A_351 = vector.broadcast %and3A_350 : i32 to vector<16xi32>
      %and3A_352 = arith.andi %get3A_329, %and3A_351 : vector<16xi32>
      %add3A_353 = arith.addi %add3A_349, %and3A_352 : vector<16xi32>
      %swap3A_354 = arith.index_cast %scan3A_148 : i32 to index
      %swap3A_355 = arith.constant 64 : index
      %swap3A_356 = tpu.vector_load %arg10[%swap3A_354, %swap3A_355] {strides = array<i32>} : memref<40x128xi32, #tpu.memory_space<vmem>>, vector<1x16xi32>,
      %swap3A_357 = vector.shape_cast %swap3A_356 : vector<1x16xi32> to vector<16xi32>
      %swap3A_358 = vector.shape_cast %add3A_353 : vector<16xi32> to vector<1x16xi32>
      tpu.vector_store %arg10[%swap3A_354, %swap3A_355], %swap3A_358 {strides = array<i32>} : memref<40x128xi32, #tpu.memory_space<vmem>>, vector<1x16xi32>,
      %mul3A_359 = arith.constant 128 : i32
      %mul3A_360 = arith.muli %scan3A_148, %mul3A_359 : i32
      %add3A_361 = arith.constant 80 : i32
      %add3A_362 = arith.addi %mul3A_360, %add3A_361 : i32
      %get3A_363 = arith.index_cast %add3A_362 : i32 to index
      %get3A_364 = tpu.vector_load %arg7[%get3A_363] {strides = array<i32>} : memref<5120xi32, #tpu.memory_space<vmem>>, vector<16xi32>,
      %get3A_365 = vector.shape_cast %get3A_364 : vector<16xi32> to vector<16xi32>
      %mul3A_366 = arith.constant 128 : i32
      %mul3A_367 = arith.muli %scan3A_148, %mul3A_366 : i32
      %add3A_368 = arith.constant 80 : i32
      %add3A_369 = arith.addi %mul3A_367, %add3A_368 : i32
      %get3A_370 = arith.index_cast %add3A_369 : i32 to index
      %get3A_371 = tpu.vector_load %arg8[%get3A_370] {strides = array<i32>} : memref<5120xi32, #tpu.memory_space<vmem>>, vector<16xi32>,
      %get3A_372 = vector.shape_cast %get3A_371 : vector<16xi32> to vector<16xi32>
      %shift_right_arithmetic3A_373 = arith.constant 3 : i32
      %shift_right_arithmetic3A_374 = vector.broadcast %shift_right_arithmetic3A_373 : i32 to vector<16xi32>
      %shift_right_arithmetic3A_375 = arith.shrsi %get3A_365, %shift_right_arithmetic3A_374 : vector<16xi32>
      %shift_left3A_376 = arith.constant 7 : i32
      %shift_left3A_377 = vector.broadcast %shift_left3A_376 : i32 to vector<16xi32>
      %shift_left3A_378 = arith.shli %shift_right_arithmetic3A_375, %shift_left3A_377 : vector<16xi32>
      %shift_right_arithmetic3A_379 = arith.constant 2 : i32
      %shift_right_arithmetic3A_380 = vector.broadcast %shift_right_arithmetic3A_379 : i32 to vector<16xi32>
      %shift_right_arithmetic3A_381 = arith.shrsi %get3A_372, %shift_right_arithmetic3A_380 : vector<16xi32>
      %shift_left3A_382 = arith.constant 5 : i32
      %shift_left3A_383 = vector.broadcast %shift_left3A_382 : i32 to vector<16xi32>
      %shift_left3A_384 = arith.shli %shift_right_arithmetic3A_381, %shift_left3A_383 : vector<16xi32>
      %add3A_385 = arith.addi %shift_left3A_378, %shift_left3A_384 : vector<16xi32>
      %and3A_386 = arith.constant 7 : i32
      %and3A_387 = vector.broadcast %and3A_386 : i32 to vector<16xi32>
      %and3A_388 = arith.andi %get3A_365, %and3A_387 : vector<16xi32>
      %shift_left3A_389 = arith.constant 2 : i32
      %shift_left3A_390 = vector.broadcast %shift_left3A_389 : i32 to vector<16xi32>
      %shift_left3A_391 = arith.shli %and3A_388, %shift_left3A_390 : vector<16xi32>
      %add3A_392 = arith.addi %add3A_385, %shift_left3A_391 : vector<16xi32>
      %and3A_393 = arith.constant 3 : i32
      %and3A_394 = vector.broadcast %and3A_393 : i32 to vector<16xi32>
      %and3A_395 = arith.andi %get3A_372, %and3A_394 : vector<16xi32>
      %add3A_396 = arith.addi %add3A_392, %and3A_395 : vector<16xi32>
      %swap3A_397 = arith.index_cast %scan3A_148 : i32 to index
      %swap3A_398 = arith.constant 80 : index
      %swap3A_399 = tpu.vector_load %arg10[%swap3A_397, %swap3A_398] {strides = array<i32>} : memref<40x128xi32, #tpu.memory_space<vmem>>, vector<1x16xi32>,
      %swap3A_400 = vector.shape_cast %swap3A_399 : vector<1x16xi32> to vector<16xi32>
      %swap3A_401 = vector.shape_cast %add3A_396 : vector<16xi32> to vector<1x16xi32>
      tpu.vector_store %arg10[%swap3A_397, %swap3A_398], %swap3A_401 {strides = array<i32>} : memref<40x128xi32, #tpu.memory_space<vmem>>, vector<1x16xi32>,
      %mul3A_402 = arith.constant 128 : i32
      %mul3A_403 = arith.muli %scan3A_148, %mul3A_402 : i32
      %add3A_404 = arith.constant 96 : i32
      %add3A_405 = arith.addi %mul3A_403, %add3A_404 : i32
      %get3A_406 = arith.index_cast %add3A_405 : i32 to index
      %get3A_407 = tpu.vector_load %arg7[%get3A_406] {strides = array<i32>} : memref<5120xi32, #tpu.memory_space<vmem>>, vector<16xi32>,
      %get3A_408 = vector.shape_cast %get3A_407 : vector<16xi32> to vector<16xi32>
      %mul3A_409 = arith.constant 128 : i32
      %mul3A_410 = arith.muli %scan3A_148, %mul3A_409 : i32
      %add3A_411 = arith.constant 96 : i32
      %add3A_412 = arith.addi %mul3A_410, %add3A_411 : i32
      %get3A_413 = arith.index_cast %add3A_412 : i32 to index
      %get3A_414 = tpu.vector_load %arg8[%get3A_413] {strides = array<i32>} : memref<5120xi32, #tpu.memory_space<vmem>>, vector<16xi32>,
      %get3A_415 = vector.shape_cast %get3A_414 : vector<16xi32> to vector<16xi32>
      %shift_right_arithmetic3A_416 = arith.constant 3 : i32
      %shift_right_arithmetic3A_417 = vector.broadcast %shift_right_arithmetic3A_416 : i32 to vector<16xi32>
      %shift_right_arithmetic3A_418 = arith.shrsi %get3A_408, %shift_right_arithmetic3A_417 : vector<16xi32>
      %shift_left3A_419 = arith.constant 7 : i32
      %shift_left3A_420 = vector.broadcast %shift_left3A_419 : i32 to vector<16xi32>
      %shift_left3A_421 = arith.shli %shift_right_arithmetic3A_418, %shift_left3A_420 : vector<16xi32>
      %shift_right_arithmetic3A_422 = arith.constant 2 : i32
      %shift_right_arithmetic3A_423 = vector.broadcast %shift_right_arithmetic3A_422 : i32 to vector<16xi32>
      %shift_right_arithmetic3A_424 = arith.shrsi %get3A_415, %shift_right_arithmetic3A_423 : vector<16xi32>
      %shift_left3A_425 = arith.constant 5 : i32
      %shift_left3A_426 = vector.broadcast %shift_left3A_425 : i32 to vector<16xi32>
      %shift_left3A_427 = arith.shli %shift_right_arithmetic3A_424, %shift_left3A_426 : vector<16xi32>
      %add3A_428 = arith.addi %shift_left3A_421, %shift_left3A_427 : vector<16xi32>
      %and3A_429 = arith.constant 7 : i32
      %and3A_430 = vector.broadcast %and3A_429 : i32 to vector<16xi32>
      %and3A_431 = arith.andi %get3A_408, %and3A_430 : vector<16xi32>
      %shift_left3A_432 = arith.constant 2 : i32
      %shift_left3A_433 = vector.broadcast %shift_left3A_432 : i32 to vector<16xi32>
      %shift_left3A_434 = arith.shli %and3A_431, %shift_left3A_433 : vector<16xi32>
      %add3A_435 = arith.addi %add3A_428, %shift_left3A_434 : vector<16xi32>
      %and3A_436 = arith.constant 3 : i32
      %and3A_437 = vector.broadcast %and3A_436 : i32 to vector<16xi32>
      %and3A_438 = arith.andi %get3A_415, %and3A_437 : vector<16xi32>
      %add3A_439 = arith.addi %add3A_435, %and3A_438 : vector<16xi32>
      %swap3A_440 = arith.index_cast %scan3A_148 : i32 to index
      %swap3A_441 = arith.constant 96 : index
      %swap3A_442 = tpu.vector_load %arg10[%swap3A_440, %swap3A_441] {strides = array<i32>} : memref<40x128xi32, #tpu.memory_space<vmem>>, vector<1x16xi32>,
      %swap3A_443 = vector.shape_cast %swap3A_442 : vector<1x16xi32> to vector<16xi32>
      %swap3A_444 = vector.shape_cast %add3A_439 : vector<16xi32> to vector<1x16xi32>
      tpu.vector_store %arg10[%swap3A_440, %swap3A_441], %swap3A_444 {strides = array<i32>} : memref<40x128xi32, #tpu.memory_space<vmem>>, vector<1x16xi32>,
      %mul3A_445 = arith.constant 128 : i32
      %mul3A_446 = arith.muli %scan3A_148, %mul3A_445 : i32
      %add3A_447 = arith.constant 112 : i32
      %add3A_448 = arith.addi %mul3A_446, %add3A_447 : i32
      %get3A_449 = arith.index_cast %add3A_448 : i32 to index
      %get3A_450 = tpu.vector_load %arg7[%get3A_449] {strides = array<i32>} : memref<5120xi32, #tpu.memory_space<vmem>>, vector<16xi32>,
      %get3A_451 = vector.shape_cast %get3A_450 : vector<16xi32> to vector<16xi32>
      %mul3A_452 = arith.constant 128 : i32
      %mul3A_453 = arith.muli %scan3A_148, %mul3A_452 : i32
      %add3A_454 = arith.constant 112 : i32
      %add3A_455 = arith.addi %mul3A_453, %add3A_454 : i32
      %get3A_456 = arith.index_cast %add3A_455 : i32 to index
      %get3A_457 = tpu.vector_load %arg8[%get3A_456] {strides = array<i32>} : memref<5120xi32, #tpu.memory_space<vmem>>, vector<16xi32>,
      %get3A_458 = vector.shape_cast %get3A_457 : vector<16xi32> to vector<16xi32>
      %shift_right_arithmetic3A_459 = arith.constant 3 : i32
      %shift_right_arithmetic3A_460 = vector.broadcast %shift_right_arithmetic3A_459 : i32 to vector<16xi32>
      %shift_right_arithmetic3A_461 = arith.shrsi %get3A_451, %shift_right_arithmetic3A_460 : vector<16xi32>
      %shift_left3A_462 = arith.constant 7 : i32
      %shift_left3A_463 = vector.broadcast %shift_left3A_462 : i32 to vector<16xi32>
      %shift_left3A_464 = arith.shli %shift_right_arithmetic3A_461, %shift_left3A_463 : vector<16xi32>
      %shift_right_arithmetic3A_465 = arith.constant 2 : i32
      %shift_right_arithmetic3A_466 = vector.broadcast %shift_right_arithmetic3A_465 : i32 to vector<16xi32>
      %shift_right_arithmetic3A_467 = arith.shrsi %get3A_458, %shift_right_arithmetic3A_466 : vector<16xi32>
      %shift_left3A_468 = arith.constant 5 : i32
      %shift_left3A_469 = vector.broadcast %shift_left3A_468 : i32 to vector<16xi32>
      %shift_left3A_470 = arith.shli %shift_right_arithmetic3A_467, %shift_left3A_469 : vector<16xi32>
      %add3A_471 = arith.addi %shift_left3A_464, %shift_left3A_470 : vector<16xi32>
      %and3A_472 = arith.constant 7 : i32
      %and3A_473 = vector.broadcast %and3A_472 : i32 to vector<16xi32>
      %and3A_474 = arith.andi %get3A_451, %and3A_473 : vector<16xi32>
      %shift_left3A_475 = arith.constant 2 : i32
      %shift_left3A_476 = vector.broadcast %shift_left3A_475 : i32 to vector<16xi32>
      %shift_left3A_477 = arith.shli %and3A_474, %shift_left3A_476 : vector<16xi32>
      %add3A_478 = arith.addi %add3A_471, %shift_left3A_477 : vector<16xi32>
      %and3A_479 = arith.constant 3 : i32
      %and3A_480 = vector.broadcast %and3A_479 : i32 to vector<16xi32>
      %and3A_481 = arith.andi %get3A_458, %and3A_480 : vector<16xi32>
      %add3A_482 = arith.addi %add3A_478, %and3A_481 : vector<16xi32>
      %swap3A_483 = arith.index_cast %scan3A_148 : i32 to index
      %swap3A_484 = arith.constant 112 : index
      %swap3A_485 = tpu.vector_load %arg10[%swap3A_483, %swap3A_484] {strides = array<i32>} : memref<40x128xi32, #tpu.memory_space<vmem>>, vector<1x16xi32>,
      %swap3A_486 = vector.shape_cast %swap3A_485 : vector<1x16xi32> to vector<16xi32>
      %swap3A_487 = vector.shape_cast %add3A_482 : vector<16xi32> to vector<1x16xi32>
      tpu.vector_store %arg10[%swap3A_483, %swap3A_484], %swap3A_487 {strides = array<i32>} : memref<40x128xi32, #tpu.memory_space<vmem>>, vector<1x16xi32>,
    }
    %scan3A_66 = arith.constant 40 : i32
    %barrier3A = arith.constant 0 : index
    tpu.barrier barrier_id(%barrier3A)
    %dma_start3A_67 = arith.constant 0 : i32
    %dma_start3A_68 = arith.constant 0 : i32
    %dma_start3A_69 = tpu.memref_slice %arg10[%dma_start3A_67, %dma_start3A_68] : memref<40x128xi32, #tpu.memory_space<vmem>> -> memref<1x128xi32, #tpu.memory_space<vmem>>
    %dma_start3A_70 = tpu.memref_squeeze %dma_start3A_69 : memref<1x128xi32, #tpu.memory_space<vmem>> -> memref<128xi32, #tpu.memory_space<vmem>>
    %dma_start3A_71 = arith.constant 0 : i32
    %dma_start3A_72 = arith.constant 0 : i32
    %dma_start3A_73 = tpu.memref_slice %arg5[%dma_start3A_71, %dma_start3A_72] : memref<163840x32xf32, #tpu.memory_space<hbm>> -> memref<163840x32xf32, #tpu.memory_space<hbm>>
    tpu.enqueue_indirect_dma source(%dma_start3A_73 : memref<163840x32xf32, #tpu.memory_space<hbm>>) target(%arg11 : memref<128x32xf32, #tpu.memory_space<vmem>>) offsets(%dma_start3A_70 : memref<128xi32, #tpu.memory_space<vmem>>) semaphore(%arg18 : memref<!tpu.dma_semaphore, #tpu.memory_space<semaphore_mem>>)
    %dma_start3A_74 = arith.constant 1 : i32
    %dma_start3A_75 = arith.constant 0 : i32
    %dma_start3A_76 = tpu.memref_slice %arg10[%dma_start3A_74, %dma_start3A_75] : memref<40x128xi32, #tpu.memory_space<vmem>> -> memref<1x128xi32, #tpu.memory_space<vmem>>
    %dma_start3A_77 = tpu.memref_squeeze %dma_start3A_76 : memref<1x128xi32, #tpu.memory_space<vmem>> -> memref<128xi32, #tpu.memory_space<vmem>>
    %dma_start3A_78 = arith.constant 0 : i32
    %dma_start3A_79 = arith.constant 0 : i32
    %dma_start3A_80 = tpu.memref_slice %arg5[%dma_start3A_78, %dma_start3A_79] : memref<163840x32xf32, #tpu.memory_space<hbm>> -> memref<163840x32xf32, #tpu.memory_space<hbm>>
    tpu.enqueue_indirect_dma source(%dma_start3A_80 : memref<163840x32xf32, #tpu.memory_space<hbm>>) target(%arg12 : memref<128x32xf32, #tpu.memory_space<vmem>>) offsets(%dma_start3A_77 : memref<128xi32, #tpu.memory_space<vmem>>) semaphore(%arg19 : memref<!tpu.dma_semaphore, #tpu.memory_space<semaphore_mem>>)
    %dma_start3A_81 = arith.constant 2 : i32
    %dma_start3A_82 = arith.constant 0 : i32
    %dma_start3A_83 = tpu.memref_slice %arg10[%dma_start3A_81, %dma_start3A_82] : memref<40x128xi32, #tpu.memory_space<vmem>> -> memref<1x128xi32, #tpu.memory_space<vmem>>
    %dma_start3A_84 = tpu.memref_squeeze %dma_start3A_83 : memref<1x128xi32, #tpu.memory_space<vmem>> -> memref<128xi32, #tpu.memory_space<vmem>>
    %dma_start3A_85 = arith.constant 0 : i32
    %dma_start3A_86 = arith.constant 0 : i32
    %dma_start3A_87 = tpu.memref_slice %arg5[%dma_start3A_85, %dma_start3A_86] : memref<163840x32xf32, #tpu.memory_space<hbm>> -> memref<163840x32xf32, #tpu.memory_space<hbm>>
    tpu.enqueue_indirect_dma source(%dma_start3A_87 : memref<163840x32xf32, #tpu.memory_space<hbm>>) target(%arg13 : memref<128x32xf32, #tpu.memory_space<vmem>>) offsets(%dma_start3A_84 : memref<128xi32, #tpu.memory_space<vmem>>) semaphore(%arg20 : memref<!tpu.dma_semaphore, #tpu.memory_space<semaphore_mem>>)
    %dma_start3A_88 = arith.constant 3 : i32
    %dma_start3A_89 = arith.constant 0 : i32
    %dma_start3A_90 = tpu.memref_slice %arg10[%dma_start3A_88, %dma_start3A_89] : memref<40x128xi32, #tpu.memory_space<vmem>> -> memref<1x128xi32, #tpu.memory_space<vmem>>
    %dma_start3A_91 = tpu.memref_squeeze %dma_start3A_90 : memref<1x128xi32, #tpu.memory_space<vmem>> -> memref<128xi32, #tpu.memory_space<vmem>>
    %dma_start3A_92 = arith.constant 0 : i32
    %dma_start3A_93 = arith.constant 0 : i32
    %dma_start3A_94 = tpu.memref_slice %arg5[%dma_start3A_92, %dma_start3A_93] : memref<163840x32xf32, #tpu.memory_space<hbm>> -> memref<163840x32xf32, #tpu.memory_space<hbm>>
    tpu.enqueue_indirect_dma source(%dma_start3A_94 : memref<163840x32xf32, #tpu.memory_space<hbm>>) target(%arg14 : memref<128x32xf32, #tpu.memory_space<vmem>>) offsets(%dma_start3A_91 : memref<128xi32, #tpu.memory_space<vmem>>) semaphore(%arg21 : memref<!tpu.dma_semaphore, #tpu.memory_space<semaphore_mem>>)
    %dma_start3A_95 = arith.constant 4 : i32
    %dma_start3A_96 = arith.constant 0 : i32
    %dma_start3A_97 = tpu.memref_slice %arg10[%dma_start3A_95, %dma_start3A_96] : memref<40x128xi32, #tpu.memory_space<vmem>> -> memref<1x128xi32, #tpu.memory_space<vmem>>
    %dma_start3A_98 = tpu.memref_squeeze %dma_start3A_97 : memref<1x128xi32, #tpu.memory_space<vmem>> -> memref<128xi32, #tpu.memory_space<vmem>>
    %dma_start3A_99 = arith.constant 0 : i32
    %dma_start3A_100 = arith.constant 0 : i32
    %dma_start3A_101 = tpu.memref_slice %arg5[%dma_start3A_99, %dma_start3A_100] : memref<163840x32xf32, #tpu.memory_space<hbm>> -> memref<163840x32xf32, #tpu.memory_space<hbm>>
    tpu.enqueue_indirect_dma source(%dma_start3A_101 : memref<163840x32xf32, #tpu.memory_space<hbm>>) target(%arg15 : memref<128x32xf32, #tpu.memory_space<vmem>>) offsets(%dma_start3A_98 : memref<128xi32, #tpu.memory_space<vmem>>) semaphore(%arg22 : memref<!tpu.dma_semaphore, #tpu.memory_space<semaphore_mem>>)
    %scan3A_102 = arith.constant 0 : i32
    %scan3A_103 = arith.constant 0 : i32
    %scan3A_104 = arith.constant 8 : i32
    %scan3A_105 = arith.addi %scan3A_103, %scan3A_104 : i32
    %scan3A_106 = arith.constant 1 : i32
    scf.for %scan3A_148 = %scan3A_103 to %scan3A_105 step %scan3A_106  : i32 {
      %mul3A_149 = arith.constant 5 : i32
      %mul3A_150 = arith.muli %scan3A_148, %mul3A_149 : i32
      %add3A_151 = arith.constant 0 : i32
      %add3A_152 = arith.addi %mul3A_150, %add3A_151 : i32
      %dma_wait3A_153 = arith.constant 0 : i32
      %dma_wait3A_154 = tpu.memref_slice %arg10[%add3A_152, %dma_wait3A_153] : memref<40x128xi32, #tpu.memory_space<vmem>> -> memref<1x128xi32, #tpu.memory_space<vmem>>
      %dma_wait3A_155 = tpu.memref_squeeze %dma_wait3A_154 : memref<1x128xi32, #tpu.memory_space<vmem>> -> memref<128xi32, #tpu.memory_space<vmem>>
      %dma_wait3A_156 = arith.constant 0 : i32
      %dma_wait3A_157 = arith.constant 0 : i32
      %dma_wait3A_158 = tpu.memref_slice %arg5[%dma_wait3A_156, %dma_wait3A_157] : memref<163840x32xf32, #tpu.memory_space<hbm>> -> memref<163840x32xf32, #tpu.memory_space<hbm>>
      tpu.wait_indirect_dma semaphore(%arg18 : memref<!tpu.dma_semaphore, #tpu.memory_space<semaphore_mem>>) src(%dma_wait3A_158 : memref<163840x32xf32, #tpu.memory_space<hbm>>) dst(%arg11 : memref<128x32xf32, #tpu.memory_space<vmem>>)
      %dma_start3A_159 = arith.constant 0 : i32
      %dma_start3A_160 = tpu.memref_slice %arg9[%add3A_152, %dma_start3A_159] : memref<40x128xi32, #tpu.memory_space<vmem>> -> memref<1x128xi32, #tpu.memory_space<vmem>>
      %dma_start3A_161 = tpu.memref_squeeze %dma_start3A_160 : memref<1x128xi32, #tpu.memory_space<vmem>> -> memref<128xi32, #tpu.memory_space<vmem>>
      %dma_start3A_162 = arith.constant 0 : i32
      %dma_start3A_163 = arith.constant 0 : i32
      %dma_start3A_164 = tpu.memref_slice %arg17[%dma_start3A_162, %dma_start3A_163] : memref<10368x32xf32, #tpu.memory_space<vmem_shared>> -> memref<10368x32xf32, #tpu.memory_space<vmem_shared>>
      tpu.enqueue_indirect_dma source(%arg11 : memref<128x32xf32, #tpu.memory_space<vmem>>) target(%dma_start3A_164 : memref<10368x32xf32, #tpu.memory_space<vmem_shared>>) offsets(%dma_start3A_161 : memref<128xi32, #tpu.memory_space<vmem>>) semaphore(%arg23 : memref<!tpu.dma_semaphore, #tpu.memory_space<semaphore_mem>>) {add = true}
      %lt3A = arith.constant 7 : i32
      %lt3A_165 = arith.cmpi slt, %scan3A_148, %lt3A : i32
      %convert_element_type3A = arith.extui %lt3A_165 : i1 to i32
      %cond3A = arith.constant 0 : i32
      %cond3A_166 = arith.cmpi ne, %convert_element_type3A, %cond3A : i32
      scf.if %cond3A_166 {
        %dma_wait3A_251 = arith.constant 0 : i32
        %dma_wait3A_252 = tpu.memref_slice %arg9[%add3A_152, %dma_wait3A_251] : memref<40x128xi32, #tpu.memory_space<vmem>> -> memref<1x128xi32, #tpu.memory_space<vmem>>
        %dma_wait3A_253 = tpu.memref_squeeze %dma_wait3A_252 : memref<1x128xi32, #tpu.memory_space<vmem>> -> memref<128xi32, #tpu.memory_space<vmem>>
        %dma_wait3A_254 = arith.constant 0 : i32
        %dma_wait3A_255 = arith.constant 0 : i32
        %dma_wait3A_256 = tpu.memref_slice %arg17[%dma_wait3A_254, %dma_wait3A_255] : memref<10368x32xf32, #tpu.memory_space<vmem_shared>> -> memref<10368x32xf32, #tpu.memory_space<vmem_shared>>
        tpu.wait_indirect_dma semaphore(%arg23 : memref<!tpu.dma_semaphore, #tpu.memory_space<semaphore_mem>>) src(%arg11 : memref<128x32xf32, #tpu.memory_space<vmem>>) dst(%dma_wait3A_256 : memref<10368x32xf32, #tpu.memory_space<vmem_shared>>)
        %add3A_257 = arith.constant 5 : i32
        %add3A_258 = arith.addi %add3A_152, %add3A_257 : i32
        %dma_start3A_259 = arith.constant 0 : i32
        %dma_start3A_260 = tpu.memref_slice %arg10[%add3A_258, %dma_start3A_259] : memref<40x128xi32, #tpu.memory_space<vmem>> -> memref<1x128xi32, #tpu.memory_space<vmem>>
        %dma_start3A_261 = tpu.memref_squeeze %dma_start3A_260 : memref<1x128xi32, #tpu.memory_space<vmem>> -> memref<128xi32, #tpu.memory_space<vmem>>
        %dma_start3A_262 = arith.constant 0 : i32
        %dma_start3A_263 = arith.constant 0 : i32
        %dma_start3A_264 = tpu.memref_slice %arg5[%dma_start3A_262, %dma_start3A_263] : memref<163840x32xf32, #tpu.memory_space<hbm>> -> memref<163840x32xf32, #tpu.memory_space<hbm>>
        tpu.enqueue_indirect_dma source(%dma_start3A_264 : memref<163840x32xf32, #tpu.memory_space<hbm>>) target(%arg11 : memref<128x32xf32, #tpu.memory_space<vmem>>) offsets(%dma_start3A_261 : memref<128xi32, #tpu.memory_space<vmem>>) semaphore(%arg18 : memref<!tpu.dma_semaphore, #tpu.memory_space<semaphore_mem>>)
      } else {
      }
      %mul3A_167 = arith.constant 5 : i32
      %mul3A_168 = arith.muli %scan3A_148, %mul3A_167 : i32
      %add3A_169 = arith.constant 1 : i32
      %add3A_170 = arith.addi %mul3A_168, %add3A_169 : i32
      %dma_wait3A_171 = arith.constant 0 : i32
      %dma_wait3A_172 = tpu.memref_slice %arg10[%add3A_170, %dma_wait3A_171] : memref<40x128xi32, #tpu.memory_space<vmem>> -> memref<1x128xi32, #tpu.memory_space<vmem>>
      %dma_wait3A_173 = tpu.memref_squeeze %dma_wait3A_172 : memref<1x128xi32, #tpu.memory_space<vmem>> -> memref<128xi32, #tpu.memory_space<vmem>>
      %dma_wait3A_174 = arith.constant 0 : i32
      %dma_wait3A_175 = arith.constant 0 : i32
      %dma_wait3A_176 = tpu.memref_slice %arg5[%dma_wait3A_174, %dma_wait3A_175] : memref<163840x32xf32, #tpu.memory_space<hbm>> -> memref<163840x32xf32, #tpu.memory_space<hbm>>
      tpu.wait_indirect_dma semaphore(%arg19 : memref<!tpu.dma_semaphore, #tpu.memory_space<semaphore_mem>>) src(%dma_wait3A_176 : memref<163840x32xf32, #tpu.memory_space<hbm>>) dst(%arg12 : memref<128x32xf32, #tpu.memory_space<vmem>>)
      %dma_start3A_177 = arith.constant 0 : i32
      %dma_start3A_178 = tpu.memref_slice %arg9[%add3A_170, %dma_start3A_177] : memref<40x128xi32, #tpu.memory_space<vmem>> -> memref<1x128xi32, #tpu.memory_space<vmem>>
      %dma_start3A_179 = tpu.memref_squeeze %dma_start3A_178 : memref<1x128xi32, #tpu.memory_space<vmem>> -> memref<128xi32, #tpu.memory_space<vmem>>
      %dma_start3A_180 = arith.constant 0 : i32
      %dma_start3A_181 = arith.constant 0 : i32
      %dma_start3A_182 = tpu.memref_slice %arg17[%dma_start3A_180, %dma_start3A_181] : memref<10368x32xf32, #tpu.memory_space<vmem_shared>> -> memref<10368x32xf32, #tpu.memory_space<vmem_shared>>
      tpu.enqueue_indirect_dma source(%arg12 : memref<128x32xf32, #tpu.memory_space<vmem>>) target(%dma_start3A_182 : memref<10368x32xf32, #tpu.memory_space<vmem_shared>>) offsets(%dma_start3A_179 : memref<128xi32, #tpu.memory_space<vmem>>) semaphore(%arg24 : memref<!tpu.dma_semaphore, #tpu.memory_space<semaphore_mem>>) {add = true}
      %lt3A_183 = arith.constant 7 : i32
      %lt3A_184 = arith.cmpi slt, %scan3A_148, %lt3A_183 : i32
      %convert_element_type3A_185 = arith.extui %lt3A_184 : i1 to i32
      %cond3A_186 = arith.constant 0 : i32
      %cond3A_187 = arith.cmpi ne, %convert_element_type3A_185, %cond3A_186 : i32
      scf.if %cond3A_187 {
        %dma_wait3A_251 = arith.constant 0 : i32
        %dma_wait3A_252 = tpu.memref_slice %arg9[%add3A_170, %dma_wait3A_251] : memref<40x128xi32, #tpu.memory_space<vmem>> -> memref<1x128xi32, #tpu.memory_space<vmem>>
        %dma_wait3A_253 = tpu.memref_squeeze %dma_wait3A_252 : memref<1x128xi32, #tpu.memory_space<vmem>> -> memref<128xi32, #tpu.memory_space<vmem>>
        %dma_wait3A_254 = arith.constant 0 : i32
        %dma_wait3A_255 = arith.constant 0 : i32
        %dma_wait3A_256 = tpu.memref_slice %arg17[%dma_wait3A_254, %dma_wait3A_255] : memref<10368x32xf32, #tpu.memory_space<vmem_shared>> -> memref<10368x32xf32, #tpu.memory_space<vmem_shared>>
        tpu.wait_indirect_dma semaphore(%arg24 : memref<!tpu.dma_semaphore, #tpu.memory_space<semaphore_mem>>) src(%arg12 : memref<128x32xf32, #tpu.memory_space<vmem>>) dst(%dma_wait3A_256 : memref<10368x32xf32, #tpu.memory_space<vmem_shared>>)
        %add3A_257 = arith.constant 5 : i32
        %add3A_258 = arith.addi %add3A_170, %add3A_257 : i32
        %dma_start3A_259 = arith.constant 0 : i32
        %dma_start3A_260 = tpu.memref_slice %arg10[%add3A_258, %dma_start3A_259] : memref<40x128xi32, #tpu.memory_space<vmem>> -> memref<1x128xi32, #tpu.memory_space<vmem>>
        %dma_start3A_261 = tpu.memref_squeeze %dma_start3A_260 : memref<1x128xi32, #tpu.memory_space<vmem>> -> memref<128xi32, #tpu.memory_space<vmem>>
        %dma_start3A_262 = arith.constant 0 : i32
        %dma_start3A_263 = arith.constant 0 : i32
        %dma_start3A_264 = tpu.memref_slice %arg5[%dma_start3A_262, %dma_start3A_263] : memref<163840x32xf32, #tpu.memory_space<hbm>> -> memref<163840x32xf32, #tpu.memory_space<hbm>>
        tpu.enqueue_indirect_dma source(%dma_start3A_264 : memref<163840x32xf32, #tpu.memory_space<hbm>>) target(%arg12 : memref<128x32xf32, #tpu.memory_space<vmem>>) offsets(%dma_start3A_261 : memref<128xi32, #tpu.memory_space<vmem>>) semaphore(%arg19 : memref<!tpu.dma_semaphore, #tpu.memory_space<semaphore_mem>>)
      } else {
      }
      %mul3A_188 = arith.constant 5 : i32
      %mul3A_189 = arith.muli %scan3A_148, %mul3A_188 : i32
      %add3A_190 = arith.constant 2 : i32
      %add3A_191 = arith.addi %mul3A_189, %add3A_190 : i32
      %dma_wait3A_192 = arith.constant 0 : i32
      %dma_wait3A_193 = tpu.memref_slice %arg10[%add3A_191, %dma_wait3A_192] : memref<40x128xi32, #tpu.memory_space<vmem>> -> memref<1x128xi32, #tpu.memory_space<vmem>>
      %dma_wait3A_194 = tpu.memref_squeeze %dma_wait3A_193 : memref<1x128xi32, #tpu.memory_space<vmem>> -> memref<128xi32, #tpu.memory_space<vmem>>
      %dma_wait3A_195 = arith.constant 0 : i32
      %dma_wait3A_196 = arith.constant 0 : i32
      %dma_wait3A_197 = tpu.memref_slice %arg5[%dma_wait3A_195, %dma_wait3A_196] : memref<163840x32xf32, #tpu.memory_space<hbm>> -> memref<163840x32xf32, #tpu.memory_space<hbm>>
      tpu.wait_indirect_dma semaphore(%arg20 : memref<!tpu.dma_semaphore, #tpu.memory_space<semaphore_mem>>) src(%dma_wait3A_197 : memref<163840x32xf32, #tpu.memory_space<hbm>>) dst(%arg13 : memref<128x32xf32, #tpu.memory_space<vmem>>)
      %dma_start3A_198 = arith.constant 0 : i32
      %dma_start3A_199 = tpu.memref_slice %arg9[%add3A_191, %dma_start3A_198] : memref<40x128xi32, #tpu.memory_space<vmem>> -> memref<1x128xi32, #tpu.memory_space<vmem>>
      %dma_start3A_200 = tpu.memref_squeeze %dma_start3A_199 : memref<1x128xi32, #tpu.memory_space<vmem>> -> memref<128xi32, #tpu.memory_space<vmem>>
      %dma_start3A_201 = arith.constant 0 : i32
      %dma_start3A_202 = arith.constant 0 : i32
      %dma_start3A_203 = tpu.memref_slice %arg17[%dma_start3A_201, %dma_start3A_202] : memref<10368x32xf32, #tpu.memory_space<vmem_shared>> -> memref<10368x32xf32, #tpu.memory_space<vmem_shared>>
      tpu.enqueue_indirect_dma source(%arg13 : memref<128x32xf32, #tpu.memory_space<vmem>>) target(%dma_start3A_203 : memref<10368x32xf32, #tpu.memory_space<vmem_shared>>) offsets(%dma_start3A_200 : memref<128xi32, #tpu.memory_space<vmem>>) semaphore(%arg25 : memref<!tpu.dma_semaphore, #tpu.memory_space<semaphore_mem>>) {add = true}
      %lt3A_204 = arith.constant 7 : i32
      %lt3A_205 = arith.cmpi slt, %scan3A_148, %lt3A_204 : i32
      %convert_element_type3A_206 = arith.extui %lt3A_205 : i1 to i32
      %cond3A_207 = arith.constant 0 : i32
      %cond3A_208 = arith.cmpi ne, %convert_element_type3A_206, %cond3A_207 : i32
      scf.if %cond3A_208 {
        %dma_wait3A_251 = arith.constant 0 : i32
        %dma_wait3A_252 = tpu.memref_slice %arg9[%add3A_191, %dma_wait3A_251] : memref<40x128xi32, #tpu.memory_space<vmem>> -> memref<1x128xi32, #tpu.memory_space<vmem>>
        %dma_wait3A_253 = tpu.memref_squeeze %dma_wait3A_252 : memref<1x128xi32, #tpu.memory_space<vmem>> -> memref<128xi32, #tpu.memory_space<vmem>>
        %dma_wait3A_254 = arith.constant 0 : i32
        %dma_wait3A_255 = arith.constant 0 : i32
        %dma_wait3A_256 = tpu.memref_slice %arg17[%dma_wait3A_254, %dma_wait3A_255] : memref<10368x32xf32, #tpu.memory_space<vmem_shared>> -> memref<10368x32xf32, #tpu.memory_space<vmem_shared>>
        tpu.wait_indirect_dma semaphore(%arg25 : memref<!tpu.dma_semaphore, #tpu.memory_space<semaphore_mem>>) src(%arg13 : memref<128x32xf32, #tpu.memory_space<vmem>>) dst(%dma_wait3A_256 : memref<10368x32xf32, #tpu.memory_space<vmem_shared>>)
        %add3A_257 = arith.constant 5 : i32
        %add3A_258 = arith.addi %add3A_191, %add3A_257 : i32
        %dma_start3A_259 = arith.constant 0 : i32
        %dma_start3A_260 = tpu.memref_slice %arg10[%add3A_258, %dma_start3A_259] : memref<40x128xi32, #tpu.memory_space<vmem>> -> memref<1x128xi32, #tpu.memory_space<vmem>>
        %dma_start3A_261 = tpu.memref_squeeze %dma_start3A_260 : memref<1x128xi32, #tpu.memory_space<vmem>> -> memref<128xi32, #tpu.memory_space<vmem>>
        %dma_start3A_262 = arith.constant 0 : i32
        %dma_start3A_263 = arith.constant 0 : i32
        %dma_start3A_264 = tpu.memref_slice %arg5[%dma_start3A_262, %dma_start3A_263] : memref<163840x32xf32, #tpu.memory_space<hbm>> -> memref<163840x32xf32, #tpu.memory_space<hbm>>
        tpu.enqueue_indirect_dma source(%dma_start3A_264 : memref<163840x32xf32, #tpu.memory_space<hbm>>) target(%arg13 : memref<128x32xf32, #tpu.memory_space<vmem>>) offsets(%dma_start3A_261 : memref<128xi32, #tpu.memory_space<vmem>>) semaphore(%arg20 : memref<!tpu.dma_semaphore, #tpu.memory_space<semaphore_mem>>)
      } else {
      }
      %mul3A_209 = arith.constant 5 : i32
      %mul3A_210 = arith.muli %scan3A_148, %mul3A_209 : i32
      %add3A_211 = arith.constant 3 : i32
      %add3A_212 = arith.addi %mul3A_210, %add3A_211 : i32
      %dma_wait3A_213 = arith.constant 0 : i32
      %dma_wait3A_214 = tpu.memref_slice %arg10[%add3A_212, %dma_wait3A_213] : memref<40x128xi32, #tpu.memory_space<vmem>> -> memref<1x128xi32, #tpu.memory_space<vmem>>
      %dma_wait3A_215 = tpu.memref_squeeze %dma_wait3A_214 : memref<1x128xi32, #tpu.memory_space<vmem>> -> memref<128xi32, #tpu.memory_space<vmem>>
      %dma_wait3A_216 = arith.constant 0 : i32
      %dma_wait3A_217 = arith.constant 0 : i32
      %dma_wait3A_218 = tpu.memref_slice %arg5[%dma_wait3A_216, %dma_wait3A_217] : memref<163840x32xf32, #tpu.memory_space<hbm>> -> memref<163840x32xf32, #tpu.memory_space<hbm>>
      tpu.wait_indirect_dma semaphore(%arg21 : memref<!tpu.dma_semaphore, #tpu.memory_space<semaphore_mem>>) src(%dma_wait3A_218 : memref<163840x32xf32, #tpu.memory_space<hbm>>) dst(%arg14 : memref<128x32xf32, #tpu.memory_space<vmem>>)
      %dma_start3A_219 = arith.constant 0 : i32
      %dma_start3A_220 = tpu.memref_slice %arg9[%add3A_212, %dma_start3A_219] : memref<40x128xi32, #tpu.memory_space<vmem>> -> memref<1x128xi32, #tpu.memory_space<vmem>>
      %dma_start3A_221 = tpu.memref_squeeze %dma_start3A_220 : memref<1x128xi32, #tpu.memory_space<vmem>> -> memref<128xi32, #tpu.memory_space<vmem>>
      %dma_start3A_222 = arith.constant 0 : i32
      %dma_start3A_223 = arith.constant 0 : i32
      %dma_start3A_224 = tpu.memref_slice %arg17[%dma_start3A_222, %dma_start3A_223] : memref<10368x32xf32, #tpu.memory_space<vmem_shared>> -> memref<10368x32xf32, #tpu.memory_space<vmem_shared>>
      tpu.enqueue_indirect_dma source(%arg14 : memref<128x32xf32, #tpu.memory_space<vmem>>) target(%dma_start3A_224 : memref<10368x32xf32, #tpu.memory_space<vmem_shared>>) offsets(%dma_start3A_221 : memref<128xi32, #tpu.memory_space<vmem>>) semaphore(%arg26 : memref<!tpu.dma_semaphore, #tpu.memory_space<semaphore_mem>>) {add = true}
      %lt3A_225 = arith.constant 7 : i32
      %lt3A_226 = arith.cmpi slt, %scan3A_148, %lt3A_225 : i32
      %convert_element_type3A_227 = arith.extui %lt3A_226 : i1 to i32
      %cond3A_228 = arith.constant 0 : i32
      %cond3A_229 = arith.cmpi ne, %convert_element_type3A_227, %cond3A_228 : i32
      scf.if %cond3A_229 {
        %dma_wait3A_251 = arith.constant 0 : i32
        %dma_wait3A_252 = tpu.memref_slice %arg9[%add3A_212, %dma_wait3A_251] : memref<40x128xi32, #tpu.memory_space<vmem>> -> memref<1x128xi32, #tpu.memory_space<vmem>>
        %dma_wait3A_253 = tpu.memref_squeeze %dma_wait3A_252 : memref<1x128xi32, #tpu.memory_space<vmem>> -> memref<128xi32, #tpu.memory_space<vmem>>
        %dma_wait3A_254 = arith.constant 0 : i32
        %dma_wait3A_255 = arith.constant 0 : i32
        %dma_wait3A_256 = tpu.memref_slice %arg17[%dma_wait3A_254, %dma_wait3A_255] : memref<10368x32xf32, #tpu.memory_space<vmem_shared>> -> memref<10368x32xf32, #tpu.memory_space<vmem_shared>>
        tpu.wait_indirect_dma semaphore(%arg26 : memref<!tpu.dma_semaphore, #tpu.memory_space<semaphore_mem>>) src(%arg14 : memref<128x32xf32, #tpu.memory_space<vmem>>) dst(%dma_wait3A_256 : memref<10368x32xf32, #tpu.memory_space<vmem_shared>>)
        %add3A_257 = arith.constant 5 : i32
        %add3A_258 = arith.addi %add3A_212, %add3A_257 : i32
        %dma_start3A_259 = arith.constant 0 : i32
        %dma_start3A_260 = tpu.memref_slice %arg10[%add3A_258, %dma_start3A_259] : memref<40x128xi32, #tpu.memory_space<vmem>> -> memref<1x128xi32, #tpu.memory_space<vmem>>
        %dma_start3A_261 = tpu.memref_squeeze %dma_start3A_260 : memref<1x128xi32, #tpu.memory_space<vmem>> -> memref<128xi32, #tpu.memory_space<vmem>>
        %dma_start3A_262 = arith.constant 0 : i32
        %dma_start3A_263 = arith.constant 0 : i32
        %dma_start3A_264 = tpu.memref_slice %arg5[%dma_start3A_262, %dma_start3A_263] : memref<163840x32xf32, #tpu.memory_space<hbm>> -> memref<163840x32xf32, #tpu.memory_space<hbm>>
        tpu.enqueue_indirect_dma source(%dma_start3A_264 : memref<163840x32xf32, #tpu.memory_space<hbm>>) target(%arg14 : memref<128x32xf32, #tpu.memory_space<vmem>>) offsets(%dma_start3A_261 : memref<128xi32, #tpu.memory_space<vmem>>) semaphore(%arg21 : memref<!tpu.dma_semaphore, #tpu.memory_space<semaphore_mem>>)
      } else {
      }
      %mul3A_230 = arith.constant 5 : i32
      %mul3A_231 = arith.muli %scan3A_148, %mul3A_230 : i32
      %add3A_232 = arith.constant 4 : i32
      %add3A_233 = arith.addi %mul3A_231, %add3A_232 : i32
      %dma_wait3A_234 = arith.constant 0 : i32
      %dma_wait3A_235 = tpu.memref_slice %arg10[%add3A_233, %dma_wait3A_234] : memref<40x128xi32, #tpu.memory_space<vmem>> -> memref<1x128xi32, #tpu.memory_space<vmem>>
      %dma_wait3A_236 = tpu.memref_squeeze %dma_wait3A_235 : memref<1x128xi32, #tpu.memory_space<vmem>> -> memref<128xi32, #tpu.memory_space<vmem>>
      %dma_wait3A_237 = arith.constant 0 : i32
      %dma_wait3A_238 = arith.constant 0 : i32
      %dma_wait3A_239 = tpu.memref_slice %arg5[%dma_wait3A_237, %dma_wait3A_238] : memref<163840x32xf32, #tpu.memory_space<hbm>> -> memref<163840x32xf32, #tpu.memory_space<hbm>>
      tpu.wait_indirect_dma semaphore(%arg22 : memref<!tpu.dma_semaphore, #tpu.memory_space<semaphore_mem>>) src(%dma_wait3A_239 : memref<163840x32xf32, #tpu.memory_space<hbm>>) dst(%arg15 : memref<128x32xf32, #tpu.memory_space<vmem>>)
      %dma_start3A_240 = arith.constant 0 : i32
      %dma_start3A_241 = tpu.memref_slice %arg9[%add3A_233, %dma_start3A_240] : memref<40x128xi32, #tpu.memory_space<vmem>> -> memref<1x128xi32, #tpu.memory_space<vmem>>
      %dma_start3A_242 = tpu.memref_squeeze %dma_start3A_241 : memref<1x128xi32, #tpu.memory_space<vmem>> -> memref<128xi32, #tpu.memory_space<vmem>>
      %dma_start3A_243 = arith.constant 0 : i32
      %dma_start3A_244 = arith.constant 0 : i32
      %dma_start3A_245 = tpu.memref_slice %arg17[%dma_start3A_243, %dma_start3A_244] : memref<10368x32xf32, #tpu.memory_space<vmem_shared>> -> memref<10368x32xf32, #tpu.memory_space<vmem_shared>>
      tpu.enqueue_indirect_dma source(%arg15 : memref<128x32xf32, #tpu.memory_space<vmem>>) target(%dma_start3A_245 : memref<10368x32xf32, #tpu.memory_space<vmem_shared>>) offsets(%dma_start3A_242 : memref<128xi32, #tpu.memory_space<vmem>>) semaphore(%arg27 : memref<!tpu.dma_semaphore, #tpu.memory_space<semaphore_mem>>) {add = true}
      %lt3A_246 = arith.constant 7 : i32
      %lt3A_247 = arith.cmpi slt, %scan3A_148, %lt3A_246 : i32
      %convert_element_type3A_248 = arith.extui %lt3A_247 : i1 to i32
      %cond3A_249 = arith.constant 0 : i32
      %cond3A_250 = arith.cmpi ne, %convert_element_type3A_248, %cond3A_249 : i32
      scf.if %cond3A_250 {
        %dma_wait3A_251 = arith.constant 0 : i32
        %dma_wait3A_252 = tpu.memref_slice %arg9[%add3A_233, %dma_wait3A_251] : memref<40x128xi32, #tpu.memory_space<vmem>> -> memref<1x128xi32, #tpu.memory_space<vmem>>
        %dma_wait3A_253 = tpu.memref_squeeze %dma_wait3A_252 : memref<1x128xi32, #tpu.memory_space<vmem>> -> memref<128xi32, #tpu.memory_space<vmem>>
        %dma_wait3A_254 = arith.constant 0 : i32
        %dma_wait3A_255 = arith.constant 0 : i32
        %dma_wait3A_256 = tpu.memref_slice %arg17[%dma_wait3A_254, %dma_wait3A_255] : memref<10368x32xf32, #tpu.memory_space<vmem_shared>> -> memref<10368x32xf32, #tpu.memory_space<vmem_shared>>
        tpu.wait_indirect_dma semaphore(%arg27 : memref<!tpu.dma_semaphore, #tpu.memory_space<semaphore_mem>>) src(%arg15 : memref<128x32xf32, #tpu.memory_space<vmem>>) dst(%dma_wait3A_256 : memref<10368x32xf32, #tpu.memory_space<vmem_shared>>)
        %add3A_257 = arith.constant 5 : i32
        %add3A_258 = arith.addi %add3A_233, %add3A_257 : i32
        %dma_start3A_259 = arith.constant 0 : i32
        %dma_start3A_260 = tpu.memref_slice %arg10[%add3A_258, %dma_start3A_259] : memref<40x128xi32, #tpu.memory_space<vmem>> -> memref<1x128xi32, #tpu.memory_space<vmem>>
        %dma_start3A_261 = tpu.memref_squeeze %dma_start3A_260 : memref<1x128xi32, #tpu.memory_space<vmem>> -> memref<128xi32, #tpu.memory_space<vmem>>
        %dma_start3A_262 = arith.constant 0 : i32
        %dma_start3A_263 = arith.constant 0 : i32
        %dma_start3A_264 = tpu.memref_slice %arg5[%dma_start3A_262, %dma_start3A_263] : memref<163840x32xf32, #tpu.memory_space<hbm>> -> memref<163840x32xf32, #tpu.memory_space<hbm>>
        tpu.enqueue_indirect_dma source(%dma_start3A_264 : memref<163840x32xf32, #tpu.memory_space<hbm>>) target(%arg15 : memref<128x32xf32, #tpu.memory_space<vmem>>) offsets(%dma_start3A_261 : memref<128xi32, #tpu.memory_space<vmem>>) semaphore(%arg22 : memref<!tpu.dma_semaphore, #tpu.memory_space<semaphore_mem>>)
      } else {
      }
    }
    %scan3A_107 = arith.constant 8 : i32
    %dma_wait3A_108 = arith.constant 35 : i32
    %dma_wait3A_109 = arith.constant 0 : i32
    %dma_wait3A_110 = tpu.memref_slice %arg9[%dma_wait3A_108, %dma_wait3A_109] : memref<40x128xi32, #tpu.memory_space<vmem>> -> memref<1x128xi32, #tpu.memory_space<vmem>>
    %dma_wait3A_111 = tpu.memref_squeeze %dma_wait3A_110 : memref<1x128xi32, #tpu.memory_space<vmem>> -> memref<128xi32, #tpu.memory_space<vmem>>
    %dma_wait3A_112 = arith.constant 0 : i32
    %dma_wait3A_113 = arith.constant 0 : i32
    %dma_wait3A_114 = tpu.memref_slice %arg17[%dma_wait3A_112, %dma_wait3A_113] : memref<10368x32xf32, #tpu.memory_space<vmem_shared>> -> memref<10368x32xf32, #tpu.memory_space<vmem_shared>>
    tpu.wait_indirect_dma semaphore(%arg23 : memref<!tpu.dma_semaphore, #tpu.memory_space<semaphore_mem>>) src(%arg11 : memref<128x32xf32, #tpu.memory_space<vmem>>) dst(%dma_wait3A_114 : memref<10368x32xf32, #tpu.memory_space<vmem_shared>>)
    %dma_wait3A_115 = arith.constant 36 : i32
    %dma_wait3A_116 = arith.constant 0 : i32
    %dma_wait3A_117 = tpu.memref_slice %arg9[%dma_wait3A_115, %dma_wait3A_116] : memref<40x128xi32, #tpu.memory_space<vmem>> -> memref<1x128xi32, #tpu.memory_space<vmem>>
    %dma_wait3A_118 = tpu.memref_squeeze %dma_wait3A_117 : memref<1x128xi32, #tpu.memory_space<vmem>> -> memref<128xi32, #tpu.memory_space<vmem>>
    %dma_wait3A_119 = arith.constant 0 : i32
    %dma_wait3A_120 = arith.constant 0 : i32
    %dma_wait3A_121 = tpu.memref_slice %arg17[%dma_wait3A_119, %dma_wait3A_120] : memref<10368x32xf32, #tpu.memory_space<vmem_shared>> -> memref<10368x32xf32, #tpu.memory_space<vmem_shared>>
    tpu.wait_indirect_dma semaphore(%arg24 : memref<!tpu.dma_semaphore, #tpu.memory_space<semaphore_mem>>) src(%arg12 : memref<128x32xf32, #tpu.memory_space<vmem>>) dst(%dma_wait3A_121 : memref<10368x32xf32, #tpu.memory_space<vmem_shared>>)
    %dma_wait3A_122 = arith.constant 37 : i32
    %dma_wait3A_123 = arith.constant 0 : i32
    %dma_wait3A_124 = tpu.memref_slice %arg9[%dma_wait3A_122, %dma_wait3A_123] : memref<40x128xi32, #tpu.memory_space<vmem>> -> memref<1x128xi32, #tpu.memory_space<vmem>>
    %dma_wait3A_125 = tpu.memref_squeeze %dma_wait3A_124 : memref<1x128xi32, #tpu.memory_space<vmem>> -> memref<128xi32, #tpu.memory_space<vmem>>
    %dma_wait3A_126 = arith.constant 0 : i32
    %dma_wait3A_127 = arith.constant 0 : i32
    %dma_wait3A_128 = tpu.memref_slice %arg17[%dma_wait3A_126, %dma_wait3A_127] : memref<10368x32xf32, #tpu.memory_space<vmem_shared>> -> memref<10368x32xf32, #tpu.memory_space<vmem_shared>>
    tpu.wait_indirect_dma semaphore(%arg25 : memref<!tpu.dma_semaphore, #tpu.memory_space<semaphore_mem>>) src(%arg13 : memref<128x32xf32, #tpu.memory_space<vmem>>) dst(%dma_wait3A_128 : memref<10368x32xf32, #tpu.memory_space<vmem_shared>>)
    %dma_wait3A_129 = arith.constant 38 : i32
    %dma_wait3A_130 = arith.constant 0 : i32
    %dma_wait3A_131 = tpu.memref_slice %arg9[%dma_wait3A_129, %dma_wait3A_130] : memref<40x128xi32, #tpu.memory_space<vmem>> -> memref<1x128xi32, #tpu.memory_space<vmem>>
    %dma_wait3A_132 = tpu.memref_squeeze %dma_wait3A_131 : memref<1x128xi32, #tpu.memory_space<vmem>> -> memref<128xi32, #tpu.memory_space<vmem>>
    %dma_wait3A_133 = arith.constant 0 : i32
    %dma_wait3A_134 = arith.constant 0 : i32
    %dma_wait3A_135 = tpu.memref_slice %arg17[%dma_wait3A_133, %dma_wait3A_134] : memref<10368x32xf32, #tpu.memory_space<vmem_shared>> -> memref<10368x32xf32, #tpu.memory_space<vmem_shared>>
    tpu.wait_indirect_dma semaphore(%arg26 : memref<!tpu.dma_semaphore, #tpu.memory_space<semaphore_mem>>) src(%arg14 : memref<128x32xf32, #tpu.memory_space<vmem>>) dst(%dma_wait3A_135 : memref<10368x32xf32, #tpu.memory_space<vmem_shared>>)
    %dma_wait3A_136 = arith.constant 39 : i32
    %dma_wait3A_137 = arith.constant 0 : i32
    %dma_wait3A_138 = tpu.memref_slice %arg9[%dma_wait3A_136, %dma_wait3A_137] : memref<40x128xi32, #tpu.memory_space<vmem>> -> memref<1x128xi32, #tpu.memory_space<vmem>>
    %dma_wait3A_139 = tpu.memref_squeeze %dma_wait3A_138 : memref<1x128xi32, #tpu.memory_space<vmem>> -> memref<128xi32, #tpu.memory_space<vmem>>
    %dma_wait3A_140 = arith.constant 0 : i32
    %dma_wait3A_141 = arith.constant 0 : i32
    %dma_wait3A_142 = tpu.memref_slice %arg17[%dma_wait3A_140, %dma_wait3A_141] : memref<10368x32xf32, #tpu.memory_space<vmem_shared>> -> memref<10368x32xf32, #tpu.memory_space<vmem_shared>>
    tpu.wait_indirect_dma semaphore(%arg27 : memref<!tpu.dma_semaphore, #tpu.memory_space<semaphore_mem>>) src(%arg15 : memref<128x32xf32, #tpu.memory_space<vmem>>) dst(%dma_wait3A_142 : memref<10368x32xf32, #tpu.memory_space<vmem_shared>>)
    %barrier3A_143 = arith.constant 0 : index
    tpu.barrier barrier_id(%barrier3A_143)
    %mul3A_144 = arith.constant 648 : i32
    %mul3A_145 = arith.muli %arg1, %mul3A_144 : i32
    "tpu.region"() ({
      %run_scoped3A = tpu.sem_alloc : memref<!tpu.dma_semaphore, #tpu.memory_space<semaphore_mem>>
      %dma_start3A_148 = arith.constant 0 : i32
      %dma_start3A_149 = tpu.memref_slice %arg17[%mul3A_145, %dma_start3A_148] : memref<10368x32xf32, #tpu.memory_space<vmem_shared>> -> memref<648x32xf32, #tpu.memory_space<vmem_shared>>
      %dma_start3A_150 = arith.constant 0 : i32
      %dma_start3A_151 = tpu.memref_slice %arg17[%mul3A_145, %dma_start3A_150] : memref<10368x32xf32, #tpu.memory_space<vmem_shared>> -> memref<648x32xf32, #tpu.memory_space<vmem_shared>>
      tpu.enqueue_dma source(%dma_start3A_151 : memref<648x32xf32, #tpu.memory_space<vmem_shared>>) target(%arg16 : memref<648x32xf32, #tpu.memory_space<vmem>>) target_semaphore(%run_scoped3A : memref<!tpu.dma_semaphore, #tpu.memory_space<semaphore_mem>>)
      %dma_wait3A_152 = arith.constant 0 : i32
      %dma_wait3A_153 = tpu.memref_slice %arg17[%mul3A_145, %dma_wait3A_152] : memref<10368x32xf32, #tpu.memory_space<vmem_shared>> -> memref<648x32xf32, #tpu.memory_space<vmem_shared>>
      %dma_wait3A_154 = arith.constant 0 : i32
      %dma_wait3A_155 = tpu.memref_slice %arg17[%mul3A_145, %dma_wait3A_154] : memref<10368x32xf32, #tpu.memory_space<vmem_shared>> -> memref<648x32xf32, #tpu.memory_space<vmem_shared>>
      tpu.wait_dma2 semaphore(%run_scoped3A : memref<!tpu.dma_semaphore, #tpu.memory_space<semaphore_mem>>) src(%dma_wait3A_155 : memref<648x32xf32, #tpu.memory_space<vmem_shared>>) dst(%arg16 : memref<648x32xf32, #tpu.memory_space<vmem>>)
      tpu.yield
    }) : () -> ()
    %mul3A_146 = arith.constant 648 : i32
    %mul3A_147 = arith.muli %arg1, %mul3A_146 : i32
    "tpu.region"() ({
      %run_scoped3A = tpu.sem_alloc : memref<!tpu.dma_semaphore, #tpu.memory_space<semaphore_mem>>
      %dma_start3A_148 = arith.constant 0 : i32
      %dma_start3A_149 = tpu.memref_slice %arg6[%arg0, %mul3A_147, %dma_start3A_148] : memref<2x10368x32xf32, #tpu.memory_space<hbm>> -> memref<1x648x32xf32, #tpu.memory_space<hbm>>
      %dma_start3A_150 = tpu.memref_squeeze %dma_start3A_149 : memref<1x648x32xf32, #tpu.memory_space<hbm>> -> memref<648x32xf32, #tpu.memory_space<hbm>>
      %dma_start3A_151 = arith.constant 0 : i32
      %dma_start3A_152 = tpu.memref_slice %arg6[%arg0, %mul3A_147, %dma_start3A_151] : memref<2x10368x32xf32, #tpu.memory_space<hbm>> -> memref<1x648x32xf32, #tpu.memory_space<hbm>>
      %dma_start3A_153 = tpu.memref_squeeze %dma_start3A_152 : memref<1x648x32xf32, #tpu.memory_space<hbm>> -> memref<648x32xf32, #tpu.memory_space<hbm>>
      tpu.enqueue_dma source(%arg16 : memref<648x32xf32, #tpu.memory_space<vmem>>) target(%dma_start3A_153 : memref<648x32xf32, #tpu.memory_space<hbm>>) target_semaphore(%run_scoped3A : memref<!tpu.dma_semaphore, #tpu.memory_space<semaphore_mem>>)
      %dma_wait3A_154 = arith.constant 0 : i32
      %dma_wait3A_155 = tpu.memref_slice %arg6[%arg0, %mul3A_147, %dma_wait3A_154] : memref<2x10368x32xf32, #tpu.memory_space<hbm>> -> memref<1x648x32xf32, #tpu.memory_space<hbm>>
      %dma_wait3A_156 = tpu.memref_squeeze %dma_wait3A_155 : memref<1x648x32xf32, #tpu.memory_space<hbm>> -> memref<648x32xf32, #tpu.memory_space<hbm>>
      %dma_wait3A_157 = arith.constant 0 : i32
      %dma_wait3A_158 = tpu.memref_slice %arg6[%arg0, %mul3A_147, %dma_wait3A_157] : memref<2x10368x32xf32, #tpu.memory_space<hbm>> -> memref<1x648x32xf32, #tpu.memory_space<hbm>>
      %dma_wait3A_159 = tpu.memref_squeeze %dma_wait3A_158 : memref<1x648x32xf32, #tpu.memory_space<hbm>> -> memref<648x32xf32, #tpu.memory_space<hbm>>
      tpu.wait_dma2 semaphore(%run_scoped3A : memref<!tpu.dma_semaphore, #tpu.memory_space<semaphore_mem>>) src(%arg16 : memref<648x32xf32, #tpu.memory_space<vmem>>) dst(%dma_wait3A_159 : memref<648x32xf32, #tpu.memory_space<hbm>>)
      tpu.yield
    }) : () -> ()
    return
  }
}

#map = affine_map<(d0, d1) -> (0)>
#map1 = affine_map<(d0, d1) -> (0, 0)>
#map2 = affine_map<(d0, d1) -> (0, 0, 0)>
module attributes {stable_mosaic.version = 14 : i64} {
  func.func @_mp_sc_body(%arg0: i32, %arg1: i32, %arg2: memref<163840xi32, #tpu.memory_space<hbm>>, %arg3: memref<163840xi32, #tpu.memory_space<hbm>>, %arg4: memref<1280x128xi32, #tpu.memory_space<hbm>>, %arg5: memref<163840x32xf32, #tpu.memory_space<hbm>>, %arg6: memref<2x10368x32xf32, #tpu.memory_space<hbm>>, %arg7: memref<5120xi32, #tpu.memory_space<vmem>>, %arg8: memref<5120xi32, #tpu.memory_space<vmem>>, %arg9: memref<40x128xi32, #tpu.memory_space<vmem>>, %arg10: memref<40x128xi32, #tpu.memory_space<vmem>>, %arg11: memref<128x32xf32, #tpu.memory_space<vmem>>, %arg12: memref<128x32xf32, #tpu.memory_space<vmem>>, %arg13: memref<128x32xf32, #tpu.memory_space<vmem>>, %arg14: memref<128x32xf32, #tpu.memory_space<vmem>>, %arg15: memref<128x32xf32, #tpu.memory_space<vmem>>, %arg16: memref<648x32xf32, #tpu.memory_space<vmem>>, %arg17: memref<10368x32xf32, #tpu.memory_space<vmem_shared>>, %arg18: memref<!tpu.dma_semaphore, #tpu.memory_space<semaphore_mem>>, %arg19: memref<!tpu.dma_semaphore, #tpu.memory_space<semaphore_mem>>, %arg20: memref<!tpu.dma_semaphore, #tpu.memory_space<semaphore_mem>>, %arg21: memref<!tpu.dma_semaphore, #tpu.memory_space<semaphore_mem>>, %arg22: memref<!tpu.dma_semaphore, #tpu.memory_space<semaphore_mem>>, %arg23: memref<!tpu.dma_semaphore, #tpu.memory_space<semaphore_mem>>, %arg24: memref<!tpu.dma_semaphore, #tpu.memory_space<semaphore_mem>>, %arg25: memref<!tpu.dma_semaphore, #tpu.memory_space<semaphore_mem>>, %arg26: memref<!tpu.dma_semaphore, #tpu.memory_space<semaphore_mem>>, %arg27: memref<!tpu.dma_semaphore, #tpu.memory_space<semaphore_mem>>) attributes {dimension_semantics = [#tpu.dimension_semantics<core_parallel>, #tpu.dimension_semantics<subcore_parallel>], iteration_bounds = array<i64: 2, 16>, scalar_prefetch = 0 : i64, scratch_operands = 21 : i64, tpu.core_type = #tpu.core_type<sc_vector_subcore>, window_params = [{transform_indices = #map}, {transform_indices = #map}, {transform_indices = #map1}, {transform_indices = #map1}, {transform_indices = #map2}]} {
    %mul3A = arith.constant 16 : i32
    %mul3A_0 = arith.muli %arg0, %mul3A : i32
    %add3A = arith.addi %mul3A_0, %arg1 : i32
    %mul3A_1 = arith.constant 40 : i32
    %mul3A_2 = arith.muli %add3A, %mul3A_1 : i32
    %mul3A_3 = arith.constant 128 : i32
    %mul3A_4 = arith.muli %mul3A_2, %mul3A_3 : i32
    %dma_start3A = arith.constant 0 : i32
    %dma_start3A_5 = tpu.memref_slice %arg7[%dma_start3A] : memref<5120xi32, #tpu.memory_space<vmem>> -> memref<5120xi32, #tpu.memory_space<vmem>>
    %dma_start3A_6 = tpu.memref_slice %arg2[%mul3A_4] : memref<163840xi32, #tpu.memory_space<hbm>> -> memref<5120xi32, #tpu.memory_space<hbm>>
    %dma_start3A_7 = arith.constant 0 : i32
    %dma_start3A_8 = tpu.memref_slice %arg7[%dma_start3A_7] : memref<5120xi32, #tpu.memory_space<vmem>> -> memref<5120xi32, #tpu.memory_space<vmem>>
    %dma_start3A_9 = tpu.memref_slice %arg2[%mul3A_4] : memref<163840xi32, #tpu.memory_space<hbm>> -> memref<5120xi32, #tpu.memory_space<hbm>>
    tpu.enqueue_dma source(%dma_start3A_9 : memref<5120xi32, #tpu.memory_space<hbm>>) target(%dma_start3A_8 : memref<5120xi32, #tpu.memory_space<vmem>>) target_semaphore(%arg18 : memref<!tpu.dma_semaphore, #tpu.memory_space<semaphore_mem>>)
    %mul3A_10 = arith.constant 128 : i32
    %mul3A_11 = arith.muli %mul3A_2, %mul3A_10 : i32
    %dma_start3A_12 = arith.constant 0 : i32
    %dma_start3A_13 = tpu.memref_slice %arg8[%dma_start3A_12] : memref<5120xi32, #tpu.memory_space<vmem>> -> memref<5120xi32, #tpu.memory_space<vmem>>
    %dma_start3A_14 = tpu.memref_slice %arg3[%mul3A_11] : memref<163840xi32, #tpu.memory_space<hbm>> -> memref<5120xi32, #tpu.memory_space<hbm>>
    %dma_start3A_15 = arith.constant 0 : i32
    %dma_start3A_16 = tpu.memref_slice %arg8[%dma_start3A_15] : memref<5120xi32, #tpu.memory_space<vmem>> -> memref<5120xi32, #tpu.memory_space<vmem>>
    %dma_start3A_17 = tpu.memref_slice %arg3[%mul3A_11] : memref<163840xi32, #tpu.memory_space<hbm>> -> memref<5120xi32, #tpu.memory_space<hbm>>
    tpu.enqueue_dma source(%dma_start3A_17 : memref<5120xi32, #tpu.memory_space<hbm>>) target(%dma_start3A_16 : memref<5120xi32, #tpu.memory_space<vmem>>) target_semaphore(%arg19 : memref<!tpu.dma_semaphore, #tpu.memory_space<semaphore_mem>>)
    %dma_start3A_18 = arith.constant 0 : i32
    %dma_start3A_19 = arith.constant 0 : i32
    %dma_start3A_20 = tpu.memref_slice %arg9[%dma_start3A_18, %dma_start3A_19] : memref<40x128xi32, #tpu.memory_space<vmem>> -> memref<40x128xi32, #tpu.memory_space<vmem>>
    %dma_start3A_21 = arith.constant 0 : i32
    %dma_start3A_22 = tpu.memref_slice %arg4[%mul3A_2, %dma_start3A_21] : memref<1280x128xi32, #tpu.memory_space<hbm>> -> memref<40x128xi32, #tpu.memory_space<hbm>>
    %dma_start3A_23 = arith.constant 0 : i32
    %dma_start3A_24 = arith.constant 0 : i32
    %dma_start3A_25 = tpu.memref_slice %arg9[%dma_start3A_23, %dma_start3A_24] : memref<40x128xi32, #tpu.memory_space<vmem>> -> memref<40x128xi32, #tpu.memory_space<vmem>>
    %dma_start3A_26 = arith.constant 0 : i32
    %dma_start3A_27 = tpu.memref_slice %arg4[%mul3A_2, %dma_start3A_26] : memref<1280x128xi32, #tpu.memory_space<hbm>> -> memref<40x128xi32, #tpu.memory_space<hbm>>
    tpu.enqueue_dma source(%dma_start3A_27 : memref<40x128xi32, #tpu.memory_space<hbm>>) target(%dma_start3A_25 : memref<40x128xi32, #tpu.memory_space<vmem>>) target_semaphore(%arg20 : memref<!tpu.dma_semaphore, #tpu.memory_space<semaphore_mem>>)
    %broadcast_in_dim3A = arith.constant 0.000000e+00 : f32
    %broadcast_in_dim3A_28 = vector.broadcast %broadcast_in_dim3A : f32 to vector<16xf32>
    %scan3A = arith.constant 0 : i32
    %scan3A_29 = arith.constant 0 : i32
    %scan3A_30 = arith.constant 162 : i32
    %scan3A_31 = arith.addi %scan3A_29, %scan3A_30 : i32
    %scan3A_32 = arith.constant 1 : i32
    scf.for %scan3A_148 = %scan3A_29 to %scan3A_31 step %scan3A_32  : i32 {
      %mul3A_149 = arith.constant 4 : i32
      %mul3A_150 = arith.muli %scan3A_148, %mul3A_149 : i32
      %add3A_151 = arith.constant 0 : i32
      %add3A_152 = arith.addi %mul3A_150, %add3A_151 : i32
      %swap3A = arith.index_cast %add3A_152 : i32 to index
      %swap3A_153 = arith.constant 0 : index
      %swap3A_154 = tpu.vector_load %arg16[%swap3A, %swap3A_153] {strides = array<i32>} : memref<648x32xf32, #tpu.memory_space<vmem>>, vector<1x16xf32>,
      %swap3A_155 = vector.shape_cast %swap3A_154 : vector<1x16xf32> to vector<16xf32>
      %swap3A_156 = vector.shape_cast %broadcast_in_dim3A_28 : vector<16xf32> to vector<1x16xf32>
      tpu.vector_store %arg16[%swap3A, %swap3A_153], %swap3A_156 {strides = array<i32>} : memref<648x32xf32, #tpu.memory_space<vmem>>, vector<1x16xf32>,
      %mul3A_157 = arith.constant 4 : i32
      %mul3A_158 = arith.muli %scan3A_148, %mul3A_157 : i32
      %add3A_159 = arith.constant 0 : i32
      %add3A_160 = arith.addi %mul3A_158, %add3A_159 : i32
      %swap3A_161 = arith.index_cast %add3A_160 : i32 to index
      %swap3A_162 = arith.constant 16 : index
      %swap3A_163 = tpu.vector_load %arg16[%swap3A_161, %swap3A_162] {strides = array<i32>} : memref<648x32xf32, #tpu.memory_space<vmem>>, vector<1x16xf32>,
      %swap3A_164 = vector.shape_cast %swap3A_163 : vector<1x16xf32> to vector<16xf32>
      %swap3A_165 = vector.shape_cast %broadcast_in_dim3A_28 : vector<16xf32> to vector<1x16xf32>
      tpu.vector_store %arg16[%swap3A_161, %swap3A_162], %swap3A_165 {strides = array<i32>} : memref<648x32xf32, #tpu.memory_space<vmem>>, vector<1x16xf32>,
      %mul3A_166 = arith.constant 4 : i32
      %mul3A_167 = arith.muli %scan3A_148, %mul3A_166 : i32
      %add3A_168 = arith.constant 1 : i32
      %add3A_169 = arith.addi %mul3A_167, %add3A_168 : i32
      %swap3A_170 = arith.index_cast %add3A_169 : i32 to index
      %swap3A_171 = arith.constant 0 : index
      %swap3A_172 = tpu.vector_load %arg16[%swap3A_170, %swap3A_171] {strides = array<i32>} : memref<648x32xf32, #tpu.memory_space<vmem>>, vector<1x16xf32>,
      %swap3A_173 = vector.shape_cast %swap3A_172 : vector<1x16xf32> to vector<16xf32>
      %swap3A_174 = vector.shape_cast %broadcast_in_dim3A_28 : vector<16xf32> to vector<1x16xf32>
      tpu.vector_store %arg16[%swap3A_170, %swap3A_171], %swap3A_174 {strides = array<i32>} : memref<648x32xf32, #tpu.memory_space<vmem>>, vector<1x16xf32>,
      %mul3A_175 = arith.constant 4 : i32
      %mul3A_176 = arith.muli %scan3A_148, %mul3A_175 : i32
      %add3A_177 = arith.constant 1 : i32
      %add3A_178 = arith.addi %mul3A_176, %add3A_177 : i32
      %swap3A_179 = arith.index_cast %add3A_178 : i32 to index
      %swap3A_180 = arith.constant 16 : index
      %swap3A_181 = tpu.vector_load %arg16[%swap3A_179, %swap3A_180] {strides = array<i32>} : memref<648x32xf32, #tpu.memory_space<vmem>>, vector<1x16xf32>,
      %swap3A_182 = vector.shape_cast %swap3A_181 : vector<1x16xf32> to vector<16xf32>
      %swap3A_183 = vector.shape_cast %broadcast_in_dim3A_28 : vector<16xf32> to vector<1x16xf32>
      tpu.vector_store %arg16[%swap3A_179, %swap3A_180], %swap3A_183 {strides = array<i32>} : memref<648x32xf32, #tpu.memory_space<vmem>>, vector<1x16xf32>,
      %mul3A_184 = arith.constant 4 : i32
      %mul3A_185 = arith.muli %scan3A_148, %mul3A_184 : i32
      %add3A_186 = arith.constant 2 : i32
      %add3A_187 = arith.addi %mul3A_185, %add3A_186 : i32
      %swap3A_188 = arith.index_cast %add3A_187 : i32 to index
      %swap3A_189 = arith.constant 0 : index
      %swap3A_190 = tpu.vector_load %arg16[%swap3A_188, %swap3A_189] {strides = array<i32>} : memref<648x32xf32, #tpu.memory_space<vmem>>, vector<1x16xf32>,
      %swap3A_191 = vector.shape_cast %swap3A_190 : vector<1x16xf32> to vector<16xf32>
      %swap3A_192 = vector.shape_cast %broadcast_in_dim3A_28 : vector<16xf32> to vector<1x16xf32>
      tpu.vector_store %arg16[%swap3A_188, %swap3A_189], %swap3A_192 {strides = array<i32>} : memref<648x32xf32, #tpu.memory_space<vmem>>, vector<1x16xf32>,
      %mul3A_193 = arith.constant 4 : i32
      %mul3A_194 = arith.muli %scan3A_148, %mul3A_193 : i32
      %add3A_195 = arith.constant 2 : i32
      %add3A_196 = arith.addi %mul3A_194, %add3A_195 : i32
      %swap3A_197 = arith.index_cast %add3A_196 : i32 to index
      %swap3A_198 = arith.constant 16 : index
      %swap3A_199 = tpu.vector_load %arg16[%swap3A_197, %swap3A_198] {strides = array<i32>} : memref<648x32xf32, #tpu.memory_space<vmem>>, vector<1x16xf32>,
      %swap3A_200 = vector.shape_cast %swap3A_199 : vector<1x16xf32> to vector<16xf32>
      %swap3A_201 = vector.shape_cast %broadcast_in_dim3A_28 : vector<16xf32> to vector<1x16xf32>
      tpu.vector_store %arg16[%swap3A_197, %swap3A_198], %swap3A_201 {strides = array<i32>} : memref<648x32xf32, #tpu.memory_space<vmem>>, vector<1x16xf32>,
      %mul3A_202 = arith.constant 4 : i32
      %mul3A_203 = arith.muli %scan3A_148, %mul3A_202 : i32
      %add3A_204 = arith.constant 3 : i32
      %add3A_205 = arith.addi %mul3A_203, %add3A_204 : i32
      %swap3A_206 = arith.index_cast %add3A_205 : i32 to index
      %swap3A_207 = arith.constant 0 : index
      %swap3A_208 = tpu.vector_load %arg16[%swap3A_206, %swap3A_207] {strides = array<i32>} : memref<648x32xf32, #tpu.memory_space<vmem>>, vector<1x16xf32>,
      %swap3A_209 = vector.shape_cast %swap3A_208 : vector<1x16xf32> to vector<16xf32>
      %swap3A_210 = vector.shape_cast %broadcast_in_dim3A_28 : vector<16xf32> to vector<1x16xf32>
      tpu.vector_store %arg16[%swap3A_206, %swap3A_207], %swap3A_210 {strides = array<i32>} : memref<648x32xf32, #tpu.memory_space<vmem>>, vector<1x16xf32>,
      %mul3A_211 = arith.constant 4 : i32
      %mul3A_212 = arith.muli %scan3A_148, %mul3A_211 : i32
      %add3A_213 = arith.constant 3 : i32
      %add3A_214 = arith.addi %mul3A_212, %add3A_213 : i32
      %swap3A_215 = arith.index_cast %add3A_214 : i32 to index
      %swap3A_216 = arith.constant 16 : index
      %swap3A_217 = tpu.vector_load %arg16[%swap3A_215, %swap3A_216] {strides = array<i32>} : memref<648x32xf32, #tpu.memory_space<vmem>>, vector<1x16xf32>,
      %swap3A_218 = vector.shape_cast %swap3A_217 : vector<1x16xf32> to vector<16xf32>
      %swap3A_219 = vector.shape_cast %broadcast_in_dim3A_28 : vector<16xf32> to vector<1x16xf32>
      tpu.vector_store %arg16[%swap3A_215, %swap3A_216], %swap3A_219 {strides = array<i32>} : memref<648x32xf32, #tpu.memory_space<vmem>>, vector<1x16xf32>,
    }
    %scan3A_33 = arith.constant 162 : i32
    %mul3A_34 = arith.constant 648 : i32
    %mul3A_35 = arith.muli %arg1, %mul3A_34 : i32
    "tpu.region"() ({
      %run_scoped3A = tpu.sem_alloc : memref<!tpu.dma_semaphore, #tpu.memory_space<semaphore_mem>>
      %dma_start3A_148 = arith.constant 0 : i32
      %dma_start3A_149 = tpu.memref_slice %arg17[%mul3A_35, %dma_start3A_148] : memref<10368x32xf32, #tpu.memory_space<vmem_shared>> -> memref<648x32xf32, #tpu.memory_space<vmem_shared>>
      %dma_start3A_150 = arith.constant 0 : i32
      %dma_start3A_151 = tpu.memref_slice %arg17[%mul3A_35, %dma_start3A_150] : memref<10368x32xf32, #tpu.memory_space<vmem_shared>> -> memref<648x32xf32, #tpu.memory_space<vmem_shared>>
      tpu.enqueue_dma source(%arg16 : memref<648x32xf32, #tpu.memory_space<vmem>>) target(%dma_start3A_151 : memref<648x32xf32, #tpu.memory_space<vmem_shared>>) target_semaphore(%run_scoped3A : memref<!tpu.dma_semaphore, #tpu.memory_space<semaphore_mem>>)
      %dma_wait3A_152 = arith.constant 0 : i32
      %dma_wait3A_153 = tpu.memref_slice %arg17[%mul3A_35, %dma_wait3A_152] : memref<10368x32xf32, #tpu.memory_space<vmem_shared>> -> memref<648x32xf32, #tpu.memory_space<vmem_shared>>
      %dma_wait3A_154 = arith.constant 0 : i32
      %dma_wait3A_155 = tpu.memref_slice %arg17[%mul3A_35, %dma_wait3A_154] : memref<10368x32xf32, #tpu.memory_space<vmem_shared>> -> memref<648x32xf32, #tpu.memory_space<vmem_shared>>
      tpu.wait_dma2 semaphore(%run_scoped3A : memref<!tpu.dma_semaphore, #tpu.memory_space<semaphore_mem>>) src(%arg16 : memref<648x32xf32, #tpu.memory_space<vmem>>) dst(%dma_wait3A_155 : memref<648x32xf32, #tpu.memory_space<vmem_shared>>)
      tpu.yield
    }) : () -> ()
    %mul3A_36 = arith.constant 128 : i32
    %mul3A_37 = arith.muli %mul3A_2, %mul3A_36 : i32
    %dma_wait3A = arith.constant 0 : i32
    %dma_wait3A_38 = tpu.memref_slice %arg7[%dma_wait3A] : memref<5120xi32, #tpu.memory_space<vmem>> -> memref<5120xi32, #tpu.memory_space<vmem>>
    %dma_wait3A_39 = tpu.memref_slice %arg2[%mul3A_37] : memref<163840xi32, #tpu.memory_space<hbm>> -> memref<5120xi32, #tpu.memory_space<hbm>>
    %dma_wait3A_40 = arith.constant 0 : i32
    %dma_wait3A_41 = tpu.memref_slice %arg7[%dma_wait3A_40] : memref<5120xi32, #tpu.memory_space<vmem>> -> memref<5120xi32, #tpu.memory_space<vmem>>
    %dma_wait3A_42 = tpu.memref_slice %arg2[%mul3A_37] : memref<163840xi32, #tpu.memory_space<hbm>> -> memref<5120xi32, #tpu.memory_space<hbm>>
    tpu.wait_dma2 semaphore(%arg18 : memref<!tpu.dma_semaphore, #tpu.memory_space<semaphore_mem>>) src(%dma_wait3A_42 : memref<5120xi32, #tpu.memory_space<hbm>>) dst(%dma_wait3A_41 : memref<5120xi32, #tpu.memory_space<vmem>>)
    %mul3A_43 = arith.constant 128 : i32
    %mul3A_44 = arith.muli %mul3A_2, %mul3A_43 : i32
    %dma_wait3A_45 = arith.constant 0 : i32
    %dma_wait3A_46 = tpu.memref_slice %arg8[%dma_wait3A_45] : memref<5120xi32, #tpu.memory_space<vmem>> -> memref<5120xi32, #tpu.memory_space<vmem>>
    %dma_wait3A_47 = tpu.memref_slice %arg3[%mul3A_44] : memref<163840xi32, #tpu.memory_space<hbm>> -> memref<5120xi32, #tpu.memory_space<hbm>>
    %dma_wait3A_48 = arith.constant 0 : i32
    %dma_wait3A_49 = tpu.memref_slice %arg8[%dma_wait3A_48] : memref<5120xi32, #tpu.memory_space<vmem>> -> memref<5120xi32, #tpu.memory_space<vmem>>
    %dma_wait3A_50 = tpu.memref_slice %arg3[%mul3A_44] : memref<163840xi32, #tpu.memory_space<hbm>> -> memref<5120xi32, #tpu.memory_space<hbm>>
    tpu.wait_dma2 semaphore(%arg19 : memref<!tpu.dma_semaphore, #tpu.memory_space<semaphore_mem>>) src(%dma_wait3A_50 : memref<5120xi32, #tpu.memory_space<hbm>>) dst(%dma_wait3A_49 : memref<5120xi32, #tpu.memory_space<vmem>>)
    %dma_wait3A_51 = arith.constant 0 : i32
    %dma_wait3A_52 = arith.constant 0 : i32
    %dma_wait3A_53 = tpu.memref_slice %arg9[%dma_wait3A_51, %dma_wait3A_52] : memref<40x128xi32, #tpu.memory_space<vmem>> -> memref<40x128xi32, #tpu.memory_space<vmem>>
    %dma_wait3A_54 = arith.constant 0 : i32
    %dma_wait3A_55 = tpu.memref_slice %arg4[%mul3A_2, %dma_wait3A_54] : memref<1280x128xi32, #tpu.memory_space<hbm>> -> memref<40x128xi32, #tpu.memory_space<hbm>>
    %dma_wait3A_56 = arith.constant 0 : i32
    %dma_wait3A_57 = arith.constant 0 : i32
    %dma_wait3A_58 = tpu.memref_slice %arg9[%dma_wait3A_56, %dma_wait3A_57] : memref<40x128xi32, #tpu.memory_space<vmem>> -> memref<40x128xi32, #tpu.memory_space<vmem>>
    %dma_wait3A_59 = arith.constant 0 : i32
    %dma_wait3A_60 = tpu.memref_slice %arg4[%mul3A_2, %dma_wait3A_59] : memref<1280x128xi32, #tpu.memory_space<hbm>> -> memref<40x128xi32, #tpu.memory_space<hbm>>
    tpu.wait_dma2 semaphore(%arg20 : memref<!tpu.dma_semaphore, #tpu.memory_space<semaphore_mem>>) src(%dma_wait3A_60 : memref<40x128xi32, #tpu.memory_space<hbm>>) dst(%dma_wait3A_58 : memref<40x128xi32, #tpu.memory_space<vmem>>)
    %scan3A_61 = arith.constant 0 : i32
    %scan3A_62 = arith.constant 0 : i32
    %scan3A_63 = arith.constant 40 : i32
    %scan3A_64 = arith.addi %scan3A_62, %scan3A_63 : i32
    %scan3A_65 = arith.constant 1 : i32
    scf.for %scan3A_148 = %scan3A_62 to %scan3A_64 step %scan3A_65  : i32 {
      %mul3A_149 = arith.constant 128 : i32
      %mul3A_150 = arith.muli %scan3A_148, %mul3A_149 : i32
      %add3A_151 = arith.constant 0 : i32
      %add3A_152 = arith.addi %mul3A_150, %add3A_151 : i32
      %get3A = arith.index_cast %add3A_152 : i32 to index
      %get3A_153 = tpu.vector_load %arg7[%get3A] {strides = array<i32>} : memref<5120xi32, #tpu.memory_space<vmem>>, vector<16xi32>,
      %get3A_154 = vector.shape_cast %get3A_153 : vector<16xi32> to vector<16xi32>
      %mul3A_155 = arith.constant 128 : i32
      %mul3A_156 = arith.muli %scan3A_148, %mul3A_155 : i32
      %add3A_157 = arith.constant 0 : i32
      %add3A_158 = arith.addi %mul3A_156, %add3A_157 : i32
      %get3A_159 = arith.index_cast %add3A_158 : i32 to index
      %get3A_160 = tpu.vector_load %arg8[%get3A_159] {strides = array<i32>} : memref<5120xi32, #tpu.memory_space<vmem>>, vector<16xi32>,
      %get3A_161 = vector.shape_cast %get3A_160 : vector<16xi32> to vector<16xi32>
      %shift_right_arithmetic3A = arith.constant 3 : i32
      %shift_right_arithmetic3A_162 = vector.broadcast %shift_right_arithmetic3A : i32 to vector<16xi32>
      %shift_right_arithmetic3A_163 = arith.shrsi %get3A_154, %shift_right_arithmetic3A_162 : vector<16xi32>
      %shift_left3A = arith.constant 7 : i32
      %shift_left3A_164 = vector.broadcast %shift_left3A : i32 to vector<16xi32>
      %shift_left3A_165 = arith.shli %shift_right_arithmetic3A_163, %shift_left3A_164 : vector<16xi32>
      %shift_right_arithmetic3A_166 = arith.constant 2 : i32
      %shift_right_arithmetic3A_167 = vector.broadcast %shift_right_arithmetic3A_166 : i32 to vector<16xi32>
      %shift_right_arithmetic3A_168 = arith.shrsi %get3A_161, %shift_right_arithmetic3A_167 : vector<16xi32>
      %shift_left3A_169 = arith.constant 5 : i32
      %shift_left3A_170 = vector.broadcast %shift_left3A_169 : i32 to vector<16xi32>
      %shift_left3A_171 = arith.shli %shift_right_arithmetic3A_168, %shift_left3A_170 : vector<16xi32>
      %add3A_172 = arith.addi %shift_left3A_165, %shift_left3A_171 : vector<16xi32>
      %and3A = arith.constant 7 : i32
      %and3A_173 = vector.broadcast %and3A : i32 to vector<16xi32>
      %and3A_174 = arith.andi %get3A_154, %and3A_173 : vector<16xi32>
      %shift_left3A_175 = arith.constant 2 : i32
      %shift_left3A_176 = vector.broadcast %shift_left3A_175 : i32 to vector<16xi32>
      %shift_left3A_177 = arith.shli %and3A_174, %shift_left3A_176 : vector<16xi32>
      %add3A_178 = arith.addi %add3A_172, %shift_left3A_177 : vector<16xi32>
      %and3A_179 = arith.constant 3 : i32
      %and3A_180 = vector.broadcast %and3A_179 : i32 to vector<16xi32>
      %and3A_181 = arith.andi %get3A_161, %and3A_180 : vector<16xi32>
      %add3A_182 = arith.addi %add3A_178, %and3A_181 : vector<16xi32>
      %swap3A = arith.index_cast %scan3A_148 : i32 to index
      %swap3A_183 = arith.constant 0 : index
      %swap3A_184 = tpu.vector_load %arg10[%swap3A, %swap3A_183] {strides = array<i32>} : memref<40x128xi32, #tpu.memory_space<vmem>>, vector<1x16xi32>,
      %swap3A_185 = vector.shape_cast %swap3A_184 : vector<1x16xi32> to vector<16xi32>
      %swap3A_186 = vector.shape_cast %add3A_182 : vector<16xi32> to vector<1x16xi32>
      tpu.vector_store %arg10[%swap3A, %swap3A_183], %swap3A_186 {strides = array<i32>} : memref<40x128xi32, #tpu.memory_space<vmem>>, vector<1x16xi32>,
      %mul3A_187 = arith.constant 128 : i32
      %mul3A_188 = arith.muli %scan3A_148, %mul3A_187 : i32
      %add3A_189 = arith.constant 16 : i32
      %add3A_190 = arith.addi %mul3A_188, %add3A_189 : i32
      %get3A_191 = arith.index_cast %add3A_190 : i32 to index
      %get3A_192 = tpu.vector_load %arg7[%get3A_191] {strides = array<i32>} : memref<5120xi32, #tpu.memory_space<vmem>>, vector<16xi32>,
      %get3A_193 = vector.shape_cast %get3A_192 : vector<16xi32> to vector<16xi32>
      %mul3A_194 = arith.constant 128 : i32
      %mul3A_195 = arith.muli %scan3A_148, %mul3A_194 : i32
      %add3A_196 = arith.constant 16 : i32
      %add3A_197 = arith.addi %mul3A_195, %add3A_196 : i32
      %get3A_198 = arith.index_cast %add3A_197 : i32 to index
      %get3A_199 = tpu.vector_load %arg8[%get3A_198] {strides = array<i32>} : memref<5120xi32, #tpu.memory_space<vmem>>, vector<16xi32>,
      %get3A_200 = vector.shape_cast %get3A_199 : vector<16xi32> to vector<16xi32>
      %shift_right_arithmetic3A_201 = arith.constant 3 : i32
      %shift_right_arithmetic3A_202 = vector.broadcast %shift_right_arithmetic3A_201 : i32 to vector<16xi32>
      %shift_right_arithmetic3A_203 = arith.shrsi %get3A_193, %shift_right_arithmetic3A_202 : vector<16xi32>
      %shift_left3A_204 = arith.constant 7 : i32
      %shift_left3A_205 = vector.broadcast %shift_left3A_204 : i32 to vector<16xi32>
      %shift_left3A_206 = arith.shli %shift_right_arithmetic3A_203, %shift_left3A_205 : vector<16xi32>
      %shift_right_arithmetic3A_207 = arith.constant 2 : i32
      %shift_right_arithmetic3A_208 = vector.broadcast %shift_right_arithmetic3A_207 : i32 to vector<16xi32>
      %shift_right_arithmetic3A_209 = arith.shrsi %get3A_200, %shift_right_arithmetic3A_208 : vector<16xi32>
      %shift_left3A_210 = arith.constant 5 : i32
      %shift_left3A_211 = vector.broadcast %shift_left3A_210 : i32 to vector<16xi32>
      %shift_left3A_212 = arith.shli %shift_right_arithmetic3A_209, %shift_left3A_211 : vector<16xi32>
      %add3A_213 = arith.addi %shift_left3A_206, %shift_left3A_212 : vector<16xi32>
      %and3A_214 = arith.constant 7 : i32
      %and3A_215 = vector.broadcast %and3A_214 : i32 to vector<16xi32>
      %and3A_216 = arith.andi %get3A_193, %and3A_215 : vector<16xi32>
      %shift_left3A_217 = arith.constant 2 : i32
      %shift_left3A_218 = vector.broadcast %shift_left3A_217 : i32 to vector<16xi32>
      %shift_left3A_219 = arith.shli %and3A_216, %shift_left3A_218 : vector<16xi32>
      %add3A_220 = arith.addi %add3A_213, %shift_left3A_219 : vector<16xi32>
      %and3A_221 = arith.constant 3 : i32
      %and3A_222 = vector.broadcast %and3A_221 : i32 to vector<16xi32>
      %and3A_223 = arith.andi %get3A_200, %and3A_222 : vector<16xi32>
      %add3A_224 = arith.addi %add3A_220, %and3A_223 : vector<16xi32>
      %swap3A_225 = arith.index_cast %scan3A_148 : i32 to index
      %swap3A_226 = arith.constant 16 : index
      %swap3A_227 = tpu.vector_load %arg10[%swap3A_225, %swap3A_226] {strides = array<i32>} : memref<40x128xi32, #tpu.memory_space<vmem>>, vector<1x16xi32>,
      %swap3A_228 = vector.shape_cast %swap3A_227 : vector<1x16xi32> to vector<16xi32>
      %swap3A_229 = vector.shape_cast %add3A_224 : vector<16xi32> to vector<1x16xi32>
      tpu.vector_store %arg10[%swap3A_225, %swap3A_226], %swap3A_229 {strides = array<i32>} : memref<40x128xi32, #tpu.memory_space<vmem>>, vector<1x16xi32>,
      %mul3A_230 = arith.constant 128 : i32
      %mul3A_231 = arith.muli %scan3A_148, %mul3A_230 : i32
      %add3A_232 = arith.constant 32 : i32
      %add3A_233 = arith.addi %mul3A_231, %add3A_232 : i32
      %get3A_234 = arith.index_cast %add3A_233 : i32 to index
      %get3A_235 = tpu.vector_load %arg7[%get3A_234] {strides = array<i32>} : memref<5120xi32, #tpu.memory_space<vmem>>, vector<16xi32>,
      %get3A_236 = vector.shape_cast %get3A_235 : vector<16xi32> to vector<16xi32>
      %mul3A_237 = arith.constant 128 : i32
      %mul3A_238 = arith.muli %scan3A_148, %mul3A_237 : i32
      %add3A_239 = arith.constant 32 : i32
      %add3A_240 = arith.addi %mul3A_238, %add3A_239 : i32
      %get3A_241 = arith.index_cast %add3A_240 : i32 to index
      %get3A_242 = tpu.vector_load %arg8[%get3A_241] {strides = array<i32>} : memref<5120xi32, #tpu.memory_space<vmem>>, vector<16xi32>,
      %get3A_243 = vector.shape_cast %get3A_242 : vector<16xi32> to vector<16xi32>
      %shift_right_arithmetic3A_244 = arith.constant 3 : i32
      %shift_right_arithmetic3A_245 = vector.broadcast %shift_right_arithmetic3A_244 : i32 to vector<16xi32>
      %shift_right_arithmetic3A_246 = arith.shrsi %get3A_236, %shift_right_arithmetic3A_245 : vector<16xi32>
      %shift_left3A_247 = arith.constant 7 : i32
      %shift_left3A_248 = vector.broadcast %shift_left3A_247 : i32 to vector<16xi32>
      %shift_left3A_249 = arith.shli %shift_right_arithmetic3A_246, %shift_left3A_248 : vector<16xi32>
      %shift_right_arithmetic3A_250 = arith.constant 2 : i32
      %shift_right_arithmetic3A_251 = vector.broadcast %shift_right_arithmetic3A_250 : i32 to vector<16xi32>
      %shift_right_arithmetic3A_252 = arith.shrsi %get3A_243, %shift_right_arithmetic3A_251 : vector<16xi32>
      %shift_left3A_253 = arith.constant 5 : i32
      %shift_left3A_254 = vector.broadcast %shift_left3A_253 : i32 to vector<16xi32>
      %shift_left3A_255 = arith.shli %shift_right_arithmetic3A_252, %shift_left3A_254 : vector<16xi32>
      %add3A_256 = arith.addi %shift_left3A_249, %shift_left3A_255 : vector<16xi32>
      %and3A_257 = arith.constant 7 : i32
      %and3A_258 = vector.broadcast %and3A_257 : i32 to vector<16xi32>
      %and3A_259 = arith.andi %get3A_236, %and3A_258 : vector<16xi32>
      %shift_left3A_260 = arith.constant 2 : i32
      %shift_left3A_261 = vector.broadcast %shift_left3A_260 : i32 to vector<16xi32>
      %shift_left3A_262 = arith.shli %and3A_259, %shift_left3A_261 : vector<16xi32>
      %add3A_263 = arith.addi %add3A_256, %shift_left3A_262 : vector<16xi32>
      %and3A_264 = arith.constant 3 : i32
      %and3A_265 = vector.broadcast %and3A_264 : i32 to vector<16xi32>
      %and3A_266 = arith.andi %get3A_243, %and3A_265 : vector<16xi32>
      %add3A_267 = arith.addi %add3A_263, %and3A_266 : vector<16xi32>
      %swap3A_268 = arith.index_cast %scan3A_148 : i32 to index
      %swap3A_269 = arith.constant 32 : index
      %swap3A_270 = tpu.vector_load %arg10[%swap3A_268, %swap3A_269] {strides = array<i32>} : memref<40x128xi32, #tpu.memory_space<vmem>>, vector<1x16xi32>,
      %swap3A_271 = vector.shape_cast %swap3A_270 : vector<1x16xi32> to vector<16xi32>
      %swap3A_272 = vector.shape_cast %add3A_267 : vector<16xi32> to vector<1x16xi32>
      tpu.vector_store %arg10[%swap3A_268, %swap3A_269], %swap3A_272 {strides = array<i32>} : memref<40x128xi32, #tpu.memory_space<vmem>>, vector<1x16xi32>,
      %mul3A_273 = arith.constant 128 : i32
      %mul3A_274 = arith.muli %scan3A_148, %mul3A_273 : i32
      %add3A_275 = arith.constant 48 : i32
      %add3A_276 = arith.addi %mul3A_274, %add3A_275 : i32
      %get3A_277 = arith.index_cast %add3A_276 : i32 to index
      %get3A_278 = tpu.vector_load %arg7[%get3A_277] {strides = array<i32>} : memref<5120xi32, #tpu.memory_space<vmem>>, vector<16xi32>,
      %get3A_279 = vector.shape_cast %get3A_278 : vector<16xi32> to vector<16xi32>
      %mul3A_280 = arith.constant 128 : i32
      %mul3A_281 = arith.muli %scan3A_148, %mul3A_280 : i32
      %add3A_282 = arith.constant 48 : i32
      %add3A_283 = arith.addi %mul3A_281, %add3A_282 : i32
      %get3A_284 = arith.index_cast %add3A_283 : i32 to index
      %get3A_285 = tpu.vector_load %arg8[%get3A_284] {strides = array<i32>} : memref<5120xi32, #tpu.memory_space<vmem>>, vector<16xi32>,
      %get3A_286 = vector.shape_cast %get3A_285 : vector<16xi32> to vector<16xi32>
      %shift_right_arithmetic3A_287 = arith.constant 3 : i32
      %shift_right_arithmetic3A_288 = vector.broadcast %shift_right_arithmetic3A_287 : i32 to vector<16xi32>
      %shift_right_arithmetic3A_289 = arith.shrsi %get3A_279, %shift_right_arithmetic3A_288 : vector<16xi32>
      %shift_left3A_290 = arith.constant 7 : i32
      %shift_left3A_291 = vector.broadcast %shift_left3A_290 : i32 to vector<16xi32>
      %shift_left3A_292 = arith.shli %shift_right_arithmetic3A_289, %shift_left3A_291 : vector<16xi32>
      %shift_right_arithmetic3A_293 = arith.constant 2 : i32
      %shift_right_arithmetic3A_294 = vector.broadcast %shift_right_arithmetic3A_293 : i32 to vector<16xi32>
      %shift_right_arithmetic3A_295 = arith.shrsi %get3A_286, %shift_right_arithmetic3A_294 : vector<16xi32>
      %shift_left3A_296 = arith.constant 5 : i32
      %shift_left3A_297 = vector.broadcast %shift_left3A_296 : i32 to vector<16xi32>
      %shift_left3A_298 = arith.shli %shift_right_arithmetic3A_295, %shift_left3A_297 : vector<16xi32>
      %add3A_299 = arith.addi %shift_left3A_292, %shift_left3A_298 : vector<16xi32>
      %and3A_300 = arith.constant 7 : i32
      %and3A_301 = vector.broadcast %and3A_300 : i32 to vector<16xi32>
      %and3A_302 = arith.andi %get3A_279, %and3A_301 : vector<16xi32>
      %shift_left3A_303 = arith.constant 2 : i32
      %shift_left3A_304 = vector.broadcast %shift_left3A_303 : i32 to vector<16xi32>
      %shift_left3A_305 = arith.shli %and3A_302, %shift_left3A_304 : vector<16xi32>
      %add3A_306 = arith.addi %add3A_299, %shift_left3A_305 : vector<16xi32>
      %and3A_307 = arith.constant 3 : i32
      %and3A_308 = vector.broadcast %and3A_307 : i32 to vector<16xi32>
      %and3A_309 = arith.andi %get3A_286, %and3A_308 : vector<16xi32>
      %add3A_310 = arith.addi %add3A_306, %and3A_309 : vector<16xi32>
      %swap3A_311 = arith.index_cast %scan3A_148 : i32 to index
      %swap3A_312 = arith.constant 48 : index
      %swap3A_313 = tpu.vector_load %arg10[%swap3A_311, %swap3A_312] {strides = array<i32>} : memref<40x128xi32, #tpu.memory_space<vmem>>, vector<1x16xi32>,
      %swap3A_314 = vector.shape_cast %swap3A_313 : vector<1x16xi32> to vector<16xi32>
      %swap3A_315 = vector.shape_cast %add3A_310 : vector<16xi32> to vector<1x16xi32>
      tpu.vector_store %arg10[%swap3A_311, %swap3A_312], %swap3A_315 {strides = array<i32>} : memref<40x128xi32, #tpu.memory_space<vmem>>, vector<1x16xi32>,
      %mul3A_316 = arith.constant 128 : i32
      %mul3A_317 = arith.muli %scan3A_148, %mul3A_316 : i32
      %add3A_318 = arith.constant 64 : i32
      %add3A_319 = arith.addi %mul3A_317, %add3A_318 : i32
      %get3A_320 = arith.index_cast %add3A_319 : i32 to index
      %get3A_321 = tpu.vector_load %arg7[%get3A_320] {strides = array<i32>} : memref<5120xi32, #tpu.memory_space<vmem>>, vector<16xi32>,
      %get3A_322 = vector.shape_cast %get3A_321 : vector<16xi32> to vector<16xi32>
      %mul3A_323 = arith.constant 128 : i32
      %mul3A_324 = arith.muli %scan3A_148, %mul3A_323 : i32
      %add3A_325 = arith.constant 64 : i32
      %add3A_326 = arith.addi %mul3A_324, %add3A_325 : i32
      %get3A_327 = arith.index_cast %add3A_326 : i32 to index
      %get3A_328 = tpu.vector_load %arg8[%get3A_327] {strides = array<i32>} : memref<5120xi32, #tpu.memory_space<vmem>>, vector<16xi32>,
      %get3A_329 = vector.shape_cast %get3A_328 : vector<16xi32> to vector<16xi32>
      %shift_right_arithmetic3A_330 = arith.constant 3 : i32
      %shift_right_arithmetic3A_331 = vector.broadcast %shift_right_arithmetic3A_330 : i32 to vector<16xi32>
      %shift_right_arithmetic3A_332 = arith.shrsi %get3A_322, %shift_right_arithmetic3A_331 : vector<16xi32>
      %shift_left3A_333 = arith.constant 7 : i32
      %shift_left3A_334 = vector.broadcast %shift_left3A_333 : i32 to vector<16xi32>
      %shift_left3A_335 = arith.shli %shift_right_arithmetic3A_332, %shift_left3A_334 : vector<16xi32>
      %shift_right_arithmetic3A_336 = arith.constant 2 : i32
      %shift_right_arithmetic3A_337 = vector.broadcast %shift_right_arithmetic3A_336 : i32 to vector<16xi32>
      %shift_right_arithmetic3A_338 = arith.shrsi %get3A_329, %shift_right_arithmetic3A_337 : vector<16xi32>
      %shift_left3A_339 = arith.constant 5 : i32
      %shift_left3A_340 = vector.broadcast %shift_left3A_339 : i32 to vector<16xi32>
      %shift_left3A_341 = arith.shli %shift_right_arithmetic3A_338, %shift_left3A_340 : vector<16xi32>
      %add3A_342 = arith.addi %shift_left3A_335, %shift_left3A_341 : vector<16xi32>
      %and3A_343 = arith.constant 7 : i32
      %and3A_344 = vector.broadcast %and3A_343 : i32 to vector<16xi32>
      %and3A_345 = arith.andi %get3A_322, %and3A_344 : vector<16xi32>
      %shift_left3A_346 = arith.constant 2 : i32
      %shift_left3A_347 = vector.broadcast %shift_left3A_346 : i32 to vector<16xi32>
      %shift_left3A_348 = arith.shli %and3A_345, %shift_left3A_347 : vector<16xi32>
      %add3A_349 = arith.addi %add3A_342, %shift_left3A_348 : vector<16xi32>
      %and3A_350 = arith.constant 3 : i32
      %and3A_351 = vector.broadcast %and3A_350 : i32 to vector<16xi32>
      %and3A_352 = arith.andi %get3A_329, %and3A_351 : vector<16xi32>
      %add3A_353 = arith.addi %add3A_349, %and3A_352 : vector<16xi32>
      %swap3A_354 = arith.index_cast %scan3A_148 : i32 to index
      %swap3A_355 = arith.constant 64 : index
      %swap3A_356 = tpu.vector_load %arg10[%swap3A_354, %swap3A_355] {strides = array<i32>} : memref<40x128xi32, #tpu.memory_space<vmem>>, vector<1x16xi32>,
      %swap3A_357 = vector.shape_cast %swap3A_356 : vector<1x16xi32> to vector<16xi32>
      %swap3A_358 = vector.shape_cast %add3A_353 : vector<16xi32> to vector<1x16xi32>
      tpu.vector_store %arg10[%swap3A_354, %swap3A_355], %swap3A_358 {strides = array<i32>} : memref<40x128xi32, #tpu.memory_space<vmem>>, vector<1x16xi32>,
      %mul3A_359 = arith.constant 128 : i32
      %mul3A_360 = arith.muli %scan3A_148, %mul3A_359 : i32
      %add3A_361 = arith.constant 80 : i32
      %add3A_362 = arith.addi %mul3A_360, %add3A_361 : i32
      %get3A_363 = arith.index_cast %add3A_362 : i32 to index
      %get3A_364 = tpu.vector_load %arg7[%get3A_363] {strides = array<i32>} : memref<5120xi32, #tpu.memory_space<vmem>>, vector<16xi32>,
      %get3A_365 = vector.shape_cast %get3A_364 : vector<16xi32> to vector<16xi32>
      %mul3A_366 = arith.constant 128 : i32
      %mul3A_367 = arith.muli %scan3A_148, %mul3A_366 : i32
      %add3A_368 = arith.constant 80 : i32
      %add3A_369 = arith.addi %mul3A_367, %add3A_368 : i32
      %get3A_370 = arith.index_cast %add3A_369 : i32 to index
      %get3A_371 = tpu.vector_load %arg8[%get3A_370] {strides = array<i32>} : memref<5120xi32, #tpu.memory_space<vmem>>, vector<16xi32>,
      %get3A_372 = vector.shape_cast %get3A_371 : vector<16xi32> to vector<16xi32>
      %shift_right_arithmetic3A_373 = arith.constant 3 : i32
      %shift_right_arithmetic3A_374 = vector.broadcast %shift_right_arithmetic3A_373 : i32 to vector<16xi32>
      %shift_right_arithmetic3A_375 = arith.shrsi %get3A_365, %shift_right_arithmetic3A_374 : vector<16xi32>
      %shift_left3A_376 = arith.constant 7 : i32
      %shift_left3A_377 = vector.broadcast %shift_left3A_376 : i32 to vector<16xi32>
      %shift_left3A_378 = arith.shli %shift_right_arithmetic3A_375, %shift_left3A_377 : vector<16xi32>
      %shift_right_arithmetic3A_379 = arith.constant 2 : i32
      %shift_right_arithmetic3A_380 = vector.broadcast %shift_right_arithmetic3A_379 : i32 to vector<16xi32>
      %shift_right_arithmetic3A_381 = arith.shrsi %get3A_372, %shift_right_arithmetic3A_380 : vector<16xi32>
      %shift_left3A_382 = arith.constant 5 : i32
      %shift_left3A_383 = vector.broadcast %shift_left3A_382 : i32 to vector<16xi32>
      %shift_left3A_384 = arith.shli %shift_right_arithmetic3A_381, %shift_left3A_383 : vector<16xi32>
      %add3A_385 = arith.addi %shift_left3A_378, %shift_left3A_384 : vector<16xi32>
      %and3A_386 = arith.constant 7 : i32
      %and3A_387 = vector.broadcast %and3A_386 : i32 to vector<16xi32>
      %and3A_388 = arith.andi %get3A_365, %and3A_387 : vector<16xi32>
      %shift_left3A_389 = arith.constant 2 : i32
      %shift_left3A_390 = vector.broadcast %shift_left3A_389 : i32 to vector<16xi32>
      %shift_left3A_391 = arith.shli %and3A_388, %shift_left3A_390 : vector<16xi32>
      %add3A_392 = arith.addi %add3A_385, %shift_left3A_391 : vector<16xi32>
      %and3A_393 = arith.constant 3 : i32
      %and3A_394 = vector.broadcast %and3A_393 : i32 to vector<16xi32>
      %and3A_395 = arith.andi %get3A_372, %and3A_394 : vector<16xi32>
      %add3A_396 = arith.addi %add3A_392, %and3A_395 : vector<16xi32>
      %swap3A_397 = arith.index_cast %scan3A_148 : i32 to index
      %swap3A_398 = arith.constant 80 : index
      %swap3A_399 = tpu.vector_load %arg10[%swap3A_397, %swap3A_398] {strides = array<i32>} : memref<40x128xi32, #tpu.memory_space<vmem>>, vector<1x16xi32>,
      %swap3A_400 = vector.shape_cast %swap3A_399 : vector<1x16xi32> to vector<16xi32>
      %swap3A_401 = vector.shape_cast %add3A_396 : vector<16xi32> to vector<1x16xi32>
      tpu.vector_store %arg10[%swap3A_397, %swap3A_398], %swap3A_401 {strides = array<i32>} : memref<40x128xi32, #tpu.memory_space<vmem>>, vector<1x16xi32>,
      %mul3A_402 = arith.constant 128 : i32
      %mul3A_403 = arith.muli %scan3A_148, %mul3A_402 : i32
      %add3A_404 = arith.constant 96 : i32
      %add3A_405 = arith.addi %mul3A_403, %add3A_404 : i32
      %get3A_406 = arith.index_cast %add3A_405 : i32 to index
      %get3A_407 = tpu.vector_load %arg7[%get3A_406] {strides = array<i32>} : memref<5120xi32, #tpu.memory_space<vmem>>, vector<16xi32>,
      %get3A_408 = vector.shape_cast %get3A_407 : vector<16xi32> to vector<16xi32>
      %mul3A_409 = arith.constant 128 : i32
      %mul3A_410 = arith.muli %scan3A_148, %mul3A_409 : i32
      %add3A_411 = arith.constant 96 : i32
      %add3A_412 = arith.addi %mul3A_410, %add3A_411 : i32
      %get3A_413 = arith.index_cast %add3A_412 : i32 to index
      %get3A_414 = tpu.vector_load %arg8[%get3A_413] {strides = array<i32>} : memref<5120xi32, #tpu.memory_space<vmem>>, vector<16xi32>,
      %get3A_415 = vector.shape_cast %get3A_414 : vector<16xi32> to vector<16xi32>
      %shift_right_arithmetic3A_416 = arith.constant 3 : i32
      %shift_right_arithmetic3A_417 = vector.broadcast %shift_right_arithmetic3A_416 : i32 to vector<16xi32>
      %shift_right_arithmetic3A_418 = arith.shrsi %get3A_408, %shift_right_arithmetic3A_417 : vector<16xi32>
      %shift_left3A_419 = arith.constant 7 : i32
      %shift_left3A_420 = vector.broadcast %shift_left3A_419 : i32 to vector<16xi32>
      %shift_left3A_421 = arith.shli %shift_right_arithmetic3A_418, %shift_left3A_420 : vector<16xi32>
      %shift_right_arithmetic3A_422 = arith.constant 2 : i32
      %shift_right_arithmetic3A_423 = vector.broadcast %shift_right_arithmetic3A_422 : i32 to vector<16xi32>
      %shift_right_arithmetic3A_424 = arith.shrsi %get3A_415, %shift_right_arithmetic3A_423 : vector<16xi32>
      %shift_left3A_425 = arith.constant 5 : i32
      %shift_left3A_426 = vector.broadcast %shift_left3A_425 : i32 to vector<16xi32>
      %shift_left3A_427 = arith.shli %shift_right_arithmetic3A_424, %shift_left3A_426 : vector<16xi32>
      %add3A_428 = arith.addi %shift_left3A_421, %shift_left3A_427 : vector<16xi32>
      %and3A_429 = arith.constant 7 : i32
      %and3A_430 = vector.broadcast %and3A_429 : i32 to vector<16xi32>
      %and3A_431 = arith.andi %get3A_408, %and3A_430 : vector<16xi32>
      %shift_left3A_432 = arith.constant 2 : i32
      %shift_left3A_433 = vector.broadcast %shift_left3A_432 : i32 to vector<16xi32>
      %shift_left3A_434 = arith.shli %and3A_431, %shift_left3A_433 : vector<16xi32>
      %add3A_435 = arith.addi %add3A_428, %shift_left3A_434 : vector<16xi32>
      %and3A_436 = arith.constant 3 : i32
      %and3A_437 = vector.broadcast %and3A_436 : i32 to vector<16xi32>
      %and3A_438 = arith.andi %get3A_415, %and3A_437 : vector<16xi32>
      %add3A_439 = arith.addi %add3A_435, %and3A_438 : vector<16xi32>
      %swap3A_440 = arith.index_cast %scan3A_148 : i32 to index
      %swap3A_441 = arith.constant 96 : index
      %swap3A_442 = tpu.vector_load %arg10[%swap3A_440, %swap3A_441] {strides = array<i32>} : memref<40x128xi32, #tpu.memory_space<vmem>>, vector<1x16xi32>,
      %swap3A_443 = vector.shape_cast %swap3A_442 : vector<1x16xi32> to vector<16xi32>
      %swap3A_444 = vector.shape_cast %add3A_439 : vector<16xi32> to vector<1x16xi32>
      tpu.vector_store %arg10[%swap3A_440, %swap3A_441], %swap3A_444 {strides = array<i32>} : memref<40x128xi32, #tpu.memory_space<vmem>>, vector<1x16xi32>,
      %mul3A_445 = arith.constant 128 : i32
      %mul3A_446 = arith.muli %scan3A_148, %mul3A_445 : i32
      %add3A_447 = arith.constant 112 : i32
      %add3A_448 = arith.addi %mul3A_446, %add3A_447 : i32
      %get3A_449 = arith.index_cast %add3A_448 : i32 to index
      %get3A_450 = tpu.vector_load %arg7[%get3A_449] {strides = array<i32>} : memref<5120xi32, #tpu.memory_space<vmem>>, vector<16xi32>,
      %get3A_451 = vector.shape_cast %get3A_450 : vector<16xi32> to vector<16xi32>
      %mul3A_452 = arith.constant 128 : i32
      %mul3A_453 = arith.muli %scan3A_148, %mul3A_452 : i32
      %add3A_454 = arith.constant 112 : i32
      %add3A_455 = arith.addi %mul3A_453, %add3A_454 : i32
      %get3A_456 = arith.index_cast %add3A_455 : i32 to index
      %get3A_457 = tpu.vector_load %arg8[%get3A_456] {strides = array<i32>} : memref<5120xi32, #tpu.memory_space<vmem>>, vector<16xi32>,
      %get3A_458 = vector.shape_cast %get3A_457 : vector<16xi32> to vector<16xi32>
      %shift_right_arithmetic3A_459 = arith.constant 3 : i32
      %shift_right_arithmetic3A_460 = vector.broadcast %shift_right_arithmetic3A_459 : i32 to vector<16xi32>
      %shift_right_arithmetic3A_461 = arith.shrsi %get3A_451, %shift_right_arithmetic3A_460 : vector<16xi32>
      %shift_left3A_462 = arith.constant 7 : i32
      %shift_left3A_463 = vector.broadcast %shift_left3A_462 : i32 to vector<16xi32>
      %shift_left3A_464 = arith.shli %shift_right_arithmetic3A_461, %shift_left3A_463 : vector<16xi32>
      %shift_right_arithmetic3A_465 = arith.constant 2 : i32
      %shift_right_arithmetic3A_466 = vector.broadcast %shift_right_arithmetic3A_465 : i32 to vector<16xi32>
      %shift_right_arithmetic3A_467 = arith.shrsi %get3A_458, %shift_right_arithmetic3A_466 : vector<16xi32>
      %shift_left3A_468 = arith.constant 5 : i32
      %shift_left3A_469 = vector.broadcast %shift_left3A_468 : i32 to vector<16xi32>
      %shift_left3A_470 = arith.shli %shift_right_arithmetic3A_467, %shift_left3A_469 : vector<16xi32>
      %add3A_471 = arith.addi %shift_left3A_464, %shift_left3A_470 : vector<16xi32>
      %and3A_472 = arith.constant 7 : i32
      %and3A_473 = vector.broadcast %and3A_472 : i32 to vector<16xi32>
      %and3A_474 = arith.andi %get3A_451, %and3A_473 : vector<16xi32>
      %shift_left3A_475 = arith.constant 2 : i32
      %shift_left3A_476 = vector.broadcast %shift_left3A_475 : i32 to vector<16xi32>
      %shift_left3A_477 = arith.shli %and3A_474, %shift_left3A_476 : vector<16xi32>
      %add3A_478 = arith.addi %add3A_471, %shift_left3A_477 : vector<16xi32>
      %and3A_479 = arith.constant 3 : i32
      %and3A_480 = vector.broadcast %and3A_479 : i32 to vector<16xi32>
      %and3A_481 = arith.andi %get3A_458, %and3A_480 : vector<16xi32>
      %add3A_482 = arith.addi %add3A_478, %and3A_481 : vector<16xi32>
      %swap3A_483 = arith.index_cast %scan3A_148 : i32 to index
      %swap3A_484 = arith.constant 112 : index
      %swap3A_485 = tpu.vector_load %arg10[%swap3A_483, %swap3A_484] {strides = array<i32>} : memref<40x128xi32, #tpu.memory_space<vmem>>, vector<1x16xi32>,
      %swap3A_486 = vector.shape_cast %swap3A_485 : vector<1x16xi32> to vector<16xi32>
      %swap3A_487 = vector.shape_cast %add3A_482 : vector<16xi32> to vector<1x16xi32>
      tpu.vector_store %arg10[%swap3A_483, %swap3A_484], %swap3A_487 {strides = array<i32>} : memref<40x128xi32, #tpu.memory_space<vmem>>, vector<1x16xi32>,
    }
    %scan3A_66 = arith.constant 40 : i32
    %barrier3A = arith.constant 0 : index
    tpu.barrier barrier_id(%barrier3A)
    %dma_start3A_67 = arith.constant 0 : i32
    %dma_start3A_68 = arith.constant 0 : i32
    %dma_start3A_69 = tpu.memref_slice %arg10[%dma_start3A_67, %dma_start3A_68] : memref<40x128xi32, #tpu.memory_space<vmem>> -> memref<1x128xi32, #tpu.memory_space<vmem>>
    %dma_start3A_70 = tpu.memref_squeeze %dma_start3A_69 : memref<1x128xi32, #tpu.memory_space<vmem>> -> memref<128xi32, #tpu.memory_space<vmem>>
    %dma_start3A_71 = arith.constant 0 : i32
    %dma_start3A_72 = arith.constant 0 : i32
    %dma_start3A_73 = tpu.memref_slice %arg5[%dma_start3A_71, %dma_start3A_72] : memref<163840x32xf32, #tpu.memory_space<hbm>> -> memref<163840x32xf32, #tpu.memory_space<hbm>>
    tpu.enqueue_indirect_dma source(%dma_start3A_73 : memref<163840x32xf32, #tpu.memory_space<hbm>>) target(%arg11 : memref<128x32xf32, #tpu.memory_space<vmem>>) offsets(%dma_start3A_70 : memref<128xi32, #tpu.memory_space<vmem>>) semaphore(%arg18 : memref<!tpu.dma_semaphore, #tpu.memory_space<semaphore_mem>>)
    %dma_start3A_74 = arith.constant 1 : i32
    %dma_start3A_75 = arith.constant 0 : i32
    %dma_start3A_76 = tpu.memref_slice %arg10[%dma_start3A_74, %dma_start3A_75] : memref<40x128xi32, #tpu.memory_space<vmem>> -> memref<1x128xi32, #tpu.memory_space<vmem>>
    %dma_start3A_77 = tpu.memref_squeeze %dma_start3A_76 : memref<1x128xi32, #tpu.memory_space<vmem>> -> memref<128xi32, #tpu.memory_space<vmem>>
    %dma_start3A_78 = arith.constant 0 : i32
    %dma_start3A_79 = arith.constant 0 : i32
    %dma_start3A_80 = tpu.memref_slice %arg5[%dma_start3A_78, %dma_start3A_79] : memref<163840x32xf32, #tpu.memory_space<hbm>> -> memref<163840x32xf32, #tpu.memory_space<hbm>>
    tpu.enqueue_indirect_dma source(%dma_start3A_80 : memref<163840x32xf32, #tpu.memory_space<hbm>>) target(%arg12 : memref<128x32xf32, #tpu.memory_space<vmem>>) offsets(%dma_start3A_77 : memref<128xi32, #tpu.memory_space<vmem>>) semaphore(%arg19 : memref<!tpu.dma_semaphore, #tpu.memory_space<semaphore_mem>>)
    %dma_start3A_81 = arith.constant 2 : i32
    %dma_start3A_82 = arith.constant 0 : i32
    %dma_start3A_83 = tpu.memref_slice %arg10[%dma_start3A_81, %dma_start3A_82] : memref<40x128xi32, #tpu.memory_space<vmem>> -> memref<1x128xi32, #tpu.memory_space<vmem>>
    %dma_start3A_84 = tpu.memref_squeeze %dma_start3A_83 : memref<1x128xi32, #tpu.memory_space<vmem>> -> memref<128xi32, #tpu.memory_space<vmem>>
    %dma_start3A_85 = arith.constant 0 : i32
    %dma_start3A_86 = arith.constant 0 : i32
    %dma_start3A_87 = tpu.memref_slice %arg5[%dma_start3A_85, %dma_start3A_86] : memref<163840x32xf32, #tpu.memory_space<hbm>> -> memref<163840x32xf32, #tpu.memory_space<hbm>>
    tpu.enqueue_indirect_dma source(%dma_start3A_87 : memref<163840x32xf32, #tpu.memory_space<hbm>>) target(%arg13 : memref<128x32xf32, #tpu.memory_space<vmem>>) offsets(%dma_start3A_84 : memref<128xi32, #tpu.memory_space<vmem>>) semaphore(%arg20 : memref<!tpu.dma_semaphore, #tpu.memory_space<semaphore_mem>>)
    %dma_start3A_88 = arith.constant 3 : i32
    %dma_start3A_89 = arith.constant 0 : i32
    %dma_start3A_90 = tpu.memref_slice %arg10[%dma_start3A_88, %dma_start3A_89] : memref<40x128xi32, #tpu.memory_space<vmem>> -> memref<1x128xi32, #tpu.memory_space<vmem>>
    %dma_start3A_91 = tpu.memref_squeeze %dma_start3A_90 : memref<1x128xi32, #tpu.memory_space<vmem>> -> memref<128xi32, #tpu.memory_space<vmem>>
    %dma_start3A_92 = arith.constant 0 : i32
    %dma_start3A_93 = arith.constant 0 : i32
    %dma_start3A_94 = tpu.memref_slice %arg5[%dma_start3A_92, %dma_start3A_93] : memref<163840x32xf32, #tpu.memory_space<hbm>> -> memref<163840x32xf32, #tpu.memory_space<hbm>>
    tpu.enqueue_indirect_dma source(%dma_start3A_94 : memref<163840x32xf32, #tpu.memory_space<hbm>>) target(%arg14 : memref<128x32xf32, #tpu.memory_space<vmem>>) offsets(%dma_start3A_91 : memref<128xi32, #tpu.memory_space<vmem>>) semaphore(%arg21 : memref<!tpu.dma_semaphore, #tpu.memory_space<semaphore_mem>>)
    %dma_start3A_95 = arith.constant 4 : i32
    %dma_start3A_96 = arith.constant 0 : i32
    %dma_start3A_97 = tpu.memref_slice %arg10[%dma_start3A_95, %dma_start3A_96] : memref<40x128xi32, #tpu.memory_space<vmem>> -> memref<1x128xi32, #tpu.memory_space<vmem>>
    %dma_start3A_98 = tpu.memref_squeeze %dma_start3A_97 : memref<1x128xi32, #tpu.memory_space<vmem>> -> memref<128xi32, #tpu.memory_space<vmem>>
    %dma_start3A_99 = arith.constant 0 : i32
    %dma_start3A_100 = arith.constant 0 : i32
    %dma_start3A_101 = tpu.memref_slice %arg5[%dma_start3A_99, %dma_start3A_100] : memref<163840x32xf32, #tpu.memory_space<hbm>> -> memref<163840x32xf32, #tpu.memory_space<hbm>>
    tpu.enqueue_indirect_dma source(%dma_start3A_101 : memref<163840x32xf32, #tpu.memory_space<hbm>>) target(%arg15 : memref<128x32xf32, #tpu.memory_space<vmem>>) offsets(%dma_start3A_98 : memref<128xi32, #tpu.memory_space<vmem>>) semaphore(%arg22 : memref<!tpu.dma_semaphore, #tpu.memory_space<semaphore_mem>>)
    %scan3A_102 = arith.constant 0 : i32
    %scan3A_103 = arith.constant 0 : i32
    %scan3A_104 = arith.constant 8 : i32
    %scan3A_105 = arith.addi %scan3A_103, %scan3A_104 : i32
    %scan3A_106 = arith.constant 1 : i32
    scf.for %scan3A_148 = %scan3A_103 to %scan3A_105 step %scan3A_106  : i32 {
      %mul3A_149 = arith.constant 5 : i32
      %mul3A_150 = arith.muli %scan3A_148, %mul3A_149 : i32
      %add3A_151 = arith.constant 0 : i32
      %add3A_152 = arith.addi %mul3A_150, %add3A_151 : i32
      %dma_wait3A_153 = arith.constant 0 : i32
      %dma_wait3A_154 = tpu.memref_slice %arg10[%add3A_152, %dma_wait3A_153] : memref<40x128xi32, #tpu.memory_space<vmem>> -> memref<1x128xi32, #tpu.memory_space<vmem>>
      %dma_wait3A_155 = tpu.memref_squeeze %dma_wait3A_154 : memref<1x128xi32, #tpu.memory_space<vmem>> -> memref<128xi32, #tpu.memory_space<vmem>>
      %dma_wait3A_156 = arith.constant 0 : i32
      %dma_wait3A_157 = arith.constant 0 : i32
      %dma_wait3A_158 = tpu.memref_slice %arg5[%dma_wait3A_156, %dma_wait3A_157] : memref<163840x32xf32, #tpu.memory_space<hbm>> -> memref<163840x32xf32, #tpu.memory_space<hbm>>
      tpu.wait_indirect_dma semaphore(%arg18 : memref<!tpu.dma_semaphore, #tpu.memory_space<semaphore_mem>>) src(%dma_wait3A_158 : memref<163840x32xf32, #tpu.memory_space<hbm>>) dst(%arg11 : memref<128x32xf32, #tpu.memory_space<vmem>>)
      %dma_start3A_159 = arith.constant 0 : i32
      %dma_start3A_160 = tpu.memref_slice %arg9[%add3A_152, %dma_start3A_159] : memref<40x128xi32, #tpu.memory_space<vmem>> -> memref<1x128xi32, #tpu.memory_space<vmem>>
      %dma_start3A_161 = tpu.memref_squeeze %dma_start3A_160 : memref<1x128xi32, #tpu.memory_space<vmem>> -> memref<128xi32, #tpu.memory_space<vmem>>
      %dma_start3A_162 = arith.constant 0 : i32
      %dma_start3A_163 = arith.constant 0 : i32
      %dma_start3A_164 = tpu.memref_slice %arg17[%dma_start3A_162, %dma_start3A_163] : memref<10368x32xf32, #tpu.memory_space<vmem_shared>> -> memref<10368x32xf32, #tpu.memory_space<vmem_shared>>
      tpu.enqueue_indirect_dma source(%arg11 : memref<128x32xf32, #tpu.memory_space<vmem>>) target(%dma_start3A_164 : memref<10368x32xf32, #tpu.memory_space<vmem_shared>>) offsets(%dma_start3A_161 : memref<128xi32, #tpu.memory_space<vmem>>) semaphore(%arg23 : memref<!tpu.dma_semaphore, #tpu.memory_space<semaphore_mem>>) {add = true}
      %lt3A = arith.constant 7 : i32
      %lt3A_165 = arith.cmpi slt, %scan3A_148, %lt3A : i32
      %convert_element_type3A = arith.extui %lt3A_165 : i1 to i32
      %cond3A = arith.constant 0 : i32
      %cond3A_166 = arith.cmpi ne, %convert_element_type3A, %cond3A : i32
      scf.if %cond3A_166 {
        %dma_wait3A_251 = arith.constant 0 : i32
        %dma_wait3A_252 = tpu.memref_slice %arg9[%add3A_152, %dma_wait3A_251] : memref<40x128xi32, #tpu.memory_space<vmem>> -> memref<1x128xi32, #tpu.memory_space<vmem>>
        %dma_wait3A_253 = tpu.memref_squeeze %dma_wait3A_252 : memref<1x128xi32, #tpu.memory_space<vmem>> -> memref<128xi32, #tpu.memory_space<vmem>>
        %dma_wait3A_254 = arith.constant 0 : i32
        %dma_wait3A_255 = arith.constant 0 : i32
        %dma_wait3A_256 = tpu.memref_slice %arg17[%dma_wait3A_254, %dma_wait3A_255] : memref<10368x32xf32, #tpu.memory_space<vmem_shared>> -> memref<10368x32xf32, #tpu.memory_space<vmem_shared>>
        tpu.wait_indirect_dma semaphore(%arg23 : memref<!tpu.dma_semaphore, #tpu.memory_space<semaphore_mem>>) src(%arg11 : memref<128x32xf32, #tpu.memory_space<vmem>>) dst(%dma_wait3A_256 : memref<10368x32xf32, #tpu.memory_space<vmem_shared>>)
        %add3A_257 = arith.constant 5 : i32
        %add3A_258 = arith.addi %add3A_152, %add3A_257 : i32
        %dma_start3A_259 = arith.constant 0 : i32
        %dma_start3A_260 = tpu.memref_slice %arg10[%add3A_258, %dma_start3A_259] : memref<40x128xi32, #tpu.memory_space<vmem>> -> memref<1x128xi32, #tpu.memory_space<vmem>>
        %dma_start3A_261 = tpu.memref_squeeze %dma_start3A_260 : memref<1x128xi32, #tpu.memory_space<vmem>> -> memref<128xi32, #tpu.memory_space<vmem>>
        %dma_start3A_262 = arith.constant 0 : i32
        %dma_start3A_263 = arith.constant 0 : i32
        %dma_start3A_264 = tpu.memref_slice %arg5[%dma_start3A_262, %dma_start3A_263] : memref<163840x32xf32, #tpu.memory_space<hbm>> -> memref<163840x32xf32, #tpu.memory_space<hbm>>
        tpu.enqueue_indirect_dma source(%dma_start3A_264 : memref<163840x32xf32, #tpu.memory_space<hbm>>) target(%arg11 : memref<128x32xf32, #tpu.memory_space<vmem>>) offsets(%dma_start3A_261 : memref<128xi32, #tpu.memory_space<vmem>>) semaphore(%arg18 : memref<!tpu.dma_semaphore, #tpu.memory_space<semaphore_mem>>)
      } else {
      }
      %mul3A_167 = arith.constant 5 : i32
      %mul3A_168 = arith.muli %scan3A_148, %mul3A_167 : i32
      %add3A_169 = arith.constant 1 : i32
      %add3A_170 = arith.addi %mul3A_168, %add3A_169 : i32
      %dma_wait3A_171 = arith.constant 0 : i32
      %dma_wait3A_172 = tpu.memref_slice %arg10[%add3A_170, %dma_wait3A_171] : memref<40x128xi32, #tpu.memory_space<vmem>> -> memref<1x128xi32, #tpu.memory_space<vmem>>
      %dma_wait3A_173 = tpu.memref_squeeze %dma_wait3A_172 : memref<1x128xi32, #tpu.memory_space<vmem>> -> memref<128xi32, #tpu.memory_space<vmem>>
      %dma_wait3A_174 = arith.constant 0 : i32
      %dma_wait3A_175 = arith.constant 0 : i32
      %dma_wait3A_176 = tpu.memref_slice %arg5[%dma_wait3A_174, %dma_wait3A_175] : memref<163840x32xf32, #tpu.memory_space<hbm>> -> memref<163840x32xf32, #tpu.memory_space<hbm>>
      tpu.wait_indirect_dma semaphore(%arg19 : memref<!tpu.dma_semaphore, #tpu.memory_space<semaphore_mem>>) src(%dma_wait3A_176 : memref<163840x32xf32, #tpu.memory_space<hbm>>) dst(%arg12 : memref<128x32xf32, #tpu.memory_space<vmem>>)
      %dma_start3A_177 = arith.constant 0 : i32
      %dma_start3A_178 = tpu.memref_slice %arg9[%add3A_170, %dma_start3A_177] : memref<40x128xi32, #tpu.memory_space<vmem>> -> memref<1x128xi32, #tpu.memory_space<vmem>>
      %dma_start3A_179 = tpu.memref_squeeze %dma_start3A_178 : memref<1x128xi32, #tpu.memory_space<vmem>> -> memref<128xi32, #tpu.memory_space<vmem>>
      %dma_start3A_180 = arith.constant 0 : i32
      %dma_start3A_181 = arith.constant 0 : i32
      %dma_start3A_182 = tpu.memref_slice %arg17[%dma_start3A_180, %dma_start3A_181] : memref<10368x32xf32, #tpu.memory_space<vmem_shared>> -> memref<10368x32xf32, #tpu.memory_space<vmem_shared>>
      tpu.enqueue_indirect_dma source(%arg12 : memref<128x32xf32, #tpu.memory_space<vmem>>) target(%dma_start3A_182 : memref<10368x32xf32, #tpu.memory_space<vmem_shared>>) offsets(%dma_start3A_179 : memref<128xi32, #tpu.memory_space<vmem>>) semaphore(%arg24 : memref<!tpu.dma_semaphore, #tpu.memory_space<semaphore_mem>>) {add = true}
      %lt3A_183 = arith.constant 7 : i32
      %lt3A_184 = arith.cmpi slt, %scan3A_148, %lt3A_183 : i32
      %convert_element_type3A_185 = arith.extui %lt3A_184 : i1 to i32
      %cond3A_186 = arith.constant 0 : i32
      %cond3A_187 = arith.cmpi ne, %convert_element_type3A_185, %cond3A_186 : i32
      scf.if %cond3A_187 {
        %dma_wait3A_251 = arith.constant 0 : i32
        %dma_wait3A_252 = tpu.memref_slice %arg9[%add3A_170, %dma_wait3A_251] : memref<40x128xi32, #tpu.memory_space<vmem>> -> memref<1x128xi32, #tpu.memory_space<vmem>>
        %dma_wait3A_253 = tpu.memref_squeeze %dma_wait3A_252 : memref<1x128xi32, #tpu.memory_space<vmem>> -> memref<128xi32, #tpu.memory_space<vmem>>
        %dma_wait3A_254 = arith.constant 0 : i32
        %dma_wait3A_255 = arith.constant 0 : i32
        %dma_wait3A_256 = tpu.memref_slice %arg17[%dma_wait3A_254, %dma_wait3A_255] : memref<10368x32xf32, #tpu.memory_space<vmem_shared>> -> memref<10368x32xf32, #tpu.memory_space<vmem_shared>>
        tpu.wait_indirect_dma semaphore(%arg24 : memref<!tpu.dma_semaphore, #tpu.memory_space<semaphore_mem>>) src(%arg12 : memref<128x32xf32, #tpu.memory_space<vmem>>) dst(%dma_wait3A_256 : memref<10368x32xf32, #tpu.memory_space<vmem_shared>>)
        %add3A_257 = arith.constant 5 : i32
        %add3A_258 = arith.addi %add3A_170, %add3A_257 : i32
        %dma_start3A_259 = arith.constant 0 : i32
        %dma_start3A_260 = tpu.memref_slice %arg10[%add3A_258, %dma_start3A_259] : memref<40x128xi32, #tpu.memory_space<vmem>> -> memref<1x128xi32, #tpu.memory_space<vmem>>
        %dma_start3A_261 = tpu.memref_squeeze %dma_start3A_260 : memref<1x128xi32, #tpu.memory_space<vmem>> -> memref<128xi32, #tpu.memory_space<vmem>>
        %dma_start3A_262 = arith.constant 0 : i32
        %dma_start3A_263 = arith.constant 0 : i32
        %dma_start3A_264 = tpu.memref_slice %arg5[%dma_start3A_262, %dma_start3A_263] : memref<163840x32xf32, #tpu.memory_space<hbm>> -> memref<163840x32xf32, #tpu.memory_space<hbm>>
        tpu.enqueue_indirect_dma source(%dma_start3A_264 : memref<163840x32xf32, #tpu.memory_space<hbm>>) target(%arg12 : memref<128x32xf32, #tpu.memory_space<vmem>>) offsets(%dma_start3A_261 : memref<128xi32, #tpu.memory_space<vmem>>) semaphore(%arg19 : memref<!tpu.dma_semaphore, #tpu.memory_space<semaphore_mem>>)
      } else {
      }
      %mul3A_188 = arith.constant 5 : i32
      %mul3A_189 = arith.muli %scan3A_148, %mul3A_188 : i32
      %add3A_190 = arith.constant 2 : i32
      %add3A_191 = arith.addi %mul3A_189, %add3A_190 : i32
      %dma_wait3A_192 = arith.constant 0 : i32
      %dma_wait3A_193 = tpu.memref_slice %arg10[%add3A_191, %dma_wait3A_192] : memref<40x128xi32, #tpu.memory_space<vmem>> -> memref<1x128xi32, #tpu.memory_space<vmem>>
      %dma_wait3A_194 = tpu.memref_squeeze %dma_wait3A_193 : memref<1x128xi32, #tpu.memory_space<vmem>> -> memref<128xi32, #tpu.memory_space<vmem>>
      %dma_wait3A_195 = arith.constant 0 : i32
      %dma_wait3A_196 = arith.constant 0 : i32
      %dma_wait3A_197 = tpu.memref_slice %arg5[%dma_wait3A_195, %dma_wait3A_196] : memref<163840x32xf32, #tpu.memory_space<hbm>> -> memref<163840x32xf32, #tpu.memory_space<hbm>>
      tpu.wait_indirect_dma semaphore(%arg20 : memref<!tpu.dma_semaphore, #tpu.memory_space<semaphore_mem>>) src(%dma_wait3A_197 : memref<163840x32xf32, #tpu.memory_space<hbm>>) dst(%arg13 : memref<128x32xf32, #tpu.memory_space<vmem>>)
      %dma_start3A_198 = arith.constant 0 : i32
      %dma_start3A_199 = tpu.memref_slice %arg9[%add3A_191, %dma_start3A_198] : memref<40x128xi32, #tpu.memory_space<vmem>> -> memref<1x128xi32, #tpu.memory_space<vmem>>
      %dma_start3A_200 = tpu.memref_squeeze %dma_start3A_199 : memref<1x128xi32, #tpu.memory_space<vmem>> -> memref<128xi32, #tpu.memory_space<vmem>>
      %dma_start3A_201 = arith.constant 0 : i32
      %dma_start3A_202 = arith.constant 0 : i32
      %dma_start3A_203 = tpu.memref_slice %arg17[%dma_start3A_201, %dma_start3A_202] : memref<10368x32xf32, #tpu.memory_space<vmem_shared>> -> memref<10368x32xf32, #tpu.memory_space<vmem_shared>>
      tpu.enqueue_indirect_dma source(%arg13 : memref<128x32xf32, #tpu.memory_space<vmem>>) target(%dma_start3A_203 : memref<10368x32xf32, #tpu.memory_space<vmem_shared>>) offsets(%dma_start3A_200 : memref<128xi32, #tpu.memory_space<vmem>>) semaphore(%arg25 : memref<!tpu.dma_semaphore, #tpu.memory_space<semaphore_mem>>) {add = true}
      %lt3A_204 = arith.constant 7 : i32
      %lt3A_205 = arith.cmpi slt, %scan3A_148, %lt3A_204 : i32
      %convert_element_type3A_206 = arith.extui %lt3A_205 : i1 to i32
      %cond3A_207 = arith.constant 0 : i32
      %cond3A_208 = arith.cmpi ne, %convert_element_type3A_206, %cond3A_207 : i32
      scf.if %cond3A_208 {
        %dma_wait3A_251 = arith.constant 0 : i32
        %dma_wait3A_252 = tpu.memref_slice %arg9[%add3A_191, %dma_wait3A_251] : memref<40x128xi32, #tpu.memory_space<vmem>> -> memref<1x128xi32, #tpu.memory_space<vmem>>
        %dma_wait3A_253 = tpu.memref_squeeze %dma_wait3A_252 : memref<1x128xi32, #tpu.memory_space<vmem>> -> memref<128xi32, #tpu.memory_space<vmem>>
        %dma_wait3A_254 = arith.constant 0 : i32
        %dma_wait3A_255 = arith.constant 0 : i32
        %dma_wait3A_256 = tpu.memref_slice %arg17[%dma_wait3A_254, %dma_wait3A_255] : memref<10368x32xf32, #tpu.memory_space<vmem_shared>> -> memref<10368x32xf32, #tpu.memory_space<vmem_shared>>
        tpu.wait_indirect_dma semaphore(%arg25 : memref<!tpu.dma_semaphore, #tpu.memory_space<semaphore_mem>>) src(%arg13 : memref<128x32xf32, #tpu.memory_space<vmem>>) dst(%dma_wait3A_256 : memref<10368x32xf32, #tpu.memory_space<vmem_shared>>)
        %add3A_257 = arith.constant 5 : i32
        %add3A_258 = arith.addi %add3A_191, %add3A_257 : i32
        %dma_start3A_259 = arith.constant 0 : i32
        %dma_start3A_260 = tpu.memref_slice %arg10[%add3A_258, %dma_start3A_259] : memref<40x128xi32, #tpu.memory_space<vmem>> -> memref<1x128xi32, #tpu.memory_space<vmem>>
        %dma_start3A_261 = tpu.memref_squeeze %dma_start3A_260 : memref<1x128xi32, #tpu.memory_space<vmem>> -> memref<128xi32, #tpu.memory_space<vmem>>
        %dma_start3A_262 = arith.constant 0 : i32
        %dma_start3A_263 = arith.constant 0 : i32
        %dma_start3A_264 = tpu.memref_slice %arg5[%dma_start3A_262, %dma_start3A_263] : memref<163840x32xf32, #tpu.memory_space<hbm>> -> memref<163840x32xf32, #tpu.memory_space<hbm>>
        tpu.enqueue_indirect_dma source(%dma_start3A_264 : memref<163840x32xf32, #tpu.memory_space<hbm>>) target(%arg13 : memref<128x32xf32, #tpu.memory_space<vmem>>) offsets(%dma_start3A_261 : memref<128xi32, #tpu.memory_space<vmem>>) semaphore(%arg20 : memref<!tpu.dma_semaphore, #tpu.memory_space<semaphore_mem>>)
      } else {
      }
      %mul3A_209 = arith.constant 5 : i32
      %mul3A_210 = arith.muli %scan3A_148, %mul3A_209 : i32
      %add3A_211 = arith.constant 3 : i32
      %add3A_212 = arith.addi %mul3A_210, %add3A_211 : i32
      %dma_wait3A_213 = arith.constant 0 : i32
      %dma_wait3A_214 = tpu.memref_slice %arg10[%add3A_212, %dma_wait3A_213] : memref<40x128xi32, #tpu.memory_space<vmem>> -> memref<1x128xi32, #tpu.memory_space<vmem>>
      %dma_wait3A_215 = tpu.memref_squeeze %dma_wait3A_214 : memref<1x128xi32, #tpu.memory_space<vmem>> -> memref<128xi32, #tpu.memory_space<vmem>>
      %dma_wait3A_216 = arith.constant 0 : i32
      %dma_wait3A_217 = arith.constant 0 : i32
      %dma_wait3A_218 = tpu.memref_slice %arg5[%dma_wait3A_216, %dma_wait3A_217] : memref<163840x32xf32, #tpu.memory_space<hbm>> -> memref<163840x32xf32, #tpu.memory_space<hbm>>
      tpu.wait_indirect_dma semaphore(%arg21 : memref<!tpu.dma_semaphore, #tpu.memory_space<semaphore_mem>>) src(%dma_wait3A_218 : memref<163840x32xf32, #tpu.memory_space<hbm>>) dst(%arg14 : memref<128x32xf32, #tpu.memory_space<vmem>>)
      %dma_start3A_219 = arith.constant 0 : i32
      %dma_start3A_220 = tpu.memref_slice %arg9[%add3A_212, %dma_start3A_219] : memref<40x128xi32, #tpu.memory_space<vmem>> -> memref<1x128xi32, #tpu.memory_space<vmem>>
      %dma_start3A_221 = tpu.memref_squeeze %dma_start3A_220 : memref<1x128xi32, #tpu.memory_space<vmem>> -> memref<128xi32, #tpu.memory_space<vmem>>
      %dma_start3A_222 = arith.constant 0 : i32
      %dma_start3A_223 = arith.constant 0 : i32
      %dma_start3A_224 = tpu.memref_slice %arg17[%dma_start3A_222, %dma_start3A_223] : memref<10368x32xf32, #tpu.memory_space<vmem_shared>> -> memref<10368x32xf32, #tpu.memory_space<vmem_shared>>
      tpu.enqueue_indirect_dma source(%arg14 : memref<128x32xf32, #tpu.memory_space<vmem>>) target(%dma_start3A_224 : memref<10368x32xf32, #tpu.memory_space<vmem_shared>>) offsets(%dma_start3A_221 : memref<128xi32, #tpu.memory_space<vmem>>) semaphore(%arg26 : memref<!tpu.dma_semaphore, #tpu.memory_space<semaphore_mem>>) {add = true}
      %lt3A_225 = arith.constant 7 : i32
      %lt3A_226 = arith.cmpi slt, %scan3A_148, %lt3A_225 : i32
      %convert_element_type3A_227 = arith.extui %lt3A_226 : i1 to i32
      %cond3A_228 = arith.constant 0 : i32
      %cond3A_229 = arith.cmpi ne, %convert_element_type3A_227, %cond3A_228 : i32
      scf.if %cond3A_229 {
        %dma_wait3A_251 = arith.constant 0 : i32
        %dma_wait3A_252 = tpu.memref_slice %arg9[%add3A_212, %dma_wait3A_251] : memref<40x128xi32, #tpu.memory_space<vmem>> -> memref<1x128xi32, #tpu.memory_space<vmem>>
        %dma_wait3A_253 = tpu.memref_squeeze %dma_wait3A_252 : memref<1x128xi32, #tpu.memory_space<vmem>> -> memref<128xi32, #tpu.memory_space<vmem>>
        %dma_wait3A_254 = arith.constant 0 : i32
        %dma_wait3A_255 = arith.constant 0 : i32
        %dma_wait3A_256 = tpu.memref_slice %arg17[%dma_wait3A_254, %dma_wait3A_255] : memref<10368x32xf32, #tpu.memory_space<vmem_shared>> -> memref<10368x32xf32, #tpu.memory_space<vmem_shared>>
        tpu.wait_indirect_dma semaphore(%arg26 : memref<!tpu.dma_semaphore, #tpu.memory_space<semaphore_mem>>) src(%arg14 : memref<128x32xf32, #tpu.memory_space<vmem>>) dst(%dma_wait3A_256 : memref<10368x32xf32, #tpu.memory_space<vmem_shared>>)
        %add3A_257 = arith.constant 5 : i32
        %add3A_258 = arith.addi %add3A_212, %add3A_257 : i32
        %dma_start3A_259 = arith.constant 0 : i32
        %dma_start3A_260 = tpu.memref_slice %arg10[%add3A_258, %dma_start3A_259] : memref<40x128xi32, #tpu.memory_space<vmem>> -> memref<1x128xi32, #tpu.memory_space<vmem>>
        %dma_start3A_261 = tpu.memref_squeeze %dma_start3A_260 : memref<1x128xi32, #tpu.memory_space<vmem>> -> memref<128xi32, #tpu.memory_space<vmem>>
        %dma_start3A_262 = arith.constant 0 : i32
        %dma_start3A_263 = arith.constant 0 : i32
        %dma_start3A_264 = tpu.memref_slice %arg5[%dma_start3A_262, %dma_start3A_263] : memref<163840x32xf32, #tpu.memory_space<hbm>> -> memref<163840x32xf32, #tpu.memory_space<hbm>>
        tpu.enqueue_indirect_dma source(%dma_start3A_264 : memref<163840x32xf32, #tpu.memory_space<hbm>>) target(%arg14 : memref<128x32xf32, #tpu.memory_space<vmem>>) offsets(%dma_start3A_261 : memref<128xi32, #tpu.memory_space<vmem>>) semaphore(%arg21 : memref<!tpu.dma_semaphore, #tpu.memory_space<semaphore_mem>>)
      } else {
      }
      %mul3A_230 = arith.constant 5 : i32
      %mul3A_231 = arith.muli %scan3A_148, %mul3A_230 : i32
      %add3A_232 = arith.constant 4 : i32
      %add3A_233 = arith.addi %mul3A_231, %add3A_232 : i32
      %dma_wait3A_234 = arith.constant 0 : i32
      %dma_wait3A_235 = tpu.memref_slice %arg10[%add3A_233, %dma_wait3A_234] : memref<40x128xi32, #tpu.memory_space<vmem>> -> memref<1x128xi32, #tpu.memory_space<vmem>>
      %dma_wait3A_236 = tpu.memref_squeeze %dma_wait3A_235 : memref<1x128xi32, #tpu.memory_space<vmem>> -> memref<128xi32, #tpu.memory_space<vmem>>
      %dma_wait3A_237 = arith.constant 0 : i32
      %dma_wait3A_238 = arith.constant 0 : i32
      %dma_wait3A_239 = tpu.memref_slice %arg5[%dma_wait3A_237, %dma_wait3A_238] : memref<163840x32xf32, #tpu.memory_space<hbm>> -> memref<163840x32xf32, #tpu.memory_space<hbm>>
      tpu.wait_indirect_dma semaphore(%arg22 : memref<!tpu.dma_semaphore, #tpu.memory_space<semaphore_mem>>) src(%dma_wait3A_239 : memref<163840x32xf32, #tpu.memory_space<hbm>>) dst(%arg15 : memref<128x32xf32, #tpu.memory_space<vmem>>)
      %dma_start3A_240 = arith.constant 0 : i32
      %dma_start3A_241 = tpu.memref_slice %arg9[%add3A_233, %dma_start3A_240] : memref<40x128xi32, #tpu.memory_space<vmem>> -> memref<1x128xi32, #tpu.memory_space<vmem>>
      %dma_start3A_242 = tpu.memref_squeeze %dma_start3A_241 : memref<1x128xi32, #tpu.memory_space<vmem>> -> memref<128xi32, #tpu.memory_space<vmem>>
      %dma_start3A_243 = arith.constant 0 : i32
      %dma_start3A_244 = arith.constant 0 : i32
      %dma_start3A_245 = tpu.memref_slice %arg17[%dma_start3A_243, %dma_start3A_244] : memref<10368x32xf32, #tpu.memory_space<vmem_shared>> -> memref<10368x32xf32, #tpu.memory_space<vmem_shared>>
      tpu.enqueue_indirect_dma source(%arg15 : memref<128x32xf32, #tpu.memory_space<vmem>>) target(%dma_start3A_245 : memref<10368x32xf32, #tpu.memory_space<vmem_shared>>) offsets(%dma_start3A_242 : memref<128xi32, #tpu.memory_space<vmem>>) semaphore(%arg27 : memref<!tpu.dma_semaphore, #tpu.memory_space<semaphore_mem>>) {add = true}
      %lt3A_246 = arith.constant 7 : i32
      %lt3A_247 = arith.cmpi slt, %scan3A_148, %lt3A_246 : i32
      %convert_element_type3A_248 = arith.extui %lt3A_247 : i1 to i32
      %cond3A_249 = arith.constant 0 : i32
      %cond3A_250 = arith.cmpi ne, %convert_element_type3A_248, %cond3A_249 : i32
      scf.if %cond3A_250 {
        %dma_wait3A_251 = arith.constant 0 : i32
        %dma_wait3A_252 = tpu.memref_slice %arg9[%add3A_233, %dma_wait3A_251] : memref<40x128xi32, #tpu.memory_space<vmem>> -> memref<1x128xi32, #tpu.memory_space<vmem>>
        %dma_wait3A_253 = tpu.memref_squeeze %dma_wait3A_252 : memref<1x128xi32, #tpu.memory_space<vmem>> -> memref<128xi32, #tpu.memory_space<vmem>>
        %dma_wait3A_254 = arith.constant 0 : i32
        %dma_wait3A_255 = arith.constant 0 : i32
        %dma_wait3A_256 = tpu.memref_slice %arg17[%dma_wait3A_254, %dma_wait3A_255] : memref<10368x32xf32, #tpu.memory_space<vmem_shared>> -> memref<10368x32xf32, #tpu.memory_space<vmem_shared>>
        tpu.wait_indirect_dma semaphore(%arg27 : memref<!tpu.dma_semaphore, #tpu.memory_space<semaphore_mem>>) src(%arg15 : memref<128x32xf32, #tpu.memory_space<vmem>>) dst(%dma_wait3A_256 : memref<10368x32xf32, #tpu.memory_space<vmem_shared>>)
        %add3A_257 = arith.constant 5 : i32
        %add3A_258 = arith.addi %add3A_233, %add3A_257 : i32
        %dma_start3A_259 = arith.constant 0 : i32
        %dma_start3A_260 = tpu.memref_slice %arg10[%add3A_258, %dma_start3A_259] : memref<40x128xi32, #tpu.memory_space<vmem>> -> memref<1x128xi32, #tpu.memory_space<vmem>>
        %dma_start3A_261 = tpu.memref_squeeze %dma_start3A_260 : memref<1x128xi32, #tpu.memory_space<vmem>> -> memref<128xi32, #tpu.memory_space<vmem>>
        %dma_start3A_262 = arith.constant 0 : i32
        %dma_start3A_263 = arith.constant 0 : i32
        %dma_start3A_264 = tpu.memref_slice %arg5[%dma_start3A_262, %dma_start3A_263] : memref<163840x32xf32, #tpu.memory_space<hbm>> -> memref<163840x32xf32, #tpu.memory_space<hbm>>
        tpu.enqueue_indirect_dma source(%dma_start3A_264 : memref<163840x32xf32, #tpu.memory_space<hbm>>) target(%arg15 : memref<128x32xf32, #tpu.memory_space<vmem>>) offsets(%dma_start3A_261 : memref<128xi32, #tpu.memory_space<vmem>>) semaphore(%arg22 : memref<!tpu.dma_semaphore, #tpu.memory_space<semaphore_mem>>)
      } else {
      }
    }
    %scan3A_107 = arith.constant 8 : i32
    %dma_wait3A_108 = arith.constant 35 : i32
    %dma_wait3A_109 = arith.constant 0 : i32
    %dma_wait3A_110 = tpu.memref_slice %arg9[%dma_wait3A_108, %dma_wait3A_109] : memref<40x128xi32, #tpu.memory_space<vmem>> -> memref<1x128xi32, #tpu.memory_space<vmem>>
    %dma_wait3A_111 = tpu.memref_squeeze %dma_wait3A_110 : memref<1x128xi32, #tpu.memory_space<vmem>> -> memref<128xi32, #tpu.memory_space<vmem>>
    %dma_wait3A_112 = arith.constant 0 : i32
    %dma_wait3A_113 = arith.constant 0 : i32
    %dma_wait3A_114 = tpu.memref_slice %arg17[%dma_wait3A_112, %dma_wait3A_113] : memref<10368x32xf32, #tpu.memory_space<vmem_shared>> -> memref<10368x32xf32, #tpu.memory_space<vmem_shared>>
    tpu.wait_indirect_dma semaphore(%arg23 : memref<!tpu.dma_semaphore, #tpu.memory_space<semaphore_mem>>) src(%arg11 : memref<128x32xf32, #tpu.memory_space<vmem>>) dst(%dma_wait3A_114 : memref<10368x32xf32, #tpu.memory_space<vmem_shared>>)
    %dma_wait3A_115 = arith.constant 36 : i32
    %dma_wait3A_116 = arith.constant 0 : i32
    %dma_wait3A_117 = tpu.memref_slice %arg9[%dma_wait3A_115, %dma_wait3A_116] : memref<40x128xi32, #tpu.memory_space<vmem>> -> memref<1x128xi32, #tpu.memory_space<vmem>>
    %dma_wait3A_118 = tpu.memref_squeeze %dma_wait3A_117 : memref<1x128xi32, #tpu.memory_space<vmem>> -> memref<128xi32, #tpu.memory_space<vmem>>
    %dma_wait3A_119 = arith.constant 0 : i32
    %dma_wait3A_120 = arith.constant 0 : i32
    %dma_wait3A_121 = tpu.memref_slice %arg17[%dma_wait3A_119, %dma_wait3A_120] : memref<10368x32xf32, #tpu.memory_space<vmem_shared>> -> memref<10368x32xf32, #tpu.memory_space<vmem_shared>>
    tpu.wait_indirect_dma semaphore(%arg24 : memref<!tpu.dma_semaphore, #tpu.memory_space<semaphore_mem>>) src(%arg12 : memref<128x32xf32, #tpu.memory_space<vmem>>) dst(%dma_wait3A_121 : memref<10368x32xf32, #tpu.memory_space<vmem_shared>>)
    %dma_wait3A_122 = arith.constant 37 : i32
    %dma_wait3A_123 = arith.constant 0 : i32
    %dma_wait3A_124 = tpu.memref_slice %arg9[%dma_wait3A_122, %dma_wait3A_123] : memref<40x128xi32, #tpu.memory_space<vmem>> -> memref<1x128xi32, #tpu.memory_space<vmem>>
    %dma_wait3A_125 = tpu.memref_squeeze %dma_wait3A_124 : memref<1x128xi32, #tpu.memory_space<vmem>> -> memref<128xi32, #tpu.memory_space<vmem>>
    %dma_wait3A_126 = arith.constant 0 : i32
    %dma_wait3A_127 = arith.constant 0 : i32
    %dma_wait3A_128 = tpu.memref_slice %arg17[%dma_wait3A_126, %dma_wait3A_127] : memref<10368x32xf32, #tpu.memory_space<vmem_shared>> -> memref<10368x32xf32, #tpu.memory_space<vmem_shared>>
    tpu.wait_indirect_dma semaphore(%arg25 : memref<!tpu.dma_semaphore, #tpu.memory_space<semaphore_mem>>) src(%arg13 : memref<128x32xf32, #tpu.memory_space<vmem>>) dst(%dma_wait3A_128 : memref<10368x32xf32, #tpu.memory_space<vmem_shared>>)
    %dma_wait3A_129 = arith.constant 38 : i32
    %dma_wait3A_130 = arith.constant 0 : i32
    %dma_wait3A_131 = tpu.memref_slice %arg9[%dma_wait3A_129, %dma_wait3A_130] : memref<40x128xi32, #tpu.memory_space<vmem>> -> memref<1x128xi32, #tpu.memory_space<vmem>>
    %dma_wait3A_132 = tpu.memref_squeeze %dma_wait3A_131 : memref<1x128xi32, #tpu.memory_space<vmem>> -> memref<128xi32, #tpu.memory_space<vmem>>
    %dma_wait3A_133 = arith.constant 0 : i32
    %dma_wait3A_134 = arith.constant 0 : i32
    %dma_wait3A_135 = tpu.memref_slice %arg17[%dma_wait3A_133, %dma_wait3A_134] : memref<10368x32xf32, #tpu.memory_space<vmem_shared>> -> memref<10368x32xf32, #tpu.memory_space<vmem_shared>>
    tpu.wait_indirect_dma semaphore(%arg26 : memref<!tpu.dma_semaphore, #tpu.memory_space<semaphore_mem>>) src(%arg14 : memref<128x32xf32, #tpu.memory_space<vmem>>) dst(%dma_wait3A_135 : memref<10368x32xf32, #tpu.memory_space<vmem_shared>>)
    %dma_wait3A_136 = arith.constant 39 : i32
    %dma_wait3A_137 = arith.constant 0 : i32
    %dma_wait3A_138 = tpu.memref_slice %arg9[%dma_wait3A_136, %dma_wait3A_137] : memref<40x128xi32, #tpu.memory_space<vmem>> -> memref<1x128xi32, #tpu.memory_space<vmem>>
    %dma_wait3A_139 = tpu.memref_squeeze %dma_wait3A_138 : memref<1x128xi32, #tpu.memory_space<vmem>> -> memref<128xi32, #tpu.memory_space<vmem>>
    %dma_wait3A_140 = arith.constant 0 : i32
    %dma_wait3A_141 = arith.constant 0 : i32
    %dma_wait3A_142 = tpu.memref_slice %arg17[%dma_wait3A_140, %dma_wait3A_141] : memref<10368x32xf32, #tpu.memory_space<vmem_shared>> -> memref<10368x32xf32, #tpu.memory_space<vmem_shared>>
    tpu.wait_indirect_dma semaphore(%arg27 : memref<!tpu.dma_semaphore, #tpu.memory_space<semaphore_mem>>) src(%arg15 : memref<128x32xf32, #tpu.memory_space<vmem>>) dst(%dma_wait3A_142 : memref<10368x32xf32, #tpu.memory_space<vmem_shared>>)
    %barrier3A_143 = arith.constant 0 : index
    tpu.barrier barrier_id(%barrier3A_143)
    %mul3A_144 = arith.constant 648 : i32
    %mul3A_145 = arith.muli %arg1, %mul3A_144 : i32
    "tpu.region"() ({
      %run_scoped3A = tpu.sem_alloc : memref<!tpu.dma_semaphore, #tpu.memory_space<semaphore_mem>>
      %dma_start3A_148 = arith.constant 0 : i32
      %dma_start3A_149 = tpu.memref_slice %arg17[%mul3A_145, %dma_start3A_148] : memref<10368x32xf32, #tpu.memory_space<vmem_shared>> -> memref<648x32xf32, #tpu.memory_space<vmem_shared>>
      %dma_start3A_150 = arith.constant 0 : i32
      %dma_start3A_151 = tpu.memref_slice %arg17[%mul3A_145, %dma_start3A_150] : memref<10368x32xf32, #tpu.memory_space<vmem_shared>> -> memref<648x32xf32, #tpu.memory_space<vmem_shared>>
      tpu.enqueue_dma source(%dma_start3A_151 : memref<648x32xf32, #tpu.memory_space<vmem_shared>>) target(%arg16 : memref<648x32xf32, #tpu.memory_space<vmem>>) target_semaphore(%run_scoped3A : memref<!tpu.dma_semaphore, #tpu.memory_space<semaphore_mem>>)
      %dma_wait3A_152 = arith.constant 0 : i32
      %dma_wait3A_153 = tpu.memref_slice %arg17[%mul3A_145, %dma_wait3A_152] : memref<10368x32xf32, #tpu.memory_space<vmem_shared>> -> memref<648x32xf32, #tpu.memory_space<vmem_shared>>
      %dma_wait3A_154 = arith.constant 0 : i32
      %dma_wait3A_155 = tpu.memref_slice %arg17[%mul3A_145, %dma_wait3A_154] : memref<10368x32xf32, #tpu.memory_space<vmem_shared>> -> memref<648x32xf32, #tpu.memory_space<vmem_shared>>
      tpu.wait_dma2 semaphore(%run_scoped3A : memref<!tpu.dma_semaphore, #tpu.memory_space<semaphore_mem>>) src(%dma_wait3A_155 : memref<648x32xf32, #tpu.memory_space<vmem_shared>>) dst(%arg16 : memref<648x32xf32, #tpu.memory_space<vmem>>)
      tpu.yield
    }) : () -> ()
    %mul3A_146 = arith.constant 648 : i32
    %mul3A_147 = arith.muli %arg1, %mul3A_146 : i32
    "tpu.region"() ({
      %run_scoped3A = tpu.sem_alloc : memref<!tpu.dma_semaphore, #tpu.memory_space<semaphore_mem>>
      %dma_start3A_148 = arith.constant 0 : i32
      %dma_start3A_149 = tpu.memref_slice %arg6[%arg0, %mul3A_147, %dma_start3A_148] : memref<2x10368x32xf32, #tpu.memory_space<hbm>> -> memref<1x648x32xf32, #tpu.memory_space<hbm>>
      %dma_start3A_150 = tpu.memref_squeeze %dma_start3A_149 : memref<1x648x32xf32, #tpu.memory_space<hbm>> -> memref<648x32xf32, #tpu.memory_space<hbm>>
      %dma_start3A_151 = arith.constant 0 : i32
      %dma_start3A_152 = tpu.memref_slice %arg6[%arg0, %mul3A_147, %dma_start3A_151] : memref<2x10368x32xf32, #tpu.memory_space<hbm>> -> memref<1x648x32xf32, #tpu.memory_space<hbm>>
      %dma_start3A_153 = tpu.memref_squeeze %dma_start3A_152 : memref<1x648x32xf32, #tpu.memory_space<hbm>> -> memref<648x32xf32, #tpu.memory_space<hbm>>
      tpu.enqueue_dma source(%arg16 : memref<648x32xf32, #tpu.memory_space<vmem>>) target(%dma_start3A_153 : memref<648x32xf32, #tpu.memory_space<hbm>>) target_semaphore(%run_scoped3A : memref<!tpu.dma_semaphore, #tpu.memory_space<semaphore_mem>>)
      %dma_wait3A_154 = arith.constant 0 : i32
      %dma_wait3A_155 = tpu.memref_slice %arg6[%arg0, %mul3A_147, %dma_wait3A_154] : memref<2x10368x32xf32, #tpu.memory_space<hbm>> -> memref<1x648x32xf32, #tpu.memory_space<hbm>>
      %dma_wait3A_156 = tpu.memref_squeeze %dma_wait3A_155 : memref<1x648x32xf32, #tpu.memory_space<hbm>> -> memref<648x32xf32, #tpu.memory_space<hbm>>
      %dma_wait3A_157 = arith.constant 0 : i32
      %dma_wait3A_158 = tpu.memref_slice %arg6[%arg0, %mul3A_147, %dma_wait3A_157] : memref<2x10368x32xf32, #tpu.memory_space<hbm>> -> memref<1x648x32xf32, #tpu.memory_space<hbm>>
      %dma_wait3A_159 = tpu.memref_squeeze %dma_wait3A_158 : memref<1x648x32xf32, #tpu.memory_space<hbm>> -> memref<648x32xf32, #tpu.memory_space<hbm>>
      tpu.wait_dma2 semaphore(%run_scoped3A : memref<!tpu.dma_semaphore, #tpu.memory_space<semaphore_mem>>) src(%arg16 : memref<648x32xf32, #tpu.memory_space<vmem>>) dst(%dma_wait3A_159 : memref<648x32xf32, #tpu.memory_space<hbm>>)
      tpu.yield
    }) : () -> ()
    return
  }
}

#map = affine_map<(d0, d1) -> (0)>
#map1 = affine_map<(d0, d1) -> (0, 0)>
#map2 = affine_map<(d0, d1) -> (0, 0, 0)>
module attributes {stable_mosaic.version = 14 : i64} {
  func.func @_mp_sc_body(%arg0: i32, %arg1: i32, %arg2: memref<163840xi32, #tpu.memory_space<hbm>>, %arg3: memref<163840xi32, #tpu.memory_space<hbm>>, %arg4: memref<1280x128xi32, #tpu.memory_space<hbm>>, %arg5: memref<163840x32xf32, #tpu.memory_space<hbm>>, %arg6: memref<2x10368x32xf32, #tpu.memory_space<hbm>>, %arg7: memref<5120xi32, #tpu.memory_space<vmem>>, %arg8: memref<5120xi32, #tpu.memory_space<vmem>>, %arg9: memref<40x128xi32, #tpu.memory_space<vmem>>, %arg10: memref<40x128xi32, #tpu.memory_space<vmem>>, %arg11: memref<128x32xf32, #tpu.memory_space<vmem>>, %arg12: memref<128x32xf32, #tpu.memory_space<vmem>>, %arg13: memref<128x32xf32, #tpu.memory_space<vmem>>, %arg14: memref<128x32xf32, #tpu.memory_space<vmem>>, %arg15: memref<128x32xf32, #tpu.memory_space<vmem>>, %arg16: memref<648x32xf32, #tpu.memory_space<vmem>>, %arg17: memref<10368x32xf32, #tpu.memory_space<vmem_shared>>, %arg18: memref<!tpu.dma_semaphore, #tpu.memory_space<semaphore_mem>>, %arg19: memref<!tpu.dma_semaphore, #tpu.memory_space<semaphore_mem>>, %arg20: memref<!tpu.dma_semaphore, #tpu.memory_space<semaphore_mem>>, %arg21: memref<!tpu.dma_semaphore, #tpu.memory_space<semaphore_mem>>, %arg22: memref<!tpu.dma_semaphore, #tpu.memory_space<semaphore_mem>>, %arg23: memref<!tpu.dma_semaphore, #tpu.memory_space<semaphore_mem>>, %arg24: memref<!tpu.dma_semaphore, #tpu.memory_space<semaphore_mem>>, %arg25: memref<!tpu.dma_semaphore, #tpu.memory_space<semaphore_mem>>, %arg26: memref<!tpu.dma_semaphore, #tpu.memory_space<semaphore_mem>>, %arg27: memref<!tpu.dma_semaphore, #tpu.memory_space<semaphore_mem>>) attributes {dimension_semantics = [#tpu.dimension_semantics<core_parallel>, #tpu.dimension_semantics<subcore_parallel>], iteration_bounds = array<i64: 2, 16>, scalar_prefetch = 0 : i64, scratch_operands = 21 : i64, tpu.core_type = #tpu.core_type<sc_vector_subcore>, window_params = [{transform_indices = #map}, {transform_indices = #map}, {transform_indices = #map1}, {transform_indices = #map1}, {transform_indices = #map2}]} {
    %mul3A = arith.constant 16 : i32
    %mul3A_0 = arith.muli %arg0, %mul3A : i32
    %add3A = arith.addi %mul3A_0, %arg1 : i32
    %mul3A_1 = arith.constant 40 : i32
    %mul3A_2 = arith.muli %add3A, %mul3A_1 : i32
    %mul3A_3 = arith.constant 128 : i32
    %mul3A_4 = arith.muli %mul3A_2, %mul3A_3 : i32
    %dma_start3A = arith.constant 0 : i32
    %dma_start3A_5 = tpu.memref_slice %arg7[%dma_start3A] : memref<5120xi32, #tpu.memory_space<vmem>> -> memref<5120xi32, #tpu.memory_space<vmem>>
    %dma_start3A_6 = tpu.memref_slice %arg2[%mul3A_4] : memref<163840xi32, #tpu.memory_space<hbm>> -> memref<5120xi32, #tpu.memory_space<hbm>>
    %dma_start3A_7 = arith.constant 0 : i32
    %dma_start3A_8 = tpu.memref_slice %arg7[%dma_start3A_7] : memref<5120xi32, #tpu.memory_space<vmem>> -> memref<5120xi32, #tpu.memory_space<vmem>>
    %dma_start3A_9 = tpu.memref_slice %arg2[%mul3A_4] : memref<163840xi32, #tpu.memory_space<hbm>> -> memref<5120xi32, #tpu.memory_space<hbm>>
    tpu.enqueue_dma source(%dma_start3A_9 : memref<5120xi32, #tpu.memory_space<hbm>>) target(%dma_start3A_8 : memref<5120xi32, #tpu.memory_space<vmem>>) target_semaphore(%arg18 : memref<!tpu.dma_semaphore, #tpu.memory_space<semaphore_mem>>)
    %mul3A_10 = arith.constant 128 : i32
    %mul3A_11 = arith.muli %mul3A_2, %mul3A_10 : i32
    %dma_start3A_12 = arith.constant 0 : i32
    %dma_start3A_13 = tpu.memref_slice %arg8[%dma_start3A_12] : memref<5120xi32, #tpu.memory_space<vmem>> -> memref<5120xi32, #tpu.memory_space<vmem>>
    %dma_start3A_14 = tpu.memref_slice %arg3[%mul3A_11] : memref<163840xi32, #tpu.memory_space<hbm>> -> memref<5120xi32, #tpu.memory_space<hbm>>
    %dma_start3A_15 = arith.constant 0 : i32
    %dma_start3A_16 = tpu.memref_slice %arg8[%dma_start3A_15] : memref<5120xi32, #tpu.memory_space<vmem>> -> memref<5120xi32, #tpu.memory_space<vmem>>
    %dma_start3A_17 = tpu.memref_slice %arg3[%mul3A_11] : memref<163840xi32, #tpu.memory_space<hbm>> -> memref<5120xi32, #tpu.memory_space<hbm>>
    tpu.enqueue_dma source(%dma_start3A_17 : memref<5120xi32, #tpu.memory_space<hbm>>) target(%dma_start3A_16 : memref<5120xi32, #tpu.memory_space<vmem>>) target_semaphore(%arg19 : memref<!tpu.dma_semaphore, #tpu.memory_space<semaphore_mem>>)
    %dma_start3A_18 = arith.constant 0 : i32
    %dma_start3A_19 = arith.constant 0 : i32
    %dma_start3A_20 = tpu.memref_slice %arg9[%dma_start3A_18, %dma_start3A_19] : memref<40x128xi32, #tpu.memory_space<vmem>> -> memref<40x128xi32, #tpu.memory_space<vmem>>
    %dma_start3A_21 = arith.constant 0 : i32
    %dma_start3A_22 = tpu.memref_slice %arg4[%mul3A_2, %dma_start3A_21] : memref<1280x128xi32, #tpu.memory_space<hbm>> -> memref<40x128xi32, #tpu.memory_space<hbm>>
    %dma_start3A_23 = arith.constant 0 : i32
    %dma_start3A_24 = arith.constant 0 : i32
    %dma_start3A_25 = tpu.memref_slice %arg9[%dma_start3A_23, %dma_start3A_24] : memref<40x128xi32, #tpu.memory_space<vmem>> -> memref<40x128xi32, #tpu.memory_space<vmem>>
    %dma_start3A_26 = arith.constant 0 : i32
    %dma_start3A_27 = tpu.memref_slice %arg4[%mul3A_2, %dma_start3A_26] : memref<1280x128xi32, #tpu.memory_space<hbm>> -> memref<40x128xi32, #tpu.memory_space<hbm>>
    tpu.enqueue_dma source(%dma_start3A_27 : memref<40x128xi32, #tpu.memory_space<hbm>>) target(%dma_start3A_25 : memref<40x128xi32, #tpu.memory_space<vmem>>) target_semaphore(%arg20 : memref<!tpu.dma_semaphore, #tpu.memory_space<semaphore_mem>>)
    %broadcast_in_dim3A = arith.constant 0.000000e+00 : f32
    %broadcast_in_dim3A_28 = vector.broadcast %broadcast_in_dim3A : f32 to vector<16xf32>
    %scan3A = arith.constant 0 : i32
    %scan3A_29 = arith.constant 0 : i32
    %scan3A_30 = arith.constant 162 : i32
    %scan3A_31 = arith.addi %scan3A_29, %scan3A_30 : i32
    %scan3A_32 = arith.constant 1 : i32
    scf.for %scan3A_148 = %scan3A_29 to %scan3A_31 step %scan3A_32  : i32 {
      %mul3A_149 = arith.constant 4 : i32
      %mul3A_150 = arith.muli %scan3A_148, %mul3A_149 : i32
      %add3A_151 = arith.constant 0 : i32
      %add3A_152 = arith.addi %mul3A_150, %add3A_151 : i32
      %swap3A = arith.index_cast %add3A_152 : i32 to index
      %swap3A_153 = arith.constant 0 : index
      %swap3A_154 = tpu.vector_load %arg16[%swap3A, %swap3A_153] {strides = array<i32>} : memref<648x32xf32, #tpu.memory_space<vmem>>, vector<1x16xf32>,
      %swap3A_155 = vector.shape_cast %swap3A_154 : vector<1x16xf32> to vector<16xf32>
      %swap3A_156 = vector.shape_cast %broadcast_in_dim3A_28 : vector<16xf32> to vector<1x16xf32>
      tpu.vector_store %arg16[%swap3A, %swap3A_153], %swap3A_156 {strides = array<i32>} : memref<648x32xf32, #tpu.memory_space<vmem>>, vector<1x16xf32>,
      %mul3A_157 = arith.constant 4 : i32
      %mul3A_158 = arith.muli %scan3A_148, %mul3A_157 : i32
      %add3A_159 = arith.constant 0 : i32
      %add3A_160 = arith.addi %mul3A_158, %add3A_159 : i32
      %swap3A_161 = arith.index_cast %add3A_160 : i32 to index
      %swap3A_162 = arith.constant 16 : index
      %swap3A_163 = tpu.vector_load %arg16[%swap3A_161, %swap3A_162] {strides = array<i32>} : memref<648x32xf32, #tpu.memory_space<vmem>>, vector<1x16xf32>,
      %swap3A_164 = vector.shape_cast %swap3A_163 : vector<1x16xf32> to vector<16xf32>
      %swap3A_165 = vector.shape_cast %broadcast_in_dim3A_28 : vector<16xf32> to vector<1x16xf32>
      tpu.vector_store %arg16[%swap3A_161, %swap3A_162], %swap3A_165 {strides = array<i32>} : memref<648x32xf32, #tpu.memory_space<vmem>>, vector<1x16xf32>,
      %mul3A_166 = arith.constant 4 : i32
      %mul3A_167 = arith.muli %scan3A_148, %mul3A_166 : i32
      %add3A_168 = arith.constant 1 : i32
      %add3A_169 = arith.addi %mul3A_167, %add3A_168 : i32
      %swap3A_170 = arith.index_cast %add3A_169 : i32 to index
      %swap3A_171 = arith.constant 0 : index
      %swap3A_172 = tpu.vector_load %arg16[%swap3A_170, %swap3A_171] {strides = array<i32>} : memref<648x32xf32, #tpu.memory_space<vmem>>, vector<1x16xf32>,
      %swap3A_173 = vector.shape_cast %swap3A_172 : vector<1x16xf32> to vector<16xf32>
      %swap3A_174 = vector.shape_cast %broadcast_in_dim3A_28 : vector<16xf32> to vector<1x16xf32>
      tpu.vector_store %arg16[%swap3A_170, %swap3A_171], %swap3A_174 {strides = array<i32>} : memref<648x32xf32, #tpu.memory_space<vmem>>, vector<1x16xf32>,
      %mul3A_175 = arith.constant 4 : i32
      %mul3A_176 = arith.muli %scan3A_148, %mul3A_175 : i32
      %add3A_177 = arith.constant 1 : i32
      %add3A_178 = arith.addi %mul3A_176, %add3A_177 : i32
      %swap3A_179 = arith.index_cast %add3A_178 : i32 to index
      %swap3A_180 = arith.constant 16 : index
      %swap3A_181 = tpu.vector_load %arg16[%swap3A_179, %swap3A_180] {strides = array<i32>} : memref<648x32xf32, #tpu.memory_space<vmem>>, vector<1x16xf32>,
      %swap3A_182 = vector.shape_cast %swap3A_181 : vector<1x16xf32> to vector<16xf32>
      %swap3A_183 = vector.shape_cast %broadcast_in_dim3A_28 : vector<16xf32> to vector<1x16xf32>
      tpu.vector_store %arg16[%swap3A_179, %swap3A_180], %swap3A_183 {strides = array<i32>} : memref<648x32xf32, #tpu.memory_space<vmem>>, vector<1x16xf32>,
      %mul3A_184 = arith.constant 4 : i32
      %mul3A_185 = arith.muli %scan3A_148, %mul3A_184 : i32
      %add3A_186 = arith.constant 2 : i32
      %add3A_187 = arith.addi %mul3A_185, %add3A_186 : i32
      %swap3A_188 = arith.index_cast %add3A_187 : i32 to index
      %swap3A_189 = arith.constant 0 : index
      %swap3A_190 = tpu.vector_load %arg16[%swap3A_188, %swap3A_189] {strides = array<i32>} : memref<648x32xf32, #tpu.memory_space<vmem>>, vector<1x16xf32>,
      %swap3A_191 = vector.shape_cast %swap3A_190 : vector<1x16xf32> to vector<16xf32>
      %swap3A_192 = vector.shape_cast %broadcast_in_dim3A_28 : vector<16xf32> to vector<1x16xf32>
      tpu.vector_store %arg16[%swap3A_188, %swap3A_189], %swap3A_192 {strides = array<i32>} : memref<648x32xf32, #tpu.memory_space<vmem>>, vector<1x16xf32>,
      %mul3A_193 = arith.constant 4 : i32
      %mul3A_194 = arith.muli %scan3A_148, %mul3A_193 : i32
      %add3A_195 = arith.constant 2 : i32
      %add3A_196 = arith.addi %mul3A_194, %add3A_195 : i32
      %swap3A_197 = arith.index_cast %add3A_196 : i32 to index
      %swap3A_198 = arith.constant 16 : index
      %swap3A_199 = tpu.vector_load %arg16[%swap3A_197, %swap3A_198] {strides = array<i32>} : memref<648x32xf32, #tpu.memory_space<vmem>>, vector<1x16xf32>,
      %swap3A_200 = vector.shape_cast %swap3A_199 : vector<1x16xf32> to vector<16xf32>
      %swap3A_201 = vector.shape_cast %broadcast_in_dim3A_28 : vector<16xf32> to vector<1x16xf32>
      tpu.vector_store %arg16[%swap3A_197, %swap3A_198], %swap3A_201 {strides = array<i32>} : memref<648x32xf32, #tpu.memory_space<vmem>>, vector<1x16xf32>,
      %mul3A_202 = arith.constant 4 : i32
      %mul3A_203 = arith.muli %scan3A_148, %mul3A_202 : i32
      %add3A_204 = arith.constant 3 : i32
      %add3A_205 = arith.addi %mul3A_203, %add3A_204 : i32
      %swap3A_206 = arith.index_cast %add3A_205 : i32 to index
      %swap3A_207 = arith.constant 0 : index
      %swap3A_208 = tpu.vector_load %arg16[%swap3A_206, %swap3A_207] {strides = array<i32>} : memref<648x32xf32, #tpu.memory_space<vmem>>, vector<1x16xf32>,
      %swap3A_209 = vector.shape_cast %swap3A_208 : vector<1x16xf32> to vector<16xf32>
      %swap3A_210 = vector.shape_cast %broadcast_in_dim3A_28 : vector<16xf32> to vector<1x16xf32>
      tpu.vector_store %arg16[%swap3A_206, %swap3A_207], %swap3A_210 {strides = array<i32>} : memref<648x32xf32, #tpu.memory_space<vmem>>, vector<1x16xf32>,
      %mul3A_211 = arith.constant 4 : i32
      %mul3A_212 = arith.muli %scan3A_148, %mul3A_211 : i32
      %add3A_213 = arith.constant 3 : i32
      %add3A_214 = arith.addi %mul3A_212, %add3A_213 : i32
      %swap3A_215 = arith.index_cast %add3A_214 : i32 to index
      %swap3A_216 = arith.constant 16 : index
      %swap3A_217 = tpu.vector_load %arg16[%swap3A_215, %swap3A_216] {strides = array<i32>} : memref<648x32xf32, #tpu.memory_space<vmem>>, vector<1x16xf32>,
      %swap3A_218 = vector.shape_cast %swap3A_217 : vector<1x16xf32> to vector<16xf32>
      %swap3A_219 = vector.shape_cast %broadcast_in_dim3A_28 : vector<16xf32> to vector<1x16xf32>
      tpu.vector_store %arg16[%swap3A_215, %swap3A_216], %swap3A_219 {strides = array<i32>} : memref<648x32xf32, #tpu.memory_space<vmem>>, vector<1x16xf32>,
    }
    %scan3A_33 = arith.constant 162 : i32
    %mul3A_34 = arith.constant 648 : i32
    %mul3A_35 = arith.muli %arg1, %mul3A_34 : i32
    "tpu.region"() ({
      %run_scoped3A = tpu.sem_alloc : memref<!tpu.dma_semaphore, #tpu.memory_space<semaphore_mem>>
      %dma_start3A_148 = arith.constant 0 : i32
      %dma_start3A_149 = tpu.memref_slice %arg17[%mul3A_35, %dma_start3A_148] : memref<10368x32xf32, #tpu.memory_space<vmem_shared>> -> memref<648x32xf32, #tpu.memory_space<vmem_shared>>
      %dma_start3A_150 = arith.constant 0 : i32
      %dma_start3A_151 = tpu.memref_slice %arg17[%mul3A_35, %dma_start3A_150] : memref<10368x32xf32, #tpu.memory_space<vmem_shared>> -> memref<648x32xf32, #tpu.memory_space<vmem_shared>>
      tpu.enqueue_dma source(%arg16 : memref<648x32xf32, #tpu.memory_space<vmem>>) target(%dma_start3A_151 : memref<648x32xf32, #tpu.memory_space<vmem_shared>>) target_semaphore(%run_scoped3A : memref<!tpu.dma_semaphore, #tpu.memory_space<semaphore_mem>>)
      %dma_wait3A_152 = arith.constant 0 : i32
      %dma_wait3A_153 = tpu.memref_slice %arg17[%mul3A_35, %dma_wait3A_152] : memref<10368x32xf32, #tpu.memory_space<vmem_shared>> -> memref<648x32xf32, #tpu.memory_space<vmem_shared>>
      %dma_wait3A_154 = arith.constant 0 : i32
      %dma_wait3A_155 = tpu.memref_slice %arg17[%mul3A_35, %dma_wait3A_154] : memref<10368x32xf32, #tpu.memory_space<vmem_shared>> -> memref<648x32xf32, #tpu.memory_space<vmem_shared>>
      tpu.wait_dma2 semaphore(%run_scoped3A : memref<!tpu.dma_semaphore, #tpu.memory_space<semaphore_mem>>) src(%arg16 : memref<648x32xf32, #tpu.memory_space<vmem>>) dst(%dma_wait3A_155 : memref<648x32xf32, #tpu.memory_space<vmem_shared>>)
      tpu.yield
    }) : () -> ()
    %mul3A_36 = arith.constant 128 : i32
    %mul3A_37 = arith.muli %mul3A_2, %mul3A_36 : i32
    %dma_wait3A = arith.constant 0 : i32
    %dma_wait3A_38 = tpu.memref_slice %arg7[%dma_wait3A] : memref<5120xi32, #tpu.memory_space<vmem>> -> memref<5120xi32, #tpu.memory_space<vmem>>
    %dma_wait3A_39 = tpu.memref_slice %arg2[%mul3A_37] : memref<163840xi32, #tpu.memory_space<hbm>> -> memref<5120xi32, #tpu.memory_space<hbm>>
    %dma_wait3A_40 = arith.constant 0 : i32
    %dma_wait3A_41 = tpu.memref_slice %arg7[%dma_wait3A_40] : memref<5120xi32, #tpu.memory_space<vmem>> -> memref<5120xi32, #tpu.memory_space<vmem>>
    %dma_wait3A_42 = tpu.memref_slice %arg2[%mul3A_37] : memref<163840xi32, #tpu.memory_space<hbm>> -> memref<5120xi32, #tpu.memory_space<hbm>>
    tpu.wait_dma2 semaphore(%arg18 : memref<!tpu.dma_semaphore, #tpu.memory_space<semaphore_mem>>) src(%dma_wait3A_42 : memref<5120xi32, #tpu.memory_space<hbm>>) dst(%dma_wait3A_41 : memref<5120xi32, #tpu.memory_space<vmem>>)
    %mul3A_43 = arith.constant 128 : i32
    %mul3A_44 = arith.muli %mul3A_2, %mul3A_43 : i32
    %dma_wait3A_45 = arith.constant 0 : i32
    %dma_wait3A_46 = tpu.memref_slice %arg8[%dma_wait3A_45] : memref<5120xi32, #tpu.memory_space<vmem>> -> memref<5120xi32, #tpu.memory_space<vmem>>
    %dma_wait3A_47 = tpu.memref_slice %arg3[%mul3A_44] : memref<163840xi32, #tpu.memory_space<hbm>> -> memref<5120xi32, #tpu.memory_space<hbm>>
    %dma_wait3A_48 = arith.constant 0 : i32
    %dma_wait3A_49 = tpu.memref_slice %arg8[%dma_wait3A_48] : memref<5120xi32, #tpu.memory_space<vmem>> -> memref<5120xi32, #tpu.memory_space<vmem>>
    %dma_wait3A_50 = tpu.memref_slice %arg3[%mul3A_44] : memref<163840xi32, #tpu.memory_space<hbm>> -> memref<5120xi32, #tpu.memory_space<hbm>>
    tpu.wait_dma2 semaphore(%arg19 : memref<!tpu.dma_semaphore, #tpu.memory_space<semaphore_mem>>) src(%dma_wait3A_50 : memref<5120xi32, #tpu.memory_space<hbm>>) dst(%dma_wait3A_49 : memref<5120xi32, #tpu.memory_space<vmem>>)
    %dma_wait3A_51 = arith.constant 0 : i32
    %dma_wait3A_52 = arith.constant 0 : i32
    %dma_wait3A_53 = tpu.memref_slice %arg9[%dma_wait3A_51, %dma_wait3A_52] : memref<40x128xi32, #tpu.memory_space<vmem>> -> memref<40x128xi32, #tpu.memory_space<vmem>>
    %dma_wait3A_54 = arith.constant 0 : i32
    %dma_wait3A_55 = tpu.memref_slice %arg4[%mul3A_2, %dma_wait3A_54] : memref<1280x128xi32, #tpu.memory_space<hbm>> -> memref<40x128xi32, #tpu.memory_space<hbm>>
    %dma_wait3A_56 = arith.constant 0 : i32
    %dma_wait3A_57 = arith.constant 0 : i32
    %dma_wait3A_58 = tpu.memref_slice %arg9[%dma_wait3A_56, %dma_wait3A_57] : memref<40x128xi32, #tpu.memory_space<vmem>> -> memref<40x128xi32, #tpu.memory_space<vmem>>
    %dma_wait3A_59 = arith.constant 0 : i32
    %dma_wait3A_60 = tpu.memref_slice %arg4[%mul3A_2, %dma_wait3A_59] : memref<1280x128xi32, #tpu.memory_space<hbm>> -> memref<40x128xi32, #tpu.memory_space<hbm>>
    tpu.wait_dma2 semaphore(%arg20 : memref<!tpu.dma_semaphore, #tpu.memory_space<semaphore_mem>>) src(%dma_wait3A_60 : memref<40x128xi32, #tpu.memory_space<hbm>>) dst(%dma_wait3A_58 : memref<40x128xi32, #tpu.memory_space<vmem>>)
    %scan3A_61 = arith.constant 0 : i32
    %scan3A_62 = arith.constant 0 : i32
    %scan3A_63 = arith.constant 40 : i32
    %scan3A_64 = arith.addi %scan3A_62, %scan3A_63 : i32
    %scan3A_65 = arith.constant 1 : i32
    scf.for %scan3A_148 = %scan3A_62 to %scan3A_64 step %scan3A_65  : i32 {
      %mul3A_149 = arith.constant 128 : i32
      %mul3A_150 = arith.muli %scan3A_148, %mul3A_149 : i32
      %add3A_151 = arith.constant 0 : i32
      %add3A_152 = arith.addi %mul3A_150, %add3A_151 : i32
      %get3A = arith.index_cast %add3A_152 : i32 to index
      %get3A_153 = tpu.vector_load %arg7[%get3A] {strides = array<i32>} : memref<5120xi32, #tpu.memory_space<vmem>>, vector<16xi32>,
      %get3A_154 = vector.shape_cast %get3A_153 : vector<16xi32> to vector<16xi32>
      %mul3A_155 = arith.constant 128 : i32
      %mul3A_156 = arith.muli %scan3A_148, %mul3A_155 : i32
      %add3A_157 = arith.constant 0 : i32
      %add3A_158 = arith.addi %mul3A_156, %add3A_157 : i32
      %get3A_159 = arith.index_cast %add3A_158 : i32 to index
      %get3A_160 = tpu.vector_load %arg8[%get3A_159] {strides = array<i32>} : memref<5120xi32, #tpu.memory_space<vmem>>, vector<16xi32>,
      %get3A_161 = vector.shape_cast %get3A_160 : vector<16xi32> to vector<16xi32>
      %shift_right_arithmetic3A = arith.constant 3 : i32
      %shift_right_arithmetic3A_162 = vector.broadcast %shift_right_arithmetic3A : i32 to vector<16xi32>
      %shift_right_arithmetic3A_163 = arith.shrsi %get3A_154, %shift_right_arithmetic3A_162 : vector<16xi32>
      %shift_left3A = arith.constant 7 : i32
      %shift_left3A_164 = vector.broadcast %shift_left3A : i32 to vector<16xi32>
      %shift_left3A_165 = arith.shli %shift_right_arithmetic3A_163, %shift_left3A_164 : vector<16xi32>
      %shift_right_arithmetic3A_166 = arith.constant 2 : i32
      %shift_right_arithmetic3A_167 = vector.broadcast %shift_right_arithmetic3A_166 : i32 to vector<16xi32>
      %shift_right_arithmetic3A_168 = arith.shrsi %get3A_161, %shift_right_arithmetic3A_167 : vector<16xi32>
      %shift_left3A_169 = arith.constant 5 : i32
      %shift_left3A_170 = vector.broadcast %shift_left3A_169 : i32 to vector<16xi32>
      %shift_left3A_171 = arith.shli %shift_right_arithmetic3A_168, %shift_left3A_170 : vector<16xi32>
      %add3A_172 = arith.addi %shift_left3A_165, %shift_left3A_171 : vector<16xi32>
      %and3A = arith.constant 7 : i32
      %and3A_173 = vector.broadcast %and3A : i32 to vector<16xi32>
      %and3A_174 = arith.andi %get3A_154, %and3A_173 : vector<16xi32>
      %shift_left3A_175 = arith.constant 2 : i32
      %shift_left3A_176 = vector.broadcast %shift_left3A_175 : i32 to vector<16xi32>
      %shift_left3A_177 = arith.shli %and3A_174, %shift_left3A_176 : vector<16xi32>
      %add3A_178 = arith.addi %add3A_172, %shift_left3A_177 : vector<16xi32>
      %and3A_179 = arith.constant 3 : i32
      %and3A_180 = vector.broadcast %and3A_179 : i32 to vector<16xi32>
      %and3A_181 = arith.andi %get3A_161, %and3A_180 : vector<16xi32>
      %add3A_182 = arith.addi %add3A_178, %and3A_181 : vector<16xi32>
      %swap3A = arith.index_cast %scan3A_148 : i32 to index
      %swap3A_183 = arith.constant 0 : index
      %swap3A_184 = tpu.vector_load %arg10[%swap3A, %swap3A_183] {strides = array<i32>} : memref<40x128xi32, #tpu.memory_space<vmem>>, vector<1x16xi32>,
      %swap3A_185 = vector.shape_cast %swap3A_184 : vector<1x16xi32> to vector<16xi32>
      %swap3A_186 = vector.shape_cast %add3A_182 : vector<16xi32> to vector<1x16xi32>
      tpu.vector_store %arg10[%swap3A, %swap3A_183], %swap3A_186 {strides = array<i32>} : memref<40x128xi32, #tpu.memory_space<vmem>>, vector<1x16xi32>,
      %mul3A_187 = arith.constant 128 : i32
      %mul3A_188 = arith.muli %scan3A_148, %mul3A_187 : i32
      %add3A_189 = arith.constant 16 : i32
      %add3A_190 = arith.addi %mul3A_188, %add3A_189 : i32
      %get3A_191 = arith.index_cast %add3A_190 : i32 to index
      %get3A_192 = tpu.vector_load %arg7[%get3A_191] {strides = array<i32>} : memref<5120xi32, #tpu.memory_space<vmem>>, vector<16xi32>,
      %get3A_193 = vector.shape_cast %get3A_192 : vector<16xi32> to vector<16xi32>
      %mul3A_194 = arith.constant 128 : i32
      %mul3A_195 = arith.muli %scan3A_148, %mul3A_194 : i32
      %add3A_196 = arith.constant 16 : i32
      %add3A_197 = arith.addi %mul3A_195, %add3A_196 : i32
      %get3A_198 = arith.index_cast %add3A_197 : i32 to index
      %get3A_199 = tpu.vector_load %arg8[%get3A_198] {strides = array<i32>} : memref<5120xi32, #tpu.memory_space<vmem>>, vector<16xi32>,
      %get3A_200 = vector.shape_cast %get3A_199 : vector<16xi32> to vector<16xi32>
      %shift_right_arithmetic3A_201 = arith.constant 3 : i32
      %shift_right_arithmetic3A_202 = vector.broadcast %shift_right_arithmetic3A_201 : i32 to vector<16xi32>
      %shift_right_arithmetic3A_203 = arith.shrsi %get3A_193, %shift_right_arithmetic3A_202 : vector<16xi32>
      %shift_left3A_204 = arith.constant 7 : i32
      %shift_left3A_205 = vector.broadcast %shift_left3A_204 : i32 to vector<16xi32>
      %shift_left3A_206 = arith.shli %shift_right_arithmetic3A_203, %shift_left3A_205 : vector<16xi32>
      %shift_right_arithmetic3A_207 = arith.constant 2 : i32
      %shift_right_arithmetic3A_208 = vector.broadcast %shift_right_arithmetic3A_207 : i32 to vector<16xi32>
      %shift_right_arithmetic3A_209 = arith.shrsi %get3A_200, %shift_right_arithmetic3A_208 : vector<16xi32>
      %shift_left3A_210 = arith.constant 5 : i32
      %shift_left3A_211 = vector.broadcast %shift_left3A_210 : i32 to vector<16xi32>
      %shift_left3A_212 = arith.shli %shift_right_arithmetic3A_209, %shift_left3A_211 : vector<16xi32>
      %add3A_213 = arith.addi %shift_left3A_206, %shift_left3A_212 : vector<16xi32>
      %and3A_214 = arith.constant 7 : i32
      %and3A_215 = vector.broadcast %and3A_214 : i32 to vector<16xi32>
      %and3A_216 = arith.andi %get3A_193, %and3A_215 : vector<16xi32>
      %shift_left3A_217 = arith.constant 2 : i32
      %shift_left3A_218 = vector.broadcast %shift_left3A_217 : i32 to vector<16xi32>
      %shift_left3A_219 = arith.shli %and3A_216, %shift_left3A_218 : vector<16xi32>
      %add3A_220 = arith.addi %add3A_213, %shift_left3A_219 : vector<16xi32>
      %and3A_221 = arith.constant 3 : i32
      %and3A_222 = vector.broadcast %and3A_221 : i32 to vector<16xi32>
      %and3A_223 = arith.andi %get3A_200, %and3A_222 : vector<16xi32>
      %add3A_224 = arith.addi %add3A_220, %and3A_223 : vector<16xi32>
      %swap3A_225 = arith.index_cast %scan3A_148 : i32 to index
      %swap3A_226 = arith.constant 16 : index
      %swap3A_227 = tpu.vector_load %arg10[%swap3A_225, %swap3A_226] {strides = array<i32>} : memref<40x128xi32, #tpu.memory_space<vmem>>, vector<1x16xi32>,
      %swap3A_228 = vector.shape_cast %swap3A_227 : vector<1x16xi32> to vector<16xi32>
      %swap3A_229 = vector.shape_cast %add3A_224 : vector<16xi32> to vector<1x16xi32>
      tpu.vector_store %arg10[%swap3A_225, %swap3A_226], %swap3A_229 {strides = array<i32>} : memref<40x128xi32, #tpu.memory_space<vmem>>, vector<1x16xi32>,
      %mul3A_230 = arith.constant 128 : i32
      %mul3A_231 = arith.muli %scan3A_148, %mul3A_230 : i32
      %add3A_232 = arith.constant 32 : i32
      %add3A_233 = arith.addi %mul3A_231, %add3A_232 : i32
      %get3A_234 = arith.index_cast %add3A_233 : i32 to index
      %get3A_235 = tpu.vector_load %arg7[%get3A_234] {strides = array<i32>} : memref<5120xi32, #tpu.memory_space<vmem>>, vector<16xi32>,
      %get3A_236 = vector.shape_cast %get3A_235 : vector<16xi32> to vector<16xi32>
      %mul3A_237 = arith.constant 128 : i32
      %mul3A_238 = arith.muli %scan3A_148, %mul3A_237 : i32
      %add3A_239 = arith.constant 32 : i32
      %add3A_240 = arith.addi %mul3A_238, %add3A_239 : i32
      %get3A_241 = arith.index_cast %add3A_240 : i32 to index
      %get3A_242 = tpu.vector_load %arg8[%get3A_241] {strides = array<i32>} : memref<5120xi32, #tpu.memory_space<vmem>>, vector<16xi32>,
      %get3A_243 = vector.shape_cast %get3A_242 : vector<16xi32> to vector<16xi32>
      %shift_right_arithmetic3A_244 = arith.constant 3 : i32
      %shift_right_arithmetic3A_245 = vector.broadcast %shift_right_arithmetic3A_244 : i32 to vector<16xi32>
      %shift_right_arithmetic3A_246 = arith.shrsi %get3A_236, %shift_right_arithmetic3A_245 : vector<16xi32>
      %shift_left3A_247 = arith.constant 7 : i32
      %shift_left3A_248 = vector.broadcast %shift_left3A_247 : i32 to vector<16xi32>
      %shift_left3A_249 = arith.shli %shift_right_arithmetic3A_246, %shift_left3A_248 : vector<16xi32>
      %shift_right_arithmetic3A_250 = arith.constant 2 : i32
      %shift_right_arithmetic3A_251 = vector.broadcast %shift_right_arithmetic3A_250 : i32 to vector<16xi32>
      %shift_right_arithmetic3A_252 = arith.shrsi %get3A_243, %shift_right_arithmetic3A_251 : vector<16xi32>
      %shift_left3A_253 = arith.constant 5 : i32
      %shift_left3A_254 = vector.broadcast %shift_left3A_253 : i32 to vector<16xi32>
      %shift_left3A_255 = arith.shli %shift_right_arithmetic3A_252, %shift_left3A_254 : vector<16xi32>
      %add3A_256 = arith.addi %shift_left3A_249, %shift_left3A_255 : vector<16xi32>
      %and3A_257 = arith.constant 7 : i32
      %and3A_258 = vector.broadcast %and3A_257 : i32 to vector<16xi32>
      %and3A_259 = arith.andi %get3A_236, %and3A_258 : vector<16xi32>
      %shift_left3A_260 = arith.constant 2 : i32
      %shift_left3A_261 = vector.broadcast %shift_left3A_260 : i32 to vector<16xi32>
      %shift_left3A_262 = arith.shli %and3A_259, %shift_left3A_261 : vector<16xi32>
      %add3A_263 = arith.addi %add3A_256, %shift_left3A_262 : vector<16xi32>
      %and3A_264 = arith.constant 3 : i32
      %and3A_265 = vector.broadcast %and3A_264 : i32 to vector<16xi32>
      %and3A_266 = arith.andi %get3A_243, %and3A_265 : vector<16xi32>
      %add3A_267 = arith.addi %add3A_263, %and3A_266 : vector<16xi32>
      %swap3A_268 = arith.index_cast %scan3A_148 : i32 to index
      %swap3A_269 = arith.constant 32 : index
      %swap3A_270 = tpu.vector_load %arg10[%swap3A_268, %swap3A_269] {strides = array<i32>} : memref<40x128xi32, #tpu.memory_space<vmem>>, vector<1x16xi32>,
      %swap3A_271 = vector.shape_cast %swap3A_270 : vector<1x16xi32> to vector<16xi32>
      %swap3A_272 = vector.shape_cast %add3A_267 : vector<16xi32> to vector<1x16xi32>
      tpu.vector_store %arg10[%swap3A_268, %swap3A_269], %swap3A_272 {strides = array<i32>} : memref<40x128xi32, #tpu.memory_space<vmem>>, vector<1x16xi32>,
      %mul3A_273 = arith.constant 128 : i32
      %mul3A_274 = arith.muli %scan3A_148, %mul3A_273 : i32
      %add3A_275 = arith.constant 48 : i32
      %add3A_276 = arith.addi %mul3A_274, %add3A_275 : i32
      %get3A_277 = arith.index_cast %add3A_276 : i32 to index
      %get3A_278 = tpu.vector_load %arg7[%get3A_277] {strides = array<i32>} : memref<5120xi32, #tpu.memory_space<vmem>>, vector<16xi32>,
      %get3A_279 = vector.shape_cast %get3A_278 : vector<16xi32> to vector<16xi32>
      %mul3A_280 = arith.constant 128 : i32
      %mul3A_281 = arith.muli %scan3A_148, %mul3A_280 : i32
      %add3A_282 = arith.constant 48 : i32
      %add3A_283 = arith.addi %mul3A_281, %add3A_282 : i32
      %get3A_284 = arith.index_cast %add3A_283 : i32 to index
      %get3A_285 = tpu.vector_load %arg8[%get3A_284] {strides = array<i32>} : memref<5120xi32, #tpu.memory_space<vmem>>, vector<16xi32>,
      %get3A_286 = vector.shape_cast %get3A_285 : vector<16xi32> to vector<16xi32>
      %shift_right_arithmetic3A_287 = arith.constant 3 : i32
      %shift_right_arithmetic3A_288 = vector.broadcast %shift_right_arithmetic3A_287 : i32 to vector<16xi32>
      %shift_right_arithmetic3A_289 = arith.shrsi %get3A_279, %shift_right_arithmetic3A_288 : vector<16xi32>
      %shift_left3A_290 = arith.constant 7 : i32
      %shift_left3A_291 = vector.broadcast %shift_left3A_290 : i32 to vector<16xi32>
      %shift_left3A_292 = arith.shli %shift_right_arithmetic3A_289, %shift_left3A_291 : vector<16xi32>
      %shift_right_arithmetic3A_293 = arith.constant 2 : i32
      %shift_right_arithmetic3A_294 = vector.broadcast %shift_right_arithmetic3A_293 : i32 to vector<16xi32>
      %shift_right_arithmetic3A_295 = arith.shrsi %get3A_286, %shift_right_arithmetic3A_294 : vector<16xi32>
      %shift_left3A_296 = arith.constant 5 : i32
      %shift_left3A_297 = vector.broadcast %shift_left3A_296 : i32 to vector<16xi32>
      %shift_left3A_298 = arith.shli %shift_right_arithmetic3A_295, %shift_left3A_297 : vector<16xi32>
      %add3A_299 = arith.addi %shift_left3A_292, %shift_left3A_298 : vector<16xi32>
      %and3A_300 = arith.constant 7 : i32
      %and3A_301 = vector.broadcast %and3A_300 : i32 to vector<16xi32>
      %and3A_302 = arith.andi %get3A_279, %and3A_301 : vector<16xi32>
      %shift_left3A_303 = arith.constant 2 : i32
      %shift_left3A_304 = vector.broadcast %shift_left3A_303 : i32 to vector<16xi32>
      %shift_left3A_305 = arith.shli %and3A_302, %shift_left3A_304 : vector<16xi32>
      %add3A_306 = arith.addi %add3A_299, %shift_left3A_305 : vector<16xi32>
      %and3A_307 = arith.constant 3 : i32
      %and3A_308 = vector.broadcast %and3A_307 : i32 to vector<16xi32>
      %and3A_309 = arith.andi %get3A_286, %and3A_308 : vector<16xi32>
      %add3A_310 = arith.addi %add3A_306, %and3A_309 : vector<16xi32>
      %swap3A_311 = arith.index_cast %scan3A_148 : i32 to index
      %swap3A_312 = arith.constant 48 : index
      %swap3A_313 = tpu.vector_load %arg10[%swap3A_311, %swap3A_312] {strides = array<i32>} : memref<40x128xi32, #tpu.memory_space<vmem>>, vector<1x16xi32>,
      %swap3A_314 = vector.shape_cast %swap3A_313 : vector<1x16xi32> to vector<16xi32>
      %swap3A_315 = vector.shape_cast %add3A_310 : vector<16xi32> to vector<1x16xi32>
      tpu.vector_store %arg10[%swap3A_311, %swap3A_312], %swap3A_315 {strides = array<i32>} : memref<40x128xi32, #tpu.memory_space<vmem>>, vector<1x16xi32>,
      %mul3A_316 = arith.constant 128 : i32
      %mul3A_317 = arith.muli %scan3A_148, %mul3A_316 : i32
      %add3A_318 = arith.constant 64 : i32
      %add3A_319 = arith.addi %mul3A_317, %add3A_318 : i32
      %get3A_320 = arith.index_cast %add3A_319 : i32 to index
      %get3A_321 = tpu.vector_load %arg7[%get3A_320] {strides = array<i32>} : memref<5120xi32, #tpu.memory_space<vmem>>, vector<16xi32>,
      %get3A_322 = vector.shape_cast %get3A_321 : vector<16xi32> to vector<16xi32>
      %mul3A_323 = arith.constant 128 : i32
      %mul3A_324 = arith.muli %scan3A_148, %mul3A_323 : i32
      %add3A_325 = arith.constant 64 : i32
      %add3A_326 = arith.addi %mul3A_324, %add3A_325 : i32
      %get3A_327 = arith.index_cast %add3A_326 : i32 to index
      %get3A_328 = tpu.vector_load %arg8[%get3A_327] {strides = array<i32>} : memref<5120xi32, #tpu.memory_space<vmem>>, vector<16xi32>,
      %get3A_329 = vector.shape_cast %get3A_328 : vector<16xi32> to vector<16xi32>
      %shift_right_arithmetic3A_330 = arith.constant 3 : i32
      %shift_right_arithmetic3A_331 = vector.broadcast %shift_right_arithmetic3A_330 : i32 to vector<16xi32>
      %shift_right_arithmetic3A_332 = arith.shrsi %get3A_322, %shift_right_arithmetic3A_331 : vector<16xi32>
      %shift_left3A_333 = arith.constant 7 : i32
      %shift_left3A_334 = vector.broadcast %shift_left3A_333 : i32 to vector<16xi32>
      %shift_left3A_335 = arith.shli %shift_right_arithmetic3A_332, %shift_left3A_334 : vector<16xi32>
      %shift_right_arithmetic3A_336 = arith.constant 2 : i32
      %shift_right_arithmetic3A_337 = vector.broadcast %shift_right_arithmetic3A_336 : i32 to vector<16xi32>
      %shift_right_arithmetic3A_338 = arith.shrsi %get3A_329, %shift_right_arithmetic3A_337 : vector<16xi32>
      %shift_left3A_339 = arith.constant 5 : i32
      %shift_left3A_340 = vector.broadcast %shift_left3A_339 : i32 to vector<16xi32>
      %shift_left3A_341 = arith.shli %shift_right_arithmetic3A_338, %shift_left3A_340 : vector<16xi32>
      %add3A_342 = arith.addi %shift_left3A_335, %shift_left3A_341 : vector<16xi32>
      %and3A_343 = arith.constant 7 : i32
      %and3A_344 = vector.broadcast %and3A_343 : i32 to vector<16xi32>
      %and3A_345 = arith.andi %get3A_322, %and3A_344 : vector<16xi32>
      %shift_left3A_346 = arith.constant 2 : i32
      %shift_left3A_347 = vector.broadcast %shift_left3A_346 : i32 to vector<16xi32>
      %shift_left3A_348 = arith.shli %and3A_345, %shift_left3A_347 : vector<16xi32>
      %add3A_349 = arith.addi %add3A_342, %shift_left3A_348 : vector<16xi32>
      %and3A_350 = arith.constant 3 : i32
      %and3A_351 = vector.broadcast %and3A_350 : i32 to vector<16xi32>
      %and3A_352 = arith.andi %get3A_329, %and3A_351 : vector<16xi32>
      %add3A_353 = arith.addi %add3A_349, %and3A_352 : vector<16xi32>
      %swap3A_354 = arith.index_cast %scan3A_148 : i32 to index
      %swap3A_355 = arith.constant 64 : index
      %swap3A_356 = tpu.vector_load %arg10[%swap3A_354, %swap3A_355] {strides = array<i32>} : memref<40x128xi32, #tpu.memory_space<vmem>>, vector<1x16xi32>,
      %swap3A_357 = vector.shape_cast %swap3A_356 : vector<1x16xi32> to vector<16xi32>
      %swap3A_358 = vector.shape_cast %add3A_353 : vector<16xi32> to vector<1x16xi32>
      tpu.vector_store %arg10[%swap3A_354, %swap3A_355], %swap3A_358 {strides = array<i32>} : memref<40x128xi32, #tpu.memory_space<vmem>>, vector<1x16xi32>,
      %mul3A_359 = arith.constant 128 : i32
      %mul3A_360 = arith.muli %scan3A_148, %mul3A_359 : i32
      %add3A_361 = arith.constant 80 : i32
      %add3A_362 = arith.addi %mul3A_360, %add3A_361 : i32
      %get3A_363 = arith.index_cast %add3A_362 : i32 to index
      %get3A_364 = tpu.vector_load %arg7[%get3A_363] {strides = array<i32>} : memref<5120xi32, #tpu.memory_space<vmem>>, vector<16xi32>,
      %get3A_365 = vector.shape_cast %get3A_364 : vector<16xi32> to vector<16xi32>
      %mul3A_366 = arith.constant 128 : i32
      %mul3A_367 = arith.muli %scan3A_148, %mul3A_366 : i32
      %add3A_368 = arith.constant 80 : i32
      %add3A_369 = arith.addi %mul3A_367, %add3A_368 : i32
      %get3A_370 = arith.index_cast %add3A_369 : i32 to index
      %get3A_371 = tpu.vector_load %arg8[%get3A_370] {strides = array<i32>} : memref<5120xi32, #tpu.memory_space<vmem>>, vector<16xi32>,
      %get3A_372 = vector.shape_cast %get3A_371 : vector<16xi32> to vector<16xi32>
      %shift_right_arithmetic3A_373 = arith.constant 3 : i32
      %shift_right_arithmetic3A_374 = vector.broadcast %shift_right_arithmetic3A_373 : i32 to vector<16xi32>
      %shift_right_arithmetic3A_375 = arith.shrsi %get3A_365, %shift_right_arithmetic3A_374 : vector<16xi32>
      %shift_left3A_376 = arith.constant 7 : i32
      %shift_left3A_377 = vector.broadcast %shift_left3A_376 : i32 to vector<16xi32>
      %shift_left3A_378 = arith.shli %shift_right_arithmetic3A_375, %shift_left3A_377 : vector<16xi32>
      %shift_right_arithmetic3A_379 = arith.constant 2 : i32
      %shift_right_arithmetic3A_380 = vector.broadcast %shift_right_arithmetic3A_379 : i32 to vector<16xi32>
      %shift_right_arithmetic3A_381 = arith.shrsi %get3A_372, %shift_right_arithmetic3A_380 : vector<16xi32>
      %shift_left3A_382 = arith.constant 5 : i32
      %shift_left3A_383 = vector.broadcast %shift_left3A_382 : i32 to vector<16xi32>
      %shift_left3A_384 = arith.shli %shift_right_arithmetic3A_381, %shift_left3A_383 : vector<16xi32>
      %add3A_385 = arith.addi %shift_left3A_378, %shift_left3A_384 : vector<16xi32>
      %and3A_386 = arith.constant 7 : i32
      %and3A_387 = vector.broadcast %and3A_386 : i32 to vector<16xi32>
      %and3A_388 = arith.andi %get3A_365, %and3A_387 : vector<16xi32>
      %shift_left3A_389 = arith.constant 2 : i32
      %shift_left3A_390 = vector.broadcast %shift_left3A_389 : i32 to vector<16xi32>
      %shift_left3A_391 = arith.shli %and3A_388, %shift_left3A_390 : vector<16xi32>
      %add3A_392 = arith.addi %add3A_385, %shift_left3A_391 : vector<16xi32>
      %and3A_393 = arith.constant 3 : i32
      %and3A_394 = vector.broadcast %and3A_393 : i32 to vector<16xi32>
      %and3A_395 = arith.andi %get3A_372, %and3A_394 : vector<16xi32>
      %add3A_396 = arith.addi %add3A_392, %and3A_395 : vector<16xi32>
      %swap3A_397 = arith.index_cast %scan3A_148 : i32 to index
      %swap3A_398 = arith.constant 80 : index
      %swap3A_399 = tpu.vector_load %arg10[%swap3A_397, %swap3A_398] {strides = array<i32>} : memref<40x128xi32, #tpu.memory_space<vmem>>, vector<1x16xi32>,
      %swap3A_400 = vector.shape_cast %swap3A_399 : vector<1x16xi32> to vector<16xi32>
      %swap3A_401 = vector.shape_cast %add3A_396 : vector<16xi32> to vector<1x16xi32>
      tpu.vector_store %arg10[%swap3A_397, %swap3A_398], %swap3A_401 {strides = array<i32>} : memref<40x128xi32, #tpu.memory_space<vmem>>, vector<1x16xi32>,
      %mul3A_402 = arith.constant 128 : i32
      %mul3A_403 = arith.muli %scan3A_148, %mul3A_402 : i32
      %add3A_404 = arith.constant 96 : i32
      %add3A_405 = arith.addi %mul3A_403, %add3A_404 : i32
      %get3A_406 = arith.index_cast %add3A_405 : i32 to index
      %get3A_407 = tpu.vector_load %arg7[%get3A_406] {strides = array<i32>} : memref<5120xi32, #tpu.memory_space<vmem>>, vector<16xi32>,
      %get3A_408 = vector.shape_cast %get3A_407 : vector<16xi32> to vector<16xi32>
      %mul3A_409 = arith.constant 128 : i32
      %mul3A_410 = arith.muli %scan3A_148, %mul3A_409 : i32
      %add3A_411 = arith.constant 96 : i32
      %add3A_412 = arith.addi %mul3A_410, %add3A_411 : i32
      %get3A_413 = arith.index_cast %add3A_412 : i32 to index
      %get3A_414 = tpu.vector_load %arg8[%get3A_413] {strides = array<i32>} : memref<5120xi32, #tpu.memory_space<vmem>>, vector<16xi32>,
      %get3A_415 = vector.shape_cast %get3A_414 : vector<16xi32> to vector<16xi32>
      %shift_right_arithmetic3A_416 = arith.constant 3 : i32
      %shift_right_arithmetic3A_417 = vector.broadcast %shift_right_arithmetic3A_416 : i32 to vector<16xi32>
      %shift_right_arithmetic3A_418 = arith.shrsi %get3A_408, %shift_right_arithmetic3A_417 : vector<16xi32>
      %shift_left3A_419 = arith.constant 7 : i32
      %shift_left3A_420 = vector.broadcast %shift_left3A_419 : i32 to vector<16xi32>
      %shift_left3A_421 = arith.shli %shift_right_arithmetic3A_418, %shift_left3A_420 : vector<16xi32>
      %shift_right_arithmetic3A_422 = arith.constant 2 : i32
      %shift_right_arithmetic3A_423 = vector.broadcast %shift_right_arithmetic3A_422 : i32 to vector<16xi32>
      %shift_right_arithmetic3A_424 = arith.shrsi %get3A_415, %shift_right_arithmetic3A_423 : vector<16xi32>
      %shift_left3A_425 = arith.constant 5 : i32
      %shift_left3A_426 = vector.broadcast %shift_left3A_425 : i32 to vector<16xi32>
      %shift_left3A_427 = arith.shli %shift_right_arithmetic3A_424, %shift_left3A_426 : vector<16xi32>
      %add3A_428 = arith.addi %shift_left3A_421, %shift_left3A_427 : vector<16xi32>
      %and3A_429 = arith.constant 7 : i32
      %and3A_430 = vector.broadcast %and3A_429 : i32 to vector<16xi32>
      %and3A_431 = arith.andi %get3A_408, %and3A_430 : vector<16xi32>
      %shift_left3A_432 = arith.constant 2 : i32
      %shift_left3A_433 = vector.broadcast %shift_left3A_432 : i32 to vector<16xi32>
      %shift_left3A_434 = arith.shli %and3A_431, %shift_left3A_433 : vector<16xi32>
      %add3A_435 = arith.addi %add3A_428, %shift_left3A_434 : vector<16xi32>
      %and3A_436 = arith.constant 3 : i32
      %and3A_437 = vector.broadcast %and3A_436 : i32 to vector<16xi32>
      %and3A_438 = arith.andi %get3A_415, %and3A_437 : vector<16xi32>
      %add3A_439 = arith.addi %add3A_435, %and3A_438 : vector<16xi32>
      %swap3A_440 = arith.index_cast %scan3A_148 : i32 to index
      %swap3A_441 = arith.constant 96 : index
      %swap3A_442 = tpu.vector_load %arg10[%swap3A_440, %swap3A_441] {strides = array<i32>} : memref<40x128xi32, #tpu.memory_space<vmem>>, vector<1x16xi32>,
      %swap3A_443 = vector.shape_cast %swap3A_442 : vector<1x16xi32> to vector<16xi32>
      %swap3A_444 = vector.shape_cast %add3A_439 : vector<16xi32> to vector<1x16xi32>
      tpu.vector_store %arg10[%swap3A_440, %swap3A_441], %swap3A_444 {strides = array<i32>} : memref<40x128xi32, #tpu.memory_space<vmem>>, vector<1x16xi32>,
      %mul3A_445 = arith.constant 128 : i32
      %mul3A_446 = arith.muli %scan3A_148, %mul3A_445 : i32
      %add3A_447 = arith.constant 112 : i32
      %add3A_448 = arith.addi %mul3A_446, %add3A_447 : i32
      %get3A_449 = arith.index_cast %add3A_448 : i32 to index
      %get3A_450 = tpu.vector_load %arg7[%get3A_449] {strides = array<i32>} : memref<5120xi32, #tpu.memory_space<vmem>>, vector<16xi32>,
      %get3A_451 = vector.shape_cast %get3A_450 : vector<16xi32> to vector<16xi32>
      %mul3A_452 = arith.constant 128 : i32
      %mul3A_453 = arith.muli %scan3A_148, %mul3A_452 : i32
      %add3A_454 = arith.constant 112 : i32
      %add3A_455 = arith.addi %mul3A_453, %add3A_454 : i32
      %get3A_456 = arith.index_cast %add3A_455 : i32 to index
      %get3A_457 = tpu.vector_load %arg8[%get3A_456] {strides = array<i32>} : memref<5120xi32, #tpu.memory_space<vmem>>, vector<16xi32>,
      %get3A_458 = vector.shape_cast %get3A_457 : vector<16xi32> to vector<16xi32>
      %shift_right_arithmetic3A_459 = arith.constant 3 : i32
      %shift_right_arithmetic3A_460 = vector.broadcast %shift_right_arithmetic3A_459 : i32 to vector<16xi32>
      %shift_right_arithmetic3A_461 = arith.shrsi %get3A_451, %shift_right_arithmetic3A_460 : vector<16xi32>
      %shift_left3A_462 = arith.constant 7 : i32
      %shift_left3A_463 = vector.broadcast %shift_left3A_462 : i32 to vector<16xi32>
      %shift_left3A_464 = arith.shli %shift_right_arithmetic3A_461, %shift_left3A_463 : vector<16xi32>
      %shift_right_arithmetic3A_465 = arith.constant 2 : i32
      %shift_right_arithmetic3A_466 = vector.broadcast %shift_right_arithmetic3A_465 : i32 to vector<16xi32>
      %shift_right_arithmetic3A_467 = arith.shrsi %get3A_458, %shift_right_arithmetic3A_466 : vector<16xi32>
      %shift_left3A_468 = arith.constant 5 : i32
      %shift_left3A_469 = vector.broadcast %shift_left3A_468 : i32 to vector<16xi32>
      %shift_left3A_470 = arith.shli %shift_right_arithmetic3A_467, %shift_left3A_469 : vector<16xi32>
      %add3A_471 = arith.addi %shift_left3A_464, %shift_left3A_470 : vector<16xi32>
      %and3A_472 = arith.constant 7 : i32
      %and3A_473 = vector.broadcast %and3A_472 : i32 to vector<16xi32>
      %and3A_474 = arith.andi %get3A_451, %and3A_473 : vector<16xi32>
      %shift_left3A_475 = arith.constant 2 : i32
      %shift_left3A_476 = vector.broadcast %shift_left3A_475 : i32 to vector<16xi32>
      %shift_left3A_477 = arith.shli %and3A_474, %shift_left3A_476 : vector<16xi32>
      %add3A_478 = arith.addi %add3A_471, %shift_left3A_477 : vector<16xi32>
      %and3A_479 = arith.constant 3 : i32
      %and3A_480 = vector.broadcast %and3A_479 : i32 to vector<16xi32>
      %and3A_481 = arith.andi %get3A_458, %and3A_480 : vector<16xi32>
      %add3A_482 = arith.addi %add3A_478, %and3A_481 : vector<16xi32>
      %swap3A_483 = arith.index_cast %scan3A_148 : i32 to index
      %swap3A_484 = arith.constant 112 : index
      %swap3A_485 = tpu.vector_load %arg10[%swap3A_483, %swap3A_484] {strides = array<i32>} : memref<40x128xi32, #tpu.memory_space<vmem>>, vector<1x16xi32>,
      %swap3A_486 = vector.shape_cast %swap3A_485 : vector<1x16xi32> to vector<16xi32>
      %swap3A_487 = vector.shape_cast %add3A_482 : vector<16xi32> to vector<1x16xi32>
      tpu.vector_store %arg10[%swap3A_483, %swap3A_484], %swap3A_487 {strides = array<i32>} : memref<40x128xi32, #tpu.memory_space<vmem>>, vector<1x16xi32>,
    }
    %scan3A_66 = arith.constant 40 : i32
    %barrier3A = arith.constant 0 : index
    tpu.barrier barrier_id(%barrier3A)
    %dma_start3A_67 = arith.constant 0 : i32
    %dma_start3A_68 = arith.constant 0 : i32
    %dma_start3A_69 = tpu.memref_slice %arg10[%dma_start3A_67, %dma_start3A_68] : memref<40x128xi32, #tpu.memory_space<vmem>> -> memref<1x128xi32, #tpu.memory_space<vmem>>
    %dma_start3A_70 = tpu.memref_squeeze %dma_start3A_69 : memref<1x128xi32, #tpu.memory_space<vmem>> -> memref<128xi32, #tpu.memory_space<vmem>>
    %dma_start3A_71 = arith.constant 0 : i32
    %dma_start3A_72 = arith.constant 0 : i32
    %dma_start3A_73 = tpu.memref_slice %arg5[%dma_start3A_71, %dma_start3A_72] : memref<163840x32xf32, #tpu.memory_space<hbm>> -> memref<163840x32xf32, #tpu.memory_space<hbm>>
    tpu.enqueue_indirect_dma source(%dma_start3A_73 : memref<163840x32xf32, #tpu.memory_space<hbm>>) target(%arg11 : memref<128x32xf32, #tpu.memory_space<vmem>>) offsets(%dma_start3A_70 : memref<128xi32, #tpu.memory_space<vmem>>) semaphore(%arg18 : memref<!tpu.dma_semaphore, #tpu.memory_space<semaphore_mem>>)
    %dma_start3A_74 = arith.constant 1 : i32
    %dma_start3A_75 = arith.constant 0 : i32
    %dma_start3A_76 = tpu.memref_slice %arg10[%dma_start3A_74, %dma_start3A_75] : memref<40x128xi32, #tpu.memory_space<vmem>> -> memref<1x128xi32, #tpu.memory_space<vmem>>
    %dma_start3A_77 = tpu.memref_squeeze %dma_start3A_76 : memref<1x128xi32, #tpu.memory_space<vmem>> -> memref<128xi32, #tpu.memory_space<vmem>>
    %dma_start3A_78 = arith.constant 0 : i32
    %dma_start3A_79 = arith.constant 0 : i32
    %dma_start3A_80 = tpu.memref_slice %arg5[%dma_start3A_78, %dma_start3A_79] : memref<163840x32xf32, #tpu.memory_space<hbm>> -> memref<163840x32xf32, #tpu.memory_space<hbm>>
    tpu.enqueue_indirect_dma source(%dma_start3A_80 : memref<163840x32xf32, #tpu.memory_space<hbm>>) target(%arg12 : memref<128x32xf32, #tpu.memory_space<vmem>>) offsets(%dma_start3A_77 : memref<128xi32, #tpu.memory_space<vmem>>) semaphore(%arg19 : memref<!tpu.dma_semaphore, #tpu.memory_space<semaphore_mem>>)
    %dma_start3A_81 = arith.constant 2 : i32
    %dma_start3A_82 = arith.constant 0 : i32
    %dma_start3A_83 = tpu.memref_slice %arg10[%dma_start3A_81, %dma_start3A_82] : memref<40x128xi32, #tpu.memory_space<vmem>> -> memref<1x128xi32, #tpu.memory_space<vmem>>
    %dma_start3A_84 = tpu.memref_squeeze %dma_start3A_83 : memref<1x128xi32, #tpu.memory_space<vmem>> -> memref<128xi32, #tpu.memory_space<vmem>>
    %dma_start3A_85 = arith.constant 0 : i32
    %dma_start3A_86 = arith.constant 0 : i32
    %dma_start3A_87 = tpu.memref_slice %arg5[%dma_start3A_85, %dma_start3A_86] : memref<163840x32xf32, #tpu.memory_space<hbm>> -> memref<163840x32xf32, #tpu.memory_space<hbm>>
    tpu.enqueue_indirect_dma source(%dma_start3A_87 : memref<163840x32xf32, #tpu.memory_space<hbm>>) target(%arg13 : memref<128x32xf32, #tpu.memory_space<vmem>>) offsets(%dma_start3A_84 : memref<128xi32, #tpu.memory_space<vmem>>) semaphore(%arg20 : memref<!tpu.dma_semaphore, #tpu.memory_space<semaphore_mem>>)
    %dma_start3A_88 = arith.constant 3 : i32
    %dma_start3A_89 = arith.constant 0 : i32
    %dma_start3A_90 = tpu.memref_slice %arg10[%dma_start3A_88, %dma_start3A_89] : memref<40x128xi32, #tpu.memory_space<vmem>> -> memref<1x128xi32, #tpu.memory_space<vmem>>
    %dma_start3A_91 = tpu.memref_squeeze %dma_start3A_90 : memref<1x128xi32, #tpu.memory_space<vmem>> -> memref<128xi32, #tpu.memory_space<vmem>>
    %dma_start3A_92 = arith.constant 0 : i32
    %dma_start3A_93 = arith.constant 0 : i32
    %dma_start3A_94 = tpu.memref_slice %arg5[%dma_start3A_92, %dma_start3A_93] : memref<163840x32xf32, #tpu.memory_space<hbm>> -> memref<163840x32xf32, #tpu.memory_space<hbm>>
    tpu.enqueue_indirect_dma source(%dma_start3A_94 : memref<163840x32xf32, #tpu.memory_space<hbm>>) target(%arg14 : memref<128x32xf32, #tpu.memory_space<vmem>>) offsets(%dma_start3A_91 : memref<128xi32, #tpu.memory_space<vmem>>) semaphore(%arg21 : memref<!tpu.dma_semaphore, #tpu.memory_space<semaphore_mem>>)
    %dma_start3A_95 = arith.constant 4 : i32
    %dma_start3A_96 = arith.constant 0 : i32
    %dma_start3A_97 = tpu.memref_slice %arg10[%dma_start3A_95, %dma_start3A_96] : memref<40x128xi32, #tpu.memory_space<vmem>> -> memref<1x128xi32, #tpu.memory_space<vmem>>
    %dma_start3A_98 = tpu.memref_squeeze %dma_start3A_97 : memref<1x128xi32, #tpu.memory_space<vmem>> -> memref<128xi32, #tpu.memory_space<vmem>>
    %dma_start3A_99 = arith.constant 0 : i32
    %dma_start3A_100 = arith.constant 0 : i32
    %dma_start3A_101 = tpu.memref_slice %arg5[%dma_start3A_99, %dma_start3A_100] : memref<163840x32xf32, #tpu.memory_space<hbm>> -> memref<163840x32xf32, #tpu.memory_space<hbm>>
    tpu.enqueue_indirect_dma source(%dma_start3A_101 : memref<163840x32xf32, #tpu.memory_space<hbm>>) target(%arg15 : memref<128x32xf32, #tpu.memory_space<vmem>>) offsets(%dma_start3A_98 : memref<128xi32, #tpu.memory_space<vmem>>) semaphore(%arg22 : memref<!tpu.dma_semaphore, #tpu.memory_space<semaphore_mem>>)
    %scan3A_102 = arith.constant 0 : i32
    %scan3A_103 = arith.constant 0 : i32
    %scan3A_104 = arith.constant 8 : i32
    %scan3A_105 = arith.addi %scan3A_103, %scan3A_104 : i32
    %scan3A_106 = arith.constant 1 : i32
    scf.for %scan3A_148 = %scan3A_103 to %scan3A_105 step %scan3A_106  : i32 {
      %mul3A_149 = arith.constant 5 : i32
      %mul3A_150 = arith.muli %scan3A_148, %mul3A_149 : i32
      %add3A_151 = arith.constant 0 : i32
      %add3A_152 = arith.addi %mul3A_150, %add3A_151 : i32
      %dma_wait3A_153 = arith.constant 0 : i32
      %dma_wait3A_154 = tpu.memref_slice %arg10[%add3A_152, %dma_wait3A_153] : memref<40x128xi32, #tpu.memory_space<vmem>> -> memref<1x128xi32, #tpu.memory_space<vmem>>
      %dma_wait3A_155 = tpu.memref_squeeze %dma_wait3A_154 : memref<1x128xi32, #tpu.memory_space<vmem>> -> memref<128xi32, #tpu.memory_space<vmem>>
      %dma_wait3A_156 = arith.constant 0 : i32
      %dma_wait3A_157 = arith.constant 0 : i32
      %dma_wait3A_158 = tpu.memref_slice %arg5[%dma_wait3A_156, %dma_wait3A_157] : memref<163840x32xf32, #tpu.memory_space<hbm>> -> memref<163840x32xf32, #tpu.memory_space<hbm>>
      tpu.wait_indirect_dma semaphore(%arg18 : memref<!tpu.dma_semaphore, #tpu.memory_space<semaphore_mem>>) src(%dma_wait3A_158 : memref<163840x32xf32, #tpu.memory_space<hbm>>) dst(%arg11 : memref<128x32xf32, #tpu.memory_space<vmem>>)
      %dma_start3A_159 = arith.constant 0 : i32
      %dma_start3A_160 = tpu.memref_slice %arg9[%add3A_152, %dma_start3A_159] : memref<40x128xi32, #tpu.memory_space<vmem>> -> memref<1x128xi32, #tpu.memory_space<vmem>>
      %dma_start3A_161 = tpu.memref_squeeze %dma_start3A_160 : memref<1x128xi32, #tpu.memory_space<vmem>> -> memref<128xi32, #tpu.memory_space<vmem>>
      %dma_start3A_162 = arith.constant 0 : i32
      %dma_start3A_163 = arith.constant 0 : i32
      %dma_start3A_164 = tpu.memref_slice %arg17[%dma_start3A_162, %dma_start3A_163] : memref<10368x32xf32, #tpu.memory_space<vmem_shared>> -> memref<10368x32xf32, #tpu.memory_space<vmem_shared>>
      tpu.enqueue_indirect_dma source(%arg11 : memref<128x32xf32, #tpu.memory_space<vmem>>) target(%dma_start3A_164 : memref<10368x32xf32, #tpu.memory_space<vmem_shared>>) offsets(%dma_start3A_161 : memref<128xi32, #tpu.memory_space<vmem>>) semaphore(%arg23 : memref<!tpu.dma_semaphore, #tpu.memory_space<semaphore_mem>>) {add = true}
      %lt3A = arith.constant 7 : i32
      %lt3A_165 = arith.cmpi slt, %scan3A_148, %lt3A : i32
      %convert_element_type3A = arith.extui %lt3A_165 : i1 to i32
      %cond3A = arith.constant 0 : i32
      %cond3A_166 = arith.cmpi ne, %convert_element_type3A, %cond3A : i32
      scf.if %cond3A_166 {
        %dma_wait3A_251 = arith.constant 0 : i32
        %dma_wait3A_252 = tpu.memref_slice %arg9[%add3A_152, %dma_wait3A_251] : memref<40x128xi32, #tpu.memory_space<vmem>> -> memref<1x128xi32, #tpu.memory_space<vmem>>
        %dma_wait3A_253 = tpu.memref_squeeze %dma_wait3A_252 : memref<1x128xi32, #tpu.memory_space<vmem>> -> memref<128xi32, #tpu.memory_space<vmem>>
        %dma_wait3A_254 = arith.constant 0 : i32
        %dma_wait3A_255 = arith.constant 0 : i32
        %dma_wait3A_256 = tpu.memref_slice %arg17[%dma_wait3A_254, %dma_wait3A_255] : memref<10368x32xf32, #tpu.memory_space<vmem_shared>> -> memref<10368x32xf32, #tpu.memory_space<vmem_shared>>
        tpu.wait_indirect_dma semaphore(%arg23 : memref<!tpu.dma_semaphore, #tpu.memory_space<semaphore_mem>>) src(%arg11 : memref<128x32xf32, #tpu.memory_space<vmem>>) dst(%dma_wait3A_256 : memref<10368x32xf32, #tpu.memory_space<vmem_shared>>)
        %add3A_257 = arith.constant 5 : i32
        %add3A_258 = arith.addi %add3A_152, %add3A_257 : i32
        %dma_start3A_259 = arith.constant 0 : i32
        %dma_start3A_260 = tpu.memref_slice %arg10[%add3A_258, %dma_start3A_259] : memref<40x128xi32, #tpu.memory_space<vmem>> -> memref<1x128xi32, #tpu.memory_space<vmem>>
        %dma_start3A_261 = tpu.memref_squeeze %dma_start3A_260 : memref<1x128xi32, #tpu.memory_space<vmem>> -> memref<128xi32, #tpu.memory_space<vmem>>
        %dma_start3A_262 = arith.constant 0 : i32
        %dma_start3A_263 = arith.constant 0 : i32
        %dma_start3A_264 = tpu.memref_slice %arg5[%dma_start3A_262, %dma_start3A_263] : memref<163840x32xf32, #tpu.memory_space<hbm>> -> memref<163840x32xf32, #tpu.memory_space<hbm>>
        tpu.enqueue_indirect_dma source(%dma_start3A_264 : memref<163840x32xf32, #tpu.memory_space<hbm>>) target(%arg11 : memref<128x32xf32, #tpu.memory_space<vmem>>) offsets(%dma_start3A_261 : memref<128xi32, #tpu.memory_space<vmem>>) semaphore(%arg18 : memref<!tpu.dma_semaphore, #tpu.memory_space<semaphore_mem>>)
      } else {
      }
      %mul3A_167 = arith.constant 5 : i32
      %mul3A_168 = arith.muli %scan3A_148, %mul3A_167 : i32
      %add3A_169 = arith.constant 1 : i32
      %add3A_170 = arith.addi %mul3A_168, %add3A_169 : i32
      %dma_wait3A_171 = arith.constant 0 : i32
      %dma_wait3A_172 = tpu.memref_slice %arg10[%add3A_170, %dma_wait3A_171] : memref<40x128xi32, #tpu.memory_space<vmem>> -> memref<1x128xi32, #tpu.memory_space<vmem>>
      %dma_wait3A_173 = tpu.memref_squeeze %dma_wait3A_172 : memref<1x128xi32, #tpu.memory_space<vmem>> -> memref<128xi32, #tpu.memory_space<vmem>>
      %dma_wait3A_174 = arith.constant 0 : i32
      %dma_wait3A_175 = arith.constant 0 : i32
      %dma_wait3A_176 = tpu.memref_slice %arg5[%dma_wait3A_174, %dma_wait3A_175] : memref<163840x32xf32, #tpu.memory_space<hbm>> -> memref<163840x32xf32, #tpu.memory_space<hbm>>
      tpu.wait_indirect_dma semaphore(%arg19 : memref<!tpu.dma_semaphore, #tpu.memory_space<semaphore_mem>>) src(%dma_wait3A_176 : memref<163840x32xf32, #tpu.memory_space<hbm>>) dst(%arg12 : memref<128x32xf32, #tpu.memory_space<vmem>>)
      %dma_start3A_177 = arith.constant 0 : i32
      %dma_start3A_178 = tpu.memref_slice %arg9[%add3A_170, %dma_start3A_177] : memref<40x128xi32, #tpu.memory_space<vmem>> -> memref<1x128xi32, #tpu.memory_space<vmem>>
      %dma_start3A_179 = tpu.memref_squeeze %dma_start3A_178 : memref<1x128xi32, #tpu.memory_space<vmem>> -> memref<128xi32, #tpu.memory_space<vmem>>
      %dma_start3A_180 = arith.constant 0 : i32
      %dma_start3A_181 = arith.constant 0 : i32
      %dma_start3A_182 = tpu.memref_slice %arg17[%dma_start3A_180, %dma_start3A_181] : memref<10368x32xf32, #tpu.memory_space<vmem_shared>> -> memref<10368x32xf32, #tpu.memory_space<vmem_shared>>
      tpu.enqueue_indirect_dma source(%arg12 : memref<128x32xf32, #tpu.memory_space<vmem>>) target(%dma_start3A_182 : memref<10368x32xf32, #tpu.memory_space<vmem_shared>>) offsets(%dma_start3A_179 : memref<128xi32, #tpu.memory_space<vmem>>) semaphore(%arg24 : memref<!tpu.dma_semaphore, #tpu.memory_space<semaphore_mem>>) {add = true}
      %lt3A_183 = arith.constant 7 : i32
      %lt3A_184 = arith.cmpi slt, %scan3A_148, %lt3A_183 : i32
      %convert_element_type3A_185 = arith.extui %lt3A_184 : i1 to i32
      %cond3A_186 = arith.constant 0 : i32
      %cond3A_187 = arith.cmpi ne, %convert_element_type3A_185, %cond3A_186 : i32
      scf.if %cond3A_187 {
        %dma_wait3A_251 = arith.constant 0 : i32
        %dma_wait3A_252 = tpu.memref_slice %arg9[%add3A_170, %dma_wait3A_251] : memref<40x128xi32, #tpu.memory_space<vmem>> -> memref<1x128xi32, #tpu.memory_space<vmem>>
        %dma_wait3A_253 = tpu.memref_squeeze %dma_wait3A_252 : memref<1x128xi32, #tpu.memory_space<vmem>> -> memref<128xi32, #tpu.memory_space<vmem>>
        %dma_wait3A_254 = arith.constant 0 : i32
        %dma_wait3A_255 = arith.constant 0 : i32
        %dma_wait3A_256 = tpu.memref_slice %arg17[%dma_wait3A_254, %dma_wait3A_255] : memref<10368x32xf32, #tpu.memory_space<vmem_shared>> -> memref<10368x32xf32, #tpu.memory_space<vmem_shared>>
        tpu.wait_indirect_dma semaphore(%arg24 : memref<!tpu.dma_semaphore, #tpu.memory_space<semaphore_mem>>) src(%arg12 : memref<128x32xf32, #tpu.memory_space<vmem>>) dst(%dma_wait3A_256 : memref<10368x32xf32, #tpu.memory_space<vmem_shared>>)
        %add3A_257 = arith.constant 5 : i32
        %add3A_258 = arith.addi %add3A_170, %add3A_257 : i32
        %dma_start3A_259 = arith.constant 0 : i32
        %dma_start3A_260 = tpu.memref_slice %arg10[%add3A_258, %dma_start3A_259] : memref<40x128xi32, #tpu.memory_space<vmem>> -> memref<1x128xi32, #tpu.memory_space<vmem>>
        %dma_start3A_261 = tpu.memref_squeeze %dma_start3A_260 : memref<1x128xi32, #tpu.memory_space<vmem>> -> memref<128xi32, #tpu.memory_space<vmem>>
        %dma_start3A_262 = arith.constant 0 : i32
        %dma_start3A_263 = arith.constant 0 : i32
        %dma_start3A_264 = tpu.memref_slice %arg5[%dma_start3A_262, %dma_start3A_263] : memref<163840x32xf32, #tpu.memory_space<hbm>> -> memref<163840x32xf32, #tpu.memory_space<hbm>>
        tpu.enqueue_indirect_dma source(%dma_start3A_264 : memref<163840x32xf32, #tpu.memory_space<hbm>>) target(%arg12 : memref<128x32xf32, #tpu.memory_space<vmem>>) offsets(%dma_start3A_261 : memref<128xi32, #tpu.memory_space<vmem>>) semaphore(%arg19 : memref<!tpu.dma_semaphore, #tpu.memory_space<semaphore_mem>>)
      } else {
      }
      %mul3A_188 = arith.constant 5 : i32
      %mul3A_189 = arith.muli %scan3A_148, %mul3A_188 : i32
      %add3A_190 = arith.constant 2 : i32
      %add3A_191 = arith.addi %mul3A_189, %add3A_190 : i32
      %dma_wait3A_192 = arith.constant 0 : i32
      %dma_wait3A_193 = tpu.memref_slice %arg10[%add3A_191, %dma_wait3A_192] : memref<40x128xi32, #tpu.memory_space<vmem>> -> memref<1x128xi32, #tpu.memory_space<vmem>>
      %dma_wait3A_194 = tpu.memref_squeeze %dma_wait3A_193 : memref<1x128xi32, #tpu.memory_space<vmem>> -> memref<128xi32, #tpu.memory_space<vmem>>
      %dma_wait3A_195 = arith.constant 0 : i32
      %dma_wait3A_196 = arith.constant 0 : i32
      %dma_wait3A_197 = tpu.memref_slice %arg5[%dma_wait3A_195, %dma_wait3A_196] : memref<163840x32xf32, #tpu.memory_space<hbm>> -> memref<163840x32xf32, #tpu.memory_space<hbm>>
      tpu.wait_indirect_dma semaphore(%arg20 : memref<!tpu.dma_semaphore, #tpu.memory_space<semaphore_mem>>) src(%dma_wait3A_197 : memref<163840x32xf32, #tpu.memory_space<hbm>>) dst(%arg13 : memref<128x32xf32, #tpu.memory_space<vmem>>)
      %dma_start3A_198 = arith.constant 0 : i32
      %dma_start3A_199 = tpu.memref_slice %arg9[%add3A_191, %dma_start3A_198] : memref<40x128xi32, #tpu.memory_space<vmem>> -> memref<1x128xi32, #tpu.memory_space<vmem>>
      %dma_start3A_200 = tpu.memref_squeeze %dma_start3A_199 : memref<1x128xi32, #tpu.memory_space<vmem>> -> memref<128xi32, #tpu.memory_space<vmem>>
      %dma_start3A_201 = arith.constant 0 : i32
      %dma_start3A_202 = arith.constant 0 : i32
      %dma_start3A_203 = tpu.memref_slice %arg17[%dma_start3A_201, %dma_start3A_202] : memref<10368x32xf32, #tpu.memory_space<vmem_shared>> -> memref<10368x32xf32, #tpu.memory_space<vmem_shared>>
      tpu.enqueue_indirect_dma source(%arg13 : memref<128x32xf32, #tpu.memory_space<vmem>>) target(%dma_start3A_203 : memref<10368x32xf32, #tpu.memory_space<vmem_shared>>) offsets(%dma_start3A_200 : memref<128xi32, #tpu.memory_space<vmem>>) semaphore(%arg25 : memref<!tpu.dma_semaphore, #tpu.memory_space<semaphore_mem>>) {add = true}
      %lt3A_204 = arith.constant 7 : i32
      %lt3A_205 = arith.cmpi slt, %scan3A_148, %lt3A_204 : i32
      %convert_element_type3A_206 = arith.extui %lt3A_205 : i1 to i32
      %cond3A_207 = arith.constant 0 : i32
      %cond3A_208 = arith.cmpi ne, %convert_element_type3A_206, %cond3A_207 : i32
      scf.if %cond3A_208 {
        %dma_wait3A_251 = arith.constant 0 : i32
        %dma_wait3A_252 = tpu.memref_slice %arg9[%add3A_191, %dma_wait3A_251] : memref<40x128xi32, #tpu.memory_space<vmem>> -> memref<1x128xi32, #tpu.memory_space<vmem>>
        %dma_wait3A_253 = tpu.memref_squeeze %dma_wait3A_252 : memref<1x128xi32, #tpu.memory_space<vmem>> -> memref<128xi32, #tpu.memory_space<vmem>>
        %dma_wait3A_254 = arith.constant 0 : i32
        %dma_wait3A_255 = arith.constant 0 : i32
        %dma_wait3A_256 = tpu.memref_slice %arg17[%dma_wait3A_254, %dma_wait3A_255] : memref<10368x32xf32, #tpu.memory_space<vmem_shared>> -> memref<10368x32xf32, #tpu.memory_space<vmem_shared>>
        tpu.wait_indirect_dma semaphore(%arg25 : memref<!tpu.dma_semaphore, #tpu.memory_space<semaphore_mem>>) src(%arg13 : memref<128x32xf32, #tpu.memory_space<vmem>>) dst(%dma_wait3A_256 : memref<10368x32xf32, #tpu.memory_space<vmem_shared>>)
        %add3A_257 = arith.constant 5 : i32
        %add3A_258 = arith.addi %add3A_191, %add3A_257 : i32
        %dma_start3A_259 = arith.constant 0 : i32
        %dma_start3A_260 = tpu.memref_slice %arg10[%add3A_258, %dma_start3A_259] : memref<40x128xi32, #tpu.memory_space<vmem>> -> memref<1x128xi32, #tpu.memory_space<vmem>>
        %dma_start3A_261 = tpu.memref_squeeze %dma_start3A_260 : memref<1x128xi32, #tpu.memory_space<vmem>> -> memref<128xi32, #tpu.memory_space<vmem>>
        %dma_start3A_262 = arith.constant 0 : i32
        %dma_start3A_263 = arith.constant 0 : i32
        %dma_start3A_264 = tpu.memref_slice %arg5[%dma_start3A_262, %dma_start3A_263] : memref<163840x32xf32, #tpu.memory_space<hbm>> -> memref<163840x32xf32, #tpu.memory_space<hbm>>
        tpu.enqueue_indirect_dma source(%dma_start3A_264 : memref<163840x32xf32, #tpu.memory_space<hbm>>) target(%arg13 : memref<128x32xf32, #tpu.memory_space<vmem>>) offsets(%dma_start3A_261 : memref<128xi32, #tpu.memory_space<vmem>>) semaphore(%arg20 : memref<!tpu.dma_semaphore, #tpu.memory_space<semaphore_mem>>)
      } else {
      }
      %mul3A_209 = arith.constant 5 : i32
      %mul3A_210 = arith.muli %scan3A_148, %mul3A_209 : i32
      %add3A_211 = arith.constant 3 : i32
      %add3A_212 = arith.addi %mul3A_210, %add3A_211 : i32
      %dma_wait3A_213 = arith.constant 0 : i32
      %dma_wait3A_214 = tpu.memref_slice %arg10[%add3A_212, %dma_wait3A_213] : memref<40x128xi32, #tpu.memory_space<vmem>> -> memref<1x128xi32, #tpu.memory_space<vmem>>
      %dma_wait3A_215 = tpu.memref_squeeze %dma_wait3A_214 : memref<1x128xi32, #tpu.memory_space<vmem>> -> memref<128xi32, #tpu.memory_space<vmem>>
      %dma_wait3A_216 = arith.constant 0 : i32
      %dma_wait3A_217 = arith.constant 0 : i32
      %dma_wait3A_218 = tpu.memref_slice %arg5[%dma_wait3A_216, %dma_wait3A_217] : memref<163840x32xf32, #tpu.memory_space<hbm>> -> memref<163840x32xf32, #tpu.memory_space<hbm>>
      tpu.wait_indirect_dma semaphore(%arg21 : memref<!tpu.dma_semaphore, #tpu.memory_space<semaphore_mem>>) src(%dma_wait3A_218 : memref<163840x32xf32, #tpu.memory_space<hbm>>) dst(%arg14 : memref<128x32xf32, #tpu.memory_space<vmem>>)
      %dma_start3A_219 = arith.constant 0 : i32
      %dma_start3A_220 = tpu.memref_slice %arg9[%add3A_212, %dma_start3A_219] : memref<40x128xi32, #tpu.memory_space<vmem>> -> memref<1x128xi32, #tpu.memory_space<vmem>>
      %dma_start3A_221 = tpu.memref_squeeze %dma_start3A_220 : memref<1x128xi32, #tpu.memory_space<vmem>> -> memref<128xi32, #tpu.memory_space<vmem>>
      %dma_start3A_222 = arith.constant 0 : i32
      %dma_start3A_223 = arith.constant 0 : i32
      %dma_start3A_224 = tpu.memref_slice %arg17[%dma_start3A_222, %dma_start3A_223] : memref<10368x32xf32, #tpu.memory_space<vmem_shared>> -> memref<10368x32xf32, #tpu.memory_space<vmem_shared>>
      tpu.enqueue_indirect_dma source(%arg14 : memref<128x32xf32, #tpu.memory_space<vmem>>) target(%dma_start3A_224 : memref<10368x32xf32, #tpu.memory_space<vmem_shared>>) offsets(%dma_start3A_221 : memref<128xi32, #tpu.memory_space<vmem>>) semaphore(%arg26 : memref<!tpu.dma_semaphore, #tpu.memory_space<semaphore_mem>>) {add = true}
      %lt3A_225 = arith.constant 7 : i32
      %lt3A_226 = arith.cmpi slt, %scan3A_148, %lt3A_225 : i32
      %convert_element_type3A_227 = arith.extui %lt3A_226 : i1 to i32
      %cond3A_228 = arith.constant 0 : i32
      %cond3A_229 = arith.cmpi ne, %convert_element_type3A_227, %cond3A_228 : i32
      scf.if %cond3A_229 {
        %dma_wait3A_251 = arith.constant 0 : i32
        %dma_wait3A_252 = tpu.memref_slice %arg9[%add3A_212, %dma_wait3A_251] : memref<40x128xi32, #tpu.memory_space<vmem>> -> memref<1x128xi32, #tpu.memory_space<vmem>>
        %dma_wait3A_253 = tpu.memref_squeeze %dma_wait3A_252 : memref<1x128xi32, #tpu.memory_space<vmem>> -> memref<128xi32, #tpu.memory_space<vmem>>
        %dma_wait3A_254 = arith.constant 0 : i32
        %dma_wait3A_255 = arith.constant 0 : i32
        %dma_wait3A_256 = tpu.memref_slice %arg17[%dma_wait3A_254, %dma_wait3A_255] : memref<10368x32xf32, #tpu.memory_space<vmem_shared>> -> memref<10368x32xf32, #tpu.memory_space<vmem_shared>>
        tpu.wait_indirect_dma semaphore(%arg26 : memref<!tpu.dma_semaphore, #tpu.memory_space<semaphore_mem>>) src(%arg14 : memref<128x32xf32, #tpu.memory_space<vmem>>) dst(%dma_wait3A_256 : memref<10368x32xf32, #tpu.memory_space<vmem_shared>>)
        %add3A_257 = arith.constant 5 : i32
        %add3A_258 = arith.addi %add3A_212, %add3A_257 : i32
        %dma_start3A_259 = arith.constant 0 : i32
        %dma_start3A_260 = tpu.memref_slice %arg10[%add3A_258, %dma_start3A_259] : memref<40x128xi32, #tpu.memory_space<vmem>> -> memref<1x128xi32, #tpu.memory_space<vmem>>
        %dma_start3A_261 = tpu.memref_squeeze %dma_start3A_260 : memref<1x128xi32, #tpu.memory_space<vmem>> -> memref<128xi32, #tpu.memory_space<vmem>>
        %dma_start3A_262 = arith.constant 0 : i32
        %dma_start3A_263 = arith.constant 0 : i32
        %dma_start3A_264 = tpu.memref_slice %arg5[%dma_start3A_262, %dma_start3A_263] : memref<163840x32xf32, #tpu.memory_space<hbm>> -> memref<163840x32xf32, #tpu.memory_space<hbm>>
        tpu.enqueue_indirect_dma source(%dma_start3A_264 : memref<163840x32xf32, #tpu.memory_space<hbm>>) target(%arg14 : memref<128x32xf32, #tpu.memory_space<vmem>>) offsets(%dma_start3A_261 : memref<128xi32, #tpu.memory_space<vmem>>) semaphore(%arg21 : memref<!tpu.dma_semaphore, #tpu.memory_space<semaphore_mem>>)
      } else {
      }
      %mul3A_230 = arith.constant 5 : i32
      %mul3A_231 = arith.muli %scan3A_148, %mul3A_230 : i32
      %add3A_232 = arith.constant 4 : i32
      %add3A_233 = arith.addi %mul3A_231, %add3A_232 : i32
      %dma_wait3A_234 = arith.constant 0 : i32
      %dma_wait3A_235 = tpu.memref_slice %arg10[%add3A_233, %dma_wait3A_234] : memref<40x128xi32, #tpu.memory_space<vmem>> -> memref<1x128xi32, #tpu.memory_space<vmem>>
      %dma_wait3A_236 = tpu.memref_squeeze %dma_wait3A_235 : memref<1x128xi32, #tpu.memory_space<vmem>> -> memref<128xi32, #tpu.memory_space<vmem>>
      %dma_wait3A_237 = arith.constant 0 : i32
      %dma_wait3A_238 = arith.constant 0 : i32
      %dma_wait3A_239 = tpu.memref_slice %arg5[%dma_wait3A_237, %dma_wait3A_238] : memref<163840x32xf32, #tpu.memory_space<hbm>> -> memref<163840x32xf32, #tpu.memory_space<hbm>>
      tpu.wait_indirect_dma semaphore(%arg22 : memref<!tpu.dma_semaphore, #tpu.memory_space<semaphore_mem>>) src(%dma_wait3A_239 : memref<163840x32xf32, #tpu.memory_space<hbm>>) dst(%arg15 : memref<128x32xf32, #tpu.memory_space<vmem>>)
      %dma_start3A_240 = arith.constant 0 : i32
      %dma_start3A_241 = tpu.memref_slice %arg9[%add3A_233, %dma_start3A_240] : memref<40x128xi32, #tpu.memory_space<vmem>> -> memref<1x128xi32, #tpu.memory_space<vmem>>
      %dma_start3A_242 = tpu.memref_squeeze %dma_start3A_241 : memref<1x128xi32, #tpu.memory_space<vmem>> -> memref<128xi32, #tpu.memory_space<vmem>>
      %dma_start3A_243 = arith.constant 0 : i32
      %dma_start3A_244 = arith.constant 0 : i32
      %dma_start3A_245 = tpu.memref_slice %arg17[%dma_start3A_243, %dma_start3A_244] : memref<10368x32xf32, #tpu.memory_space<vmem_shared>> -> memref<10368x32xf32, #tpu.memory_space<vmem_shared>>
      tpu.enqueue_indirect_dma source(%arg15 : memref<128x32xf32, #tpu.memory_space<vmem>>) target(%dma_start3A_245 : memref<10368x32xf32, #tpu.memory_space<vmem_shared>>) offsets(%dma_start3A_242 : memref<128xi32, #tpu.memory_space<vmem>>) semaphore(%arg27 : memref<!tpu.dma_semaphore, #tpu.memory_space<semaphore_mem>>) {add = true}
      %lt3A_246 = arith.constant 7 : i32
      %lt3A_247 = arith.cmpi slt, %scan3A_148, %lt3A_246 : i32
      %convert_element_type3A_248 = arith.extui %lt3A_247 : i1 to i32
      %cond3A_249 = arith.constant 0 : i32
      %cond3A_250 = arith.cmpi ne, %convert_element_type3A_248, %cond3A_249 : i32
      scf.if %cond3A_250 {
        %dma_wait3A_251 = arith.constant 0 : i32
        %dma_wait3A_252 = tpu.memref_slice %arg9[%add3A_233, %dma_wait3A_251] : memref<40x128xi32, #tpu.memory_space<vmem>> -> memref<1x128xi32, #tpu.memory_space<vmem>>
        %dma_wait3A_253 = tpu.memref_squeeze %dma_wait3A_252 : memref<1x128xi32, #tpu.memory_space<vmem>> -> memref<128xi32, #tpu.memory_space<vmem>>
        %dma_wait3A_254 = arith.constant 0 : i32
        %dma_wait3A_255 = arith.constant 0 : i32
        %dma_wait3A_256 = tpu.memref_slice %arg17[%dma_wait3A_254, %dma_wait3A_255] : memref<10368x32xf32, #tpu.memory_space<vmem_shared>> -> memref<10368x32xf32, #tpu.memory_space<vmem_shared>>
        tpu.wait_indirect_dma semaphore(%arg27 : memref<!tpu.dma_semaphore, #tpu.memory_space<semaphore_mem>>) src(%arg15 : memref<128x32xf32, #tpu.memory_space<vmem>>) dst(%dma_wait3A_256 : memref<10368x32xf32, #tpu.memory_space<vmem_shared>>)
        %add3A_257 = arith.constant 5 : i32
        %add3A_258 = arith.addi %add3A_233, %add3A_257 : i32
        %dma_start3A_259 = arith.constant 0 : i32
        %dma_start3A_260 = tpu.memref_slice %arg10[%add3A_258, %dma_start3A_259] : memref<40x128xi32, #tpu.memory_space<vmem>> -> memref<1x128xi32, #tpu.memory_space<vmem>>
        %dma_start3A_261 = tpu.memref_squeeze %dma_start3A_260 : memref<1x128xi32, #tpu.memory_space<vmem>> -> memref<128xi32, #tpu.memory_space<vmem>>
        %dma_start3A_262 = arith.constant 0 : i32
        %dma_start3A_263 = arith.constant 0 : i32
        %dma_start3A_264 = tpu.memref_slice %arg5[%dma_start3A_262, %dma_start3A_263] : memref<163840x32xf32, #tpu.memory_space<hbm>> -> memref<163840x32xf32, #tpu.memory_space<hbm>>
        tpu.enqueue_indirect_dma source(%dma_start3A_264 : memref<163840x32xf32, #tpu.memory_space<hbm>>) target(%arg15 : memref<128x32xf32, #tpu.memory_space<vmem>>) offsets(%dma_start3A_261 : memref<128xi32, #tpu.memory_space<vmem>>) semaphore(%arg22 : memref<!tpu.dma_semaphore, #tpu.memory_space<semaphore_mem>>)
      } else {
      }
    }
    %scan3A_107 = arith.constant 8 : i32
    %dma_wait3A_108 = arith.constant 35 : i32
    %dma_wait3A_109 = arith.constant 0 : i32
    %dma_wait3A_110 = tpu.memref_slice %arg9[%dma_wait3A_108, %dma_wait3A_109] : memref<40x128xi32, #tpu.memory_space<vmem>> -> memref<1x128xi32, #tpu.memory_space<vmem>>
    %dma_wait3A_111 = tpu.memref_squeeze %dma_wait3A_110 : memref<1x128xi32, #tpu.memory_space<vmem>> -> memref<128xi32, #tpu.memory_space<vmem>>
    %dma_wait3A_112 = arith.constant 0 : i32
    %dma_wait3A_113 = arith.constant 0 : i32
    %dma_wait3A_114 = tpu.memref_slice %arg17[%dma_wait3A_112, %dma_wait3A_113] : memref<10368x32xf32, #tpu.memory_space<vmem_shared>> -> memref<10368x32xf32, #tpu.memory_space<vmem_shared>>
    tpu.wait_indirect_dma semaphore(%arg23 : memref<!tpu.dma_semaphore, #tpu.memory_space<semaphore_mem>>) src(%arg11 : memref<128x32xf32, #tpu.memory_space<vmem>>) dst(%dma_wait3A_114 : memref<10368x32xf32, #tpu.memory_space<vmem_shared>>)
    %dma_wait3A_115 = arith.constant 36 : i32
    %dma_wait3A_116 = arith.constant 0 : i32
    %dma_wait3A_117 = tpu.memref_slice %arg9[%dma_wait3A_115, %dma_wait3A_116] : memref<40x128xi32, #tpu.memory_space<vmem>> -> memref<1x128xi32, #tpu.memory_space<vmem>>
    %dma_wait3A_118 = tpu.memref_squeeze %dma_wait3A_117 : memref<1x128xi32, #tpu.memory_space<vmem>> -> memref<128xi32, #tpu.memory_space<vmem>>
    %dma_wait3A_119 = arith.constant 0 : i32
    %dma_wait3A_120 = arith.constant 0 : i32
    %dma_wait3A_121 = tpu.memref_slice %arg17[%dma_wait3A_119, %dma_wait3A_120] : memref<10368x32xf32, #tpu.memory_space<vmem_shared>> -> memref<10368x32xf32, #tpu.memory_space<vmem_shared>>
    tpu.wait_indirect_dma semaphore(%arg24 : memref<!tpu.dma_semaphore, #tpu.memory_space<semaphore_mem>>) src(%arg12 : memref<128x32xf32, #tpu.memory_space<vmem>>) dst(%dma_wait3A_121 : memref<10368x32xf32, #tpu.memory_space<vmem_shared>>)
    %dma_wait3A_122 = arith.constant 37 : i32
    %dma_wait3A_123 = arith.constant 0 : i32
    %dma_wait3A_124 = tpu.memref_slice %arg9[%dma_wait3A_122, %dma_wait3A_123] : memref<40x128xi32, #tpu.memory_space<vmem>> -> memref<1x128xi32, #tpu.memory_space<vmem>>
    %dma_wait3A_125 = tpu.memref_squeeze %dma_wait3A_124 : memref<1x128xi32, #tpu.memory_space<vmem>> -> memref<128xi32, #tpu.memory_space<vmem>>
    %dma_wait3A_126 = arith.constant 0 : i32
    %dma_wait3A_127 = arith.constant 0 : i32
    %dma_wait3A_128 = tpu.memref_slice %arg17[%dma_wait3A_126, %dma_wait3A_127] : memref<10368x32xf32, #tpu.memory_space<vmem_shared>> -> memref<10368x32xf32, #tpu.memory_space<vmem_shared>>
    tpu.wait_indirect_dma semaphore(%arg25 : memref<!tpu.dma_semaphore, #tpu.memory_space<semaphore_mem>>) src(%arg13 : memref<128x32xf32, #tpu.memory_space<vmem>>) dst(%dma_wait3A_128 : memref<10368x32xf32, #tpu.memory_space<vmem_shared>>)
    %dma_wait3A_129 = arith.constant 38 : i32
    %dma_wait3A_130 = arith.constant 0 : i32
    %dma_wait3A_131 = tpu.memref_slice %arg9[%dma_wait3A_129, %dma_wait3A_130] : memref<40x128xi32, #tpu.memory_space<vmem>> -> memref<1x128xi32, #tpu.memory_space<vmem>>
    %dma_wait3A_132 = tpu.memref_squeeze %dma_wait3A_131 : memref<1x128xi32, #tpu.memory_space<vmem>> -> memref<128xi32, #tpu.memory_space<vmem>>
    %dma_wait3A_133 = arith.constant 0 : i32
    %dma_wait3A_134 = arith.constant 0 : i32
    %dma_wait3A_135 = tpu.memref_slice %arg17[%dma_wait3A_133, %dma_wait3A_134] : memref<10368x32xf32, #tpu.memory_space<vmem_shared>> -> memref<10368x32xf32, #tpu.memory_space<vmem_shared>>
    tpu.wait_indirect_dma semaphore(%arg26 : memref<!tpu.dma_semaphore, #tpu.memory_space<semaphore_mem>>) src(%arg14 : memref<128x32xf32, #tpu.memory_space<vmem>>) dst(%dma_wait3A_135 : memref<10368x32xf32, #tpu.memory_space<vmem_shared>>)
    %dma_wait3A_136 = arith.constant 39 : i32
    %dma_wait3A_137 = arith.constant 0 : i32
    %dma_wait3A_138 = tpu.memref_slice %arg9[%dma_wait3A_136, %dma_wait3A_137] : memref<40x128xi32, #tpu.memory_space<vmem>> -> memref<1x128xi32, #tpu.memory_space<vmem>>
    %dma_wait3A_139 = tpu.memref_squeeze %dma_wait3A_138 : memref<1x128xi32, #tpu.memory_space<vmem>> -> memref<128xi32, #tpu.memory_space<vmem>>
    %dma_wait3A_140 = arith.constant 0 : i32
    %dma_wait3A_141 = arith.constant 0 : i32
    %dma_wait3A_142 = tpu.memref_slice %arg17[%dma_wait3A_140, %dma_wait3A_141] : memref<10368x32xf32, #tpu.memory_space<vmem_shared>> -> memref<10368x32xf32, #tpu.memory_space<vmem_shared>>
    tpu.wait_indirect_dma semaphore(%arg27 : memref<!tpu.dma_semaphore, #tpu.memory_space<semaphore_mem>>) src(%arg15 : memref<128x32xf32, #tpu.memory_space<vmem>>) dst(%dma_wait3A_142 : memref<10368x32xf32, #tpu.memory_space<vmem_shared>>)
    %barrier3A_143 = arith.constant 0 : index
    tpu.barrier barrier_id(%barrier3A_143)
    %mul3A_144 = arith.constant 648 : i32
    %mul3A_145 = arith.muli %arg1, %mul3A_144 : i32
    "tpu.region"() ({
      %run_scoped3A = tpu.sem_alloc : memref<!tpu.dma_semaphore, #tpu.memory_space<semaphore_mem>>
      %dma_start3A_148 = arith.constant 0 : i32
      %dma_start3A_149 = tpu.memref_slice %arg17[%mul3A_145, %dma_start3A_148] : memref<10368x32xf32, #tpu.memory_space<vmem_shared>> -> memref<648x32xf32, #tpu.memory_space<vmem_shared>>
      %dma_start3A_150 = arith.constant 0 : i32
      %dma_start3A_151 = tpu.memref_slice %arg17[%mul3A_145, %dma_start3A_150] : memref<10368x32xf32, #tpu.memory_space<vmem_shared>> -> memref<648x32xf32, #tpu.memory_space<vmem_shared>>
      tpu.enqueue_dma source(%dma_start3A_151 : memref<648x32xf32, #tpu.memory_space<vmem_shared>>) target(%arg16 : memref<648x32xf32, #tpu.memory_space<vmem>>) target_semaphore(%run_scoped3A : memref<!tpu.dma_semaphore, #tpu.memory_space<semaphore_mem>>)
      %dma_wait3A_152 = arith.constant 0 : i32
      %dma_wait3A_153 = tpu.memref_slice %arg17[%mul3A_145, %dma_wait3A_152] : memref<10368x32xf32, #tpu.memory_space<vmem_shared>> -> memref<648x32xf32, #tpu.memory_space<vmem_shared>>
      %dma_wait3A_154 = arith.constant 0 : i32
      %dma_wait3A_155 = tpu.memref_slice %arg17[%mul3A_145, %dma_wait3A_154] : memref<10368x32xf32, #tpu.memory_space<vmem_shared>> -> memref<648x32xf32, #tpu.memory_space<vmem_shared>>
      tpu.wait_dma2 semaphore(%run_scoped3A : memref<!tpu.dma_semaphore, #tpu.memory_space<semaphore_mem>>) src(%dma_wait3A_155 : memref<648x32xf32, #tpu.memory_space<vmem_shared>>) dst(%arg16 : memref<648x32xf32, #tpu.memory_space<vmem>>)
      tpu.yield
    }) : () -> ()
    %mul3A_146 = arith.constant 648 : i32
    %mul3A_147 = arith.muli %arg1, %mul3A_146 : i32
    "tpu.region"() ({
      %run_scoped3A = tpu.sem_alloc : memref<!tpu.dma_semaphore, #tpu.memory_space<semaphore_mem>>
      %dma_start3A_148 = arith.constant 0 : i32
      %dma_start3A_149 = tpu.memref_slice %arg6[%arg0, %mul3A_147, %dma_start3A_148] : memref<2x10368x32xf32, #tpu.memory_space<hbm>> -> memref<1x648x32xf32, #tpu.memory_space<hbm>>
      %dma_start3A_150 = tpu.memref_squeeze %dma_start3A_149 : memref<1x648x32xf32, #tpu.memory_space<hbm>> -> memref<648x32xf32, #tpu.memory_space<hbm>>
      %dma_start3A_151 = arith.constant 0 : i32
      %dma_start3A_152 = tpu.memref_slice %arg6[%arg0, %mul3A_147, %dma_start3A_151] : memref<2x10368x32xf32, #tpu.memory_space<hbm>> -> memref<1x648x32xf32, #tpu.memory_space<hbm>>
      %dma_start3A_153 = tpu.memref_squeeze %dma_start3A_152 : memref<1x648x32xf32, #tpu.memory_space<hbm>> -> memref<648x32xf32, #tpu.memory_space<hbm>>
      tpu.enqueue_dma source(%arg16 : memref<648x32xf32, #tpu.memory_space<vmem>>) target(%dma_start3A_153 : memref<648x32xf32, #tpu.memory_space<hbm>>) target_semaphore(%run_scoped3A : memref<!tpu.dma_semaphore, #tpu.memory_space<semaphore_mem>>)
      %dma_wait3A_154 = arith.constant 0 : i32
      %dma_wait3A_155 = tpu.memref_slice %arg6[%arg0, %mul3A_147, %dma_wait3A_154] : memref<2x10368x32xf32, #tpu.memory_space<hbm>> -> memref<1x648x32xf32, #tpu.memory_space<hbm>>
      %dma_wait3A_156 = tpu.memref_squeeze %dma_wait3A_155 : memref<1x648x32xf32, #tpu.memory_space<hbm>> -> memref<648x32xf32, #tpu.memory_space<hbm>>
      %dma_wait3A_157 = arith.constant 0 : i32
      %dma_wait3A_158 = tpu.memref_slice %arg6[%arg0, %mul3A_147, %dma_wait3A_157] : memref<2x10368x32xf32, #tpu.memory_space<hbm>> -> memref<1x648x32xf32, #tpu.memory_space<hbm>>
      %dma_wait3A_159 = tpu.memref_squeeze %dma_wait3A_158 : memref<1x648x32xf32, #tpu.memory_space<hbm>> -> memref<648x32xf32, #tpu.memory_space<hbm>>
      tpu.wait_dma2 semaphore(%run_scoped3A : memref<!tpu.dma_semaphore, #tpu.memory_space<semaphore_mem>>) src(%arg16 : memref<648x32xf32, #tpu.memory_space<vmem>>) dst(%dma_wait3A_159 : memref<648x32xf32, #tpu.memory_space<hbm>>)
      tpu.yield
    }) : () -> ()
    return
  }
}

module attributes {stable_mosaic.version = 14 : i64} {
  func.func @_tflat_body(%arg0: memref<16x32xf32, #tpu.memory_space<vmem>>, %arg1: memref<1x32xf32, #tpu.memory_space<vmem>>, %arg2: memref<32x1024xf32, #tpu.memory_space<vmem>>, %arg3: memref<1x1024xf32, #tpu.memory_space<vmem>>, %arg4: memref<16x1024xf32, #tpu.memory_space<vmem>>) attributes {dimension_semantics = [], scalar_prefetch = 0 : i64, scratch_operands = 0 : i64, tpu.core_type = #tpu.core_type<tc>} {
    %get3A = arith.constant 0 : index
    %get3A_0 = arith.constant 0 : index
    %get3A_1 = vector.load %arg0[%get3A, %get3A_0] : memref<16x32xf32, #tpu.memory_space<vmem>>, vector<16x32xf32>
    %get3A_2 = arith.constant 0 : index
    %get3A_3 = arith.constant 0 : index
    %get3A_4 = vector.load %arg1[%get3A_2, %get3A_3] : memref<1x32xf32, #tpu.memory_space<vmem>>, vector<1x32xf32>
    %add3A = vector.broadcast %get3A_4 : vector<1x32xf32> to vector<16x32xf32>
    %add3A_5 = arith.addf %get3A_1, %add3A : vector<16x32xf32>
    %max3A = arith.constant 0.000000e+00 : f32
    %max3A_6 = vector.broadcast %max3A : f32 to vector<16x32xf32>
    %max3A_7 = arith.maximumf %add3A_5, %max3A_6 : vector<16x32xf32>
    %get3A_8 = arith.constant 0 : index
    %get3A_9 = arith.constant 0 : index
    %get3A_10 = vector.load %arg2[%get3A_8, %get3A_9] : memref<32x1024xf32, #tpu.memory_space<vmem>>, vector<32x1024xf32>
    %dot_general3A = arith.constant dense<0.000000e+00> : vector<16x1024xf32>
    %dot_general3A_11 = tpu.matmul %max3A_7, %get3A_10, %dot_general3A {dimension_numbers = #tpu.dot_dimension_numbers<[1], [0], [0], [1], [0, 0, 1, 1], [], []>, transpose_lhs_hint = false} : vector<16x32xf32>, vector<32x1024xf32>, vector<16x1024xf32> -> vector<16x1024xf32>
    %get3A_12 = arith.constant 0 : index
    %get3A_13 = arith.constant 0 : index
    %get3A_14 = vector.load %arg3[%get3A_12, %get3A_13] : memref<1x1024xf32, #tpu.memory_space<vmem>>, vector<1x1024xf32>
    %add3A_15 = vector.broadcast %get3A_14 : vector<1x1024xf32> to vector<16x1024xf32>
    %add3A_16 = arith.addf %dot_general3A_11, %add3A_15 : vector<16x1024xf32>
    %swap3A = arith.constant 0 : index
    %swap3A_17 = arith.constant 0 : index
    %swap3A_18 = vector.load %arg4[%swap3A, %swap3A_17] : memref<16x1024xf32, #tpu.memory_space<vmem>>, vector<16x1024xf32>
    tpu.vector_store %arg4[%swap3A, %swap3A_17], %add3A_16 {strides = array<i32>} : memref<16x1024xf32, #tpu.memory_space<vmem>>, vector<16x1024xf32>,
    return
  }
}

module attributes {stable_mosaic.version = 14 : i64} {
  func.func @_prep_body(%arg0: i32, %arg1: memref<512x1xi32, #tpu.memory_space<vmem>>, %arg2: memref<512x32xf32, #tpu.memory_space<vmem>>, %arg3: memref<128x32xf32, #tpu.memory_space<vmem>>, %arg4: memref<32x32xf32, #tpu.memory_space<vmem>>, %arg5: memref<1x32xf32, #tpu.memory_space<vmem>>, %arg6: memref<32x512xf32, #tpu.memory_space<vmem>>, %arg7: memref<512x32xf32, #tpu.memory_space<vmem>>, %arg8: memref<64x4x8x128xf32, #tpu.memory_space<vmem>>) attributes {dimension_semantics = [#tpu.dimension_semantics<arbitrary>], iteration_bounds = array<i64: 20>, scalar_prefetch = 0 : i64, scratch_operands = 0 : i64, tpu.core_type = #tpu.core_type<tc>, window_params = [{transform_indices = @transform_0, window_bounds = array<i64: 512, 1>}, {transform_indices = @transform_1, window_bounds = array<i64: 512, 32>}, {pipeline_mode = #tpu.pipeline_mode<synchronous>, transform_indices = @transform_2, window_bounds = array<i64: 128, 32>}, {pipeline_mode = #tpu.pipeline_mode<synchronous>, transform_indices = @transform_3, window_bounds = array<i64: 32, 32>}, {pipeline_mode = #tpu.pipeline_mode<synchronous>, transform_indices = @transform_4, window_bounds = array<i64: 1, 32>}, {pipeline_mode = #tpu.pipeline_mode<synchronous>, transform_indices = @transform_5, window_bounds = array<i64: 32, 512>}, {transform_indices = @transform_6, window_bounds = array<i64: 512, 32>}, {transform_indices = @transform_7, window_bounds = array<i64: 64, 4, 8, 128>}]} {
    %get3A = arith.constant 0 : index
    %get3A_0 = arith.constant 0 : index
    %get3A_1 = vector.load %arg1[%get3A, %get3A_0] : memref<512x1xi32, #tpu.memory_space<vmem>>, vector<512x1xi32>
    %iota3A = tpu.iota {dimensions = array<i32: 1>} : vector<512x128xi32>
    %eq3A = vector.broadcast %get3A_1 : vector<512x1xi32> to vector<512x128xi32>
    %eq3A_2 = arith.cmpi eq, %iota3A, %eq3A : vector<512x128xi32>
    %convert_element_type3A = arith.extui %eq3A_2 : vector<512x128xi1> to vector<512x128xi32>
    %convert_element_type3A_3 = arith.sitofp %convert_element_type3A : vector<512x128xi32> to vector<512x128xf32>
    %get3A_4 = arith.constant 0 : index
    %get3A_5 = arith.constant 0 : index
    %get3A_6 = vector.load %arg3[%get3A_4, %get3A_5] : memref<128x32xf32, #tpu.memory_space<vmem>>, vector<128x32xf32>
    %dot_general3A = arith.constant dense<0.000000e+00> : vector<512x32xf32>
    %dot_general3A_7 = tpu.matmul %convert_element_type3A_3, %get3A_6, %dot_general3A {dimension_numbers = #tpu.dot_dimension_numbers<[1], [0], [0], [1], [0, 0, 1, 1], [], []>, transpose_lhs_hint = false} : vector<512x128xf32>, vector<128x32xf32>, vector<512x32xf32> -> vector<512x32xf32>
    %get3A_8 = arith.constant 0 : index
    %get3A_9 = arith.constant 0 : index
    %get3A_10 = vector.load %arg2[%get3A_8, %get3A_9] : memref<512x32xf32, #tpu.memory_space<vmem>>, vector<512x32xf32>
    %get3A_11 = arith.constant 0 : index
    %get3A_12 = arith.constant 0 : index
    %get3A_13 = vector.load %arg4[%get3A_11, %get3A_12] : memref<32x32xf32, #tpu.memory_space<vmem>>, vector<32x32xf32>
    %dot_general3A_14 = arith.constant dense<0.000000e+00> : vector<512x32xf32>
    %dot_general3A_15 = tpu.matmul %get3A_10, %get3A_13, %dot_general3A_14 {dimension_numbers = #tpu.dot_dimension_numbers<[1], [0], [0], [1], [0, 0, 1, 1], [], []>, transpose_lhs_hint = false} : vector<512x32xf32>, vector<32x32xf32>, vector<512x32xf32> -> vector<512x32xf32>
    %add3A = arith.addf %dot_general3A_7, %dot_general3A_15 : vector<512x32xf32>
    %get3A_16 = arith.constant 0 : index
    %get3A_17 = arith.constant 0 : index
    %get3A_18 = vector.load %arg5[%get3A_16, %get3A_17] : memref<1x32xf32, #tpu.memory_space<vmem>>, vector<1x32xf32>
    %add3A_19 = vector.broadcast %get3A_18 : vector<1x32xf32> to vector<512x32xf32>
    %add3A_20 = arith.addf %add3A, %add3A_19 : vector<512x32xf32>
    %swap3A = arith.constant 0 : index
    %swap3A_21 = arith.constant 0 : index
    %swap3A_22 = vector.load %arg7[%swap3A, %swap3A_21] : memref<512x32xf32, #tpu.memory_space<vmem>>, vector<512x32xf32>
    tpu.vector_store %arg7[%swap3A, %swap3A_21], %add3A_20 {strides = array<i32>} : memref<512x32xf32, #tpu.memory_space<vmem>>, vector<512x32xf32>,
    %get3A_23 = arith.constant 0 : index
    %get3A_24 = arith.constant 0 : index
    %get3A_25 = vector.load %arg6[%get3A_23, %get3A_24] : memref<32x512xf32, #tpu.memory_space<vmem>>, vector<32x512xf32>
    %dot_general3A_26 = arith.constant dense<0.000000e+00> : vector<512x512xf32>
    %dot_general3A_27 = tpu.matmul %add3A_20, %get3A_25, %dot_general3A_26 {dimension_numbers = #tpu.dot_dimension_numbers<[1], [0], [0], [1], [0, 0, 1, 1], [], []>, transpose_lhs_hint = false} : vector<512x32xf32>, vector<32x512xf32>, vector<512x512xf32> -> vector<512x512xf32>
    %reshape3A = vector.shape_cast %dot_general3A_27 : vector<512x512xf32> to vector<64x8x4x128xf32>
    %transpose3A = tpu.transpose %reshape3A, [0, 2, 1, 3] : vector<64x8x4x128xf32> -> vector<64x4x8x128xf32>
    %swap3A_28 = arith.constant 0 : index
    %swap3A_29 = arith.constant 0 : index
    %swap3A_30 = arith.constant 0 : index
    %swap3A_31 = arith.constant 0 : index
    %swap3A_32 = vector.load %arg8[%swap3A_28, %swap3A_29, %swap3A_30, %swap3A_31] : memref<64x4x8x128xf32, #tpu.memory_space<vmem>>, vector<64x4x8x128xf32>
    tpu.vector_store %arg8[%swap3A_28, %swap3A_29, %swap3A_30, %swap3A_31], %transpose3A {strides = array<i32>} : memref<64x4x8x128xf32, #tpu.memory_space<vmem>>, vector<64x4x8x128xf32>,
    return
  }
  func.func @transform_0(%arg0: i32) -> (i32, i32) {
    %c0_i32 = arith.constant 0 : i32
    %c0_i32_0 = arith.constant 0 : i32
    return %arg0, %c0_i32 : i32, i32
  }
  func.func @transform_1(%arg0: i32) -> (i32, i32) {
    %c0_i32 = arith.constant 0 : i32
    %c0_i32_0 = arith.constant 0 : i32
    return %arg0, %c0_i32 : i32, i32
  }
  func.func @transform_2(%arg0: i32) -> (i32, i32) {
    %c0_i32 = arith.constant 0 : i32
    %c0_i32_0 = arith.constant 0 : i32
    %c0_i32_1 = arith.constant 0 : i32
    return %c0_i32, %c0_i32_0 : i32, i32
  }
  func.func @transform_3(%arg0: i32) -> (i32, i32) {
    %c0_i32 = arith.constant 0 : i32
    %c0_i32_0 = arith.constant 0 : i32
    %c0_i32_1 = arith.constant 0 : i32
    return %c0_i32, %c0_i32_0 : i32, i32
  }
  func.func @transform_4(%arg0: i32) -> (i32, i32) {
    %c0_i32 = arith.constant 0 : i32
    %c0_i32_0 = arith.constant 0 : i32
    %c0_i32_1 = arith.constant 0 : i32
    return %c0_i32, %c0_i32_0 : i32, i32
  }
  func.func @transform_5(%arg0: i32) -> (i32, i32) {
    %c0_i32 = arith.constant 0 : i32
    %c0_i32_0 = arith.constant 0 : i32
    %c0_i32_1 = arith.constant 0 : i32
    return %c0_i32, %c0_i32_0 : i32, i32
  }
  func.func @transform_6(%arg0: i32) -> (i32, i32) {
    %c0_i32 = arith.constant 0 : i32
    %c0_i32_0 = arith.constant 0 : i32
    return %arg0, %c0_i32 : i32, i32
  }
  func.func @transform_7(%arg0: i32) -> (i32, i32, i32, i32) {
    %c0_i32 = arith.constant 0 : i32
    %c0_i32_0 = arith.constant 0 : i32
    %c0_i32_1 = arith.constant 0 : i32
    %c0_i32_2 = arith.constant 0 : i32
    return %arg0, %c0_i32, %c0_i32_0, %c0_i32_1 : i32, i32, i32, i32
  }
}

module attributes {stable_mosaic.version = 14 : i64} {
  func.func @_step_body(%arg0: i32, %arg1: memref<2x128x128xf32, #tpu.memory_space<vmem>>, %arg2: memref<512x32xf32, #tpu.memory_space<vmem>>, %arg3: memref<32x32xf32, #tpu.memory_space<vmem>>, %arg4: memref<1x32xf32, #tpu.memory_space<vmem>>, %arg5: memref<32x512xf32, #tpu.memory_space<vmem>>, %arg6: memref<512x32xf32, #tpu.memory_space<vmem>>, %arg7: memref<64x4x8x128xf32, #tpu.memory_space<vmem>>) attributes {dimension_semantics = [#tpu.dimension_semantics<arbitrary>], iteration_bounds = array<i64: 20>, scalar_prefetch = 0 : i64, scratch_operands = 0 : i64, tpu.core_type = #tpu.core_type<tc>, window_params = [{transform_indices = @transform_0, window_bounds = array<i64: 2, 128, 128>}, {transform_indices = @transform_1, window_bounds = array<i64: 512, 32>}, {pipeline_mode = #tpu.pipeline_mode<synchronous>, transform_indices = @transform_2, window_bounds = array<i64: 32, 32>}, {pipeline_mode = #tpu.pipeline_mode<synchronous>, transform_indices = @transform_3, window_bounds = array<i64: 1, 32>}, {pipeline_mode = #tpu.pipeline_mode<synchronous>, transform_indices = @transform_4, window_bounds = array<i64: 32, 512>}, {transform_indices = @transform_5, window_bounds = array<i64: 512, 32>}, {transform_indices = @transform_6, window_bounds = array<i64: 64, 4, 8, 128>}]} {
    %get3A = arith.constant 0 : index
    %get3A_0 = arith.constant 0 : index
    %get3A_1 = arith.constant 0 : index
    %get3A_2 = vector.load %arg1[%get3A, %get3A_0, %get3A_1] : memref<2x128x128xf32, #tpu.memory_space<vmem>>, vector<1x128x128xf32>
    %get3A_3 = vector.shape_cast %get3A_2 : vector<1x128x128xf32> to vector<128x128xf32>
    %get3A_4 = arith.constant 1 : index
    %get3A_5 = arith.constant 0 : index
    %get3A_6 = arith.constant 0 : index
    %get3A_7 = vector.load %arg1[%get3A_4, %get3A_5, %get3A_6] : memref<2x128x128xf32, #tpu.memory_space<vmem>>, vector<1x128x128xf32>
    %get3A_8 = vector.shape_cast %get3A_7 : vector<1x128x128xf32> to vector<128x128xf32>
    %add3A = arith.addf %get3A_3, %get3A_8 : vector<128x128xf32>
    %iota3A = tpu.iota {dimensions = array<i32: 0>} : vector<512x128xi32>
    %jit3A = arith.constant 4 : i32
    %div3A = vector.broadcast %jit3A : i32 to vector<512x128xi32>
    %div3A_9 = arith.divsi %iota3A, %div3A : vector<512x128xi32>
    %sign3A = arith.constant 0 : i32
    %sign3A_10 = vector.broadcast %sign3A : i32 to vector<512x128xi32>
    %sign3A_11 = arith.cmpi sgt, %iota3A, %sign3A_10 : vector<512x128xi32>
    %sign3A_12 = arith.extui %sign3A_11 : vector<512x128xi1> to vector<512x128xi32>
    %sign3A_13 = arith.constant 0 : i32
    %sign3A_14 = vector.broadcast %sign3A_13 : i32 to vector<512x128xi32>
    %sign3A_15 = arith.cmpi slt, %iota3A, %sign3A_14 : vector<512x128xi32>
    %sign3A_16 = arith.extui %sign3A_15 : vector<512x128xi1> to vector<512x128xi32>
    %sign3A_17 = arith.subi %sign3A_12, %sign3A_16 : vector<512x128xi32>
    %sign3A_18 = arith.constant 0 : i32
    %sign3A_19 = arith.cmpi sgt, %jit3A, %sign3A_18 : i32
    %sign3A_20 = arith.extui %sign3A_19 : i1 to i32
    %sign3A_21 = arith.constant 0 : i32
    %sign3A_22 = arith.cmpi slt, %jit3A, %sign3A_21 : i32
    %sign3A_23 = arith.extui %sign3A_22 : i1 to i32
    %sign3A_24 = arith.subi %sign3A_20, %sign3A_23 : i32
    %ne3A = vector.broadcast %sign3A_24 : i32 to vector<512x128xi32>
    %ne3A_25 = arith.cmpi ne, %sign3A_17, %ne3A : vector<512x128xi32>
    %rem3A = vector.broadcast %jit3A : i32 to vector<512x128xi32>
    %rem3A_26 = arith.remsi %iota3A, %rem3A : vector<512x128xi32>
    %ne3A_27 = arith.constant 0 : i32
    %ne3A_28 = vector.broadcast %ne3A_27 : i32 to vector<512x128xi32>
    %ne3A_29 = arith.cmpi ne, %rem3A_26, %ne3A_28 : vector<512x128xi32>
    %and3A = arith.andi %ne3A_25, %ne3A_29 : vector<512x128xi1>
    %sub3A = arith.constant 1 : i32
    %sub3A_30 = vector.broadcast %sub3A : i32 to vector<512x128xi32>
    %sub3A_31 = arith.subi %div3A_9, %sub3A_30 : vector<512x128xi32>
    %select_n3A = arith.select %and3A, %sub3A_31, %div3A_9 : vector<512x128xi1>, vector<512x128xi32>
    %iota3A_32 = tpu.iota {dimensions = array<i32: 1>} : vector<512x128xi32>
    %eq3A = arith.cmpi eq, %select_n3A, %iota3A_32 : vector<512x128xi32>
    %convert_element_type3A = arith.extui %eq3A : vector<512x128xi1> to vector<512x128xi32>
    %convert_element_type3A_33 = arith.sitofp %convert_element_type3A : vector<512x128xi32> to vector<512x128xf32>
    %dot_general3A = arith.constant dense<0.000000e+00> : vector<512x128xf32>
    %dot_general3A_34 = tpu.matmul %convert_element_type3A_33, %add3A, %dot_general3A {dimension_numbers = #tpu.dot_dimension_numbers<[1], [0], [0], [1], [0, 0, 1, 1], [], []>, transpose_lhs_hint = false} : vector<512x128xf32>, vector<128x128xf32>, vector<512x128xf32> -> vector<512x128xf32>
    %iota3A_35 = tpu.iota {dimensions = array<i32: 0>} : vector<512x1xi32>
    %jit3A_36 = arith.constant 4 : i32
    %eq3A_37 = arith.constant 0 : i32
    %eq3A_38 = arith.cmpi eq, %jit3A_36, %eq3A_37 : i32
    %jit3A_39 = arith.constant 1 : i32
    %select_n3A_40 = arith.select %eq3A_38, %jit3A_39, %jit3A_36 : i32
    %rem3A_41 = vector.broadcast %select_n3A_40 : i32 to vector<512x1xi32>
    %rem3A_42 = arith.remsi %iota3A_35, %rem3A_41 : vector<512x1xi32>
    %ne3A_43 = arith.constant 0 : i32
    %ne3A_44 = vector.broadcast %ne3A_43 : i32 to vector<512x1xi32>
    %ne3A_45 = arith.cmpi ne, %rem3A_42, %ne3A_44 : vector<512x1xi32>
    %lt3A = arith.constant 0 : i32
    %lt3A_46 = vector.broadcast %lt3A : i32 to vector<512x1xi32>
    %lt3A_47 = arith.cmpi slt, %rem3A_42, %lt3A_46 : vector<512x1xi32>
    %lt3A_48 = arith.constant 0 : i32
    %lt3A_49 = arith.cmpi slt, %select_n3A_40, %lt3A_48 : i32
    %ne3A_50 = vector.broadcast %lt3A_49 : i1 to vector<512x1xi1>
    %ne3A_51 = vector.broadcast %ne3A_50 : vector<512x1xi1> to vector<512x1xi1>
    %ne3A_52 = arith.xori %lt3A_47, %ne3A_51 : vector<512x1xi1>
    %and3A_53 = arith.andi %ne3A_52, %ne3A_45 : vector<512x1xi1>
    %add3A_54 = vector.broadcast %select_n3A_40 : i32 to vector<512x1xi32>
    %add3A_55 = arith.addi %rem3A_42, %add3A_54 : vector<512x1xi32>
    %select_n3A_56 = arith.select %and3A_53, %add3A_55, %rem3A_42 : vector<512x1xi1>, vector<512x1xi32>
    %eq3A_57 = arith.constant 0 : i32
    %eq3A_58 = vector.broadcast %eq3A_57 : i32 to vector<512x1xi32>
    %eq3A_59 = arith.cmpi eq, %select_n3A_56, %eq3A_58 : vector<512x1xi32>
    %slice3A = vector.extract_strided_slice %dot_general3A_34 {offsets = [0, 0], sizes = [512, 32], strides = [1, 1]} : vector<512x128xf32> to vector<512x32xf32>
    %jit3A_60 = arith.constant 0.000000e+00 : f32
    %broadcast_in_dim3A = vector.shape_cast %eq3A_59 : vector<512x1xi1> to vector<512x1xi1>
    %broadcast_in_dim3A_61 = vector.broadcast %broadcast_in_dim3A : vector<512x1xi1> to vector<512x32xi1>
    %broadcast_in_dim3A_62 = vector.broadcast %jit3A_60 : f32 to vector<512x32xf32>
    %select_n3A_63 = arith.select %broadcast_in_dim3A_61, %slice3A, %broadcast_in_dim3A_62 : vector<512x32xi1>, vector<512x32xf32>
    %eq3A_64 = arith.constant 1 : i32
    %eq3A_65 = vector.broadcast %eq3A_64 : i32 to vector<512x1xi32>
    %eq3A_66 = arith.cmpi eq, %select_n3A_56, %eq3A_65 : vector<512x1xi32>
    %slice3A_67 = vector.extract_strided_slice %dot_general3A_34 {offsets = [0, 32], sizes = [512, 32], strides = [1, 1]} : vector<512x128xf32> to vector<512x32xf32>
    %jit3A_68 = arith.constant 0.000000e+00 : f32
    %broadcast_in_dim3A_69 = vector.shape_cast %eq3A_66 : vector<512x1xi1> to vector<512x1xi1>
    %broadcast_in_dim3A_70 = vector.broadcast %broadcast_in_dim3A_69 : vector<512x1xi1> to vector<512x32xi1>
    %broadcast_in_dim3A_71 = vector.broadcast %jit3A_68 : f32 to vector<512x32xf32>
    %select_n3A_72 = arith.select %broadcast_in_dim3A_70, %slice3A_67, %broadcast_in_dim3A_71 : vector<512x32xi1>, vector<512x32xf32>
    %add3A_73 = arith.addf %select_n3A_63, %select_n3A_72 : vector<512x32xf32>
    %eq3A_74 = arith.constant 2 : i32
    %eq3A_75 = vector.broadcast %eq3A_74 : i32 to vector<512x1xi32>
    %eq3A_76 = arith.cmpi eq, %select_n3A_56, %eq3A_75 : vector<512x1xi32>
    %slice3A_77 = vector.extract_strided_slice %dot_general3A_34 {offsets = [0, 64], sizes = [512, 32], strides = [1, 1]} : vector<512x128xf32> to vector<512x32xf32>
    %jit3A_78 = arith.constant 0.000000e+00 : f32
    %broadcast_in_dim3A_79 = vector.shape_cast %eq3A_76 : vector<512x1xi1> to vector<512x1xi1>
    %broadcast_in_dim3A_80 = vector.broadcast %broadcast_in_dim3A_79 : vector<512x1xi1> to vector<512x32xi1>
    %broadcast_in_dim3A_81 = vector.broadcast %jit3A_78 : f32 to vector<512x32xf32>
    %select_n3A_82 = arith.select %broadcast_in_dim3A_80, %slice3A_77, %broadcast_in_dim3A_81 : vector<512x32xi1>, vector<512x32xf32>
    %add3A_83 = arith.addf %add3A_73, %select_n3A_82 : vector<512x32xf32>
    %eq3A_84 = arith.constant 3 : i32
    %eq3A_85 = vector.broadcast %eq3A_84 : i32 to vector<512x1xi32>
    %eq3A_86 = arith.cmpi eq, %select_n3A_56, %eq3A_85 : vector<512x1xi32>
    %slice3A_87 = vector.extract_strided_slice %dot_general3A_34 {offsets = [0, 96], sizes = [512, 32], strides = [1, 1]} : vector<512x128xf32> to vector<512x32xf32>
    %jit3A_88 = arith.constant 0.000000e+00 : f32
    %broadcast_in_dim3A_89 = vector.shape_cast %eq3A_86 : vector<512x1xi1> to vector<512x1xi1>
    %broadcast_in_dim3A_90 = vector.broadcast %broadcast_in_dim3A_89 : vector<512x1xi1> to vector<512x32xi1>
    %broadcast_in_dim3A_91 = vector.broadcast %jit3A_88 : f32 to vector<512x32xf32>
    %select_n3A_92 = arith.select %broadcast_in_dim3A_90, %slice3A_87, %broadcast_in_dim3A_91 : vector<512x32xi1>, vector<512x32xf32>
    %add3A_93 = arith.addf %add3A_83, %select_n3A_92 : vector<512x32xf32>
    %get3A_94 = arith.constant 0 : index
    %get3A_95 = arith.constant 0 : index
    %get3A_96 = vector.load %arg2[%get3A_94, %get3A_95] : memref<512x32xf32, #tpu.memory_space<vmem>>, vector<512x32xf32>
    %get3A_97 = arith.constant 0 : index
    %get3A_98 = arith.constant 0 : index
    %get3A_99 = vector.load %arg3[%get3A_97, %get3A_98] : memref<32x32xf32, #tpu.memory_space<vmem>>, vector<32x32xf32>
    %dot_general3A_100 = arith.constant dense<0.000000e+00> : vector<512x32xf32>
    %dot_general3A_101 = tpu.matmul %get3A_96, %get3A_99, %dot_general3A_100 {dimension_numbers = #tpu.dot_dimension_numbers<[1], [0], [0], [1], [0, 0, 1, 1], [], []>, transpose_lhs_hint = false} : vector<512x32xf32>, vector<32x32xf32>, vector<512x32xf32> -> vector<512x32xf32>
    %add3A_102 = arith.addf %add3A_93, %dot_general3A_101 : vector<512x32xf32>
    %get3A_103 = arith.constant 0 : index
    %get3A_104 = arith.constant 0 : index
    %get3A_105 = vector.load %arg4[%get3A_103, %get3A_104] : memref<1x32xf32, #tpu.memory_space<vmem>>, vector<1x32xf32>
    %add3A_106 = vector.broadcast %get3A_105 : vector<1x32xf32> to vector<512x32xf32>
    %add3A_107 = arith.addf %add3A_102, %add3A_106 : vector<512x32xf32>
    %swap3A = arith.constant 0 : index
    %swap3A_108 = arith.constant 0 : index
    %swap3A_109 = vector.load %arg6[%swap3A, %swap3A_108] : memref<512x32xf32, #tpu.memory_space<vmem>>, vector<512x32xf32>
    tpu.vector_store %arg6[%swap3A, %swap3A_108], %add3A_107 {strides = array<i32>} : memref<512x32xf32, #tpu.memory_space<vmem>>, vector<512x32xf32>,
    %get3A_110 = arith.constant 0 : index
    %get3A_111 = arith.constant 0 : index
    %get3A_112 = vector.load %arg5[%get3A_110, %get3A_111] : memref<32x512xf32, #tpu.memory_space<vmem>>, vector<32x512xf32>
    %dot_general3A_113 = arith.constant dense<0.000000e+00> : vector<512x512xf32>
    %dot_general3A_114 = tpu.matmul %add3A_107, %get3A_112, %dot_general3A_113 {dimension_numbers = #tpu.dot_dimension_numbers<[1], [0], [0], [1], [0, 0, 1, 1], [], []>, transpose_lhs_hint = false} : vector<512x32xf32>, vector<32x512xf32>, vector<512x512xf32> -> vector<512x512xf32>
    %reshape3A = vector.shape_cast %dot_general3A_114 : vector<512x512xf32> to vector<64x8x4x128xf32>
    %transpose3A = tpu.transpose %reshape3A, [0, 2, 1, 3] : vector<64x8x4x128xf32> -> vector<64x4x8x128xf32>
    %swap3A_115 = arith.constant 0 : index
    %swap3A_116 = arith.constant 0 : index
    %swap3A_117 = arith.constant 0 : index
    %swap3A_118 = arith.constant 0 : index
    %swap3A_119 = vector.load %arg7[%swap3A_115, %swap3A_116, %swap3A_117, %swap3A_118] : memref<64x4x8x128xf32, #tpu.memory_space<vmem>>, vector<64x4x8x128xf32>
    tpu.vector_store %arg7[%swap3A_115, %swap3A_116, %swap3A_117, %swap3A_118], %transpose3A {strides = array<i32>} : memref<64x4x8x128xf32, #tpu.memory_space<vmem>>, vector<64x4x8x128xf32>,
    return
  }
  func.func @transform_0(%arg0: i32) -> (i32, i32, i32) {
    %c0_i32 = arith.constant 0 : i32
    %c0_i32_0 = arith.constant 0 : i32
    %c0_i32_1 = arith.constant 0 : i32
    return %c0_i32, %arg0, %c0_i32_0 : i32, i32, i32
  }
  func.func @transform_1(%arg0: i32) -> (i32, i32) {
    %c0_i32 = arith.constant 0 : i32
    %c0_i32_0 = arith.constant 0 : i32
    return %arg0, %c0_i32 : i32, i32
  }
  func.func @transform_2(%arg0: i32) -> (i32, i32) {
    %c0_i32 = arith.constant 0 : i32
    %c0_i32_0 = arith.constant 0 : i32
    %c0_i32_1 = arith.constant 0 : i32
    return %c0_i32, %c0_i32_0 : i32, i32
  }
  func.func @transform_3(%arg0: i32) -> (i32, i32) {
    %c0_i32 = arith.constant 0 : i32
    %c0_i32_0 = arith.constant 0 : i32
    %c0_i32_1 = arith.constant 0 : i32
    return %c0_i32, %c0_i32_0 : i32, i32
  }
  func.func @transform_4(%arg0: i32) -> (i32, i32) {
    %c0_i32 = arith.constant 0 : i32
    %c0_i32_0 = arith.constant 0 : i32
    %c0_i32_1 = arith.constant 0 : i32
    return %c0_i32, %c0_i32_0 : i32, i32
  }
  func.func @transform_5(%arg0: i32) -> (i32, i32) {
    %c0_i32 = arith.constant 0 : i32
    %c0_i32_0 = arith.constant 0 : i32
    return %arg0, %c0_i32 : i32, i32
  }
  func.func @transform_6(%arg0: i32) -> (i32, i32, i32, i32) {
    %c0_i32 = arith.constant 0 : i32
    %c0_i32_0 = arith.constant 0 : i32
    %c0_i32_1 = arith.constant 0 : i32
    %c0_i32_2 = arith.constant 0 : i32
    return %arg0, %c0_i32, %c0_i32_0, %c0_i32_1 : i32, i32, i32, i32
  }
}

module attributes {stable_mosaic.version = 14 : i64} {
  func.func @_s2s_body(%arg0: memref<2x10368x32xf32, #tpu.memory_space<vmem>>, %arg1: memref<10240x32xf32, #tpu.memory_space<vmem>>, %arg2: memref<32x32xf32, #tpu.memory_space<vmem>>, %arg3: memref<1x32xf32, #tpu.memory_space<vmem>>, %arg4: memref<1x10240xi32, #tpu.memory_space<vmem>>, %arg5: memref<64x128xf32, #tpu.memory_space<vmem>>, %arg6: memref<32x128xf32, #tpu.memory_space<vmem>>, %arg7: memref<1x128xf32, #tpu.memory_space<vmem>>, %arg8: memref<1x128xf32, #tpu.memory_space<vmem>>, %arg9: memref<64x32xf32, #tpu.memory_space<vmem>>, %arg10: memref<1x32xf32, #tpu.memory_space<vmem>>, %arg11: memref<32x1xf32, #tpu.memory_space<vmem>>, %arg12: memref<1x1xf32, #tpu.memory_space<vmem>>, %arg13: memref<64x1xf32, #tpu.memory_space<vmem>>) attributes {dimension_semantics = [], scalar_prefetch = 0 : i64, scratch_operands = 0 : i64, tpu.core_type = #tpu.core_type<tc>} {
    %get3A = arith.constant 0 : index
    %get3A_0 = arith.constant 0 : index
    %get3A_1 = arith.constant 0 : index
    %get3A_2 = vector.load %arg0[%get3A, %get3A_0, %get3A_1] : memref<2x10368x32xf32, #tpu.memory_space<vmem>>, vector<1x10240x32xf32>
    %get3A_3 = vector.shape_cast %get3A_2 : vector<1x10240x32xf32> to vector<10240x32xf32>
    %get3A_4 = arith.constant 1 : index
    %get3A_5 = arith.constant 0 : index
    %get3A_6 = arith.constant 0 : index
    %get3A_7 = vector.load %arg0[%get3A_4, %get3A_5, %get3A_6] : memref<2x10368x32xf32, #tpu.memory_space<vmem>>, vector<1x10240x32xf32>
    %get3A_8 = vector.shape_cast %get3A_7 : vector<1x10240x32xf32> to vector<10240x32xf32>
    %add3A = arith.addf %get3A_3, %get3A_8 : vector<10240x32xf32>
    %get3A_9 = arith.constant 0 : index
    %get3A_10 = arith.constant 0 : index
    %get3A_11 = vector.load %arg1[%get3A_9, %get3A_10] : memref<10240x32xf32, #tpu.memory_space<vmem>>, vector<10240x32xf32>
    %get3A_12 = arith.constant 0 : index
    %get3A_13 = arith.constant 0 : index
    %get3A_14 = vector.load %arg2[%get3A_12, %get3A_13] : memref<32x32xf32, #tpu.memory_space<vmem>>, vector<32x32xf32>
    %dot_general3A = arith.constant dense<0.000000e+00> : vector<10240x32xf32>
    %dot_general3A_15 = tpu.matmul %get3A_11, %get3A_14, %dot_general3A {dimension_numbers = #tpu.dot_dimension_numbers<[1], [0], [0], [1], [0, 0, 1, 1], [], []>, transpose_lhs_hint = false} : vector<10240x32xf32>, vector<32x32xf32>, vector<10240x32xf32> -> vector<10240x32xf32>
    %add3A_16 = arith.addf %add3A, %dot_general3A_15 : vector<10240x32xf32>
    %get3A_17 = arith.constant 0 : index
    %get3A_18 = arith.constant 0 : index
    %get3A_19 = vector.load %arg3[%get3A_17, %get3A_18] : memref<1x32xf32, #tpu.memory_space<vmem>>, vector<1x32xf32>
    %add3A_20 = vector.broadcast %get3A_19 : vector<1x32xf32> to vector<10240x32xf32>
    %add3A_21 = arith.addf %add3A_16, %add3A_20 : vector<10240x32xf32>
    %transpose3A = tpu.transpose %add3A_21, [1, 0] : vector<10240x32xf32> -> vector<32x10240xf32>
    %get3A_22 = arith.constant 0 : index
    %get3A_23 = arith.constant 0 : index
    %get3A_24 = vector.load %arg4[%get3A_22, %get3A_23] : memref<1x10240xi32, #tpu.memory_space<vmem>>, vector<1x10240xi32>
    %iota3A = tpu.iota {dimensions = array<i32: 0>} : vector<64x10240xi32>
    %eq3A = vector.broadcast %get3A_24 : vector<1x10240xi32> to vector<64x10240xi32>
    %eq3A_25 = arith.cmpi eq, %iota3A, %eq3A : vector<64x10240xi32>
    %broadcast_in_dim3A = arith.constant 0.000000e+00 : f32
    %broadcast_in_dim3A_26 = vector.broadcast %broadcast_in_dim3A : f32 to vector<64x64xf32>
    %broadcast_in_dim3A_27 = arith.constant 0.000000e+00 : f32
    %broadcast_in_dim3A_28 = vector.broadcast %broadcast_in_dim3A_27 : f32 to vector<64x32xf32>
    %broadcast_in_dim3A_29 = arith.constant 0.000000e+00 : f32
    %broadcast_in_dim3A_30 = vector.broadcast %broadcast_in_dim3A_29 : f32 to vector<64x32xf32>
    %get3A_31 = arith.constant 0 : index
    %get3A_32 = arith.constant 0 : index
    %get3A_33 = vector.load %arg5[%get3A_31, %get3A_32] : memref<64x128xf32, #tpu.memory_space<vmem>>, vector<64x128xf32>
    %dot_general3A_34 = arith.constant dense<0.000000e+00> : vector<64x128xf32>
    %dot_general3A_35 = tpu.matmul %broadcast_in_dim3A_26, %get3A_33, %dot_general3A_34 {dimension_numbers = #tpu.dot_dimension_numbers<[1], [0], [0], [1], [0, 0, 1, 1], [], []>, transpose_lhs_hint = false} : vector<64x64xf32>, vector<64x128xf32>, vector<64x128xf32> -> vector<64x128xf32>
    %get3A_36 = arith.constant 0 : index
    %get3A_37 = arith.constant 0 : index
    %get3A_38 = vector.load %arg7[%get3A_36, %get3A_37] : memref<1x128xf32, #tpu.memory_space<vmem>>, vector<1x128xf32>
    %add3A_39 = vector.broadcast %get3A_38 : vector<1x128xf32> to vector<64x128xf32>
    %add3A_40 = arith.addf %dot_general3A_35, %add3A_39 : vector<64x128xf32>
    %get3A_41 = arith.constant 0 : index
    %get3A_42 = arith.constant 0 : index
    %get3A_43 = vector.load %arg6[%get3A_41, %get3A_42] : memref<32x128xf32, #tpu.memory_space<vmem>>, vector<32x128xf32>
    %dot_general3A_44 = arith.constant dense<0.000000e+00> : vector<64x128xf32>
    %dot_general3A_45 = tpu.matmul %broadcast_in_dim3A_28, %get3A_43, %dot_general3A_44 {dimension_numbers = #tpu.dot_dimension_numbers<[1], [0], [0], [1], [0, 0, 1, 1], [], []>, transpose_lhs_hint = false} : vector<64x32xf32>, vector<32x128xf32>, vector<64x128xf32> -> vector<64x128xf32>
    %add3A_46 = arith.addf %add3A_40, %dot_general3A_45 : vector<64x128xf32>
    %get3A_47 = arith.constant 0 : index
    %get3A_48 = arith.constant 0 : index
    %get3A_49 = vector.load %arg8[%get3A_47, %get3A_48] : memref<1x128xf32, #tpu.memory_space<vmem>>, vector<1x128xf32>
    %add3A_50 = vector.broadcast %get3A_49 : vector<1x128xf32> to vector<64x128xf32>
    %add3A_51 = arith.addf %add3A_46, %add3A_50 : vector<64x128xf32>
    %slice3A = vector.extract_strided_slice %add3A_51 {offsets = [0, 0], sizes = [64, 32], strides = [1, 1]} : vector<64x128xf32> to vector<64x32xf32>
    %logistic3A = arith.negf %slice3A : vector<64x32xf32>
    %logistic3A_52 = math.exp %logistic3A : vector<64x32xf32>
    %logistic3A_53 = arith.constant 1.000000e+00 : f32
    %logistic3A_54 = vector.broadcast %logistic3A_53 : f32 to vector<64x32xf32>
    %logistic3A_55 = arith.addf %logistic3A_54, %logistic3A_52 : vector<64x32xf32>
    %logistic3A_56 = arith.divf %logistic3A_54, %logistic3A_55 : vector<64x32xf32>
    %slice3A_57 = vector.extract_strided_slice %add3A_51 {offsets = [0, 32], sizes = [64, 32], strides = [1, 1]} : vector<64x128xf32> to vector<64x32xf32>
    %logistic3A_58 = arith.negf %slice3A_57 : vector<64x32xf32>
    %logistic3A_59 = math.exp %logistic3A_58 : vector<64x32xf32>
    %logistic3A_60 = arith.constant 1.000000e+00 : f32
    %logistic3A_61 = vector.broadcast %logistic3A_60 : f32 to vector<64x32xf32>
    %logistic3A_62 = arith.addf %logistic3A_61, %logistic3A_59 : vector<64x32xf32>
    %logistic3A_63 = arith.divf %logistic3A_61, %logistic3A_62 : vector<64x32xf32>
    %slice3A_64 = vector.extract_strided_slice %add3A_51 {offsets = [0, 64], sizes = [64, 32], strides = [1, 1]} : vector<64x128xf32> to vector<64x32xf32>
    %tanh3A = math.tanh %slice3A_64 : vector<64x32xf32>
    %slice3A_65 = vector.extract_strided_slice %add3A_51 {offsets = [0, 96], sizes = [64, 32], strides = [1, 1]} : vector<64x128xf32> to vector<64x32xf32>
    %logistic3A_66 = arith.negf %slice3A_65 : vector<64x32xf32>
    %logistic3A_67 = math.exp %logistic3A_66 : vector<64x32xf32>
    %logistic3A_68 = arith.constant 1.000000e+00 : f32
    %logistic3A_69 = vector.broadcast %logistic3A_68 : f32 to vector<64x32xf32>
    %logistic3A_70 = arith.addf %logistic3A_69, %logistic3A_67 : vector<64x32xf32>
    %logistic3A_71 = arith.divf %logistic3A_69, %logistic3A_70 : vector<64x32xf32>
    %mul3A = arith.mulf %logistic3A_63, %broadcast_in_dim3A_30 : vector<64x32xf32>
    %mul3A_72 = arith.mulf %logistic3A_56, %tanh3A : vector<64x32xf32>
    %add3A_73 = arith.addf %mul3A, %mul3A_72 : vector<64x32xf32>
    %tanh3A_74 = math.tanh %add3A_73 : vector<64x32xf32>
    %mul3A_75 = arith.mulf %logistic3A_71, %tanh3A_74 : vector<64x32xf32>
    %dot_general3A_76 = arith.constant dense<0.000000e+00> : vector<64x10240xf32>
    %dot_general3A_77 = tpu.matmul %mul3A_75, %transpose3A, %dot_general3A_76 {dimension_numbers = #tpu.dot_dimension_numbers<[1], [0], [0], [1], [0, 0, 1, 1], [], []>, transpose_lhs_hint = false} : vector<64x32xf32>, vector<32x10240xf32>, vector<64x10240xf32> -> vector<64x10240xf32>
    %jit3A = arith.constant -1.000000e+30 : f32
    %broadcast_in_dim3A_78 = vector.broadcast %jit3A : f32 to vector<64x10240xf32>
    %select_n3A = arith.select %eq3A_25, %dot_general3A_77, %broadcast_in_dim3A_78 : vector<64x10240xi1>, vector<64x10240xf32>
    %reduce_max3A = arith.constant dense<0xFF800000> : vector<64xf32>
    %reduce_max3A_79 = vector.multi_reduction <maximumf>, %select_n3A, %reduce_max3A [1] : vector<64x10240xf32> to vector<64xf32>
    %broadcast_in_dim3A_80 = vector.shape_cast %reduce_max3A_79 : vector<64xf32> to vector<64x1xf32>
    %gt3A = arith.constant -1.000000e+29 : f32
    %gt3A_81 = vector.broadcast %gt3A : f32 to vector<64x1xf32>
    %gt3A_82 = arith.cmpf ogt, %broadcast_in_dim3A_80, %gt3A_81 : vector<64x1xf32>
    %jit3A_83 = arith.constant 0.000000e+00 : f32
    %broadcast_in_dim3A_84 = vector.broadcast %jit3A_83 : f32 to vector<64x1xf32>
    %select_n3A_85 = arith.select %gt3A_82, %broadcast_in_dim3A_80, %broadcast_in_dim3A_84 : vector<64x1xi1>, vector<64x1xf32>
    %sub3A = vector.broadcast %select_n3A_85 : vector<64x1xf32> to vector<64x10240xf32>
    %sub3A_86 = arith.subf %dot_general3A_77, %sub3A : vector<64x10240xf32>
    %jit3A_87 = arith.constant -1.000000e+04 : f32
    %broadcast_in_dim3A_88 = vector.broadcast %jit3A_87 : f32 to vector<64x10240xf32>
    %select_n3A_89 = arith.select %eq3A_25, %sub3A_86, %broadcast_in_dim3A_88 : vector<64x10240xi1>, vector<64x10240xf32>
    %exp3A = math.exp %select_n3A_89 : vector<64x10240xf32>
    %reduce_sum3A = arith.constant dense<0.000000e+00> : vector<64xf32>
    %reduce_sum3A_90 = vector.multi_reduction <add>, %exp3A, %reduce_sum3A [1] : vector<64x10240xf32> to vector<64xf32>
    %broadcast_in_dim3A_91 = vector.shape_cast %reduce_sum3A_90 : vector<64xf32> to vector<64x1xf32>
    %add3A_92 = arith.constant 1.000000e-16 : f32
    %add3A_93 = vector.broadcast %add3A_92 : f32 to vector<64x1xf32>
    %add3A_94 = arith.addf %broadcast_in_dim3A_91, %add3A_93 : vector<64x1xf32>
    %div3A = vector.broadcast %add3A_94 : vector<64x1xf32> to vector<64x10240xf32>
    %div3A_95 = arith.divf %exp3A, %div3A : vector<64x10240xf32>
    %dot_general3A_96 = arith.constant dense<0.000000e+00> : vector<64x32xf32>
    %dot_general3A_97 = tpu.matmul %div3A_95, %add3A_21, %dot_general3A_96 {dimension_numbers = #tpu.dot_dimension_numbers<[1], [0], [0], [1], [0, 0, 1, 1], [], []>, transpose_lhs_hint = false} : vector<64x10240xf32>, vector<10240x32xf32>, vector<64x32xf32> -> vector<64x32xf32>
    %concatenate3A = tpu.concatenate %mul3A_75, %dot_general3A_97 in 1 : vector<64x32xf32>, vector<64x32xf32> -> vector<64x64xf32>
    %get3A_98 = arith.constant 0 : index
    %get3A_99 = arith.constant 0 : index
    %get3A_100 = vector.load %arg5[%get3A_98, %get3A_99] : memref<64x128xf32, #tpu.memory_space<vmem>>, vector<64x128xf32>
    %dot_general3A_101 = arith.constant dense<0.000000e+00> : vector<64x128xf32>
    %dot_general3A_102 = tpu.matmul %concatenate3A, %get3A_100, %dot_general3A_101 {dimension_numbers = #tpu.dot_dimension_numbers<[1], [0], [0], [1], [0, 0, 1, 1], [], []>, transpose_lhs_hint = false} : vector<64x64xf32>, vector<64x128xf32>, vector<64x128xf32> -> vector<64x128xf32>
    %get3A_103 = arith.constant 0 : index
    %get3A_104 = arith.constant 0 : index
    %get3A_105 = vector.load %arg7[%get3A_103, %get3A_104] : memref<1x128xf32, #tpu.memory_space<vmem>>, vector<1x128xf32>
    %add3A_106 = vector.broadcast %get3A_105 : vector<1x128xf32> to vector<64x128xf32>
    %add3A_107 = arith.addf %dot_general3A_102, %add3A_106 : vector<64x128xf32>
    %get3A_108 = arith.constant 0 : index
    %get3A_109 = arith.constant 0 : index
    %get3A_110 = vector.load %arg6[%get3A_108, %get3A_109] : memref<32x128xf32, #tpu.memory_space<vmem>>, vector<32x128xf32>
    %dot_general3A_111 = arith.constant dense<0.000000e+00> : vector<64x128xf32>
    %dot_general3A_112 = tpu.matmul %mul3A_75, %get3A_110, %dot_general3A_111 {dimension_numbers = #tpu.dot_dimension_numbers<[1], [0], [0], [1], [0, 0, 1, 1], [], []>, transpose_lhs_hint = false} : vector<64x32xf32>, vector<32x128xf32>, vector<64x128xf32> -> vector<64x128xf32>
    %add3A_113 = arith.addf %add3A_107, %dot_general3A_112 : vector<64x128xf32>
    %get3A_114 = arith.constant 0 : index
    %get3A_115 = arith.constant 0 : index
    %get3A_116 = vector.load %arg8[%get3A_114, %get3A_115] : memref<1x128xf32, #tpu.memory_space<vmem>>, vector<1x128xf32>
    %add3A_117 = vector.broadcast %get3A_116 : vector<1x128xf32> to vector<64x128xf32>
    %add3A_118 = arith.addf %add3A_113, %add3A_117 : vector<64x128xf32>
    %slice3A_119 = vector.extract_strided_slice %add3A_118 {offsets = [0, 0], sizes = [64, 32], strides = [1, 1]} : vector<64x128xf32> to vector<64x32xf32>
    %logistic3A_120 = arith.negf %slice3A_119 : vector<64x32xf32>
    %logistic3A_121 = math.exp %logistic3A_120 : vector<64x32xf32>
    %logistic3A_122 = arith.constant 1.000000e+00 : f32
    %logistic3A_123 = vector.broadcast %logistic3A_122 : f32 to vector<64x32xf32>
    %logistic3A_124 = arith.addf %logistic3A_123, %logistic3A_121 : vector<64x32xf32>
    %logistic3A_125 = arith.divf %logistic3A_123, %logistic3A_124 : vector<64x32xf32>
    %slice3A_126 = vector.extract_strided_slice %add3A_118 {offsets = [0, 32], sizes = [64, 32], strides = [1, 1]} : vector<64x128xf32> to vector<64x32xf32>
    %logistic3A_127 = arith.negf %slice3A_126 : vector<64x32xf32>
    %logistic3A_128 = math.exp %logistic3A_127 : vector<64x32xf32>
    %logistic3A_129 = arith.constant 1.000000e+00 : f32
    %logistic3A_130 = vector.broadcast %logistic3A_129 : f32 to vector<64x32xf32>
    %logistic3A_131 = arith.addf %logistic3A_130, %logistic3A_128 : vector<64x32xf32>
    %logistic3A_132 = arith.divf %logistic3A_130, %logistic3A_131 : vector<64x32xf32>
    %slice3A_133 = vector.extract_strided_slice %add3A_118 {offsets = [0, 64], sizes = [64, 32], strides = [1, 1]} : vector<64x128xf32> to vector<64x32xf32>
    %tanh3A_134 = math.tanh %slice3A_133 : vector<64x32xf32>
    %slice3A_135 = vector.extract_strided_slice %add3A_118 {offsets = [0, 96], sizes = [64, 32], strides = [1, 1]} : vector<64x128xf32> to vector<64x32xf32>
    %logistic3A_136 = arith.negf %slice3A_135 : vector<64x32xf32>
    %logistic3A_137 = math.exp %logistic3A_136 : vector<64x32xf32>
    %logistic3A_138 = arith.constant 1.000000e+00 : f32
    %logistic3A_139 = vector.broadcast %logistic3A_138 : f32 to vector<64x32xf32>
    %logistic3A_140 = arith.addf %logistic3A_139, %logistic3A_137 : vector<64x32xf32>
    %logistic3A_141 = arith.divf %logistic3A_139, %logistic3A_140 : vector<64x32xf32>
    %mul3A_142 = arith.mulf %logistic3A_132, %add3A_73 : vector<64x32xf32>
    %mul3A_143 = arith.mulf %logistic3A_125, %tanh3A_134 : vector<64x32xf32>
    %add3A_144 = arith.addf %mul3A_142, %mul3A_143 : vector<64x32xf32>
    %tanh3A_145 = math.tanh %add3A_144 : vector<64x32xf32>
    %mul3A_146 = arith.mulf %logistic3A_141, %tanh3A_145 : vector<64x32xf32>
    %dot_general3A_147 = arith.constant dense<0.000000e+00> : vector<64x10240xf32>
    %dot_general3A_148 = tpu.matmul %mul3A_146, %transpose3A, %dot_general3A_147 {dimension_numbers = #tpu.dot_dimension_numbers<[1], [0], [0], [1], [0, 0, 1, 1], [], []>, transpose_lhs_hint = false} : vector<64x32xf32>, vector<32x10240xf32>, vector<64x10240xf32> -> vector<64x10240xf32>
    %jit3A_149 = arith.constant -1.000000e+30 : f32
    %broadcast_in_dim3A_150 = vector.broadcast %jit3A_149 : f32 to vector<64x10240xf32>
    %select_n3A_151 = arith.select %eq3A_25, %dot_general3A_148, %broadcast_in_dim3A_150 : vector<64x10240xi1>, vector<64x10240xf32>
    %reduce_max3A_152 = arith.constant dense<0xFF800000> : vector<64xf32>
    %reduce_max3A_153 = vector.multi_reduction <maximumf>, %select_n3A_151, %reduce_max3A_152 [1] : vector<64x10240xf32> to vector<64xf32>
    %broadcast_in_dim3A_154 = vector.shape_cast %reduce_max3A_153 : vector<64xf32> to vector<64x1xf32>
    %gt3A_155 = arith.constant -1.000000e+29 : f32
    %gt3A_156 = vector.broadcast %gt3A_155 : f32 to vector<64x1xf32>
    %gt3A_157 = arith.cmpf ogt, %broadcast_in_dim3A_154, %gt3A_156 : vector<64x1xf32>
    %jit3A_158 = arith.constant 0.000000e+00 : f32
    %broadcast_in_dim3A_159 = vector.broadcast %jit3A_158 : f32 to vector<64x1xf32>
    %select_n3A_160 = arith.select %gt3A_157, %broadcast_in_dim3A_154, %broadcast_in_dim3A_159 : vector<64x1xi1>, vector<64x1xf32>
    %sub3A_161 = vector.broadcast %select_n3A_160 : vector<64x1xf32> to vector<64x10240xf32>
    %sub3A_162 = arith.subf %dot_general3A_148, %sub3A_161 : vector<64x10240xf32>
    %jit3A_163 = arith.constant -1.000000e+04 : f32
    %broadcast_in_dim3A_164 = vector.broadcast %jit3A_163 : f32 to vector<64x10240xf32>
    %select_n3A_165 = arith.select %eq3A_25, %sub3A_162, %broadcast_in_dim3A_164 : vector<64x10240xi1>, vector<64x10240xf32>
    %exp3A_166 = math.exp %select_n3A_165 : vector<64x10240xf32>
    %reduce_sum3A_167 = arith.constant dense<0.000000e+00> : vector<64xf32>
    %reduce_sum3A_168 = vector.multi_reduction <add>, %exp3A_166, %reduce_sum3A_167 [1] : vector<64x10240xf32> to vector<64xf32>
    %broadcast_in_dim3A_169 = vector.shape_cast %reduce_sum3A_168 : vector<64xf32> to vector<64x1xf32>
    %add3A_170 = arith.constant 1.000000e-16 : f32
    %add3A_171 = vector.broadcast %add3A_170 : f32 to vector<64x1xf32>
    %add3A_172 = arith.addf %broadcast_in_dim3A_169, %add3A_171 : vector<64x1xf32>
    %div3A_173 = vector.broadcast %add3A_172 : vector<64x1xf32> to vector<64x10240xf32>
    %div3A_174 = arith.divf %exp3A_166, %div3A_173 : vector<64x10240xf32>
    %dot_general3A_175 = arith.constant dense<0.000000e+00> : vector<64x32xf32>
    %dot_general3A_176 = tpu.matmul %div3A_174, %add3A_21, %dot_general3A_175 {dimension_numbers = #tpu.dot_dimension_numbers<[1], [0], [0], [1], [0, 0, 1, 1], [], []>, transpose_lhs_hint = false} : vector<64x10240xf32>, vector<10240x32xf32>, vector<64x32xf32> -> vector<64x32xf32>
    %concatenate3A_177 = tpu.concatenate %mul3A_146, %dot_general3A_176 in 1 : vector<64x32xf32>, vector<64x32xf32> -> vector<64x64xf32>
    %get3A_178 = arith.constant 0 : index
    %get3A_179 = arith.constant 0 : index
    %get3A_180 = vector.load %arg5[%get3A_178, %get3A_179] : memref<64x128xf32, #tpu.memory_space<vmem>>, vector<64x128xf32>
    %dot_general3A_181 = arith.constant dense<0.000000e+00> : vector<64x128xf32>
    %dot_general3A_182 = tpu.matmul %concatenate3A_177, %get3A_180, %dot_general3A_181 {dimension_numbers = #tpu.dot_dimension_numbers<[1], [0], [0], [1], [0, 0, 1, 1], [], []>, transpose_lhs_hint = false} : vector<64x64xf32>, vector<64x128xf32>, vector<64x128xf32> -> vector<64x128xf32>
    %get3A_183 = arith.constant 0 : index
    %get3A_184 = arith.constant 0 : index
    %get3A_185 = vector.load %arg7[%get3A_183, %get3A_184] : memref<1x128xf32, #tpu.memory_space<vmem>>, vector<1x128xf32>
    %add3A_186 = vector.broadcast %get3A_185 : vector<1x128xf32> to vector<64x128xf32>
    %add3A_187 = arith.addf %dot_general3A_182, %add3A_186 : vector<64x128xf32>
    %get3A_188 = arith.constant 0 : index
    %get3A_189 = arith.constant 0 : index
    %get3A_190 = vector.load %arg6[%get3A_188, %get3A_189] : memref<32x128xf32, #tpu.memory_space<vmem>>, vector<32x128xf32>
    %dot_general3A_191 = arith.constant dense<0.000000e+00> : vector<64x128xf32>
    %dot_general3A_192 = tpu.matmul %mul3A_146, %get3A_190, %dot_general3A_191 {dimension_numbers = #tpu.dot_dimension_numbers<[1], [0], [0], [1], [0, 0, 1, 1], [], []>, transpose_lhs_hint = false} : vector<64x32xf32>, vector<32x128xf32>, vector<64x128xf32> -> vector<64x128xf32>
    %add3A_193 = arith.addf %add3A_187, %dot_general3A_192 : vector<64x128xf32>
    %get3A_194 = arith.constant 0 : index
    %get3A_195 = arith.constant 0 : index
    %get3A_196 = vector.load %arg8[%get3A_194, %get3A_195] : memref<1x128xf32, #tpu.memory_space<vmem>>, vector<1x128xf32>
    %add3A_197 = vector.broadcast %get3A_196 : vector<1x128xf32> to vector<64x128xf32>
    %add3A_198 = arith.addf %add3A_193, %add3A_197 : vector<64x128xf32>
    %slice3A_199 = vector.extract_strided_slice %add3A_198 {offsets = [0, 0], sizes = [64, 32], strides = [1, 1]} : vector<64x128xf32> to vector<64x32xf32>
    %logistic3A_200 = arith.negf %slice3A_199 : vector<64x32xf32>
    %logistic3A_201 = math.exp %logistic3A_200 : vector<64x32xf32>
    %logistic3A_202 = arith.constant 1.000000e+00 : f32
    %logistic3A_203 = vector.broadcast %logistic3A_202 : f32 to vector<64x32xf32>
    %logistic3A_204 = arith.addf %logistic3A_203, %logistic3A_201 : vector<64x32xf32>
    %logistic3A_205 = arith.divf %logistic3A_203, %logistic3A_204 : vector<64x32xf32>
    %slice3A_206 = vector.extract_strided_slice %add3A_198 {offsets = [0, 32], sizes = [64, 32], strides = [1, 1]} : vector<64x128xf32> to vector<64x32xf32>
    %logistic3A_207 = arith.negf %slice3A_206 : vector<64x32xf32>
    %logistic3A_208 = math.exp %logistic3A_207 : vector<64x32xf32>
    %logistic3A_209 = arith.constant 1.000000e+00 : f32
    %logistic3A_210 = vector.broadcast %logistic3A_209 : f32 to vector<64x32xf32>
    %logistic3A_211 = arith.addf %logistic3A_210, %logistic3A_208 : vector<64x32xf32>
    %logistic3A_212 = arith.divf %logistic3A_210, %logistic3A_211 : vector<64x32xf32>
    %slice3A_213 = vector.extract_strided_slice %add3A_198 {offsets = [0, 64], sizes = [64, 32], strides = [1, 1]} : vector<64x128xf32> to vector<64x32xf32>
    %tanh3A_214 = math.tanh %slice3A_213 : vector<64x32xf32>
    %slice3A_215 = vector.extract_strided_slice %add3A_198 {offsets = [0, 96], sizes = [64, 32], strides = [1, 1]} : vector<64x128xf32> to vector<64x32xf32>
    %logistic3A_216 = arith.negf %slice3A_215 : vector<64x32xf32>
    %logistic3A_217 = math.exp %logistic3A_216 : vector<64x32xf32>
    %logistic3A_218 = arith.constant 1.000000e+00 : f32
    %logistic3A_219 = vector.broadcast %logistic3A_218 : f32 to vector<64x32xf32>
    %logistic3A_220 = arith.addf %logistic3A_219, %logistic3A_217 : vector<64x32xf32>
    %logistic3A_221 = arith.divf %logistic3A_219, %logistic3A_220 : vector<64x32xf32>
    %mul3A_222 = arith.mulf %logistic3A_212, %add3A_144 : vector<64x32xf32>
    %mul3A_223 = arith.mulf %logistic3A_205, %tanh3A_214 : vector<64x32xf32>
    %add3A_224 = arith.addf %mul3A_222, %mul3A_223 : vector<64x32xf32>
    %tanh3A_225 = math.tanh %add3A_224 : vector<64x32xf32>
    %mul3A_226 = arith.mulf %logistic3A_221, %tanh3A_225 : vector<64x32xf32>
    %dot_general3A_227 = arith.constant dense<0.000000e+00> : vector<64x10240xf32>
    %dot_general3A_228 = tpu.matmul %mul3A_226, %transpose3A, %dot_general3A_227 {dimension_numbers = #tpu.dot_dimension_numbers<[1], [0], [0], [1], [0, 0, 1, 1], [], []>, transpose_lhs_hint = false} : vector<64x32xf32>, vector<32x10240xf32>, vector<64x10240xf32> -> vector<64x10240xf32>
    %jit3A_229 = arith.constant -1.000000e+30 : f32
    %broadcast_in_dim3A_230 = vector.broadcast %jit3A_229 : f32 to vector<64x10240xf32>
    %select_n3A_231 = arith.select %eq3A_25, %dot_general3A_228, %broadcast_in_dim3A_230 : vector<64x10240xi1>, vector<64x10240xf32>
    %reduce_max3A_232 = arith.constant dense<0xFF800000> : vector<64xf32>
    %reduce_max3A_233 = vector.multi_reduction <maximumf>, %select_n3A_231, %reduce_max3A_232 [1] : vector<64x10240xf32> to vector<64xf32>
    %broadcast_in_dim3A_234 = vector.shape_cast %reduce_max3A_233 : vector<64xf32> to vector<64x1xf32>
    %gt3A_235 = arith.constant -1.000000e+29 : f32
    %gt3A_236 = vector.broadcast %gt3A_235 : f32 to vector<64x1xf32>
    %gt3A_237 = arith.cmpf ogt, %broadcast_in_dim3A_234, %gt3A_236 : vector<64x1xf32>
    %jit3A_238 = arith.constant 0.000000e+00 : f32
    %broadcast_in_dim3A_239 = vector.broadcast %jit3A_238 : f32 to vector<64x1xf32>
    %select_n3A_240 = arith.select %gt3A_237, %broadcast_in_dim3A_234, %broadcast_in_dim3A_239 : vector<64x1xi1>, vector<64x1xf32>
    %sub3A_241 = vector.broadcast %select_n3A_240 : vector<64x1xf32> to vector<64x10240xf32>
    %sub3A_242 = arith.subf %dot_general3A_228, %sub3A_241 : vector<64x10240xf32>
    %jit3A_243 = arith.constant -1.000000e+04 : f32
    %broadcast_in_dim3A_244 = vector.broadcast %jit3A_243 : f32 to vector<64x10240xf32>
    %select_n3A_245 = arith.select %eq3A_25, %sub3A_242, %broadcast_in_dim3A_244 : vector<64x10240xi1>, vector<64x10240xf32>
    %exp3A_246 = math.exp %select_n3A_245 : vector<64x10240xf32>
    %reduce_sum3A_247 = arith.constant dense<0.000000e+00> : vector<64xf32>
    %reduce_sum3A_248 = vector.multi_reduction <add>, %exp3A_246, %reduce_sum3A_247 [1] : vector<64x10240xf32> to vector<64xf32>
    %broadcast_in_dim3A_249 = vector.shape_cast %reduce_sum3A_248 : vector<64xf32> to vector<64x1xf32>
    %add3A_250 = arith.constant 1.000000e-16 : f32
    %add3A_251 = vector.broadcast %add3A_250 : f32 to vector<64x1xf32>
    %add3A_252 = arith.addf %broadcast_in_dim3A_249, %add3A_251 : vector<64x1xf32>
    %div3A_253 = vector.broadcast %add3A_252 : vector<64x1xf32> to vector<64x10240xf32>
    %div3A_254 = arith.divf %exp3A_246, %div3A_253 : vector<64x10240xf32>
    %dot_general3A_255 = arith.constant dense<0.000000e+00> : vector<64x32xf32>
    %dot_general3A_256 = tpu.matmul %div3A_254, %add3A_21, %dot_general3A_255 {dimension_numbers = #tpu.dot_dimension_numbers<[1], [0], [0], [1], [0, 0, 1, 1], [], []>, transpose_lhs_hint = false} : vector<64x10240xf32>, vector<10240x32xf32>, vector<64x32xf32> -> vector<64x32xf32>
    %concatenate3A_257 = tpu.concatenate %mul3A_226, %dot_general3A_256 in 1 : vector<64x32xf32>, vector<64x32xf32> -> vector<64x64xf32>
    %get3A_258 = arith.constant 0 : index
    %get3A_259 = arith.constant 0 : index
    %get3A_260 = vector.load %arg5[%get3A_258, %get3A_259] : memref<64x128xf32, #tpu.memory_space<vmem>>, vector<64x128xf32>
    %dot_general3A_261 = arith.constant dense<0.000000e+00> : vector<64x128xf32>
    %dot_general3A_262 = tpu.matmul %concatenate3A_257, %get3A_260, %dot_general3A_261 {dimension_numbers = #tpu.dot_dimension_numbers<[1], [0], [0], [1], [0, 0, 1, 1], [], []>, transpose_lhs_hint = false} : vector<64x64xf32>, vector<64x128xf32>, vector<64x128xf32> -> vector<64x128xf32>
    %get3A_263 = arith.constant 0 : index
    %get3A_264 = arith.constant 0 : index
    %get3A_265 = vector.load %arg7[%get3A_263, %get3A_264] : memref<1x128xf32, #tpu.memory_space<vmem>>, vector<1x128xf32>
    %add3A_266 = vector.broadcast %get3A_265 : vector<1x128xf32> to vector<64x128xf32>
    %add3A_267 = arith.addf %dot_general3A_262, %add3A_266 : vector<64x128xf32>
    %get3A_268 = arith.constant 0 : index
    %get3A_269 = arith.constant 0 : index
    %get3A_270 = vector.load %arg6[%get3A_268, %get3A_269] : memref<32x128xf32, #tpu.memory_space<vmem>>, vector<32x128xf32>
    %dot_general3A_271 = arith.constant dense<0.000000e+00> : vector<64x128xf32>
    %dot_general3A_272 = tpu.matmul %mul3A_226, %get3A_270, %dot_general3A_271 {dimension_numbers = #tpu.dot_dimension_numbers<[1], [0], [0], [1], [0, 0, 1, 1], [], []>, transpose_lhs_hint = false} : vector<64x32xf32>, vector<32x128xf32>, vector<64x128xf32> -> vector<64x128xf32>
    %add3A_273 = arith.addf %add3A_267, %dot_general3A_272 : vector<64x128xf32>
    %get3A_274 = arith.constant 0 : index
    %get3A_275 = arith.constant 0 : index
    %get3A_276 = vector.load %arg8[%get3A_274, %get3A_275] : memref<1x128xf32, #tpu.memory_space<vmem>>, vector<1x128xf32>
    %add3A_277 = vector.broadcast %get3A_276 : vector<1x128xf32> to vector<64x128xf32>
    %add3A_278 = arith.addf %add3A_273, %add3A_277 : vector<64x128xf32>
    %slice3A_279 = vector.extract_strided_slice %add3A_278 {offsets = [0, 0], sizes = [64, 32], strides = [1, 1]} : vector<64x128xf32> to vector<64x32xf32>
    %logistic3A_280 = arith.negf %slice3A_279 : vector<64x32xf32>
    %logistic3A_281 = math.exp %logistic3A_280 : vector<64x32xf32>
    %logistic3A_282 = arith.constant 1.000000e+00 : f32
    %logistic3A_283 = vector.broadcast %logistic3A_282 : f32 to vector<64x32xf32>
    %logistic3A_284 = arith.addf %logistic3A_283, %logistic3A_281 : vector<64x32xf32>
    %logistic3A_285 = arith.divf %logistic3A_283, %logistic3A_284 : vector<64x32xf32>
    %slice3A_286 = vector.extract_strided_slice %add3A_278 {offsets = [0, 32], sizes = [64, 32], strides = [1, 1]} : vector<64x128xf32> to vector<64x32xf32>
    %logistic3A_287 = arith.negf %slice3A_286 : vector<64x32xf32>
    %logistic3A_288 = math.exp %logistic3A_287 : vector<64x32xf32>
    %logistic3A_289 = arith.constant 1.000000e+00 : f32
    %logistic3A_290 = vector.broadcast %logistic3A_289 : f32 to vector<64x32xf32>
    %logistic3A_291 = arith.addf %logistic3A_290, %logistic3A_288 : vector<64x32xf32>
    %logistic3A_292 = arith.divf %logistic3A_290, %logistic3A_291 : vector<64x32xf32>
    %slice3A_293 = vector.extract_strided_slice %add3A_278 {offsets = [0, 64], sizes = [64, 32], strides = [1, 1]} : vector<64x128xf32> to vector<64x32xf32>
    %tanh3A_294 = math.tanh %slice3A_293 : vector<64x32xf32>
    %slice3A_295 = vector.extract_strided_slice %add3A_278 {offsets = [0, 96], sizes = [64, 32], strides = [1, 1]} : vector<64x128xf32> to vector<64x32xf32>
    %logistic3A_296 = arith.negf %slice3A_295 : vector<64x32xf32>
    %logistic3A_297 = math.exp %logistic3A_296 : vector<64x32xf32>
    %logistic3A_298 = arith.constant 1.000000e+00 : f32
    %logistic3A_299 = vector.broadcast %logistic3A_298 : f32 to vector<64x32xf32>
    %logistic3A_300 = arith.addf %logistic3A_299, %logistic3A_297 : vector<64x32xf32>
    %logistic3A_301 = arith.divf %logistic3A_299, %logistic3A_300 : vector<64x32xf32>
    %mul3A_302 = arith.mulf %logistic3A_292, %add3A_224 : vector<64x32xf32>
    %mul3A_303 = arith.mulf %logistic3A_285, %tanh3A_294 : vector<64x32xf32>
    %add3A_304 = arith.addf %mul3A_302, %mul3A_303 : vector<64x32xf32>
    %tanh3A_305 = math.tanh %add3A_304 : vector<64x32xf32>
    %mul3A_306 = arith.mulf %logistic3A_301, %tanh3A_305 : vector<64x32xf32>
    %dot_general3A_307 = arith.constant dense<0.000000e+00> : vector<64x10240xf32>
    %dot_general3A_308 = tpu.matmul %mul3A_306, %transpose3A, %dot_general3A_307 {dimension_numbers = #tpu.dot_dimension_numbers<[1], [0], [0], [1], [0, 0, 1, 1], [], []>, transpose_lhs_hint = false} : vector<64x32xf32>, vector<32x10240xf32>, vector<64x10240xf32> -> vector<64x10240xf32>
    %jit3A_309 = arith.constant -1.000000e+30 : f32
    %broadcast_in_dim3A_310 = vector.broadcast %jit3A_309 : f32 to vector<64x10240xf32>
    %select_n3A_311 = arith.select %eq3A_25, %dot_general3A_308, %broadcast_in_dim3A_310 : vector<64x10240xi1>, vector<64x10240xf32>
    %reduce_max3A_312 = arith.constant dense<0xFF800000> : vector<64xf32>
    %reduce_max3A_313 = vector.multi_reduction <maximumf>, %select_n3A_311, %reduce_max3A_312 [1] : vector<64x10240xf32> to vector<64xf32>
    %broadcast_in_dim3A_314 = vector.shape_cast %reduce_max3A_313 : vector<64xf32> to vector<64x1xf32>
    %gt3A_315 = arith.constant -1.000000e+29 : f32
    %gt3A_316 = vector.broadcast %gt3A_315 : f32 to vector<64x1xf32>
    %gt3A_317 = arith.cmpf ogt, %broadcast_in_dim3A_314, %gt3A_316 : vector<64x1xf32>
    %jit3A_318 = arith.constant 0.000000e+00 : f32
    %broadcast_in_dim3A_319 = vector.broadcast %jit3A_318 : f32 to vector<64x1xf32>
    %select_n3A_320 = arith.select %gt3A_317, %broadcast_in_dim3A_314, %broadcast_in_dim3A_319 : vector<64x1xi1>, vector<64x1xf32>
    %sub3A_321 = vector.broadcast %select_n3A_320 : vector<64x1xf32> to vector<64x10240xf32>
    %sub3A_322 = arith.subf %dot_general3A_308, %sub3A_321 : vector<64x10240xf32>
    %jit3A_323 = arith.constant -1.000000e+04 : f32
    %broadcast_in_dim3A_324 = vector.broadcast %jit3A_323 : f32 to vector<64x10240xf32>
    %select_n3A_325 = arith.select %eq3A_25, %sub3A_322, %broadcast_in_dim3A_324 : vector<64x10240xi1>, vector<64x10240xf32>
    %exp3A_326 = math.exp %select_n3A_325 : vector<64x10240xf32>
    %reduce_sum3A_327 = arith.constant dense<0.000000e+00> : vector<64xf32>
    %reduce_sum3A_328 = vector.multi_reduction <add>, %exp3A_326, %reduce_sum3A_327 [1] : vector<64x10240xf32> to vector<64xf32>
    %broadcast_in_dim3A_329 = vector.shape_cast %reduce_sum3A_328 : vector<64xf32> to vector<64x1xf32>
    %add3A_330 = arith.constant 1.000000e-16 : f32
    %add3A_331 = vector.broadcast %add3A_330 : f32 to vector<64x1xf32>
    %add3A_332 = arith.addf %broadcast_in_dim3A_329, %add3A_331 : vector<64x1xf32>
    %div3A_333 = vector.broadcast %add3A_332 : vector<64x1xf32> to vector<64x10240xf32>
    %div3A_334 = arith.divf %exp3A_326, %div3A_333 : vector<64x10240xf32>
    %dot_general3A_335 = arith.constant dense<0.000000e+00> : vector<64x32xf32>
    %dot_general3A_336 = tpu.matmul %div3A_334, %add3A_21, %dot_general3A_335 {dimension_numbers = #tpu.dot_dimension_numbers<[1], [0], [0], [1], [0, 0, 1, 1], [], []>, transpose_lhs_hint = false} : vector<64x10240xf32>, vector<10240x32xf32>, vector<64x32xf32> -> vector<64x32xf32>
    %concatenate3A_337 = tpu.concatenate %mul3A_306, %dot_general3A_336 in 1 : vector<64x32xf32>, vector<64x32xf32> -> vector<64x64xf32>
    %get3A_338 = arith.constant 0 : index
    %get3A_339 = arith.constant 0 : index
    %get3A_340 = vector.load %arg9[%get3A_338, %get3A_339] : memref<64x32xf32, #tpu.memory_space<vmem>>, vector<64x32xf32>
    %dot_general3A_341 = arith.constant dense<0.000000e+00> : vector<64x32xf32>
    %dot_general3A_342 = tpu.matmul %concatenate3A_337, %get3A_340, %dot_general3A_341 {dimension_numbers = #tpu.dot_dimension_numbers<[1], [0], [0], [1], [0, 0, 1, 1], [], []>, transpose_lhs_hint = false} : vector<64x64xf32>, vector<64x32xf32>, vector<64x32xf32> -> vector<64x32xf32>
    %get3A_343 = arith.constant 0 : index
    %get3A_344 = arith.constant 0 : index
    %get3A_345 = vector.load %arg10[%get3A_343, %get3A_344] : memref<1x32xf32, #tpu.memory_space<vmem>>, vector<1x32xf32>
    %add3A_346 = vector.broadcast %get3A_345 : vector<1x32xf32> to vector<64x32xf32>
    %add3A_347 = arith.addf %dot_general3A_342, %add3A_346 : vector<64x32xf32>
    %max3A = arith.constant 0.000000e+00 : f32
    %max3A_348 = vector.broadcast %max3A : f32 to vector<64x32xf32>
    %max3A_349 = arith.maximumf %add3A_347, %max3A_348 : vector<64x32xf32>
    %get3A_350 = arith.constant 0 : index
    %get3A_351 = arith.constant 0 : index
    %get3A_352 = vector.load %arg11[%get3A_350, %get3A_351] : memref<32x1xf32, #tpu.memory_space<vmem>>, vector<32x1xf32>
    %dot_general3A_353 = arith.constant dense<0.000000e+00> : vector<64x1xf32>
    %dot_general3A_354 = tpu.matmul %max3A_349, %get3A_352, %dot_general3A_353 {dimension_numbers = #tpu.dot_dimension_numbers<[1], [0], [0], [1], [0, 0, 1, 1], [], []>, transpose_lhs_hint = false} : vector<64x32xf32>, vector<32x1xf32>, vector<64x1xf32> -> vector<64x1xf32>
    %get3A_355 = arith.constant 0 : index
    %get3A_356 = arith.constant 0 : index
    %get3A_357 = vector.load %arg12[%get3A_355, %get3A_356] : memref<1x1xf32, #tpu.memory_space<vmem>>, vector<1x1xf32>
    %add3A_358 = vector.broadcast %get3A_357 : vector<1x1xf32> to vector<64x1xf32>
    %add3A_359 = arith.addf %dot_general3A_354, %add3A_358 : vector<64x1xf32>
    %swap3A = arith.constant 0 : index
    %swap3A_360 = arith.constant 0 : index
    %swap3A_361 = vector.load %arg13[%swap3A, %swap3A_360] : memref<64x1xf32, #tpu.memory_space<vmem>>, vector<64x1xf32>
    tpu.vector_store %arg13[%swap3A, %swap3A_360], %add3A_359 {strides = array<i32>} : memref<64x1xf32, #tpu.memory_space<vmem>>, vector<64x1xf32>,
    return
  }
}

</mosaic_0001>

<sc_bundles>
// kernel: kernel.10.cloned.1.call-start
scs
__scs_entry_jumppad:
0x0: {  	(pc) =	sbr.rel $0x88, $3  }
0x1: {  	(tag) =	ssettag $0x0;
	lr =	simm.s32 $0x1  }
0x2: {  	[smem:$0x3F8C] =	sst lr;
	_ =	strace $0xD0000000  }
0x3: {  	_ = 	snop  }
0x4: {  	_ = 	snop  }
0x5: {  	_ = 	snop  }
0x6: {  	_ = 	snop  }
0x7: {  	_ = 	snop  }
__scs_overlays_trampoline_lowered:
0x8: {  	[smem:$0x3F9B] =	sst s0  }
0x9: {  	[smem:$0x3F9C] =	sst s1  }
0xa: {  	[smem:$0x3F9D] =	sst s2  }
0xb: {  	[smem:$0x3F9E] =	sst s3  }
0xc: {  	[smem:$0x3F9F] =	sst s4  }
0xd: {  	[smem:$0x3FA0] =	sst s5  }
0xe: {  	[smem:$0x3FA1] =	sst s6  }
0xf: {  	[smem:$0x3FA2] =	sst s7  }
0x10: {  	[smem:$0x3FA3] =	sst s8  }
0x11: {  	[smem:$0x3FA4] =	sst s9;
	s0 =	simm.s32 @!p0 $0x0  }
0x12: {  	s1 =	sld [smem:$0x3F8A];
	s0 =	simm.s32 @p0 $0x1  }
0x13: {  	[smem:$0x3FA5] =	sst s0;
	s0 =	simm.s32 @!p1 $0x0  }
0x14: {  	s2 =	sld [smem:$0x3F89];
	s0 =	simm.s32 @p1 $0x1  }
0x15: {  	[smem:$0x3FA6] =	sst s0;
	s0 =	simm.s32 @!p2 $0x0  }
0x16: {  	s3 =	sld [smem:$0x3FDB];
	s0 =	simm.s32 @p2 $0x1  }
0x17: {  	s4 =	simm.s32 $0x1BF5;
	[smem:$0x3FA8] =	sst s0  }
0x18: {  	s0 =	sld [smem:$0x3F8B];
	_ =	swait.ge [sflag:s4], $0x0  }
0x19: {  	s7 =	sld [smem:$0x3F8C]  }
0x1a: {  	s8 =	sadd.s32 $0xFFFFE003, lr  }
0x1b: {  	s9 =	sadd.s32 $0xFFFFFEF7, lr;
	s5 =	simm.s32 $0xFFFFFFFF;
	p2 =	slt.u32 s8, $0xFFFFF086  }
0x1c: {  	p1 =	slt.u32 s9, $0xF7A;
	s5 =	simm.s32 @!p2 $0x0  }
0x1d: {  	s5 =	simm.s32 @p1 $0x1;
	p0 =	seq.s32 s7, s2  }
0x1e: {  	s7 =	smul.u32 @!p0 $0xF7A, s2;
	p2 =	seq.s32 @!p0 s5, $0x0  }
0x1f: {  	s9 =	smul.u32 $0xF7A, s1;
	s8 =	simm.s32 @!p0 $0x1BF5;
	p2 =	por !p2, p0  }
0x20: {  	[sflag:s8] =	ssyncset.s32 @!p0 $0xFFFFF086;
	s6 =	sadd.s32 @!p0 s3, s7;
	s7 =	simm.s32 @!p0 $0x108  }
0x21: {  	s3 =	sadd.s32 s3, s9;
	s6 =	sadd.s32 @!p0 $0x88, s6;
	s7 =	simm.s32 @p2 $0x1082  }
0x22: {  	[simem:s7], [sflag:s8] =	dma.local @!p0 [hbm:s6], $0xF7A  }
0x23: {  	s9 =	sor.u32 $0xD0000000, s2;
	s6 =	simm.s32 $0x108;
	_ =	swait.ge @!p0 [sflag:s8], $0x0  }
0x24: {  	s3 =	sadd.s32 $0x88, s3;
	s6 =	simm.s32 @!p1 $0x1082;
	[sflag:s4] =	ssyncset.s32 $0xFFFFF086  }
0x25: {  	[simem:s6], [sflag:s4] =	dma.local [hbm:s3], $0xF7A  }
0x26: {  	[smem:$0x3F8C] =	sst s1;
	(tag) =	ssettag s2;
	_ =	strace s9  }
0x27: {  	s1 =	sld [smem:$0x3F9C]  }
0x28: {  	s2 =	sld [smem:$0x3F9D]  }
0x29: {  	s4 =	sld [smem:$0x3F9F]  }
0x2a: {  	p0 =	seq.s32 s5, $0x0;
	s5 =	sld [smem:$0x3FA0]  }
0x2b: {  	s6 =	sld [smem:$0x3FA1]  }
0x2c: {  	s7 =	sld [smem:$0x3FA2]  }
0x2d: {  	s3 =	simm.s32 $0x108;
	s8 =	sld [smem:$0x3FA3]  }
0x2e: {  	s3 =	simm.s32 @!p0 $0x1082;
	s9 =	sld [smem:$0x3FA4]  }
0x2f: {  	lr =	sadd.s32 s0, s3;
	s0 =	sld [smem:$0x3F9B]  }
0x30: {  	s3 =	sld [smem:$0x3F9E]  }
0x31: {  	[smem:$0x3FA7] =	sst s10  }
0x32: {  	s10 =	sld [smem:$0x3FA5];
	_ =	sdelay $0x3  }
0x33: {  	p0 =	seq.s32 s10, $0x1;
	s10 =	sld [smem:$0x3FA7];
	_ =	sdelay $0x3  }
0x34: {  	[smem:$0x3FA7] =	sst s10  }
0x35: {  	s10 =	sld [smem:$0x3FA6];
	_ =	sdelay $0x3  }
0x36: {  	p1 =	seq.s32 s10, $0x1;
	s10 =	sld [smem:$0x3FA7];
	_ =	sdelay $0x3  }
0x37: {  	[smem:$0x3FA7] =	sst s10  }
0x38: {  	s10 =	sld [smem:$0x3FA8]  }
0x39: {  	_ = 	snop;
	(pc) =	sbr.ind lr, $3  }
0x3a: {  	_ = 	snop  }
0x3b: {  	_ = 	snop  }
0x3c: {  	p2 =	seq.s32 s10, $0x1;
	s10 =	sld [smem:$0x3FA7]  }
0x3d: {  	_ =	shalt  }
0x3e: {  	_ =	shalt  }
0x3f: {  	_ =	shalt  }
0x40: {  	_ =	shalt  }
0x41: {  	_ =	shalt  }
0x42: {  	_ =	shalt  }
0x43: {  	_ =	shalt  }
0x44: {  	_ =	shalt  }
0x45: {  	_ =	shalt  }
0x46: {  	_ =	shalt  }
0x47: {  	_ =	shalt  }
0x48: {  	_ =	shalt  }
0x49: {  	_ =	shalt  }
0x4a: {  	_ =	shalt  }
0x4b: {  	_ =	shalt  }
0x4c: {  	_ =	shalt  }
0x4d: {  	_ =	shalt  }
0x4e: {  	_ =	shalt  }
0x4f: {  	_ =	shalt  }
0x50: {  	_ =	shalt  }
0x51: {  	_ =	shalt  }
0x52: {  	_ =	shalt  }
0x53: {  	_ =	shalt  }
0x54: {  	_ =	shalt  }
0x55: {  	_ =	shalt  }
0x56: {  	_ =	shalt  }
0x57: {  	_ =	shalt  }
0x58: {  	_ =	shalt  }
0x59: {  	_ =	shalt  }
0x5a: {  	_ =	shalt  }
0x5b: {  	_ =	shalt  }
0x5c: {  	_ =	shalt  }
0x5d: {  	_ =	shalt  }
0x5e: {  	_ =	shalt  }
0x5f: {  	_ =	shalt  }
0x60: {  	_ =	shalt  }
0x61: {  	_ =	shalt  }
0x62: {  	_ =	shalt  }
0x63: {  	_ =	shalt  }
0x64: {  	_ =	shalt  }
0x65: {  	_ =	shalt  }
0x66: {  	_ =	shalt  }
0x67: {  	_ =	shalt  }
0x68: {  	_ =	shalt  }
0x69: {  	_ =	shalt  }
0x6a: {  	_ =	shalt  }
0x6b: {  	_ =	shalt  }
0x6c: {  	_ =	shalt  }
0x6d: {  	_ =	shalt  }
0x6e: {  	_ =	shalt  }
0x6f: {  	_ =	shalt  }
0x70: {  	_ =	shalt  }
0x71: {  	_ =	shalt  }
0x72: {  	_ =	shalt  }
0x73: {  	_ =	shalt  }
0x74: {  	_ =	shalt  }
0x75: {  	_ =	shalt  }
0x76: {  	_ =	shalt  }
0x77: {  	_ =	shalt  }
0x78: {  	_ =	shalt  }
0x79: {  	_ =	shalt  }
0x7a: {  	_ =	shalt  }
0x7b: {  	_ =	shalt  }
0x7c: {  	_ =	shalt  }
0x7d: {  	_ =	shalt  }
0x7e: {  	_ =	shalt  }
0x7f: {  	_ =	shalt  }
0x80: {  	_ =	shalt  }
0x81: {  	_ =	shalt  }
0x82: {  	_ =	shalt  }
0x83: {  	_ =	shalt  }
0x84: {  	_ =	shalt  }
0x85: {  	_ =	shalt  }
0x86: {  	_ =	shalt  }
0x87: {  	_ =	shalt  }
.Lfunc_end0:
.L_simem_size_0:
called_computation_lowered:
.L_overlay_start_0:
0x88: {  	s2 =	sld [smem:$0x3FD9]  }
0x89: {  	s3 =	sld [smem:$0x3FFE];
	_ =	sdelay $0x1  }
0x8a: {  	s1 =	srdreg.scid  }
0x8b: {  	s0 =	sand.u32 $0x1, s1  }
0x8c: {  	s16 =	sshll.u32 s0, $0xA;
	s2 =	sadd.s32 s3, s2  }
0x8d: {  	s2 =	sadd.s32 s2, s16  }
0x8e: {  	[smem:$0x3FB3] =	sst s2  }
0x8f: {  	_ = 	snop  }
0x90: {  	(tm) =	ssettm $0x1  }
0x91: {  	s17 =	sld [smem:$0x3FFB];
	_ =	sdelay $0x3  }
0x92: {  	_ =	strace s17  }
0x93: {  	s2 =	sld [smem:$0x3FFC];
	_ =	sdelay $0x3  }
0x94: {  	_ =	strace s2  }
0x95: {  	s2 =	sld [smem:$0x3FFD];
	_ =	sdelay $0x3  }
0x96: {  	_ =	strace s2  }
0x97: {  	_ =	strace $0x8FFFFFFF  }
0x98: {  	s18 =	sld [smem:$0x3FDB];
	_ =	sdelay $0x1  }
0x99: {  	s19 =	simm.s32 $_scs_section_size  }
0x9a: {  	s4 =	simm.s32 $_size__tile_overlayer_lowered;
	s5 =	simm.s32 $_tile_overlayer_lowered  }
0x9b: {  	s22 =	simm.s32 $0x1BFF;
	s21 =	sshll.u32 s5, $0x1;
	s2 =	sadd.s32 s19, s18  }
0x9c: {  	s6 =	simm.s32 $0x0;
	s20 =	sshll.u32 s4, $0x1;
	s4 =	sadd.s32 s21, s2  }
0x9d: {  	[timem:s6], [sflag:s22] =	dma.local [hbm:s4], s20  }
0x9e: {  	_ =	swait.ge [sflag:s22], s20  }
0x9f: {  	s3 =	ssub.s32 $0x0, s20;
	[sflag:s22] =	ssyncset.done $0x0  }
0xa0: {  	[sflag:s22] =	ssyncadd.s32 s3;
	_ =	sdelay $0x1  }
0xa1: {  	s23 =	simm.s32 $0x1B8B  }
0xa2: {  	_ =	swait.ge [sflag:s23], $0x1  }
0xa3: {  	[sflag:s23] =	ssyncset.done $0x0  }
0xa4: {  	s25 =	simm.s32 $0x1B8E;
	s24 =	sld [smem:$0x3FFE];
	[sflag:s23] =	ssyncadd.s32 $0xFFFFFFFF  }
0xa5: {  	s26 =	simm.s32 $execute0_lowered;
	[smem:$0x3FD2] =	sst s25  }
0xa6: {  	s4 =	sshll.u32 s26, $0x1;
	_ =	strace $0x80000046;
	[dreg:$0x1] =	wrdreg $0xFFFFFFFF  }
0xa7: {  	s28 =	simm.s32 $_size_execute0_lowered;
	s2 =	sadd.s32 s2, s4;
	[dreg:$0x0] =	wrdreg $0x0  }
0xa8: {  	s4 =	sshll.u32 s28, $0x1;
	[dreg:$0x2] =	wrdreg s2  }
0xa9: {  	[dreg:$0x3] =	wrdreg s4  }
0xaa: {  	[dreg:$0x4] =	wrdreg $0xC0  }
0xab: {  	_ =	task [dreg:s6], $0x5FFFF  }
0xac: {  	[dreg:$0x1] =	wrdreg $0xFFFFFFFF  }
0xad: {  	[dreg:$0x0] =	wrdreg $0x60  }
0xae: {  	[dreg:$0x2] =	wrdreg s24  }
0xaf: {  	[dreg:$0x3] =	wrdreg $0xF1000  }
0xb0: {  	[dreg:$0x4] =	wrdreg $0x9  }
0xb1: {  	_ =	task.clear_ibuf [dreg:s6], $0x5FFFF;
	_ =	strace $0x90000046  }
0xb2: {  	s29 =	simm.s32 $0x9;
	_ =	strace $0x80000048  }
0xb3: {  	_ =	swait.ge [sflag:s29], $0x1  }
0xb4: {  	[sflag:s29] =	ssyncadd.s32 $0xFFFFFFFF  }
0xb5: {  	_ =	strace $0x90000048  }
0xb6: {  	_ =	sfence  }
0xb7: {  	s30 =	sld [smem:$0x0];
	_ =	sdelay $0x2  }
0xb8: {  	s31 =	sshll.u32 s1, $0xD;
	s1 =	sshrl.u32 s1, $0x2  }
0xb9: {  	s3 =	sand.u32 $0x4000, s31;
	s1 =	sadd.s32 s1, s30  }
0xba: {  	s0 =	sor.u32 s3, s0;
	s1 =	sshll.u32 s1, $0x11  }
0xbb: {  	s0 =	sor.u32 s1, s0  }
0xbc: {  	s0 =	sadd.s32 $0x8F2B, s0  }
0xbd: {  	[sflag:s0] =	ssyncadd.remote.s32 $0x1  }
0xbe: {  	_ =	sfence.sel $0xFFFF  }
0xbf: {  	[dreg:$0x0] =	wrdreg $0xFFFFFFFF;
	(pc) =	sbr.abs _section_cstart, $3  }
0xc0: {  	[dreg:$0x1] =	wrdreg $0xFFFFFFFF  }
0xc1: {  	_ =	task.clear_ibuf [dreg:s6], $0x2FFFF;
	_ =	strace $0x9FFFFFFF  }
0xc2: {  	(tm) =	ssettm $0x7FFFFFFF  }
0xc3: {  	_ =	shalt  }
tec
execute0_lowered:
.L_overlay_start_1:
0x0: {  	(tag) =	ssettag $0x1  }
0x1: {  	s0 =	srdreg.scid;
	s5 =	rddreg [dreg:$0x0]  }
0x2: {  	s4 =	stileid.u32;
	s2 =	rddreg [dreg:$0x1]  }
0x3: {  	s3 =	simm.s32 $0x0;
	s13 =	simm.s32 $0xA000;
	s14 =	simm.s32 $0xB  }
0x4: {  	s15 =	simm.s32 $0x1;
	s16 =	simm.s32 $0x2;
	s17 =	simm.s32 $0x3  }
0x5: {  	s18 =	simm.s32 $0x80;
	s20 =	simm.s32 $0x5000;
	s22 =	simm.s32 $0x6000  }
0x6: {  	s24 =	simm.s32 $0x7000;
	s26 =	simm.s32 $0x8000;
	s29 =	simm.s32 $0x9000  }
0x7: {  	s30 =	simm.s32 $0x6;
	s31 =	simm.s32 $0x7;
	s11 =	simm.s32 $0x9  }
0x8: {  	s12 =	simm.s32 $0x5;
	s19 =	simm.s32 $0xA;
	s23 =	simm.s32 $0x0  }
0x9: {  	s0 =	sand.u32 $0x1, s0;
	s8 =	smul.u32 $0x5100, s4;
	[smem:$0x7FF] =	sst s3  }
0xa: {  	s1 =	sshll.u32 s0, $0x4;
	s28 =	smul.u32 $0x51000, s0;
	_ =	strace $0x80000047  }
0xb: {  	s0 =	ssub.s32 $0x2, s0;
	s1 =	sor.u32 s4, s1;
	s4 =	sadd.s32 $0x12800, s5  }
0xc: {  	s7 =	sshrl.u32 s0, $0x1;
	s1 =	smul.u32 $0x280, s1;
	s6 =	sadd.s32 s8, s28  }
0xd: {  	s0 =	ssub.s32 s0, s7;
	s8 =	sadd.s32 s8, s2;
	s6 =	sshrl.u32 s6, $0x3  }
0xe: {  	s10 =	smax.u32 s0, $0x1;
	s0 =	simm.s32 $0x4;
	s1 =	sadd.s32 s1, s5  }
0xf: {  	s9 =	sadd.s32 s6, s5;
	s5 =	sadd.s32 $0x8800, s1;
	s6 =	sadd.s32 $0x3800, s1  }
0x10: {  	v0 =	vimm.f32 $0.0e+00;
	s7 =	sadd.s32 $0xD800, s1;
	s9 =	sadd.s32 $0xB2800, s9;
	s1 =	simm.s32 $0x8  }
.LBB2_1:
0x11: {  	[tilespmem:s3], [sflag:$0x1] =	stream.linear.gather [hbm4b:s5+s3], $0x1400, $0x38;
	[tilespmem:$0x14200] =	vst v63  }
0x12: {  	s21 =	simm.s32 $0x1400  }
0x13: {  	[tilespmem:s21], [sflag:$0x2] =	stream.linear.gather [hbm4b:s6+s3], $0x1400, $0x38;
	[tilespmem:$0x14200] =	vst v63  }
0x14: {  	s28 =	simm.s32 $0x2800;
	s25 =	simm.s32 $0x200;
	s21 =	simm.s32 $0x0  }
0x15: {  	[tilespmem:s28], [sflag:$0x3] =	stream.linear.gather [hbm4b:s7+s3], $0x1400, $0x38;
	[tilespmem:$0x14200] =	vst v63  }
.LBB2_2:
0x16: {  	p0 =	sne.s32 s25, $0x14200;
	[tilespmem:s21+$0xA070] =	vst v0  }
0x17: {  	[tilespmem:s21+$0xA000] =	vst v0  }
0x18: {  	[tilespmem:s21+$0xA010] =	vst v0  }
.Ltmp0:
0x19: {  	[tilespmem:s21+$0xA020] =	vst v0;
	(pc) =	sbr.rel @p0 .LBB2_2-.Ltmp0, $4  }
0x1a: {  	[tilespmem:s21+$0xA030] =	vst v0  }
0x1b: {  	[tilespmem:s21+$0xA040] =	vst v0  }
0x1c: {  	[tilespmem:s21+$0xA050] =	vst v0  }
0x1d: {  	[tilespmem:s21+$0xA060] =	vst v0;
	s21 =	sshra.s32 s25, $0x2;
	s25 =	sadd.s32 $0x200, s25  }
0x1e: {  	[tilespmem:s21+$0xA070] =	vst v0  }
0x1f: {  	[tilespmem:s21+$0xA000] =	vst v0  }
0x20: {  	[tilespmem:s21+$0xA010] =	vst v0  }
0x21: {  	[tilespmem:s21+$0xA020] =	vst v0  }
0x22: {  	[tilespmem:s21+$0xA030] =	vst v0  }
0x23: {  	[tilespmem:s21+$0xA040] =	vst v0  }
0x24: {  	[tilespmem:s21+$0xA050] =	vst v0  }
0x25: {  	[tilespmem:s21+$0xA060] =	vst v0  }
0x26: {  	[spmem:s8] =	stream.linear.scatter [tilespmem:s13], [sflag:$0xB], $0x5100, $0x38;
	[tilespmem:$0x14200] =	vst v63  }
0x27: {  	_ =	swait.ge [sflag:s14], $0x5100  }
0x28: {  	[sflag:s14] =	ssyncset.done $0x0  }
0x29: {  	[sflag:s14] =	ssyncadd.s32 $0xFFFFAF00  }
0x2a: {  	_ =	swait.ge [sflag:s15], $0x1400  }
0x2b: {  	[sflag:s15] =	ssyncset.done $0x0  }
0x2c: {  	[sflag:s15] =	ssyncadd.s32 $0xFFFFEC00  }
0x2d: {  	_ =	swait.ge [sflag:s16], $0x1400  }
0x2e: {  	[sflag:s16] =	ssyncset.done $0x0  }
0x2f: {  	[sflag:s16] =	ssyncadd.s32 $0xFFFFEC00  }
0x30: {  	_ =	swait.ge [sflag:s17], $0x1400  }
0x31: {  	[sflag:s17] =	ssyncset.done $0x0  }
0x32: {  	s25 =	simm.s32 $0x0;
	[sflag:s17] =	ssyncadd.s32 $0xFFFFEC00  }
0x33: {  	v4 =	vld [tilespmem:s25+$0x70]  }
0x34: {  	v5 =	vld [tilespmem:s25+$0x1470]  }
0x35: {  	v7 =	vld [tilespmem:s25+$0x0]  }
0x36: {  	v1 =	vld [tilespmem:s25+$0x1400]  }
0x37: {  	v8 =	vld [tilespmem:s25+$0x10]  }
0x38: {  	v2 =	vld [tilespmem:s25+$0x1410]  }
0x39: {  	v9 =	vld [tilespmem:s25+$0x20]  }
0x3a: {  	v11 =	vld [tilespmem:s25+$0x30]  }
0x3b: {  	v17 =	vld [tilespmem:s25+$0x50]  }
0x3c: {  	v21 =	vld [tilespmem:s25+$0x60];
	v6 =	vshll.u32 v4, $0x4;
	v10 =	vshll.u32 v5, $0x3  }
0x3d: {  	v4 =	vshll.u32 v4, $0x2;
	v12 =	vshll.u32 v7, $0x4;
	v13 =	vshll.u32 v1, $0x3  }
0x3e: {  	v5 =	vand.u32 $0x3, v5;
	v14 =	vshll.u32 v8, $0x4;
	v15 =	vshll.u32 v2, $0x3  }
0x3f: {  	v16 =	vshll.u32 v9, $0x4;
	v19 =	vshll.u32 v11, $0x4;
	v20 =	vshll.u32 v7, $0x2  }
0x40: {  	v8 =	vshll.u32 v8, $0x2;
	v24 =	vshll.u32 v9, $0x2;
	v11 =	vshll.u32 v11, $0x2  }
0x41: {  	v25 =	vshll.u32 v17, $0x4;
	v17 =	vshll.u32 v17, $0x2;
	v27 =	vshll.u32 v21, $0x4  }
0x42: {  	v3 =	vld [tilespmem:s25+$0x1420];
	v21 =	vshll.u32 v21, $0x2;
	v6 =	vand.u32 $0xFFFFFF80, v6;
	v10 =	vand.u32 $0xFFFFFFE0, v10  }
0x43: {  	v12 =	vand.u32 $0xFFFFFF80, v12;
	v6 =	vadd.s32 v6, v10;
	v10 =	vand.u32 $0x1C, v4;
	v4 =	vld [tilespmem:s25+$0x1430]  }
0x44: {  	v13 =	vand.u32 $0xFFFFFFE0, v13;
	v14 =	vand.u32 $0xFFFFFF80, v14;
	v15 =	vand.u32 $0xFFFFFFE0, v15  }
0x45: {  	v16 =	vand.u32 $0xFFFFFF80, v16;
	v19 =	vand.u32 $0xFFFFFF80, v19;
	v6 =	vor.u32 v10, v6  }
0x46: {  	v25 =	vand.u32 $0xFFFFFF80, v25;
	v27 =	vand.u32 $0xFFFFFF80, v27;
	v10 =	vld [tilespmem:s25+$0x40];
	v6 =	vor.u32 v5, v6  }
0x47: {  	v8 =	vand.u32 $0x1C, v8;
	v63 =	vand.u32 $0x1C, v11;
	v5 =	vld [tilespmem:s25+$0x1440];
	[tilespmem:s25+$0x3C70] =	vst v6;
	v6 =	vshll.u32 v3, $0x3  }
0x48: {  	v17 =	vand.u32 $0x1C, v17;
	v18 =	vand.u32 $0xFFFFFFE0, v6;
	v6 =	vld [tilespmem:s25+$0x1450];
	v7 =	vshll.u32 v4, $0x3  }
0x49: {  	v11 =	vand.u32 $0x1C, v21;
	v12 =	vadd.s32 v12, v13;
	v22 =	vand.u32 $0xFFFFFFE0, v7;
	v7 =	vld [tilespmem:s25+$0x1460]  }
0x4a: {  	v13 =	vadd.s32 v14, v15;
	v15 =	vand.u32 $0x1C, v20;
	v18 =	vadd.s32 v16, v18  }
0x4b: {  	v16 =	vor.u32 v15, v12;
	v15 =	vor.u32 v8, v13;
	v23 =	vshll.u32 v10, $0x4  }
0x4c: {  	v10 =	vshll.u32 v10, $0x2;
	v9 =	vand.u32 $0xFFFFFF80, v23;
	v60 =	vshll.u32 v5, $0x3  }
0x4d: {  	v19 =	vadd.s32 v19, v22;
	v10 =	vand.u32 $0x1C, v10;
	v23 =	vand.u32 $0xFFFFFFE0, v60  }
0x4e: {  	v26 =	vshll.u32 v6, $0x3;
	v61 =	vadd.s32 v9, v23;
	v28 =	vshll.u32 v7, $0x3  }
0x4f: {  	v26 =	vand.u32 $0xFFFFFFE0, v26;
	v12 =	vor.u32 v10, v61;
	v14 =	vand.u32 $0xFFFFFFE0, v28  }
0x50: {  	s28 =	simm.s32 $0x80;
	v62 =	vadd.s32 v25, v26;
	v9 =	vadd.s32 v27, v14;
	v14 =	vand.u32 $0x1C, v24  }
0x51: {  	s21 =	simm.s32 $0x400;
	v8 =	vld [tilespmem:s28+$0x70];
	v10 =	vor.u32 v17, v62;
	v13 =	vor.u32 v14, v18;
	v14 =	vor.u32 v63, v19  }
.LBB2_4:
0x52: {  	p0 =	sne.s32 s21, $0x4E00;
	v17 =	vld [tilespmem:s28+$0x1470];
	v18 =	vand.u32 $0x3, v1;
	v2 =	vand.u32 $0x3, v2;
	v9 =	vor.u32 v11, v9  }
0x53: {  	v3 =	vand.u32 $0x3, v3;
	v4 =	vand.u32 $0x3, v4;
	v5 =	vand.u32 $0x3, v5;
	v11 =	vld [tilespmem:s28+$0x0]  }
0x54: {  	v6 =	vand.u32 $0x3, v6;
	v7 =	vand.u32 $0x3, v7;
	v16 =	vor.u32 v18, v16;
	v1 =	vld [tilespmem:s28+$0x1400]  }
0x55: {  	v15 =	vor.u32 v2, v15;
	v3 =	vor.u32 v3, v13;
	v4 =	vor.u32 v4, v14;
	v18 =	vld [tilespmem:s28+$0x10];
	[tilespmem:s25+$0x3C00] =	vst v16  }
0x56: {  	v5 =	vor.u32 v5, v12;
	v6 =	vor.u32 v6, v10;
	v7 =	vor.u32 v7, v9;
	v2 =	vld [tilespmem:s28+$0x1410];
	[tilespmem:s25+$0x3C10] =	vst v15  }
0x57: {  	v10 =	vshll.u32 v8, $0x4;
	v9 =	vld [tilespmem:s28+$0x20];
	v12 =	vshll.u32 v17, $0x3;
	[tilespmem:s25+$0x3C20] =	vst v3  }
0x58: {  	v8 =	vshll.u32 v8, $0x2;
	v10 =	vand.u32 $0xFFFFFF80, v10;
	v3 =	vld [tilespmem:s28+$0x1420];
	v12 =	vand.u32 $0xFFFFFFE0, v12;
	[tilespmem:s25+$0x3C30] =	vst v4  }
0x59: {  	v8 =	vand.u32 $0x1C, v8;
	v13 =	vshll.u32 v11, $0x4;
	v14 =	vld [tilespmem:s28+$0x30];
	v10 =	vadd.s32 v10, v12;
	[tilespmem:s25+$0x3C40] =	vst v5  }
0x5a: {  	v5 =	vshll.u32 v1, $0x3;
	v4 =	vld [tilespmem:s28+$0x1430];
	v8 =	vor.u32 v8, v10;
	v10 =	vand.u32 $0x3, v17;
	[tilespmem:s25+$0x3C50] =	vst v6  }
0x5b: {  	v6 =	vshll.u32 v18, $0x4;
	v12 =	vshll.u32 v2, $0x3;
	v15 =	vld [tilespmem:s28+$0x40];
	v8 =	vor.u32 v10, v8;
	[tilespmem:s25+$0x3C60] =	vst v7;
	s25 =	smov.u32 s28  }
0x5c: {  	v10 =	vand.u32 $0xFFFFFF80, v13;
	v13 =	vand.u32 $0xFFFFFFE0, v5;
	v7 =	vshll.u32 v9, $0x4;
	v5 =	vld [tilespmem:s25+$0x1440];
	[tilespmem:s25+$0x3C70] =	vst v8  }
0x5d: {  	v8 =	vand.u32 $0xFFFFFF80, v6;
	v12 =	vand.u32 $0xFFFFFFE0, v12;
	v6 =	vshll.u32 v3, $0x3;
	v16 =	vld [tilespmem:s25+$0x50]  }
0x5e: {  	v17 =	vand.u32 $0xFFFFFF80, v7;
	v19 =	vand.u32 $0xFFFFFFE0, v6;
	v7 =	vshll.u32 v14, $0x4;
	v6 =	vld [tilespmem:s25+$0x1450]  }
0x5f: {  	v11 =	vshll.u32 v11, $0x2;
	v20 =	vand.u32 $0xFFFFFF80, v7;
	v7 =	vshll.u32 v4, $0x3;
	v21 =	vld [tilespmem:s25+$0x60]  }
0x60: {  	v18 =	vshll.u32 v18, $0x2;
	v22 =	vand.u32 $0xFFFFFFE0, v7;
	v23 =	vshll.u32 v15, $0x4;
	v7 =	vld [tilespmem:s25+$0x1460]  }
0x61: {  	v24 =	vshll.u32 v9, $0x2;
	v9 =	vand.u32 $0xFFFFFF80, v23;
	v23 =	vshll.u32 v5, $0x3  }
0x62: {  	v14 =	vshll.u32 v14, $0x2;
	v23 =	vand.u32 $0xFFFFFFE0, v23;
	v25 =	vshll.u32 v16, $0x4  }
0x63: {  	v15 =	vshll.u32 v15, $0x2;
	v25 =	vand.u32 $0xFFFFFF80, v25;
	v26 =	vshll.u32 v6, $0x3  }
0x64: {  	v16 =	vshll.u32 v16, $0x2;
	v26 =	vand.u32 $0xFFFFFFE0, v26;
	v27 =	vshll.u32 v21, $0x4  }
0x65: {  	v21 =	vshll.u32 v21, $0x2;
	v27 =	vand.u32 $0xFFFFFF80, v27;
	v28 =	vshll.u32 v7, $0x3  }
0x66: {  	v10 =	vadd.s32 v10, v13;
	v8 =	vadd.s32 v8, v12;
	v12 =	vand.u32 $0xFFFFFFE0, v28  }
0x67: {  	v13 =	vadd.s32 v17, v19;
	v17 =	vadd.s32 v20, v22;
	v19 =	vadd.s32 v9, v23  }
.Ltmp1:
0x68: {  	v20 =	vand.u32 $0x1C, v11;
	v22 =	vadd.s32 v25, v26;
	v9 =	vadd.s32 v27, v12;
	(pc) =	sbr.rel @p0 .LBB2_4-.Ltmp1, $4  }
0x69: {  	v14 =	vand.u32 $0x1C, v14;
	v12 =	vand.u32 $0x1C, v18;
	v18 =	vand.u32 $0x1C, v24  }
0x6a: {  	v23 =	vand.u32 $0x1C, v15;
	v11 =	vand.u32 $0x1C, v21;
	v24 =	vand.u32 $0x1C, v16  }
0x6b: {  	s28 =	sshra.s32 s21, $0x2;
	v16 =	vor.u32 v20, v10;
	v15 =	vor.u32 v12, v8;
	v13 =	vor.u32 v18, v13  }
0x6c: {  	s21 =	sadd.s32 $0x200, s21;
	v14 =	vor.u32 v14, v17;
	v12 =	vor.u32 v23, v19;
	v10 =	vor.u32 v24, v22;
	v8 =	vld [tilespmem:s28+$0x70]  }
0x6d: {  	v17 =	vld [tilespmem:s28+$0x1470]  }
0x6e: {  	v18 =	vld [tilespmem:s28+$0x0];
	v1 =	vand.u32 $0x3, v1  }
0x6f: {  	v19 =	vld [tilespmem:s28+$0x1400];
	v2 =	vand.u32 $0x3, v2;
	v3 =	vand.u32 $0x3, v3;
	v1 =	vor.u32 v1, v16  }
0x70: {  	v33 =	vld [tilespmem:s28+$0x10];
	v4 =	vand.u32 $0x3, v4;
	v5 =	vand.u32 $0x3, v5;
	[tilespmem:s25+$0x3C00] =	vst v1;
	v1 =	vor.u32 v2, v15  }
0x71: {  	v9 =	vor.u32 v11, v9;
	v6 =	vand.u32 $0x3, v6;
	v2 =	vld [tilespmem:s28+$0x1410];
	[tilespmem:s25+$0x3C10] =	vst v1;
	v1 =	vor.u32 v3, v13  }
0x72: {  	v7 =	vand.u32 $0x3, v7;
	v3 =	vld [tilespmem:s28+$0x20];
	[tilespmem:s25+$0x3C20] =	vst v1;
	v1 =	vor.u32 v4, v14;
	v36 =	vshll.u32 v8, $0x4  }
0x73: {  	v39 =	vshll.u32 v8, $0x2;
	v34 =	vld [tilespmem:s28+$0x1420];
	[tilespmem:s25+$0x3C30] =	vst v1;
	v1 =	vor.u32 v5, v12;
	v37 =	vshll.u32 v17, $0x3  }
0x74: {  	v40 =	vand.u32 $0x1C, v39;
	v42 =	vshll.u32 v18, $0x4;
	v43 =	vand.u32 $0x3, v17  }
0x75: {  	v44 =	vshll.u32 v33, $0x4;
	v18 =	vshll.u32 v18, $0x2;
	v16 =	vshll.u32 v33, $0x2  }
0x76: {  	v59 =	vand.u32 $0x3, v19;
	v35 =	vld [tilespmem:s28+$0x30];
	[tilespmem:s25+$0x3C40] =	vst v1;
	v1 =	vor.u32 v6, v10;
	v6 =	vand.u32 $0xFFFFFF80, v36  }
0x77: {  	v10 =	vand.u32 $0xFFFFFFE0, v37;
	v56 =	vand.u32 $0x1C, v18;
	v16 =	vand.u32 $0x1C, v16  }
0x78: {  	v38 =	vld [tilespmem:s28+$0x1430];
	[tilespmem:s25+$0x3C50] =	vst v1;
	v1 =	vor.u32 v7, v9;
	v6 =	vadd.s32 v6, v10;
	v9 =	vand.u32 $0xFFFFFF80, v42  }
0x79: {  	v10 =	vand.u32 $0xFFFFFF80, v44;
	v41 =	vld [tilespmem:s28+$0x40];
	v6 =	vor.u32 v40, v6;
	[tilespmem:s25+$0x3C60] =	vst v1;
	v1 =	vshll.u32 v19, $0x3  }
0x7a: {  	v46 =	vshll.u32 v2, $0x3;
	v2 =	vand.u32 $0x3, v2;
	v6 =	vor.u32 v43, v6  }
0x7b: {  	v1 =	vand.u32 $0xFFFFFFE0, v1;
	v47 =	vshll.u32 v3, $0x4;
	v12 =	vand.u32 $0xFFFFFFE0, v46  }
0x7c: {  	v45 =	vld [tilespmem:s28+$0x1440];
	v3 =	vshll.u32 v3, $0x2;
	[tilespmem:s28+$0x3C70] =	vst v6;
	v48 =	vshll.u32 v34, $0x3;
	v6 =	vand.u32 $0xFFFFFF80, v47  }
0x7d: {  	v49 =	vld [tilespmem:s28+$0x50];
	v1 =	vadd.s32 v9, v1;
	v52 =	vadd.s32 v10, v12;
	v3 =	vand.u32 $0x1C, v3  }
0x7e: {  	v50 =	vld [tilespmem:s28+$0x1450];
	v4 =	vand.u32 $0x3, v34;
	v13 =	vand.u32 $0xFFFFFFE0, v48;
	v51 =	vshll.u32 v35, $0x4  }
0x7f: {  	v21 =	vld [tilespmem:s28+$0x60];
	v5 =	vshll.u32 v35, $0x2;
	v1 =	vor.u32 v56, v1;
	v9 =	vor.u32 v16, v52  }
0x80: {  	v22 =	vld [tilespmem:s28+$0x1460];
	v20 =	vshll.u32 v38, $0x3;
	v17 =	vand.u32 $0xFFFFFF80, v51;
	v6 =	vadd.s32 v6, v13  }
0x81: {  	v5 =	vand.u32 $0x1C, v5;
	v1 =	vor.u32 v59, v1;
	v60 =	vand.u32 $0x3, v38  }
0x82: {  	v20 =	vand.u32 $0xFFFFFFE0, v20;
	v23 =	vshll.u32 v41, $0x4;
	v8 =	vshll.u32 v41, $0x2  }
0x83: {  	v3 =	vor.u32 v3, v6;
	[tilespmem:s28+$0x3C00] =	vst v1;
	v1 =	vor.u32 v2, v9;
	v24 =	vshll.u32 v45, $0x3  }
0x84: {  	v23 =	vand.u32 $0xFFFFFF80, v23;
	v25 =	vshll.u32 v49, $0x4;
	v26 =	vshll.u32 v50, $0x3  }
0x85: {  	v27 =	vshll.u32 v21, $0x4;
	v14 =	vshll.u32 v49, $0x2;
	v28 =	vshll.u32 v22, $0x3  }
0x86: {  	v21 =	vshll.u32 v21, $0x2;
	v54 =	vadd.s32 v17, v20;
	v8 =	vand.u32 $0x1C, v8  }
0x87: {  	v3 =	vor.u32 v4, v3;
	v61 =	vand.u32 $0x3, v45;
	v62 =	vand.u32 $0x3, v50  }
0x88: {  	v24 =	vand.u32 $0xFFFFFFE0, v24;
	v25 =	vand.u32 $0xFFFFFF80, v25;
	v26 =	vand.u32 $0xFFFFFFE0, v26  }
0x89: {  	v27 =	vand.u32 $0xFFFFFF80, v27;
	v53 =	vand.u32 $0xFFFFFFE0, v28;
	v14 =	vand.u32 $0x1C, v14  }
0x8a: {  	[tilespmem:s28+$0x3C10] =	vst v1;
	v58 =	vand.u32 $0x1C, v21;
	v2 =	vor.u32 v5, v54;
	v55 =	vadd.s32 v23, v24  }
0x8b: {  	[tilespmem:s28+$0x3C20] =	vst v3;
	v57 =	vadd.s32 v25, v26;
	v2 =	vor.u32 v60, v2;
	v1 =	vor.u32 v8, v55  }
0x8c: {  	v10 =	vadd.s32 v27, v53;
	v3 =	vor.u32 v14, v57;
	[tilespmem:s28+$0x3C30] =	vst v2;
	v1 =	vor.u32 v61, v1  }
0x8d: {  	v63 =	vand.u32 $0x3, v22;
	v2 =	vor.u32 v58, v10;
	v3 =	vor.u32 v62, v3;
	[tilespmem:s28+$0x3C40] =	vst v1  }
0x8e: {  	v1 =	vor.u32 v63, v2;
	[tilespmem:s28+$0x3C50] =	vst v3  }
0x8f: {  	[tilespmem:s28+$0x3C60] =	vst v1  }
0x90: {  	s21 =	simm.s32 $0x3C00;
	[bflag:$0x0] =	sbarrier.arrive $0xFFFF  }
0x91: {  	[tilespmem:s20], [sflag:$0x1] =	stream.indirect.gather [hbm4b:s4+s18], $0x20, s21, s18, $0xb8;
	[tilespmem:$0x14200] =	vst v63  }
0x92: {  	s28 =	simm.s32 $0x3C80  }
0x93: {  	[tilespmem:s22], [sflag:$0x2] =	stream.indirect.gather [hbm4b:s4+s18], $0x20, s28, s18, $0xb8;
	[tilespmem:$0x14200] =	vst v63  }
0x94: {  	s25 =	simm.s32 $0x3D00  }
0x95: {  	[tilespmem:s24], [sflag:$0x3] =	stream.indirect.gather [hbm4b:s4+s18], $0x20, s25, s18, $0xb8;
	[tilespmem:$0x14200] =	vst v63  }
0x96: {  	s28 =	simm.s32 $0x3D80  }
0x97: {  	[tilespmem:s26], [sflag:$0x4] =	stream.indirect.gather [hbm4b:s4+s18], $0x20, s28, s18, $0xb8;
	[tilespmem:$0x14200] =	vst v63  }
0x98: {  	s25 =	simm.s32 $0x3E00  }
0x99: {  	[tilespmem:s29], [sflag:$0x5] =	stream.indirect.gather [hbm4b:s4+s18], $0x20, s25, s18, $0xb8;
	[tilespmem:$0x14200] =	vst v63  }
0x9a: {  	_ =	swait.ge [sflag:s15], $0x1000  }
0x9b: {  	[sflag:s15] =	ssyncset.done $0x0  }
0x9c: {  	s28 =	simm.s32 $0x2800;
	[sflag:s15] =	ssyncadd.s32 $0xFFFFF000  }
0x9d: {  	[spmem:s2] =	stream.indirect.scatter.add.f32 [tilespmem:s20], [sflag:$0x6], $0x20, s28, s18, $0xb8;
	[tilespmem:$0x14200] =	vst v63  }
0x9e: {  	_ =	swait.ge [sflag:s30], $0x1000  }
0x9f: {  	[sflag:s30] =	ssyncset.done $0x0  }
0xa0: {  	s25 =	simm.s32 $0x3E80;
	[sflag:s30] =	ssyncadd.s32 $0xFFFFF000  }
0xa1: {  	[tilespmem:s20], [sflag:$0x1] =	stream.indirect.gather [hbm4b:s4+s18], $0x20, s25, s18, $0xb8;
	[tilespmem:$0x14200] =	vst v63  }
0xa2: {  	_ =	swait.ge [sflag:s16], $0x1000  }
0xa3: {  	[sflag:s16] =	ssyncset.done $0x0  }
0xa4: {  	s28 =	simm.s32 $0x2880;
	[sflag:s16] =	ssyncadd.s32 $0xFFFFF000  }
0xa5: {  	[spmem:s2] =	stream.indirect.scatter.add.f32 [tilespmem:s22], [sflag:$0x7], $0x20, s28, s18, $0xb8;
	[tilespmem:$0x14200] =	vst v63  }
0xa6: {  	_ =	swait.ge [sflag:s31], $0x1000  }
0xa7: {  	[sflag:s31] =	ssyncset.done $0x0  }
0xa8: {  	s25 =	simm.s32 $0x3F00;
	[sflag:s31] =	ssyncadd.s32 $0xFFFFF000  }
0xa9: {  	[tilespmem:s22], [sflag:$0x2] =	stream.indirect.gather [hbm4b:s4+s18], $0x20, s25, s18, $0xb8;
	[tilespmem:$0x14200] =	vst v63  }
0xaa: {  	_ =	swait.ge [sflag:s17], $0x1000  }
0xab: {  	[sflag:s17] =	ssyncset.done $0x0  }
0xac: {  	s28 =	simm.s32 $0x2900;
	[sflag:s17] =	ssyncadd.s32 $0xFFFFF000  }
0xad: {  	[spmem:s2] =	stream.indirect.scatter.add.f32 [tilespmem:s24], [sflag:$0x8], $0x20, s28, s18, $0xb8;
	[tilespmem:$0x14200] =	vst v63  }
0xae: {  	_ =	swait.ge [sflag:s1], $0x1000  }
0xaf: {  	[sflag:s1] =	ssyncset.done $0x0  }
0xb0: {  	s25 =	simm.s32 $0x3F80;
	[sflag:s1] =	ssyncadd.s32 $0xFFFFF000  }
0xb1: {  	[tilespmem:s24], [sflag:$0x3] =	stream.indirect.gather [hbm4b:s4+s18], $0x20, s25, s18, $0xb8;
	[tilespmem:$0x14200] =	vst v63  }
0xb2: {  	_ =	swait.ge [sflag:s0], $0x1000  }
0xb3: {  	[sflag:s0] =	ssyncset.done $0x0  }
0xb4: {  	s28 =	simm.s32 $0x2980;
	[sflag:s0] =	ssyncadd.s32 $0xFFFFF000  }
0xb5: {  	[spmem:s2] =	stream.indirect.scatter.add.f32 [tilespmem:s26], [sflag:$0x9], $0x20, s28, s18, $0xb8;
	[tilespmem:$0x14200] =	vst v63  }
0xb6: {  	_ =	swait.ge [sflag:s11], $0x1000  }
0xb7: {  	[sflag:s11] =	ssyncset.done $0x0  }
0xb8: {  	s25 =	simm.s32 $0x4000;
	[sflag:s11] =	ssyncadd.s32 $0xFFFFF000  }
0xb9: {  	[tilespmem:s26], [sflag:$0x4] =	stream.indirect.gather [hbm4b:s4+s18], $0x20, s25, s18, $0xb8;
	[tilespmem:$0x14200] =	vst v63  }
0xba: {  	_ =	swait.ge [sflag:s12], $0x1000  }
0xbb: {  	[sflag:s12] =	ssyncset.done $0x0  }
0xbc: {  	s28 =	simm.s32 $0x2A00;
	[sflag:s12] =	ssyncadd.s32 $0xFFFFF000  }
0xbd: {  	[spmem:s2] =	stream.indirect.scatter.add.f32 [tilespmem:s29], [sflag:$0xA], $0x20, s28, s18, $0xb8;
	[tilespmem:$0x14200] =	vst v63  }
0xbe: {  	_ =	swait.ge [sflag:s19], $0x1000  }
0xbf: {  	[sflag:s19] =	ssyncset.done $0x0  }
0xc0: {  	s21 =	simm.s32 $0xA00;
	s25 =	simm.s32 $0x4080;
	[sflag:s19] =	ssyncadd.s32 $0xFFFFF000  }
.LBB2_6:
0xc1: {  	[tilespmem:s29], [sflag:$0x5] =	stream.indirect.gather [hbm4b:s4+s18], $0x20, s25, s18, $0xb8;
	[tilespmem:$0x14200] =	vst v63  }
0xc2: {  	s25 =	smov.u32 s21  }
0xc3: {  	p0 =	sne.s32 s21, $0x3C00;
	s21 =	sadd.s32 $0xA00, s21;
	_ =	swait.ge [sflag:s15], $0x1000  }
0xc4: {  	s25 =	sshra.s32 s25, $0x2;
	[sflag:s15] =	ssyncset.done $0x0  }
0xc5: {  	s28 =	sadd.s32 $0x2800, s25;
	[sflag:s15] =	ssyncadd.s32 $0xFFFFF000  }
0xc6: {  	[spmem:s2] =	stream.indirect.scatter.add.f32 [tilespmem:s20], [sflag:$0x6], $0x20, s28, s18, $0xb8;
	[tilespmem:$0x14200] =	vst v63  }
0xc7: {  	_ =	swait.ge [sflag:s30], $0x1000  }
0xc8: {  	[sflag:s30] =	ssyncset.done $0x0  }
0xc9: {  	s28 =	sadd.s32 $0x3E80, s25;
	[sflag:s30] =	ssyncadd.s32 $0xFFFFF000  }
0xca: {  	[tilespmem:s20], [sflag:$0x1] =	stream.indirect.gather [hbm4b:s4+s18], $0x20, s28, s18, $0xb8;
	[tilespmem:$0x14200] =	vst v63  }
0xcb: {  	_ =	swait.ge [sflag:s16], $0x1000  }
0xcc: {  	[sflag:s16] =	ssyncset.done $0x0  }
0xcd: {  	s28 =	sadd.s32 $0x2880, s25;
	[sflag:s16] =	ssyncadd.s32 $0xFFFFF000  }
0xce: {  	[spmem:s2] =	stream.indirect.scatter.add.f32 [tilespmem:s22], [sflag:$0x7], $0x20, s28, s18, $0xb8;
	[tilespmem:$0x14200] =	vst v63  }
0xcf: {  	_ =	swait.ge [sflag:s31], $0x1000  }
0xd0: {  	[sflag:s31] =	ssyncset.done $0x0  }
0xd1: {  	s28 =	sadd.s32 $0x3F00, s25;
	[sflag:s31] =	ssyncadd.s32 $0xFFFFF000  }
0xd2: {  	[tilespmem:s22], [sflag:$0x2] =	stream.indirect.gather [hbm4b:s4+s18], $0x20, s28, s18, $0xb8;
	[tilespmem:$0x14200] =	vst v63  }
0xd3: {  	_ =	swait.ge [sflag:s17], $0x1000  }
0xd4: {  	[sflag:s17] =	ssyncset.done $0x0  }
0xd5: {  	s28 =	sadd.s32 $0x2900, s25;
	[sflag:s17] =	ssyncadd.s32 $0xFFFFF000  }
0xd6: {  	[spmem:s2] =	stream.indirect.scatter.add.f32 [tilespmem:s24], [sflag:$0x8], $0x20, s28, s18, $0xb8;
	[tilespmem:$0x14200] =	vst v63  }
0xd7: {  	_ =	swait.ge [sflag:s1], $0x1000  }
0xd8: {  	[sflag:s1] =	ssyncset.done $0x0  }
0xd9: {  	s28 =	sadd.s32 $0x3F80, s25;
	[sflag:s1] =	ssyncadd.s32 $0xFFFFF000  }
0xda: {  	[tilespmem:s24], [sflag:$0x3] =	stream.indirect.gather [hbm4b:s4+s18], $0x20, s28, s18, $0xb8;
	[tilespmem:$0x14200] =	vst v63  }
0xdb: {  	_ =	swait.ge [sflag:s0], $0x1000  }
0xdc: {  	[sflag:s0] =	ssyncset.done $0x0  }
0xdd: {  	s28 =	sadd.s32 $0x2980, s25;
	[sflag:s0] =	ssyncadd.s32 $0xFFFFF000  }
0xde: {  	[spmem:s2] =	stream.indirect.scatter.add.f32 [tilespmem:s26], [sflag:$0x9], $0x20, s28, s18, $0xb8;
	[tilespmem:$0x14200] =	vst v63  }
0xdf: {  	_ =	swait.ge [sflag:s11], $0x1000  }
0xe0: {  	[sflag:s11] =	ssyncset.done $0x0  }
0xe1: {  	s28 =	sadd.s32 $0x4000, s25;
	[sflag:s11] =	ssyncadd.s32 $0xFFFFF000  }
0xe2: {  	[tilespmem:s26], [sflag:$0x4] =	stream.indirect.gather [hbm4b:s4+s18], $0x20, s28, s18, $0xb8;
	[tilespmem:$0x14200] =	vst v63  }
0xe3: {  	_ =	swait.ge [sflag:s12], $0x1000  }
0xe4: {  	[sflag:s12] =	ssyncset.done $0x0  }
.Ltmp2:
0xe5: {  	s28 =	sadd.s32 $0x2A00, s25;
	[sflag:s12] =	ssyncadd.s32 $0xFFFFF000;
	(pc) =	sbr.rel @p0 .LBB2_6-.Ltmp2, $4  }
0xe6: {  	[spmem:s2] =	stream.indirect.scatter.add.f32 [tilespmem:s29], [sflag:$0xA], $0x20, s28, s18, $0xb8;
	[tilespmem:$0x14200] =	vst v63  }
0xe7: {  	_ =	swait.ge [sflag:s19], $0x1000  }
0xe8: {  	[sflag:s19] =	ssyncset.done $0x0  }
0xe9: {  	s25 =	sadd.s32 $0x4080, s25;
	[sflag:s19] =	ssyncadd.s32 $0xFFFFF000  }
0xea: {  	[tilespmem:s29], [sflag:$0x5] =	stream.indirect.gather [hbm4b:s4+s18], $0x20, s25, s18, $0xb8;
	[tilespmem:$0x14200] =	vst v63  }
0xeb: {  	_ =	swait.ge [sflag:s15], $0x1000  }
0xec: {  	[sflag:s15] =	ssyncset.done $0x0  }
0xed: {  	s21 =	simm.s32 $0x3980;
	[sflag:s15] =	ssyncadd.s32 $0xFFFFF000  }
0xee: {  	[spmem:s2] =	stream.indirect.scatter.add.f32 [tilespmem:s20], [sflag:$0x6], $0x20, s21, s18, $0xb8;
	[tilespmem:$0x14200] =	vst v63  }
0xef: {  	_ =	swait.ge [sflag:s16], $0x1000  }
0xf0: {  	[sflag:s16] =	ssyncset.done $0x0  }
0xf1: {  	s25 =	simm.s32 $0x3A00;
	[sflag:s16] =	ssyncadd.s32 $0xFFFFF000  }
0xf2: {  	[spmem:s2] =	stream.indirect.scatter.add.f32 [tilespmem:s22], [sflag:$0x7], $0x20, s25, s18, $0xb8;
	[tilespmem:$0x14200] =	vst v63  }
0xf3: {  	_ =	swait.ge [sflag:s17], $0x1000  }
0xf4: {  	[sflag:s17] =	ssyncset.done $0x0  }
0xf5: {  	s28 =	simm.s32 $0x3A80;
	[sflag:s17] =	ssyncadd.s32 $0xFFFFF000  }
0xf6: {  	[spmem:s2] =	stream.indirect.scatter.add.f32 [tilespmem:s24], [sflag:$0x8], $0x20, s28, s18, $0xb8;
	[tilespmem:$0x14200] =	vst v63  }
0xf7: {  	_ =	swait.ge [sflag:s0], $0x1000  }
0xf8: {  	[sflag:s0] =	ssyncset.done $0x0  }
0xf9: {  	s25 =	simm.s32 $0x3B00;
	[sflag:s0] =	ssyncadd.s32 $0xFFFFF000  }
0xfa: {  	[spmem:s2] =	stream.indirect.scatter.add.f32 [tilespmem:s26], [sflag:$0x9], $0x20, s25, s18, $0xb8;
	[tilespmem:$0x14200] =	vst v63  }
0xfb: {  	_ =	swait.ge [sflag:s12], $0x1000  }
0xfc: {  	[sflag:s12] =	ssyncset.done $0x0  }
0xfd: {  	s28 =	simm.s32 $0x3B80;
	[sflag:s12] =	ssyncadd.s32 $0xFFFFF000  }
0xfe: {  	[spmem:s2] =	stream.indirect.scatter.add.f32 [tilespmem:s29], [sflag:$0xA], $0x20, s28, s18, $0xb8;
	[tilespmem:$0x14200] =	vst v63  }
0xff: {  	_ =	swait.ge [sflag:s30], $0x1000  }
0x100: {  	[sflag:s30] =	ssyncset.done $0x0  }
0x101: {  	[sflag:s30] =	ssyncadd.s32 $0xFFFFF000  }
0x102: {  	_ =	swait.ge [sflag:s31], $0x1000  }
0x103: {  	[sflag:s31] =	ssyncset.done $0x0  }
0x104: {  	[sflag:s31] =	ssyncadd.s32 $0xFFFFF000  }
0x105: {  	_ =	swait.ge [sflag:s1], $0x1000  }
0x106: {  	[sflag:s1] =	ssyncset.done $0x0  }
0x107: {  	[sflag:s1] =	ssyncadd.s32 $0xFFFFF000  }
0x108: {  	_ =	swait.ge [sflag:s11], $0x1000  }
0x109: {  	[sflag:s11] =	ssyncset.done $0x0  }
0x10a: {  	[sflag:s11] =	ssyncadd.s32 $0xFFFFF000  }
0x10b: {  	_ =	swait.ge [sflag:s19], $0x1000  }
0x10c: {  	[sflag:s19] =	ssyncset.done $0x0  }
0x10d: {  	[sflag:s19] =	ssyncadd.s32 $0xFFFFF000  }
0x10e: {  	[bflag:$0x0] =	sbarrier.arrive $0xFFFF  }
0x10f: {  	[tilespmem:s13], [sflag:$0xB] =	stream.linear.gather [spmem:s8], $0x5100, $0x38;
	[tilespmem:$0x14200] =	vst v63  }
0x110: {  	s23 =	sadd.s32 $0x1, s23;
	_ =	swait.ge [sflag:s14], $0x5100  }
0x111: {  	p0 =	sne.s32 s23, s10;
	[sflag:s14] =	ssyncset.done $0x0  }
.Ltmp3:
0x112: {  	[sflag:s14] =	ssyncadd.s32 $0xFFFFAF00;
	(pc) =	sbr.rel @p0 .LBB2_1-.Ltmp3, $4  }
0x113: {  	[hbm4b:s9+s3] =	stream.linear.scatter [tilespmem:s13], [sflag:$0xB], $0x5100, $0x38;
	[tilespmem:$0x14200] =	vst v63  }
0x114: {  	_ =	swait.ge [sflag:s14], $0x5100  }
0x115: {  	[sflag:s14] =	ssyncset.done $0x0  }
0x116: {  	[sflag:s14] =	ssyncadd.s32 $0xFFFFAF00  }
0x117: {  	_ =	sfence.sel $0x180000  }
0x118: {  	[bflag:$0x0] =	sbarrier.arrive $0xFFFF  }
0x119: {  	_ =	strace $0x90000047  }
0x11a: {  	s0 =	stileid.u32;
	[bflag:$0x2] =	sbarrier.arrive $0xFFFF  }
0x11b: {  	p0 =	sne.s32 s0, $0x0;
	s0 =	rddreg [dreg:$0x2]  }
0x11c: {  	s0 =	sadd.s32 @!p0 $0x100000, s0  }
0x11d: {  	[sflag:s0] =	ssyncadd.tile.s32 @!p0 $0x1;
	_ =	shalt  }
.Lfunc_end2:
_tile_overlayer_lowered:
.L_overlay_start_2:
0x11e: {  	(tag) =	ssettag $0x2  }
0x11f: {  	s0 =	rddreg [dreg:$0x0];
	s2 =	stileid.u32  }
0x120: {  	s1 =	rddreg [dreg:$0x1];
	p0 =	sne.s32 s2, $0x0  }
0x121: {  	s3 =	rddreg [dreg:$0x2];
	[bflag:$0x3] =	sbarrier.arrive $0xFFFF;
	s2 =	simm.s32 @!p0 $0x1C0B  }
0x122: {  	[timem:s3], [sflag:s2] =	dma.local @!p0 [hbm:s0], s1  }
0x123: {  	s0 =	simm.s32 @!p0 $0xB  }
0x124: {  	_ =	swait.ge @!p0 [sflag:s0], s1  }
0x125: {  	s1 =	ssub.s32 @!p0 $0x0, s1;
	[sflag:s0] =	ssyncset.done @!p0 $0x0  }
0x126: {  	[sflag:s0] =	ssyncadd.s32 @!p0 s1  }
0x127: {  	[bflag:$0x3] =	sbarrier.arrive $0xFFFF  }
0x128: {  	_ =	shalt  }

// kernel: kernel.13.cloned.1.call-start
scs
__scs_entry_jumppad:
0x0: {  	(pc) =	sbr.rel $0x88, $3  }
0x1: {  	(tag) =	ssettag $0x0;
	lr =	simm.s32 $0x1  }
0x2: {  	[smem:$0x3F8C] =	sst lr;
	_ =	strace $0xD0000000  }
0x3: {  	_ = 	snop  }
0x4: {  	_ = 	snop  }
0x5: {  	_ = 	snop  }
0x6: {  	_ = 	snop  }
0x7: {  	_ = 	snop  }
__scs_overlays_trampoline_lowered:
0x8: {  	[smem:$0x3F9B] =	sst s0  }
0x9: {  	[smem:$0x3F9C] =	sst s1  }
0xa: {  	[smem:$0x3F9D] =	sst s2  }
0xb: {  	[smem:$0x3F9E] =	sst s3  }
0xc: {  	[smem:$0x3F9F] =	sst s4  }
0xd: {  	[smem:$0x3FA0] =	sst s5  }
0xe: {  	[smem:$0x3FA1] =	sst s6  }
0xf: {  	[smem:$0x3FA2] =	sst s7  }
0x10: {  	[smem:$0x3FA3] =	sst s8  }
0x11: {  	[smem:$0x3FA4] =	sst s9;
	s0 =	simm.s32 @!p0 $0x0  }
0x12: {  	s1 =	sld [smem:$0x3F8A];
	s0 =	simm.s32 @p0 $0x1  }
0x13: {  	[smem:$0x3FA5] =	sst s0;
	s0 =	simm.s32 @!p1 $0x0  }
0x14: {  	s2 =	sld [smem:$0x3F89];
	s0 =	simm.s32 @p1 $0x1  }
0x15: {  	[smem:$0x3FA6] =	sst s0;
	s0 =	simm.s32 @!p2 $0x0  }
0x16: {  	s3 =	sld [smem:$0x3FDB];
	s0 =	simm.s32 @p2 $0x1  }
0x17: {  	s4 =	simm.s32 $0x1BF5;
	[smem:$0x3FA8] =	sst s0  }
0x18: {  	s0 =	sld [smem:$0x3F8B];
	_ =	swait.ge [sflag:s4], $0x0  }
0x19: {  	s7 =	sld [smem:$0x3F8C]  }
0x1a: {  	s8 =	sadd.s32 $0xFFFFE003, lr  }
0x1b: {  	s9 =	sadd.s32 $0xFFFFFEF7, lr;
	s5 =	simm.s32 $0xFFFFFFFF;
	p2 =	slt.u32 s8, $0xFFFFF086  }
0x1c: {  	p1 =	slt.u32 s9, $0xF7A;
	s5 =	simm.s32 @!p2 $0x0  }
0x1d: {  	s5 =	simm.s32 @p1 $0x1;
	p0 =	seq.s32 s7, s2  }
0x1e: {  	s7 =	smul.u32 @!p0 $0xF7A, s2;
	p2 =	seq.s32 @!p0 s5, $0x0  }
0x1f: {  	s9 =	smul.u32 $0xF7A, s1;
	s8 =	simm.s32 @!p0 $0x1BF5;
	p2 =	por !p2, p0  }
0x20: {  	[sflag:s8] =	ssyncset.s32 @!p0 $0xFFFFF086;
	s6 =	sadd.s32 @!p0 s3, s7;
	s7 =	simm.s32 @!p0 $0x108  }
0x21: {  	s3 =	sadd.s32 s3, s9;
	s6 =	sadd.s32 @!p0 $0x88, s6;
	s7 =	simm.s32 @p2 $0x1082  }
0x22: {  	[simem:s7], [sflag:s8] =	dma.local @!p0 [hbm:s6], $0xF7A  }
0x23: {  	s9 =	sor.u32 $0xD0000000, s2;
	s6 =	simm.s32 $0x108;
	_ =	swait.ge @!p0 [sflag:s8], $0x0  }
0x24: {  	s3 =	sadd.s32 $0x88, s3;
	s6 =	simm.s32 @!p1 $0x1082;
	[sflag:s4] =	ssyncset.s32 $0xFFFFF086  }
0x25: {  	[simem:s6], [sflag:s4] =	dma.local [hbm:s3], $0xF7A  }
0x26: {  	[smem:$0x3F8C] =	sst s1;
	(tag) =	ssettag s2;
	_ =	strace s9  }
0x27: {  	s1 =	sld [smem:$0x3F9C]  }
0x28: {  	s2 =	sld [smem:$0x3F9D]  }
0x29: {  	s4 =	sld [smem:$0x3F9F]  }
0x2a: {  	p0 =	seq.s32 s5, $0x0;
	s5 =	sld [smem:$0x3FA0]  }
0x2b: {  	s6 =	sld [smem:$0x3FA1]  }
0x2c: {  	s7 =	sld [smem:$0x3FA2]  }
0x2d: {  	s3 =	simm.s32 $0x108;
	s8 =	sld [smem:$0x3FA3]  }
0x2e: {  	s3 =	simm.s32 @!p0 $0x1082;
	s9 =	sld [smem:$0x3FA4]  }
0x2f: {  	lr =	sadd.s32 s0, s3;
	s0 =	sld [smem:$0x3F9B]  }
0x30: {  	s3 =	sld [smem:$0x3F9E]  }
0x31: {  	[smem:$0x3FA7] =	sst s10  }
0x32: {  	s10 =	sld [smem:$0x3FA5];
	_ =	sdelay $0x3  }
0x33: {  	p0 =	seq.s32 s10, $0x1;
	s10 =	sld [smem:$0x3FA7];
	_ =	sdelay $0x3  }
0x34: {  	[smem:$0x3FA7] =	sst s10  }
0x35: {  	s10 =	sld [smem:$0x3FA6];
	_ =	sdelay $0x3  }
0x36: {  	p1 =	seq.s32 s10, $0x1;
	s10 =	sld [smem:$0x3FA7];
	_ =	sdelay $0x3  }
0x37: {  	[smem:$0x3FA7] =	sst s10  }
0x38: {  	s10 =	sld [smem:$0x3FA8]  }
0x39: {  	_ = 	snop;
	(pc) =	sbr.ind lr, $3  }
0x3a: {  	_ = 	snop  }
0x3b: {  	_ = 	snop  }
0x3c: {  	p2 =	seq.s32 s10, $0x1;
	s10 =	sld [smem:$0x3FA7]  }
0x3d: {  	_ =	shalt  }
0x3e: {  	_ =	shalt  }
0x3f: {  	_ =	shalt  }
0x40: {  	_ =	shalt  }
0x41: {  	_ =	shalt  }
0x42: {  	_ =	shalt  }
0x43: {  	_ =	shalt  }
0x44: {  	_ =	shalt  }
0x45: {  	_ =	shalt  }
0x46: {  	_ =	shalt  }
0x47: {  	_ =	shalt  }
0x48: {  	_ =	shalt  }
0x49: {  	_ =	shalt  }
0x4a: {  	_ =	shalt  }
0x4b: {  	_ =	shalt  }
0x4c: {  	_ =	shalt  }
0x4d: {  	_ =	shalt  }
0x4e: {  	_ =	shalt  }
0x4f: {  	_ =	shalt  }
0x50: {  	_ =	shalt  }
0x51: {  	_ =	shalt  }
0x52: {  	_ =	shalt  }
0x53: {  	_ =	shalt  }
0x54: {  	_ =	shalt  }
0x55: {  	_ =	shalt  }
0x56: {  	_ =	shalt  }
0x57: {  	_ =	shalt  }
0x58: {  	_ =	shalt  }
0x59: {  	_ =	shalt  }
0x5a: {  	_ =	shalt  }
0x5b: {  	_ =	shalt  }
0x5c: {  	_ =	shalt  }
0x5d: {  	_ =	shalt  }
0x5e: {  	_ =	shalt  }
0x5f: {  	_ =	shalt  }
0x60: {  	_ =	shalt  }
0x61: {  	_ =	shalt  }
0x62: {  	_ =	shalt  }
0x63: {  	_ =	shalt  }
0x64: {  	_ =	shalt  }
0x65: {  	_ =	shalt  }
0x66: {  	_ =	shalt  }
0x67: {  	_ =	shalt  }
0x68: {  	_ =	shalt  }
0x69: {  	_ =	shalt  }
0x6a: {  	_ =	shalt  }
0x6b: {  	_ =	shalt  }
0x6c: {  	_ =	shalt  }
0x6d: {  	_ =	shalt  }
0x6e: {  	_ =	shalt  }
0x6f: {  	_ =	shalt  }
0x70: {  	_ =	shalt  }
0x71: {  	_ =	shalt  }
0x72: {  	_ =	shalt  }
0x73: {  	_ =	shalt  }
0x74: {  	_ =	shalt  }
0x75: {  	_ =	shalt  }
0x76: {  	_ =	shalt  }
0x77: {  	_ =	shalt  }
0x78: {  	_ =	shalt  }
0x79: {  	_ =	shalt  }
0x7a: {  	_ =	shalt  }
0x7b: {  	_ =	shalt  }
0x7c: {  	_ =	shalt  }
0x7d: {  	_ =	shalt  }
0x7e: {  	_ =	shalt  }
0x7f: {  	_ =	shalt  }
0x80: {  	_ =	shalt  }
0x81: {  	_ =	shalt  }
0x82: {  	_ =	shalt  }
0x83: {  	_ =	shalt  }
0x84: {  	_ =	shalt  }
0x85: {  	_ =	shalt  }
0x86: {  	_ =	shalt  }
0x87: {  	_ =	shalt  }
.Lfunc_end0:
.L_simem_size_0:
called_computation.1_lowered:
.L_overlay_start_0:
0x88: {  	s2 =	sld [smem:$0x3FD9]  }
0x89: {  	s3 =	sld [smem:$0x3FFE];
	_ =	sdelay $0x1  }
0x8a: {  	s1 =	srdreg.scid  }
0x8b: {  	s0 =	sand.u32 $0x1, s1  }
0x8c: {  	s16 =	sshll.u32 s0, $0xA;
	s2 =	sadd.s32 s3, s2  }
0x8d: {  	s2 =	sadd.s32 s2, s16  }
0x8e: {  	[smem:$0x3FB3] =	sst s2  }
0x8f: {  	_ = 	snop  }
0x90: {  	(tm) =	ssettm $0x1  }
0x91: {  	s17 =	sld [smem:$0x3FFB];
	_ =	sdelay $0x3  }
0x92: {  	_ =	strace s17  }
0x93: {  	s2 =	sld [smem:$0x3FFC];
	_ =	sdelay $0x3  }
0x94: {  	_ =	strace s2  }
0x95: {  	s2 =	sld [smem:$0x3FFD];
	_ =	sdelay $0x3  }
0x96: {  	_ =	strace s2  }
0x97: {  	_ =	strace $0x8FFFFFFF  }
0x98: {  	s18 =	sld [smem:$0x3FDB];
	_ =	sdelay $0x1  }
0x99: {  	s19 =	simm.s32 $_scs_section_size  }
0x9a: {  	s4 =	simm.s32 $_size__tile_overlayer_lowered;
	s5 =	simm.s32 $_tile_overlayer_lowered  }
0x9b: {  	s22 =	simm.s32 $0x1BFF;
	s21 =	sshll.u32 s5, $0x1;
	s2 =	sadd.s32 s19, s18  }
0x9c: {  	s6 =	simm.s32 $0x0;
	s20 =	sshll.u32 s4, $0x1;
	s4 =	sadd.s32 s21, s2  }
0x9d: {  	[timem:s6], [sflag:s22] =	dma.local [hbm:s4], s20  }
0x9e: {  	_ =	swait.ge [sflag:s22], s20  }
0x9f: {  	s3 =	ssub.s32 $0x0, s20;
	[sflag:s22] =	ssyncset.done $0x0  }
0xa0: {  	[sflag:s22] =	ssyncadd.s32 s3;
	_ =	sdelay $0x1  }
0xa1: {  	s23 =	simm.s32 $0x1B8B  }
0xa2: {  	_ =	swait.ge [sflag:s23], $0x1  }
0xa3: {  	[sflag:s23] =	ssyncset.done $0x0  }
0xa4: {  	s25 =	simm.s32 $0x1B8E;
	s24 =	sld [smem:$0x3FFE];
	[sflag:s23] =	ssyncadd.s32 $0xFFFFFFFF  }
0xa5: {  	s26 =	simm.s32 $execute0_lowered;
	[smem:$0x3FD2] =	sst s25  }
0xa6: {  	s4 =	sshll.u32 s26, $0x1;
	_ =	strace $0x80000049;
	[dreg:$0x1] =	wrdreg $0xFFFFFFFF  }
0xa7: {  	s28 =	simm.s32 $_size_execute0_lowered;
	s2 =	sadd.s32 s2, s4;
	[dreg:$0x0] =	wrdreg $0x0  }
0xa8: {  	s4 =	sshll.u32 s28, $0x1;
	[dreg:$0x2] =	wrdreg s2  }
0xa9: {  	[dreg:$0x3] =	wrdreg s4  }
0xaa: {  	[dreg:$0x4] =	wrdreg $0xC0  }
0xab: {  	_ =	task [dreg:s6], $0x5FFFF  }
0xac: {  	[dreg:$0x1] =	wrdreg $0xFFFFFFFF  }
0xad: {  	[dreg:$0x0] =	wrdreg $0x60  }
0xae: {  	[dreg:$0x2] =	wrdreg s24  }
0xaf: {  	[dreg:$0x3] =	wrdreg $0xF1000  }
0xb0: {  	[dreg:$0x4] =	wrdreg $0x9  }
0xb1: {  	_ =	task.clear_ibuf [dreg:s6], $0x5FFFF;
	_ =	strace $0x90000049  }
0xb2: {  	s29 =	simm.s32 $0x9;
	_ =	strace $0x8000004B  }
0xb3: {  	_ =	swait.ge [sflag:s29], $0x1  }
0xb4: {  	[sflag:s29] =	ssyncadd.s32 $0xFFFFFFFF  }
0xb5: {  	_ =	strace $0x9000004B  }
0xb6: {  	_ =	sfence  }
0xb7: {  	s30 =	sld [smem:$0x0];
	_ =	sdelay $0x2  }
0xb8: {  	s31 =	sshll.u32 s1, $0xD;
	s1 =	sshrl.u32 s1, $0x2  }
0xb9: {  	s3 =	sand.u32 $0x4000, s31;
	s1 =	sadd.s32 s1, s30  }
0xba: {  	s0 =	sor.u32 s3, s0;
	s1 =	sshll.u32 s1, $0x11  }
0xbb: {  	s0 =	sor.u32 s1, s0  }
0xbc: {  	s0 =	sadd.s32 $0x8F2B, s0  }
0xbd: {  	[sflag:s0] =	ssyncadd.remote.s32 $0x1  }
0xbe: {  	_ =	sfence.sel $0xFFFF  }
0xbf: {  	[dreg:$0x0] =	wrdreg $0xFFFFFFFF;
	(pc) =	sbr.abs _section_cstart, $3  }
0xc0: {  	[dreg:$0x1] =	wrdreg $0xFFFFFFFF  }
0xc1: {  	_ =	task.clear_ibuf [dreg:s6], $0x2FFFF;
	_ =	strace $0x9FFFFFFF  }
0xc2: {  	(tm) =	ssettm $0x7FFFFFFF  }
0xc3: {  	_ =	shalt  }
tec
execute0_lowered:
.L_overlay_start_1:
0x0: {  	(tag) =	ssettag $0x1  }
0x1: {  	s0 =	srdreg.scid;
	s5 =	rddreg [dreg:$0x0]  }
0x2: {  	s4 =	stileid.u32;
	s2 =	rddreg [dreg:$0x1]  }
0x3: {  	s3 =	simm.s32 $0x0;
	s13 =	simm.s32 $0xA000;
	s14 =	simm.s32 $0xB  }
0x4: {  	s15 =	simm.s32 $0x1;
	s16 =	simm.s32 $0x2;
	s17 =	simm.s32 $0x3  }
0x5: {  	s18 =	simm.s32 $0x80;
	s20 =	simm.s32 $0x5000;
	s22 =	simm.s32 $0x6000  }
0x6: {  	s24 =	simm.s32 $0x7000;
	s26 =	simm.s32 $0x8000;
	s29 =	simm.s32 $0x9000  }
0x7: {  	s30 =	simm.s32 $0x6;
	s31 =	simm.s32 $0x7;
	s11 =	simm.s32 $0x9  }
0x8: {  	s12 =	simm.s32 $0x5;
	s19 =	simm.s32 $0xA;
	s23 =	simm.s32 $0x0  }
0x9: {  	s0 =	sand.u32 $0x1, s0;
	s8 =	smul.u32 $0x5100, s4;
	[smem:$0x7FF] =	sst s3  }
0xa: {  	s1 =	sshll.u32 s0, $0x4;
	s28 =	smul.u32 $0x51000, s0;
	_ =	strace $0x8000004A  }
0xb: {  	s0 =	ssub.s32 $0x2, s0;
	s1 =	sor.u32 s4, s1;
	s4 =	sadd.s32 $0x12800, s5  }
0xc: {  	s7 =	sshrl.u32 s0, $0x1;
	s1 =	smul.u32 $0x280, s1;
	s6 =	sadd.s32 s8, s28  }
0xd: {  	s0 =	ssub.s32 s0, s7;
	s8 =	sadd.s32 s8, s2;
	s6 =	sshrl.u32 s6, $0x3  }
0xe: {  	s10 =	smax.u32 s0, $0x1;
	s0 =	simm.s32 $0x4;
	s1 =	sadd.s32 s1, s5  }
0xf: {  	s9 =	sadd.s32 s6, s5;
	s5 =	sadd.s32 $0x8800, s1;
	s6 =	sadd.s32 $0x3800, s1  }
0x10: {  	v0 =	vimm.f32 $0.0e+00;
	s7 =	sadd.s32 $0xD800, s1;
	s9 =	sadd.s32 $0xB2800, s9;
	s1 =	simm.s32 $0x8  }
.LBB2_1:
0x11: {  	[tilespmem:s3], [sflag:$0x1] =	stream.linear.gather [hbm4b:s5+s3], $0x1400, $0x38;
	[tilespmem:$0x14200] =	vst v63  }
0x12: {  	s21 =	simm.s32 $0x1400  }
0x13: {  	[tilespmem:s21], [sflag:$0x2] =	stream.linear.gather [hbm4b:s6+s3], $0x1400, $0x38;
	[tilespmem:$0x14200] =	vst v63  }
0x14: {  	s28 =	simm.s32 $0x2800;
	s25 =	simm.s32 $0x200;
	s21 =	simm.s32 $0x0  }
0x15: {  	[tilespmem:s28], [sflag:$0x3] =	stream.linear.gather [hbm4b:s7+s3], $0x1400, $0x38;
	[tilespmem:$0x14200] =	vst v63  }
.LBB2_2:
0x16: {  	p0 =	sne.s32 s25, $0x14200;
	[tilespmem:s21+$0xA070] =	vst v0  }
0x17: {  	[tilespmem:s21+$0xA000] =	vst v0  }
0x18: {  	[tilespmem:s21+$0xA010] =	vst v0  }
.Ltmp0:
0x19: {  	[tilespmem:s21+$0xA020] =	vst v0;
	(pc) =	sbr.rel @p0 .LBB2_2-.Ltmp0, $4  }
0x1a: {  	[tilespmem:s21+$0xA030] =	vst v0  }
0x1b: {  	[tilespmem:s21+$0xA040] =	vst v0  }
0x1c: {  	[tilespmem:s21+$0xA050] =	vst v0  }
0x1d: {  	[tilespmem:s21+$0xA060] =	vst v0;
	s21 =	sshra.s32 s25, $0x2;
	s25 =	sadd.s32 $0x200, s25  }
0x1e: {  	[tilespmem:s21+$0xA070] =	vst v0  }
0x1f: {  	[tilespmem:s21+$0xA000] =	vst v0  }
0x20: {  	[tilespmem:s21+$0xA010] =	vst v0  }
0x21: {  	[tilespmem:s21+$0xA020] =	vst v0  }
0x22: {  	[tilespmem:s21+$0xA030] =	vst v0  }
0x23: {  	[tilespmem:s21+$0xA040] =	vst v0  }
0x24: {  	[tilespmem:s21+$0xA050] =	vst v0  }
0x25: {  	[tilespmem:s21+$0xA060] =	vst v0  }
0x26: {  	[spmem:s8] =	stream.linear.scatter [tilespmem:s13], [sflag:$0xB], $0x5100, $0x38;
	[tilespmem:$0x14200] =	vst v63  }
0x27: {  	_ =	swait.ge [sflag:s14], $0x5100  }
0x28: {  	[sflag:s14] =	ssyncset.done $0x0  }
0x29: {  	[sflag:s14] =	ssyncadd.s32 $0xFFFFAF00  }
0x2a: {  	_ =	swait.ge [sflag:s15], $0x1400  }
0x2b: {  	[sflag:s15] =	ssyncset.done $0x0  }
0x2c: {  	[sflag:s15] =	ssyncadd.s32 $0xFFFFEC00  }
0x2d: {  	_ =	swait.ge [sflag:s16], $0x1400  }
0x2e: {  	[sflag:s16] =	ssyncset.done $0x0  }
0x2f: {  	[sflag:s16] =	ssyncadd.s32 $0xFFFFEC00  }
0x30: {  	_ =	swait.ge [sflag:s17], $0x1400  }
0x31: {  	[sflag:s17] =	ssyncset.done $0x0  }
0x32: {  	s25 =	simm.s32 $0x0;
	[sflag:s17] =	ssyncadd.s32 $0xFFFFEC00  }
0x33: {  	v4 =	vld [tilespmem:s25+$0x70]  }
0x34: {  	v5 =	vld [tilespmem:s25+$0x1470]  }
0x35: {  	v7 =	vld [tilespmem:s25+$0x0]  }
0x36: {  	v1 =	vld [tilespmem:s25+$0x1400]  }
0x37: {  	v8 =	vld [tilespmem:s25+$0x10]  }
0x38: {  	v2 =	vld [tilespmem:s25+$0x1410]  }
0x39: {  	v9 =	vld [tilespmem:s25+$0x20]  }
0x3a: {  	v11 =	vld [tilespmem:s25+$0x30]  }
0x3b: {  	v17 =	vld [tilespmem:s25+$0x50]  }
0x3c: {  	v21 =	vld [tilespmem:s25+$0x60];
	v6 =	vshll.u32 v4, $0x4;
	v10 =	vshll.u32 v5, $0x3  }
0x3d: {  	v4 =	vshll.u32 v4, $0x2;
	v12 =	vshll.u32 v7, $0x4;
	v13 =	vshll.u32 v1, $0x3  }
0x3e: {  	v5 =	vand.u32 $0x3, v5;
	v14 =	vshll.u32 v8, $0x4;
	v15 =	vshll.u32 v2, $0x3  }
0x3f: {  	v16 =	vshll.u32 v9, $0x4;
	v19 =	vshll.u32 v11, $0x4;
	v20 =	vshll.u32 v7, $0x2  }
0x40: {  	v8 =	vshll.u32 v8, $0x2;
	v24 =	vshll.u32 v9, $0x2;
	v11 =	vshll.u32 v11, $0x2  }
0x41: {  	v25 =	vshll.u32 v17, $0x4;
	v17 =	vshll.u32 v17, $0x2;
	v27 =	vshll.u32 v21, $0x4  }
0x42: {  	v3 =	vld [tilespmem:s25+$0x1420];
	v21 =	vshll.u32 v21, $0x2;
	v6 =	vand.u32 $0xFFFFFF80, v6;
	v10 =	vand.u32 $0xFFFFFFE0, v10  }
0x43: {  	v12 =	vand.u32 $0xFFFFFF80, v12;
	v6 =	vadd.s32 v6, v10;
	v10 =	vand.u32 $0x1C, v4;
	v4 =	vld [tilespmem:s25+$0x1430]  }
0x44: {  	v13 =	vand.u32 $0xFFFFFFE0, v13;
	v14 =	vand.u32 $0xFFFFFF80, v14;
	v15 =	vand.u32 $0xFFFFFFE0, v15  }
0x45: {  	v16 =	vand.u32 $0xFFFFFF80, v16;
	v19 =	vand.u32 $0xFFFFFF80, v19;
	v6 =	vor.u32 v10, v6  }
0x46: {  	v25 =	vand.u32 $0xFFFFFF80, v25;
	v27 =	vand.u32 $0xFFFFFF80, v27;
	v10 =	vld [tilespmem:s25+$0x40];
	v6 =	vor.u32 v5, v6  }
0x47: {  	v8 =	vand.u32 $0x1C, v8;
	v63 =	vand.u32 $0x1C, v11;
	v5 =	vld [tilespmem:s25+$0x1440];
	[tilespmem:s25+$0x3C70] =	vst v6;
	v6 =	vshll.u32 v3, $0x3  }
0x48: {  	v17 =	vand.u32 $0x1C, v17;
	v18 =	vand.u32 $0xFFFFFFE0, v6;
	v6 =	vld [tilespmem:s25+$0x1450];
	v7 =	vshll.u32 v4, $0x3  }
0x49: {  	v11 =	vand.u32 $0x1C, v21;
	v12 =	vadd.s32 v12, v13;
	v22 =	vand.u32 $0xFFFFFFE0, v7;
	v7 =	vld [tilespmem:s25+$0x1460]  }
0x4a: {  	v13 =	vadd.s32 v14, v15;
	v15 =	vand.u32 $0x1C, v20;
	v18 =	vadd.s32 v16, v18  }
0x4b: {  	v16 =	vor.u32 v15, v12;
	v15 =	vor.u32 v8, v13;
	v23 =	vshll.u32 v10, $0x4  }
0x4c: {  	v10 =	vshll.u32 v10, $0x2;
	v9 =	vand.u32 $0xFFFFFF80, v23;
	v60 =	vshll.u32 v5, $0x3  }
0x4d: {  	v19 =	vadd.s32 v19, v22;
	v10 =	vand.u32 $0x1C, v10;
	v23 =	vand.u32 $0xFFFFFFE0, v60  }
0x4e: {  	v26 =	vshll.u32 v6, $0x3;
	v61 =	vadd.s32 v9, v23;
	v28 =	vshll.u32 v7, $0x3  }
0x4f: {  	v26 =	vand.u32 $0xFFFFFFE0, v26;
	v12 =	vor.u32 v10, v61;
	v14 =	vand.u32 $0xFFFFFFE0, v28  }
0x50: {  	s28 =	simm.s32 $0x80;
	v62 =	vadd.s32 v25, v26;
	v9 =	vadd.s32 v27, v14;
	v14 =	vand.u32 $0x1C, v24  }
0x51: {  	s21 =	simm.s32 $0x400;
	v8 =	vld [tilespmem:s28+$0x70];
	v10 =	vor.u32 v17, v62;
	v13 =	vor.u32 v14, v18;
	v14 =	vor.u32 v63, v19  }
.LBB2_4:
0x52: {  	p0 =	sne.s32 s21, $0x4E00;
	v17 =	vld [tilespmem:s28+$0x1470];
	v18 =	vand.u32 $0x3, v1;
	v2 =	vand.u32 $0x3, v2;
	v9 =	vor.u32 v11, v9  }
0x53: {  	v3 =	vand.u32 $0x3, v3;
	v4 =	vand.u32 $0x3, v4;
	v5 =	vand.u32 $0x3, v5;
	v11 =	vld [tilespmem:s28+$0x0]  }
0x54: {  	v6 =	vand.u32 $0x3, v6;
	v7 =	vand.u32 $0x3, v7;
	v16 =	vor.u32 v18, v16;
	v1 =	vld [tilespmem:s28+$0x1400]  }
0x55: {  	v15 =	vor.u32 v2, v15;
	v3 =	vor.u32 v3, v13;
	v4 =	vor.u32 v4, v14;
	v18 =	vld [tilespmem:s28+$0x10];
	[tilespmem:s25+$0x3C00] =	vst v16  }
0x56: {  	v5 =	vor.u32 v5, v12;
	v6 =	vor.u32 v6, v10;
	v7 =	vor.u32 v7, v9;
	v2 =	vld [tilespmem:s28+$0x1410];
	[tilespmem:s25+$0x3C10] =	vst v15  }
0x57: {  	v10 =	vshll.u32 v8, $0x4;
	v9 =	vld [tilespmem:s28+$0x20];
	v12 =	vshll.u32 v17, $0x3;
	[tilespmem:s25+$0x3C20] =	vst v3  }
0x58: {  	v8 =	vshll.u32 v8, $0x2;
	v10 =	vand.u32 $0xFFFFFF80, v10;
	v3 =	vld [tilespmem:s28+$0x1420];
	v12 =	vand.u32 $0xFFFFFFE0, v12;
	[tilespmem:s25+$0x3C30] =	vst v4  }
0x59: {  	v8 =	vand.u32 $0x1C, v8;
	v13 =	vshll.u32 v11, $0x4;
	v14 =	vld [tilespmem:s28+$0x30];
	v10 =	vadd.s32 v10, v12;
	[tilespmem:s25+$0x3C40] =	vst v5  }
0x5a: {  	v5 =	vshll.u32 v1, $0x3;
	v4 =	vld [tilespmem:s28+$0x1430];
	v8 =	vor.u32 v8, v10;
	v10 =	vand.u32 $0x3, v17;
	[tilespmem:s25+$0x3C50] =	vst v6  }
0x5b: {  	v6 =	vshll.u32 v18, $0x4;
	v12 =	vshll.u32 v2, $0x3;
	v15 =	vld [tilespmem:s28+$0x40];
	v8 =	vor.u32 v10, v8;
	[tilespmem:s25+$0x3C60] =	vst v7;
	s25 =	smov.u32 s28  }
0x5c: {  	v10 =	vand.u32 $0xFFFFFF80, v13;
	v13 =	vand.u32 $0xFFFFFFE0, v5;
	v7 =	vshll.u32 v9, $0x4;
	v5 =	vld [tilespmem:s25+$0x1440];
	[tilespmem:s25+$0x3C70] =	vst v8  }
0x5d: {  	v8 =	vand.u32 $0xFFFFFF80, v6;
	v12 =	vand.u32 $0xFFFFFFE0, v12;
	v6 =	vshll.u32 v3, $0x3;
	v16 =	vld [tilespmem:s25+$0x50]  }
0x5e: {  	v17 =	vand.u32 $0xFFFFFF80, v7;
	v19 =	vand.u32 $0xFFFFFFE0, v6;
	v7 =	vshll.u32 v14, $0x4;
	v6 =	vld [tilespmem:s25+$0x1450]  }
0x5f: {  	v11 =	vshll.u32 v11, $0x2;
	v20 =	vand.u32 $0xFFFFFF80, v7;
	v7 =	vshll.u32 v4, $0x3;
	v21 =	vld [tilespmem:s25+$0x60]  }
0x60: {  	v18 =	vshll.u32 v18, $0x2;
	v22 =	vand.u32 $0xFFFFFFE0, v7;
	v23 =	vshll.u32 v15, $0x4;
	v7 =	vld [tilespmem:s25+$0x1460]  }
0x61: {  	v24 =	vshll.u32 v9, $0x2;
	v9 =	vand.u32 $0xFFFFFF80, v23;
	v23 =	vshll.u32 v5, $0x3  }
0x62: {  	v14 =	vshll.u32 v14, $0x2;
	v23 =	vand.u32 $0xFFFFFFE0, v23;
	v25 =	vshll.u32 v16, $0x4  }
0x63: {  	v15 =	vshll.u32 v15, $0x2;
	v25 =	vand.u32 $0xFFFFFF80, v25;
	v26 =	vshll.u32 v6, $0x3  }
0x64: {  	v16 =	vshll.u32 v16, $0x2;
	v26 =	vand.u32 $0xFFFFFFE0, v26;
	v27 =	vshll.u32 v21, $0x4  }
0x65: {  	v21 =	vshll.u32 v21, $0x2;
	v27 =	vand.u32 $0xFFFFFF80, v27;
	v28 =	vshll.u32 v7, $0x3  }
0x66: {  	v10 =	vadd.s32 v10, v13;
	v8 =	vadd.s32 v8, v12;
	v12 =	vand.u32 $0xFFFFFFE0, v28  }
0x67: {  	v13 =	vadd.s32 v17, v19;
	v17 =	vadd.s32 v20, v22;
	v19 =	vadd.s32 v9, v23  }
.Ltmp1:
0x68: {  	v20 =	vand.u32 $0x1C, v11;
	v22 =	vadd.s32 v25, v26;
	v9 =	vadd.s32 v27, v12;
	(pc) =	sbr.rel @p0 .LBB2_4-.Ltmp1, $4  }
0x69: {  	v14 =	vand.u32 $0x1C, v14;
	v12 =	vand.u32 $0x1C, v18;
	v18 =	vand.u32 $0x1C, v24  }
0x6a: {  	v23 =	vand.u32 $0x1C, v15;
	v11 =	vand.u32 $0x1C, v21;
	v24 =	vand.u32 $0x1C, v16  }
0x6b: {  	s28 =	sshra.s32 s21, $0x2;
	v16 =	vor.u32 v20, v10;
	v15 =	vor.u32 v12, v8;
	v13 =	vor.u32 v18, v13  }
0x6c: {  	s21 =	sadd.s32 $0x200, s21;
	v14 =	vor.u32 v14, v17;
	v12 =	vor.u32 v23, v19;
	v10 =	vor.u32 v24, v22;
	v8 =	vld [tilespmem:s28+$0x70]  }
0x6d: {  	v17 =	vld [tilespmem:s28+$0x1470]  }
0x6e: {  	v18 =	vld [tilespmem:s28+$0x0];
	v1 =	vand.u32 $0x3, v1  }
0x6f: {  	v19 =	vld [tilespmem:s28+$0x1400];
	v2 =	vand.u32 $0x3, v2;
	v3 =	vand.u32 $0x3, v3;
	v1 =	vor.u32 v1, v16  }
0x70: {  	v33 =	vld [tilespmem:s28+$0x10];
	v4 =	vand.u32 $0x3, v4;
	v5 =	vand.u32 $0x3, v5;
	[tilespmem:s25+$0x3C00] =	vst v1;
	v1 =	vor.u32 v2, v15  }
0x71: {  	v9 =	vor.u32 v11, v9;
	v6 =	vand.u32 $0x3, v6;
	v2 =	vld [tilespmem:s28+$0x1410];
	[tilespmem:s25+$0x3C10] =	vst v1;
	v1 =	vor.u32 v3, v13  }
0x72: {  	v7 =	vand.u32 $0x3, v7;
	v3 =	vld [tilespmem:s28+$0x20];
	[tilespmem:s25+$0x3C20] =	vst v1;
	v1 =	vor.u32 v4, v14;
	v36 =	vshll.u32 v8, $0x4  }
0x73: {  	v39 =	vshll.u32 v8, $0x2;
	v34 =	vld [tilespmem:s28+$0x1420];
	[tilespmem:s25+$0x3C30] =	vst v1;
	v1 =	vor.u32 v5, v12;
	v37 =	vshll.u32 v17, $0x3  }
0x74: {  	v40 =	vand.u32 $0x1C, v39;
	v42 =	vshll.u32 v18, $0x4;
	v43 =	vand.u32 $0x3, v17  }
0x75: {  	v44 =	vshll.u32 v33, $0x4;
	v18 =	vshll.u32 v18, $0x2;
	v16 =	vshll.u32 v33, $0x2  }
0x76: {  	v59 =	vand.u32 $0x3, v19;
	v35 =	vld [tilespmem:s28+$0x30];
	[tilespmem:s25+$0x3C40] =	vst v1;
	v1 =	vor.u32 v6, v10;
	v6 =	vand.u32 $0xFFFFFF80, v36  }
0x77: {  	v10 =	vand.u32 $0xFFFFFFE0, v37;
	v56 =	vand.u32 $0x1C, v18;
	v16 =	vand.u32 $0x1C, v16  }
0x78: {  	v38 =	vld [tilespmem:s28+$0x1430];
	[tilespmem:s25+$0x3C50] =	vst v1;
	v1 =	vor.u32 v7, v9;
	v6 =	vadd.s32 v6, v10;
	v9 =	vand.u32 $0xFFFFFF80, v42  }
0x79: {  	v10 =	vand.u32 $0xFFFFFF80, v44;
	v41 =	vld [tilespmem:s28+$0x40];
	v6 =	vor.u32 v40, v6;
	[tilespmem:s25+$0x3C60] =	vst v1;
	v1 =	vshll.u32 v19, $0x3  }
0x7a: {  	v46 =	vshll.u32 v2, $0x3;
	v2 =	vand.u32 $0x3, v2;
	v6 =	vor.u32 v43, v6  }
0x7b: {  	v1 =	vand.u32 $0xFFFFFFE0, v1;
	v47 =	vshll.u32 v3, $0x4;
	v12 =	vand.u32 $0xFFFFFFE0, v46  }
0x7c: {  	v45 =	vld [tilespmem:s28+$0x1440];
	v3 =	vshll.u32 v3, $0x2;
	[tilespmem:s28+$0x3C70] =	vst v6;
	v48 =	vshll.u32 v34, $0x3;
	v6 =	vand.u32 $0xFFFFFF80, v47  }
0x7d: {  	v49 =	vld [tilespmem:s28+$0x50];
	v1 =	vadd.s32 v9, v1;
	v52 =	vadd.s32 v10, v12;
	v3 =	vand.u32 $0x1C, v3  }
0x7e: {  	v50 =	vld [tilespmem:s28+$0x1450];
	v4 =	vand.u32 $0x3, v34;
	v13 =	vand.u32 $0xFFFFFFE0, v48;
	v51 =	vshll.u32 v35, $0x4  }
0x7f: {  	v21 =	vld [tilespmem:s28+$0x60];
	v5 =	vshll.u32 v35, $0x2;
	v1 =	vor.u32 v56, v1;
	v9 =	vor.u32 v16, v52  }
0x80: {  	v22 =	vld [tilespmem:s28+$0x1460];
	v20 =	vshll.u32 v38, $0x3;
	v17 =	vand.u32 $0xFFFFFF80, v51;
	v6 =	vadd.s32 v6, v13  }
0x81: {  	v5 =	vand.u32 $0x1C, v5;
	v1 =	vor.u32 v59, v1;
	v60 =	vand.u32 $0x3, v38  }
0x82: {  	v20 =	vand.u32 $0xFFFFFFE0, v20;
	v23 =	vshll.u32 v41, $0x4;
	v8 =	vshll.u32 v41, $0x2  }
0x83: {  	v3 =	vor.u32 v3, v6;
	[tilespmem:s28+$0x3C00] =	vst v1;
	v1 =	vor.u32 v2, v9;
	v24 =	vshll.u32 v45, $0x3  }
0x84: {  	v23 =	vand.u32 $0xFFFFFF80, v23;
	v25 =	vshll.u32 v49, $0x4;
	v26 =	vshll.u32 v50, $0x3  }
0x85: {  	v27 =	vshll.u32 v21, $0x4;
	v14 =	vshll.u32 v49, $0x2;
	v28 =	vshll.u32 v22, $0x3  }
0x86: {  	v21 =	vshll.u32 v21, $0x2;
	v54 =	vadd.s32 v17, v20;
	v8 =	vand.u32 $0x1C, v8  }
0x87: {  	v3 =	vor.u32 v4, v3;
	v61 =	vand.u32 $0x3, v45;
	v62 =	vand.u32 $0x3, v50  }
0x88: {  	v24 =	vand.u32 $0xFFFFFFE0, v24;
	v25 =	vand.u32 $0xFFFFFF80, v25;
	v26 =	vand.u32 $0xFFFFFFE0, v26  }
0x89: {  	v27 =	vand.u32 $0xFFFFFF80, v27;
	v53 =	vand.u32 $0xFFFFFFE0, v28;
	v14 =	vand.u32 $0x1C, v14  }
0x8a: {  	[tilespmem:s28+$0x3C10] =	vst v1;
	v58 =	vand.u32 $0x1C, v21;
	v2 =	vor.u32 v5, v54;
	v55 =	vadd.s32 v23, v24  }
0x8b: {  	[tilespmem:s28+$0x3C20] =	vst v3;
	v57 =	vadd.s32 v25, v26;
	v2 =	vor.u32 v60, v2;
	v1 =	vor.u32 v8, v55  }
0x8c: {  	v10 =	vadd.s32 v27, v53;
	v3 =	vor.u32 v14, v57;
	[tilespmem:s28+$0x3C30] =	vst v2;
	v1 =	vor.u32 v61, v1  }
0x8d: {  	v63 =	vand.u32 $0x3, v22;
	v2 =	vor.u32 v58, v10;
	v3 =	vor.u32 v62, v3;
	[tilespmem:s28+$0x3C40] =	vst v1  }
0x8e: {  	v1 =	vor.u32 v63, v2;
	[tilespmem:s28+$0x3C50] =	vst v3  }
0x8f: {  	[tilespmem:s28+$0x3C60] =	vst v1  }
0x90: {  	s21 =	simm.s32 $0x3C00;
	[bflag:$0x0] =	sbarrier.arrive $0xFFFF  }
0x91: {  	[tilespmem:s20], [sflag:$0x1] =	stream.indirect.gather [hbm4b:s4+s18], $0x20, s21, s18, $0xb8;
	[tilespmem:$0x14200] =	vst v63  }
0x92: {  	s28 =	simm.s32 $0x3C80  }
0x93: {  	[tilespmem:s22], [sflag:$0x2] =	stream.indirect.gather [hbm4b:s4+s18], $0x20, s28, s18, $0xb8;
	[tilespmem:$0x14200] =	vst v63  }
0x94: {  	s25 =	simm.s32 $0x3D00  }
0x95: {  	[tilespmem:s24], [sflag:$0x3] =	stream.indirect.gather [hbm4b:s4+s18], $0x20, s25, s18, $0xb8;
	[tilespmem:$0x14200] =	vst v63  }
0x96: {  	s28 =	simm.s32 $0x3D80  }
0x97: {  	[tilespmem:s26], [sflag:$0x4] =	stream.indirect.gather [hbm4b:s4+s18], $0x20, s28, s18, $0xb8;
	[tilespmem:$0x14200] =	vst v63  }
0x98: {  	s25 =	simm.s32 $0x3E00  }
0x99: {  	[tilespmem:s29], [sflag:$0x5] =	stream.indirect.gather [hbm4b:s4+s18], $0x20, s25, s18, $0xb8;
	[tilespmem:$0x14200] =	vst v63  }
0x9a: {  	_ =	swait.ge [sflag:s15], $0x1000  }
0x9b: {  	[sflag:s15] =	ssyncset.done $0x0  }
0x9c: {  	s28 =	simm.s32 $0x2800;
	[sflag:s15] =	ssyncadd.s32 $0xFFFFF000  }
0x9d: {  	[spmem:s2] =	stream.indirect.scatter.add.f32 [tilespmem:s20], [sflag:$0x6], $0x20, s28, s18, $0xb8;
	[tilespmem:$0x14200] =	vst v63  }
0x9e: {  	_ =	swait.ge [sflag:s30], $0x1000  }
0x9f: {  	[sflag:s30] =	ssyncset.done $0x0  }
0xa0: {  	s25 =	simm.s32 $0x3E80;
	[sflag:s30] =	ssyncadd.s32 $0xFFFFF000  }
0xa1: {  	[tilespmem:s20], [sflag:$0x1] =	stream.indirect.gather [hbm4b:s4+s18], $0x20, s25, s18, $0xb8;
	[tilespmem:$0x14200] =	vst v63  }
0xa2: {  	_ =	swait.ge [sflag:s16], $0x1000  }
0xa3: {  	[sflag:s16] =	ssyncset.done $0x0  }
0xa4: {  	s28 =	simm.s32 $0x2880;
	[sflag:s16] =	ssyncadd.s32 $0xFFFFF000  }
0xa5: {  	[spmem:s2] =	stream.indirect.scatter.add.f32 [tilespmem:s22], [sflag:$0x7], $0x20, s28, s18, $0xb8;
	[tilespmem:$0x14200] =	vst v63  }
0xa6: {  	_ =	swait.ge [sflag:s31], $0x1000  }
0xa7: {  	[sflag:s31] =	ssyncset.done $0x0  }
0xa8: {  	s25 =	simm.s32 $0x3F00;
	[sflag:s31] =	ssyncadd.s32 $0xFFFFF000  }
0xa9: {  	[tilespmem:s22], [sflag:$0x2] =	stream.indirect.gather [hbm4b:s4+s18], $0x20, s25, s18, $0xb8;
	[tilespmem:$0x14200] =	vst v63  }
0xaa: {  	_ =	swait.ge [sflag:s17], $0x1000  }
0xab: {  	[sflag:s17] =	ssyncset.done $0x0  }
0xac: {  	s28 =	simm.s32 $0x2900;
	[sflag:s17] =	ssyncadd.s32 $0xFFFFF000  }
0xad: {  	[spmem:s2] =	stream.indirect.scatter.add.f32 [tilespmem:s24], [sflag:$0x8], $0x20, s28, s18, $0xb8;
	[tilespmem:$0x14200] =	vst v63  }
0xae: {  	_ =	swait.ge [sflag:s1], $0x1000  }
0xaf: {  	[sflag:s1] =	ssyncset.done $0x0  }
0xb0: {  	s25 =	simm.s32 $0x3F80;
	[sflag:s1] =	ssyncadd.s32 $0xFFFFF000  }
0xb1: {  	[tilespmem:s24], [sflag:$0x3] =	stream.indirect.gather [hbm4b:s4+s18], $0x20, s25, s18, $0xb8;
	[tilespmem:$0x14200] =	vst v63  }
0xb2: {  	_ =	swait.ge [sflag:s0], $0x1000  }
0xb3: {  	[sflag:s0] =	ssyncset.done $0x0  }
0xb4: {  	s28 =	simm.s32 $0x2980;
	[sflag:s0] =	ssyncadd.s32 $0xFFFFF000  }
0xb5: {  	[spmem:s2] =	stream.indirect.scatter.add.f32 [tilespmem:s26], [sflag:$0x9], $0x20, s28, s18, $0xb8;
	[tilespmem:$0x14200] =	vst v63  }
0xb6: {  	_ =	swait.ge [sflag:s11], $0x1000  }
0xb7: {  	[sflag:s11] =	ssyncset.done $0x0  }
0xb8: {  	s25 =	simm.s32 $0x4000;
	[sflag:s11] =	ssyncadd.s32 $0xFFFFF000  }
0xb9: {  	[tilespmem:s26], [sflag:$0x4] =	stream.indirect.gather [hbm4b:s4+s18], $0x20, s25, s18, $0xb8;
	[tilespmem:$0x14200] =	vst v63  }
0xba: {  	_ =	swait.ge [sflag:s12], $0x1000  }
0xbb: {  	[sflag:s12] =	ssyncset.done $0x0  }
0xbc: {  	s28 =	simm.s32 $0x2A00;
	[sflag:s12] =	ssyncadd.s32 $0xFFFFF000  }
0xbd: {  	[spmem:s2] =	stream.indirect.scatter.add.f32 [tilespmem:s29], [sflag:$0xA], $0x20, s28, s18, $0xb8;
	[tilespmem:$0x14200] =	vst v63  }
0xbe: {  	_ =	swait.ge [sflag:s19], $0x1000  }
0xbf: {  	[sflag:s19] =	ssyncset.done $0x0  }
0xc0: {  	s21 =	simm.s32 $0xA00;
	s25 =	simm.s32 $0x4080;
	[sflag:s19] =	ssyncadd.s32 $0xFFFFF000  }
.LBB2_6:
0xc1: {  	[tilespmem:s29], [sflag:$0x5] =	stream.indirect.gather [hbm4b:s4+s18], $0x20, s25, s18, $0xb8;
	[tilespmem:$0x14200] =	vst v63  }
0xc2: {  	s25 =	smov.u32 s21  }
0xc3: {  	p0 =	sne.s32 s21, $0x3C00;
	s21 =	sadd.s32 $0xA00, s21;
	_ =	swait.ge [sflag:s15], $0x1000  }
0xc4: {  	s25 =	sshra.s32 s25, $0x2;
	[sflag:s15] =	ssyncset.done $0x0  }
0xc5: {  	s28 =	sadd.s32 $0x2800, s25;
	[sflag:s15] =	ssyncadd.s32 $0xFFFFF000  }
0xc6: {  	[spmem:s2] =	stream.indirect.scatter.add.f32 [tilespmem:s20], [sflag:$0x6], $0x20, s28, s18, $0xb8;
	[tilespmem:$0x14200] =	vst v63  }
0xc7: {  	_ =	swait.ge [sflag:s30], $0x1000  }
0xc8: {  	[sflag:s30] =	ssyncset.done $0x0  }
0xc9: {  	s28 =	sadd.s32 $0x3E80, s25;
	[sflag:s30] =	ssyncadd.s32 $0xFFFFF000  }
0xca: {  	[tilespmem:s20], [sflag:$0x1] =	stream.indirect.gather [hbm4b:s4+s18], $0x20, s28, s18, $0xb8;
	[tilespmem:$0x14200] =	vst v63  }
0xcb: {  	_ =	swait.ge [sflag:s16], $0x1000  }
0xcc: {  	[sflag:s16] =	ssyncset.done $0x0  }
0xcd: {  	s28 =	sadd.s32 $0x2880, s25;
	[sflag:s16] =	ssyncadd.s32 $0xFFFFF000  }
0xce: {  	[spmem:s2] =	stream.indirect.scatter.add.f32 [tilespmem:s22], [sflag:$0x7], $0x20, s28, s18, $0xb8;
	[tilespmem:$0x14200] =	vst v63  }
0xcf: {  	_ =	swait.ge [sflag:s31], $0x1000  }
0xd0: {  	[sflag:s31] =	ssyncset.done $0x0  }
0xd1: {  	s28 =	sadd.s32 $0x3F00, s25;
	[sflag:s31] =	ssyncadd.s32 $0xFFFFF000  }
0xd2: {  	[tilespmem:s22], [sflag:$0x2] =	stream.indirect.gather [hbm4b:s4+s18], $0x20, s28, s18, $0xb8;
	[tilespmem:$0x14200] =	vst v63  }
0xd3: {  	_ =	swait.ge [sflag:s17], $0x1000  }
0xd4: {  	[sflag:s17] =	ssyncset.done $0x0  }
0xd5: {  	s28 =	sadd.s32 $0x2900, s25;
	[sflag:s17] =	ssyncadd.s32 $0xFFFFF000  }
0xd6: {  	[spmem:s2] =	stream.indirect.scatter.add.f32 [tilespmem:s24], [sflag:$0x8], $0x20, s28, s18, $0xb8;
	[tilespmem:$0x14200] =	vst v63  }
0xd7: {  	_ =	swait.ge [sflag:s1], $0x1000  }
0xd8: {  	[sflag:s1] =	ssyncset.done $0x0  }
0xd9: {  	s28 =	sadd.s32 $0x3F80, s25;
	[sflag:s1] =	ssyncadd.s32 $0xFFFFF000  }
0xda: {  	[tilespmem:s24], [sflag:$0x3] =	stream.indirect.gather [hbm4b:s4+s18], $0x20, s28, s18, $0xb8;
	[tilespmem:$0x14200] =	vst v63  }
0xdb: {  	_ =	swait.ge [sflag:s0], $0x1000  }
0xdc: {  	[sflag:s0] =	ssyncset.done $0x0  }
0xdd: {  	s28 =	sadd.s32 $0x2980, s25;
	[sflag:s0] =	ssyncadd.s32 $0xFFFFF000  }
0xde: {  	[spmem:s2] =	stream.indirect.scatter.add.f32 [tilespmem:s26], [sflag:$0x9], $0x20, s28, s18, $0xb8;
	[tilespmem:$0x14200] =	vst v63  }
0xdf: {  	_ =	swait.ge [sflag:s11], $0x1000  }
0xe0: {  	[sflag:s11] =	ssyncset.done $0x0  }
0xe1: {  	s28 =	sadd.s32 $0x4000, s25;
	[sflag:s11] =	ssyncadd.s32 $0xFFFFF000  }
0xe2: {  	[tilespmem:s26], [sflag:$0x4] =	stream.indirect.gather [hbm4b:s4+s18], $0x20, s28, s18, $0xb8;
	[tilespmem:$0x14200] =	vst v63  }
0xe3: {  	_ =	swait.ge [sflag:s12], $0x1000  }
0xe4: {  	[sflag:s12] =	ssyncset.done $0x0  }
.Ltmp2:
0xe5: {  	s28 =	sadd.s32 $0x2A00, s25;
	[sflag:s12] =	ssyncadd.s32 $0xFFFFF000;
	(pc) =	sbr.rel @p0 .LBB2_6-.Ltmp2, $4  }
0xe6: {  	[spmem:s2] =	stream.indirect.scatter.add.f32 [tilespmem:s29], [sflag:$0xA], $0x20, s28, s18, $0xb8;
	[tilespmem:$0x14200] =	vst v63  }
0xe7: {  	_ =	swait.ge [sflag:s19], $0x1000  }
0xe8: {  	[sflag:s19] =	ssyncset.done $0x0  }
0xe9: {  	s25 =	sadd.s32 $0x4080, s25;
	[sflag:s19] =	ssyncadd.s32 $0xFFFFF000  }
0xea: {  	[tilespmem:s29], [sflag:$0x5] =	stream.indirect.gather [hbm4b:s4+s18], $0x20, s25, s18, $0xb8;
	[tilespmem:$0x14200] =	vst v63  }
0xeb: {  	_ =	swait.ge [sflag:s15], $0x1000  }
0xec: {  	[sflag:s15] =	ssyncset.done $0x0  }
0xed: {  	s21 =	simm.s32 $0x3980;
	[sflag:s15] =	ssyncadd.s32 $0xFFFFF000  }
0xee: {  	[spmem:s2] =	stream.indirect.scatter.add.f32 [tilespmem:s20], [sflag:$0x6], $0x20, s21, s18, $0xb8;
	[tilespmem:$0x14200] =	vst v63  }
0xef: {  	_ =	swait.ge [sflag:s16], $0x1000  }
0xf0: {  	[sflag:s16] =	ssyncset.done $0x0  }
0xf1: {  	s25 =	simm.s32 $0x3A00;
	[sflag:s16] =	ssyncadd.s32 $0xFFFFF000  }
0xf2: {  	[spmem:s2] =	stream.indirect.scatter.add.f32 [tilespmem:s22], [sflag:$0x7], $0x20, s25, s18, $0xb8;
	[tilespmem:$0x14200] =	vst v63  }
0xf3: {  	_ =	swait.ge [sflag:s17], $0x1000  }
0xf4: {  	[sflag:s17] =	ssyncset.done $0x0  }
0xf5: {  	s28 =	simm.s32 $0x3A80;
	[sflag:s17] =	ssyncadd.s32 $0xFFFFF000  }
0xf6: {  	[spmem:s2] =	stream.indirect.scatter.add.f32 [tilespmem:s24], [sflag:$0x8], $0x20, s28, s18, $0xb8;
	[tilespmem:$0x14200] =	vst v63  }
0xf7: {  	_ =	swait.ge [sflag:s0], $0x1000  }
0xf8: {  	[sflag:s0] =	ssyncset.done $0x0  }
0xf9: {  	s25 =	simm.s32 $0x3B00;
	[sflag:s0] =	ssyncadd.s32 $0xFFFFF000  }
0xfa: {  	[spmem:s2] =	stream.indirect.scatter.add.f32 [tilespmem:s26], [sflag:$0x9], $0x20, s25, s18, $0xb8;
	[tilespmem:$0x14200] =	vst v63  }
0xfb: {  	_ =	swait.ge [sflag:s12], $0x1000  }
0xfc: {  	[sflag:s12] =	ssyncset.done $0x0  }
0xfd: {  	s28 =	simm.s32 $0x3B80;
	[sflag:s12] =	ssyncadd.s32 $0xFFFFF000  }
0xfe: {  	[spmem:s2] =	stream.indirect.scatter.add.f32 [tilespmem:s29], [sflag:$0xA], $0x20, s28, s18, $0xb8;
	[tilespmem:$0x14200] =	vst v63  }
0xff: {  	_ =	swait.ge [sflag:s30], $0x1000  }
0x100: {  	[sflag:s30] =	ssyncset.done $0x0  }
0x101: {  	[sflag:s30] =	ssyncadd.s32 $0xFFFFF000  }
0x102: {  	_ =	swait.ge [sflag:s31], $0x1000  }
0x103: {  	[sflag:s31] =	ssyncset.done $0x0  }
0x104: {  	[sflag:s31] =	ssyncadd.s32 $0xFFFFF000  }
0x105: {  	_ =	swait.ge [sflag:s1], $0x1000  }
0x106: {  	[sflag:s1] =	ssyncset.done $0x0  }
0x107: {  	[sflag:s1] =	ssyncadd.s32 $0xFFFFF000  }
0x108: {  	_ =	swait.ge [sflag:s11], $0x1000  }
0x109: {  	[sflag:s11] =	ssyncset.done $0x0  }
0x10a: {  	[sflag:s11] =	ssyncadd.s32 $0xFFFFF000  }
0x10b: {  	_ =	swait.ge [sflag:s19], $0x1000  }
0x10c: {  	[sflag:s19] =	ssyncset.done $0x0  }
0x10d: {  	[sflag:s19] =	ssyncadd.s32 $0xFFFFF000  }
0x10e: {  	[bflag:$0x0] =	sbarrier.arrive $0xFFFF  }
0x10f: {  	[tilespmem:s13], [sflag:$0xB] =	stream.linear.gather [spmem:s8], $0x5100, $0x38;
	[tilespmem:$0x14200] =	vst v63  }
0x110: {  	s23 =	sadd.s32 $0x1, s23;
	_ =	swait.ge [sflag:s14], $0x5100  }
0x111: {  	p0 =	sne.s32 s23, s10;
	[sflag:s14] =	ssyncset.done $0x0  }
.Ltmp3:
0x112: {  	[sflag:s14] =	ssyncadd.s32 $0xFFFFAF00;
	(pc) =	sbr.rel @p0 .LBB2_1-.Ltmp3, $4  }
0x113: {  	[hbm4b:s9+s3] =	stream.linear.scatter [tilespmem:s13], [sflag:$0xB], $0x5100, $0x38;
	[tilespmem:$0x14200] =	vst v63  }
0x114: {  	_ =	swait.ge [sflag:s14], $0x5100  }
0x115: {  	[sflag:s14] =	ssyncset.done $0x0  }
0x116: {  	[sflag:s14] =	ssyncadd.s32 $0xFFFFAF00  }
0x117: {  	_ =	sfence.sel $0x180000  }
0x118: {  	[bflag:$0x0] =	sbarrier.arrive $0xFFFF  }
0x119: {  	_ =	strace $0x9000004A  }
0x11a: {  	s0 =	stileid.u32;
	[bflag:$0x2] =	sbarrier.arrive $0xFFFF  }
0x11b: {  	p0 =	sne.s32 s0, $0x0;
	s0 =	rddreg [dreg:$0x2]  }
0x11c: {  	s0 =	sadd.s32 @!p0 $0x100000, s0  }
0x11d: {  	[sflag:s0] =	ssyncadd.tile.s32 @!p0 $0x1;
	_ =	shalt  }
.Lfunc_end2:
_tile_overlayer_lowered:
.L_overlay_start_2:
0x11e: {  	(tag) =	ssettag $0x2  }
0x11f: {  	s0 =	rddreg [dreg:$0x0];
	s2 =	stileid.u32  }
0x120: {  	s1 =	rddreg [dreg:$0x1];
	p0 =	sne.s32 s2, $0x0  }
0x121: {  	s3 =	rddreg [dreg:$0x2];
	[bflag:$0x3] =	sbarrier.arrive $0xFFFF;
	s2 =	simm.s32 @!p0 $0x1C0B  }
0x122: {  	[timem:s3], [sflag:s2] =	dma.local @!p0 [hbm:s0], s1  }
0x123: {  	s0 =	simm.s32 @!p0 $0xB  }
0x124: {  	_ =	swait.ge @!p0 [sflag:s0], s1  }
0x125: {  	s1 =	ssub.s32 @!p0 $0x0, s1;
	[sflag:s0] =	ssyncset.done @!p0 $0x0  }
0x126: {  	[sflag:s0] =	ssyncadd.s32 @!p0 s1  }
0x127: {  	[bflag:$0x3] =	sbarrier.arrive $0xFFFF  }
0x128: {  	_ =	shalt  }

// kernel: kernel.16.cloned.1.call-start
scs
__scs_entry_jumppad:
0x0: {  	(pc) =	sbr.rel $0x88, $3  }
0x1: {  	(tag) =	ssettag $0x0;
	lr =	simm.s32 $0x1  }
0x2: {  	[smem:$0x3F8C] =	sst lr;
	_ =	strace $0xD0000000  }
0x3: {  	_ = 	snop  }
0x4: {  	_ = 	snop  }
0x5: {  	_ = 	snop  }
0x6: {  	_ = 	snop  }
0x7: {  	_ = 	snop  }
__scs_overlays_trampoline_lowered:
0x8: {  	[smem:$0x3F9B] =	sst s0  }
0x9: {  	[smem:$0x3F9C] =	sst s1  }
0xa: {  	[smem:$0x3F9D] =	sst s2  }
0xb: {  	[smem:$0x3F9E] =	sst s3  }
0xc: {  	[smem:$0x3F9F] =	sst s4  }
0xd: {  	[smem:$0x3FA0] =	sst s5  }
0xe: {  	[smem:$0x3FA1] =	sst s6  }
0xf: {  	[smem:$0x3FA2] =	sst s7  }
0x10: {  	[smem:$0x3FA3] =	sst s8  }
0x11: {  	[smem:$0x3FA4] =	sst s9;
	s0 =	simm.s32 @!p0 $0x0  }
0x12: {  	s1 =	sld [smem:$0x3F8A];
	s0 =	simm.s32 @p0 $0x1  }
0x13: {  	[smem:$0x3FA5] =	sst s0;
	s0 =	simm.s32 @!p1 $0x0  }
0x14: {  	s2 =	sld [smem:$0x3F89];
	s0 =	simm.s32 @p1 $0x1  }
0x15: {  	[smem:$0x3FA6] =	sst s0;
	s0 =	simm.s32 @!p2 $0x0  }
0x16: {  	s3 =	sld [smem:$0x3FDB];
	s0 =	simm.s32 @p2 $0x1  }
0x17: {  	s4 =	simm.s32 $0x1BF5;
	[smem:$0x3FA8] =	sst s0  }
0x18: {  	s0 =	sld [smem:$0x3F8B];
	_ =	swait.ge [sflag:s4], $0x0  }
0x19: {  	s7 =	sld [smem:$0x3F8C]  }
0x1a: {  	s8 =	sadd.s32 $0xFFFFE003, lr  }
0x1b: {  	s9 =	sadd.s32 $0xFFFFFEF7, lr;
	s5 =	simm.s32 $0xFFFFFFFF;
	p2 =	slt.u32 s8, $0xFFFFF086  }
0x1c: {  	p1 =	slt.u32 s9, $0xF7A;
	s5 =	simm.s32 @!p2 $0x0  }
0x1d: {  	s5 =	simm.s32 @p1 $0x1;
	p0 =	seq.s32 s7, s2  }
0x1e: {  	s7 =	smul.u32 @!p0 $0xF7A, s2;
	p2 =	seq.s32 @!p0 s5, $0x0  }
0x1f: {  	s9 =	smul.u32 $0xF7A, s1;
	s8 =	simm.s32 @!p0 $0x1BF5;
	p2 =	por !p2, p0  }
0x20: {  	[sflag:s8] =	ssyncset.s32 @!p0 $0xFFFFF086;
	s6 =	sadd.s32 @!p0 s3, s7;
	s7 =	simm.s32 @!p0 $0x108  }
0x21: {  	s3 =	sadd.s32 s3, s9;
	s6 =	sadd.s32 @!p0 $0x88, s6;
	s7 =	simm.s32 @p2 $0x1082  }
0x22: {  	[simem:s7], [sflag:s8] =	dma.local @!p0 [hbm:s6], $0xF7A  }
0x23: {  	s9 =	sor.u32 $0xD0000000, s2;
	s6 =	simm.s32 $0x108;
	_ =	swait.ge @!p0 [sflag:s8], $0x0  }
0x24: {  	s3 =	sadd.s32 $0x88, s3;
	s6 =	simm.s32 @!p1 $0x1082;
	[sflag:s4] =	ssyncset.s32 $0xFFFFF086  }
0x25: {  	[simem:s6], [sflag:s4] =	dma.local [hbm:s3], $0xF7A  }
0x26: {  	[smem:$0x3F8C] =	sst s1;
	(tag) =	ssettag s2;
	_ =	strace s9  }
0x27: {  	s1 =	sld [smem:$0x3F9C]  }
0x28: {  	s2 =	sld [smem:$0x3F9D]  }
0x29: {  	s4 =	sld [smem:$0x3F9F]  }
0x2a: {  	p0 =	seq.s32 s5, $0x0;
	s5 =	sld [smem:$0x3FA0]  }
0x2b: {  	s6 =	sld [smem:$0x3FA1]  }
0x2c: {  	s7 =	sld [smem:$0x3FA2]  }
0x2d: {  	s3 =	simm.s32 $0x108;
	s8 =	sld [smem:$0x3FA3]  }
0x2e: {  	s3 =	simm.s32 @!p0 $0x1082;
	s9 =	sld [smem:$0x3FA4]  }
0x2f: {  	lr =	sadd.s32 s0, s3;
	s0 =	sld [smem:$0x3F9B]  }
0x30: {  	s3 =	sld [smem:$0x3F9E]  }
0x31: {  	[smem:$0x3FA7] =	sst s10  }
0x32: {  	s10 =	sld [smem:$0x3FA5];
	_ =	sdelay $0x3  }
0x33: {  	p0 =	seq.s32 s10, $0x1;
	s10 =	sld [smem:$0x3FA7];
	_ =	sdelay $0x3  }
0x34: {  	[smem:$0x3FA7] =	sst s10  }
0x35: {  	s10 =	sld [smem:$0x3FA6];
	_ =	sdelay $0x3  }
0x36: {  	p1 =	seq.s32 s10, $0x1;
	s10 =	sld [smem:$0x3FA7];
	_ =	sdelay $0x3  }
0x37: {  	[smem:$0x3FA7] =	sst s10  }
0x38: {  	s10 =	sld [smem:$0x3FA8]  }
0x39: {  	_ = 	snop;
	(pc) =	sbr.ind lr, $3  }
0x3a: {  	_ = 	snop  }
0x3b: {  	_ = 	snop  }
0x3c: {  	p2 =	seq.s32 s10, $0x1;
	s10 =	sld [smem:$0x3FA7]  }
0x3d: {  	_ =	shalt  }
0x3e: {  	_ =	shalt  }
0x3f: {  	_ =	shalt  }
0x40: {  	_ =	shalt  }
0x41: {  	_ =	shalt  }
0x42: {  	_ =	shalt  }
0x43: {  	_ =	shalt  }
0x44: {  	_ =	shalt  }
0x45: {  	_ =	shalt  }
0x46: {  	_ =	shalt  }
0x47: {  	_ =	shalt  }
0x48: {  	_ =	shalt  }
0x49: {  	_ =	shalt  }
0x4a: {  	_ =	shalt  }
0x4b: {  	_ =	shalt  }
0x4c: {  	_ =	shalt  }
0x4d: {  	_ =	shalt  }
0x4e: {  	_ =	shalt  }
0x4f: {  	_ =	shalt  }
0x50: {  	_ =	shalt  }
0x51: {  	_ =	shalt  }
0x52: {  	_ =	shalt  }
0x53: {  	_ =	shalt  }
0x54: {  	_ =	shalt  }
0x55: {  	_ =	shalt  }
0x56: {  	_ =	shalt  }
0x57: {  	_ =	shalt  }
0x58: {  	_ =	shalt  }
0x59: {  	_ =	shalt  }
0x5a: {  	_ =	shalt  }
0x5b: {  	_ =	shalt  }
0x5c: {  	_ =	shalt  }
0x5d: {  	_ =	shalt  }
0x5e: {  	_ =	shalt  }
0x5f: {  	_ =	shalt  }
0x60: {  	_ =	shalt  }
0x61: {  	_ =	shalt  }
0x62: {  	_ =	shalt  }
0x63: {  	_ =	shalt  }
0x64: {  	_ =	shalt  }
0x65: {  	_ =	shalt  }
0x66: {  	_ =	shalt  }
0x67: {  	_ =	shalt  }
0x68: {  	_ =	shalt  }
0x69: {  	_ =	shalt  }
0x6a: {  	_ =	shalt  }
0x6b: {  	_ =	shalt  }
0x6c: {  	_ =	shalt  }
0x6d: {  	_ =	shalt  }
0x6e: {  	_ =	shalt  }
0x6f: {  	_ =	shalt  }
0x70: {  	_ =	shalt  }
0x71: {  	_ =	shalt  }
0x72: {  	_ =	shalt  }
0x73: {  	_ =	shalt  }
0x74: {  	_ =	shalt  }
0x75: {  	_ =	shalt  }
0x76: {  	_ =	shalt  }
0x77: {  	_ =	shalt  }
0x78: {  	_ =	shalt  }
0x79: {  	_ =	shalt  }
0x7a: {  	_ =	shalt  }
0x7b: {  	_ =	shalt  }
0x7c: {  	_ =	shalt  }
0x7d: {  	_ =	shalt  }
0x7e: {  	_ =	shalt  }
0x7f: {  	_ =	shalt  }
0x80: {  	_ =	shalt  }
0x81: {  	_ =	shalt  }
0x82: {  	_ =	shalt  }
0x83: {  	_ =	shalt  }
0x84: {  	_ =	shalt  }
0x85: {  	_ =	shalt  }
0x86: {  	_ =	shalt  }
0x87: {  	_ =	shalt  }
.Lfunc_end0:
.L_simem_size_0:
called_computation.2_lowered:
.L_overlay_start_0:
0x88: {  	s2 =	sld [smem:$0x3FD9]  }
0x89: {  	s3 =	sld [smem:$0x3FFE];
	_ =	sdelay $0x1  }
0x8a: {  	s1 =	srdreg.scid  }
0x8b: {  	s0 =	sand.u32 $0x1, s1  }
0x8c: {  	s16 =	sshll.u32 s0, $0xA;
	s2 =	sadd.s32 s3, s2  }
0x8d: {  	s2 =	sadd.s32 s2, s16  }
0x8e: {  	[smem:$0x3FB3] =	sst s2  }
0x8f: {  	_ = 	snop  }
0x90: {  	(tm) =	ssettm $0x1  }
0x91: {  	s17 =	sld [smem:$0x3FFB];
	_ =	sdelay $0x3  }
0x92: {  	_ =	strace s17  }
0x93: {  	s2 =	sld [smem:$0x3FFC];
	_ =	sdelay $0x3  }
0x94: {  	_ =	strace s2  }
0x95: {  	s2 =	sld [smem:$0x3FFD];
	_ =	sdelay $0x3  }
0x96: {  	_ =	strace s2  }
0x97: {  	_ =	strace $0x8FFFFFFF  }
0x98: {  	s18 =	sld [smem:$0x3FDB];
	_ =	sdelay $0x1  }
0x99: {  	s19 =	simm.s32 $_scs_section_size  }
0x9a: {  	s4 =	simm.s32 $_size__tile_overlayer_lowered;
	s5 =	simm.s32 $_tile_overlayer_lowered  }
0x9b: {  	s22 =	simm.s32 $0x1BFF;
	s21 =	sshll.u32 s5, $0x1;
	s2 =	sadd.s32 s19, s18  }
0x9c: {  	s6 =	simm.s32 $0x0;
	s20 =	sshll.u32 s4, $0x1;
	s4 =	sadd.s32 s21, s2  }
0x9d: {  	[timem:s6], [sflag:s22] =	dma.local [hbm:s4], s20  }
0x9e: {  	_ =	swait.ge [sflag:s22], s20  }
0x9f: {  	s3 =	ssub.s32 $0x0, s20;
	[sflag:s22] =	ssyncset.done $0x0  }
0xa0: {  	[sflag:s22] =	ssyncadd.s32 s3;
	_ =	sdelay $0x1  }
0xa1: {  	s23 =	simm.s32 $0x1B8B  }
0xa2: {  	_ =	swait.ge [sflag:s23], $0x1  }
0xa3: {  	[sflag:s23] =	ssyncset.done $0x0  }
0xa4: {  	s25 =	simm.s32 $0x1B8E;
	s24 =	sld [smem:$0x3FFE];
	[sflag:s23] =	ssyncadd.s32 $0xFFFFFFFF  }
0xa5: {  	s26 =	simm.s32 $execute0_lowered;
	[smem:$0x3FD2] =	sst s25  }
0xa6: {  	s4 =	sshll.u32 s26, $0x1;
	_ =	strace $0x8000004C;
	[dreg:$0x1] =	wrdreg $0xFFFFFFFF  }
0xa7: {  	s28 =	simm.s32 $_size_execute0_lowered;
	s2 =	sadd.s32 s2, s4;
	[dreg:$0x0] =	wrdreg $0x0  }
0xa8: {  	s4 =	sshll.u32 s28, $0x1;
	[dreg:$0x2] =	wrdreg s2  }
0xa9: {  	[dreg:$0x3] =	wrdreg s4  }
0xaa: {  	[dreg:$0x4] =	wrdreg $0xC0  }
0xab: {  	_ =	task [dreg:s6], $0x5FFFF  }
0xac: {  	[dreg:$0x1] =	wrdreg $0xFFFFFFFF  }
0xad: {  	[dreg:$0x0] =	wrdreg $0x60  }
0xae: {  	[dreg:$0x2] =	wrdreg s24  }
0xaf: {  	[dreg:$0x3] =	wrdreg $0xF1000  }
0xb0: {  	[dreg:$0x4] =	wrdreg $0x9  }
0xb1: {  	_ =	task.clear_ibuf [dreg:s6], $0x5FFFF;
	_ =	strace $0x9000004C  }
0xb2: {  	s29 =	simm.s32 $0x9;
	_ =	strace $0x8000004E  }
0xb3: {  	_ =	swait.ge [sflag:s29], $0x1  }
0xb4: {  	[sflag:s29] =	ssyncadd.s32 $0xFFFFFFFF  }
0xb5: {  	_ =	strace $0x9000004E  }
0xb6: {  	_ =	sfence  }
0xb7: {  	s30 =	sld [smem:$0x0];
	_ =	sdelay $0x2  }
0xb8: {  	s31 =	sshll.u32 s1, $0xD;
	s1 =	sshrl.u32 s1, $0x2  }
0xb9: {  	s3 =	sand.u32 $0x4000, s31;
	s1 =	sadd.s32 s1, s30  }
0xba: {  	s0 =	sor.u32 s3, s0;
	s1 =	sshll.u32 s1, $0x11  }
0xbb: {  	s0 =	sor.u32 s1, s0  }
0xbc: {  	s0 =	sadd.s32 $0x8F2B, s0  }
0xbd: {  	[sflag:s0] =	ssyncadd.remote.s32 $0x1  }
0xbe: {  	_ =	sfence.sel $0xFFFF  }
0xbf: {  	[dreg:$0x0] =	wrdreg $0xFFFFFFFF;
	(pc) =	sbr.abs _section_cstart, $3  }
0xc0: {  	[dreg:$0x1] =	wrdreg $0xFFFFFFFF  }
0xc1: {  	_ =	task.clear_ibuf [dreg:s6], $0x2FFFF;
	_ =	strace $0x9FFFFFFF  }
0xc2: {  	(tm) =	ssettm $0x7FFFFFFF  }
0xc3: {  	_ =	shalt  }
tec
execute0_lowered:
.L_overlay_start_1:
0x0: {  	(tag) =	ssettag $0x1  }
0x1: {  	s0 =	srdreg.scid;
	s5 =	rddreg [dreg:$0x0]  }
0x2: {  	s4 =	stileid.u32;
	s2 =	rddreg [dreg:$0x1]  }
0x3: {  	s3 =	simm.s32 $0x0;
	s13 =	simm.s32 $0xA000;
	s14 =	simm.s32 $0xB  }
0x4: {  	s15 =	simm.s32 $0x1;
	s16 =	simm.s32 $0x2;
	s17 =	simm.s32 $0x3  }
0x5: {  	s18 =	simm.s32 $0x80;
	s20 =	simm.s32 $0x5000;
	s22 =	simm.s32 $0x6000  }
0x6: {  	s24 =	simm.s32 $0x7000;
	s26 =	simm.s32 $0x8000;
	s29 =	simm.s32 $0x9000  }
0x7: {  	s30 =	simm.s32 $0x6;
	s31 =	simm.s32 $0x7;
	s11 =	simm.s32 $0x9  }
0x8: {  	s12 =	simm.s32 $0x5;
	s19 =	simm.s32 $0xA;
	s23 =	simm.s32 $0x0  }
0x9: {  	s0 =	sand.u32 $0x1, s0;
	s8 =	smul.u32 $0x5100, s4;
	[smem:$0x7FF] =	sst s3  }
0xa: {  	s1 =	sshll.u32 s0, $0x4;
	s28 =	smul.u32 $0x51000, s0;
	_ =	strace $0x8000004D  }
0xb: {  	s0 =	ssub.s32 $0x2, s0;
	s1 =	sor.u32 s4, s1;
	s4 =	sadd.s32 $0x12800, s5  }
0xc: {  	s7 =	sshrl.u32 s0, $0x1;
	s1 =	smul.u32 $0x280, s1;
	s6 =	sadd.s32 s8, s28  }
0xd: {  	s0 =	ssub.s32 s0, s7;
	s8 =	sadd.s32 s8, s2;
	s6 =	sshrl.u32 s6, $0x3  }
0xe: {  	s10 =	smax.u32 s0, $0x1;
	s0 =	simm.s32 $0x4;
	s1 =	sadd.s32 s1, s5  }
0xf: {  	s9 =	sadd.s32 s6, s5;
	s5 =	sadd.s32 $0x8800, s1;
	s6 =	sadd.s32 $0x3800, s1  }
0x10: {  	v0 =	vimm.f32 $0.0e+00;
	s7 =	sadd.s32 $0xD800, s1;
	s9 =	sadd.s32 $0xB2800, s9;
	s1 =	simm.s32 $0x8  }
.LBB2_1:
0x11: {  	[tilespmem:s3], [sflag:$0x1] =	stream.linear.gather [hbm4b:s5+s3], $0x1400, $0x38;
	[tilespmem:$0x14200] =	vst v63  }
0x12: {  	s21 =	simm.s32 $0x1400  }
0x13: {  	[tilespmem:s21], [sflag:$0x2] =	stream.linear.gather [hbm4b:s6+s3], $0x1400, $0x38;
	[tilespmem:$0x14200] =	vst v63  }
0x14: {  	s28 =	simm.s32 $0x2800;
	s25 =	simm.s32 $0x200;
	s21 =	simm.s32 $0x0  }
0x15: {  	[tilespmem:s28], [sflag:$0x3] =	stream.linear.gather [hbm4b:s7+s3], $0x1400, $0x38;
	[tilespmem:$0x14200] =	vst v63  }
.LBB2_2:
0x16: {  	p0 =	sne.s32 s25, $0x14200;
	[tilespmem:s21+$0xA070] =	vst v0  }
0x17: {  	[tilespmem:s21+$0xA000] =	vst v0  }
0x18: {  	[tilespmem:s21+$0xA010] =	vst v0  }
.Ltmp0:
0x19: {  	[tilespmem:s21+$0xA020] =	vst v0;
	(pc) =	sbr.rel @p0 .LBB2_2-.Ltmp0, $4  }
0x1a: {  	[tilespmem:s21+$0xA030] =	vst v0  }
0x1b: {  	[tilespmem:s21+$0xA040] =	vst v0  }
0x1c: {  	[tilespmem:s21+$0xA050] =	vst v0  }
0x1d: {  	[tilespmem:s21+$0xA060] =	vst v0;
	s21 =	sshra.s32 s25, $0x2;
	s25 =	sadd.s32 $0x200, s25  }
0x1e: {  	[tilespmem:s21+$0xA070] =	vst v0  }
0x1f: {  	[tilespmem:s21+$0xA000] =	vst v0  }
0x20: {  	[tilespmem:s21+$0xA010] =	vst v0  }
0x21: {  	[tilespmem:s21+$0xA020] =	vst v0  }
0x22: {  	[tilespmem:s21+$0xA030] =	vst v0  }
0x23: {  	[tilespmem:s21+$0xA040] =	vst v0  }
0x24: {  	[tilespmem:s21+$0xA050] =	vst v0  }
0x25: {  	[tilespmem:s21+$0xA060] =	vst v0  }
0x26: {  	[spmem:s8] =	stream.linear.scatter [tilespmem:s13], [sflag:$0xB], $0x5100, $0x38;
	[tilespmem:$0x14200] =	vst v63  }
0x27: {  	_ =	swait.ge [sflag:s14], $0x5100  }
0x28: {  	[sflag:s14] =	ssyncset.done $0x0  }
0x29: {  	[sflag:s14] =	ssyncadd.s32 $0xFFFFAF00  }
0x2a: {  	_ =	swait.ge [sflag:s15], $0x1400  }
0x2b: {  	[sflag:s15] =	ssyncset.done $0x0  }
0x2c: {  	[sflag:s15] =	ssyncadd.s32 $0xFFFFEC00  }
0x2d: {  	_ =	swait.ge [sflag:s16], $0x1400  }
0x2e: {  	[sflag:s16] =	ssyncset.done $0x0  }
0x2f: {  	[sflag:s16] =	ssyncadd.s32 $0xFFFFEC00  }
0x30: {  	_ =	swait.ge [sflag:s17], $0x1400  }
0x31: {  	[sflag:s17] =	ssyncset.done $0x0  }
0x32: {  	s25 =	simm.s32 $0x0;
	[sflag:s17] =	ssyncadd.s32 $0xFFFFEC00  }
0x33: {  	v4 =	vld [tilespmem:s25+$0x70]  }
0x34: {  	v5 =	vld [tilespmem:s25+$0x1470]  }
0x35: {  	v7 =	vld [tilespmem:s25+$0x0]  }
0x36: {  	v1 =	vld [tilespmem:s25+$0x1400]  }
0x37: {  	v8 =	vld [tilespmem:s25+$0x10]  }
0x38: {  	v2 =	vld [tilespmem:s25+$0x1410]  }
0x39: {  	v9 =	vld [tilespmem:s25+$0x20]  }
0x3a: {  	v11 =	vld [tilespmem:s25+$0x30]  }
0x3b: {  	v17 =	vld [tilespmem:s25+$0x50]  }
0x3c: {  	v21 =	vld [tilespmem:s25+$0x60];
	v6 =	vshll.u32 v4, $0x4;
	v10 =	vshll.u32 v5, $0x3  }
0x3d: {  	v4 =	vshll.u32 v4, $0x2;
	v12 =	vshll.u32 v7, $0x4;
	v13 =	vshll.u32 v1, $0x3  }
0x3e: {  	v5 =	vand.u32 $0x3, v5;
	v14 =	vshll.u32 v8, $0x4;
	v15 =	vshll.u32 v2, $0x3  }
0x3f: {  	v16 =	vshll.u32 v9, $0x4;
	v19 =	vshll.u32 v11, $0x4;
	v20 =	vshll.u32 v7, $0x2  }
0x40: {  	v8 =	vshll.u32 v8, $0x2;
	v24 =	vshll.u32 v9, $0x2;
	v11 =	vshll.u32 v11, $0x2  }
0x41: {  	v25 =	vshll.u32 v17, $0x4;
	v17 =	vshll.u32 v17, $0x2;
	v27 =	vshll.u32 v21, $0x4  }
0x42: {  	v3 =	vld [tilespmem:s25+$0x1420];
	v21 =	vshll.u32 v21, $0x2;
	v6 =	vand.u32 $0xFFFFFF80, v6;
	v10 =	vand.u32 $0xFFFFFFE0, v10  }
0x43: {  	v12 =	vand.u32 $0xFFFFFF80, v12;
	v6 =	vadd.s32 v6, v10;
	v10 =	vand.u32 $0x1C, v4;
	v4 =	vld [tilespmem:s25+$0x1430]  }
0x44: {  	v13 =	vand.u32 $0xFFFFFFE0, v13;
	v14 =	vand.u32 $0xFFFFFF80, v14;
	v15 =	vand.u32 $0xFFFFFFE0, v15  }
0x45: {  	v16 =	vand.u32 $0xFFFFFF80, v16;
	v19 =	vand.u32 $0xFFFFFF80, v19;
	v6 =	vor.u32 v10, v6  }
0x46: {  	v25 =	vand.u32 $0xFFFFFF80, v25;
	v27 =	vand.u32 $0xFFFFFF80, v27;
	v10 =	vld [tilespmem:s25+$0x40];
	v6 =	vor.u32 v5, v6  }
0x47: {  	v8 =	vand.u32 $0x1C, v8;
	v63 =	vand.u32 $0x1C, v11;
	v5 =	vld [tilespmem:s25+$0x1440];
	[tilespmem:s25+$0x3C70] =	vst v6;
	v6 =	vshll.u32 v3, $0x3  }
0x48: {  	v17 =	vand.u32 $0x1C, v17;
	v18 =	vand.u32 $0xFFFFFFE0, v6;
	v6 =	vld [tilespmem:s25+$0x1450];
	v7 =	vshll.u32 v4, $0x3  }
0x49: {  	v11 =	vand.u32 $0x1C, v21;
	v12 =	vadd.s32 v12, v13;
	v22 =	vand.u32 $0xFFFFFFE0, v7;
	v7 =	vld [tilespmem:s25+$0x1460]  }
0x4a: {  	v13 =	vadd.s32 v14, v15;
	v15 =	vand.u32 $0x1C, v20;
	v18 =	vadd.s32 v16, v18  }
0x4b: {  	v16 =	vor.u32 v15, v12;
	v15 =	vor.u32 v8, v13;
	v23 =	vshll.u32 v10, $0x4  }
0x4c: {  	v10 =	vshll.u32 v10, $0x2;
	v9 =	vand.u32 $0xFFFFFF80, v23;
	v60 =	vshll.u32 v5, $0x3  }
0x4d: {  	v19 =	vadd.s32 v19, v22;
	v10 =	vand.u32 $0x1C, v10;
	v23 =	vand.u32 $0xFFFFFFE0, v60  }
0x4e: {  	v26 =	vshll.u32 v6, $0x3;
	v61 =	vadd.s32 v9, v23;
	v28 =	vshll.u32 v7, $0x3  }
0x4f: {  	v26 =	vand.u32 $0xFFFFFFE0, v26;
	v12 =	vor.u32 v10, v61;
	v14 =	vand.u32 $0xFFFFFFE0, v28  }
0x50: {  	s28 =	simm.s32 $0x80;
	v62 =	vadd.s32 v25, v26;
	v9 =	vadd.s32 v27, v14;
	v14 =	vand.u32 $0x1C, v24  }
0x51: {  	s21 =	simm.s32 $0x400;
	v8 =	vld [tilespmem:s28+$0x70];
	v10 =	vor.u32 v17, v62;
	v13 =	vor.u32 v14, v18;
	v14 =	vor.u32 v63, v19  }
.LBB2_4:
0x52: {  	p0 =	sne.s32 s21, $0x4E00;
	v17 =	vld [tilespmem:s28+$0x1470];
	v18 =	vand.u32 $0x3, v1;
	v2 =	vand.u32 $0x3, v2;
	v9 =	vor.u32 v11, v9  }
0x53: {  	v3 =	vand.u32 $0x3, v3;
	v4 =	vand.u32 $0x3, v4;
	v5 =	vand.u32 $0x3, v5;
	v11 =	vld [tilespmem:s28+$0x0]  }
0x54: {  	v6 =	vand.u32 $0x3, v6;
	v7 =	vand.u32 $0x3, v7;
	v16 =	vor.u32 v18, v16;
	v1 =	vld [tilespmem:s28+$0x1400]  }
0x55: {  	v15 =	vor.u32 v2, v15;
	v3 =	vor.u32 v3, v13;
	v4 =	vor.u32 v4, v14;
	v18 =	vld [tilespmem:s28+$0x10];
	[tilespmem:s25+$0x3C00] =	vst v16  }
0x56: {  	v5 =	vor.u32 v5, v12;
	v6 =	vor.u32 v6, v10;
	v7 =	vor.u32 v7, v9;
	v2 =	vld [tilespmem:s28+$0x1410];
	[tilespmem:s25+$0x3C10] =	vst v15  }
0x57: {  	v10 =	vshll.u32 v8, $0x4;
	v9 =	vld [tilespmem:s28+$0x20];
	v12 =	vshll.u32 v17, $0x3;
	[tilespmem:s25+$0x3C20] =	vst v3  }
0x58: {  	v8 =	vshll.u32 v8, $0x2;
	v10 =	vand.u32 $0xFFFFFF80, v10;
	v3 =	vld [tilespmem:s28+$0x1420];
	v12 =	vand.u32 $0xFFFFFFE0, v12;
	[tilespmem:s25+$0x3C30] =	vst v4  }
0x59: {  	v8 =	vand.u32 $0x1C, v8;
	v13 =	vshll.u32 v11, $0x4;
	v14 =	vld [tilespmem:s28+$0x30];
	v10 =	vadd.s32 v10, v12;
	[tilespmem:s25+$0x3C40] =	vst v5  }
0x5a: {  	v5 =	vshll.u32 v1, $0x3;
	v4 =	vld [tilespmem:s28+$0x1430];
	v8 =	vor.u32 v8, v10;
	v10 =	vand.u32 $0x3, v17;
	[tilespmem:s25+$0x3C50] =	vst v6  }
0x5b: {  	v6 =	vshll.u32 v18, $0x4;
	v12 =	vshll.u32 v2, $0x3;
	v15 =	vld [tilespmem:s28+$0x40];
	v8 =	vor.u32 v10, v8;
	[tilespmem:s25+$0x3C60] =	vst v7;
	s25 =	smov.u32 s28  }
0x5c: {  	v10 =	vand.u32 $0xFFFFFF80, v13;
	v13 =	vand.u32 $0xFFFFFFE0, v5;
	v7 =	vshll.u32 v9, $0x4;
	v5 =	vld [tilespmem:s25+$0x1440];
	[tilespmem:s25+$0x3C70] =	vst v8  }
0x5d: {  	v8 =	vand.u32 $0xFFFFFF80, v6;
	v12 =	vand.u32 $0xFFFFFFE0, v12;
	v6 =	vshll.u32 v3, $0x3;
	v16 =	vld [tilespmem:s25+$0x50]  }
0x5e: {  	v17 =	vand.u32 $0xFFFFFF80, v7;
	v19 =	vand.u32 $0xFFFFFFE0, v6;
	v7 =	vshll.u32 v14, $0x4;
	v6 =	vld [tilespmem:s25+$0x1450]  }
0x5f: {  	v11 =	vshll.u32 v11, $0x2;
	v20 =	vand.u32 $0xFFFFFF80, v7;
	v7 =	vshll.u32 v4, $0x3;
	v21 =	vld [tilespmem:s25+$0x60]  }
0x60: {  	v18 =	vshll.u32 v18, $0x2;
	v22 =	vand.u32 $0xFFFFFFE0, v7;
	v23 =	vshll.u32 v15, $0x4;
	v7 =	vld [tilespmem:s25+$0x1460]  }
0x61: {  	v24 =	vshll.u32 v9, $0x2;
	v9 =	vand.u32 $0xFFFFFF80, v23;
	v23 =	vshll.u32 v5, $0x3  }
0x62: {  	v14 =	vshll.u32 v14, $0x2;
	v23 =	vand.u32 $0xFFFFFFE0, v23;
	v25 =	vshll.u32 v16, $0x4  }
0x63: {  	v15 =	vshll.u32 v15, $0x2;
	v25 =	vand.u32 $0xFFFFFF80, v25;
	v26 =	vshll.u32 v6, $0x3  }
0x64: {  	v16 =	vshll.u32 v16, $0x2;
	v26 =	vand.u32 $0xFFFFFFE0, v26;
	v27 =	vshll.u32 v21, $0x4  }
0x65: {  	v21 =	vshll.u32 v21, $0x2;
	v27 =	vand.u32 $0xFFFFFF80, v27;
	v28 =	vshll.u32 v7, $0x3  }
0x66: {  	v10 =	vadd.s32 v10, v13;
	v8 =	vadd.s32 v8, v12;
	v12 =	vand.u32 $0xFFFFFFE0, v28  }
0x67: {  	v13 =	vadd.s32 v17, v19;
	v17 =	vadd.s32 v20, v22;
	v19 =	vadd.s32 v9, v23  }
.Ltmp1:
0x68: {  	v20 =	vand.u32 $0x1C, v11;
	v22 =	vadd.s32 v25, v26;
	v9 =	vadd.s32 v27, v12;
	(pc) =	sbr.rel @p0 .LBB2_4-.Ltmp1, $4  }
0x69: {  	v14 =	vand.u32 $0x1C, v14;
	v12 =	vand.u32 $0x1C, v18;
	v18 =	vand.u32 $0x1C, v24  }
0x6a: {  	v23 =	vand.u32 $0x1C, v15;
	v11 =	vand.u32 $0x1C, v21;
	v24 =	vand.u32 $0x1C, v16  }
0x6b: {  	s28 =	sshra.s32 s21, $0x2;
	v16 =	vor.u32 v20, v10;
	v15 =	vor.u32 v12, v8;
	v13 =	vor.u32 v18, v13  }
0x6c: {  	s21 =	sadd.s32 $0x200, s21;
	v14 =	vor.u32 v14, v17;
	v12 =	vor.u32 v23, v19;
	v10 =	vor.u32 v24, v22;
	v8 =	vld [tilespmem:s28+$0x70]  }
0x6d: {  	v17 =	vld [tilespmem:s28+$0x1470]  }
0x6e: {  	v18 =	vld [tilespmem:s28+$0x0];
	v1 =	vand.u32 $0x3, v1  }
0x6f: {  	v19 =	vld [tilespmem:s28+$0x1400];
	v2 =	vand.u32 $0x3, v2;
	v3 =	vand.u32 $0x3, v3;
	v1 =	vor.u32 v1, v16  }
0x70: {  	v33 =	vld [tilespmem:s28+$0x10];
	v4 =	vand.u32 $0x3, v4;
	v5 =	vand.u32 $0x3, v5;
	[tilespmem:s25+$0x3C00] =	vst v1;
	v1 =	vor.u32 v2, v15  }
0x71: {  	v9 =	vor.u32 v11, v9;
	v6 =	vand.u32 $0x3, v6;
	v2 =	vld [tilespmem:s28+$0x1410];
	[tilespmem:s25+$0x3C10] =	vst v1;
	v1 =	vor.u32 v3, v13  }
0x72: {  	v7 =	vand.u32 $0x3, v7;
	v3 =	vld [tilespmem:s28+$0x20];
	[tilespmem:s25+$0x3C20] =	vst v1;
	v1 =	vor.u32 v4, v14;
	v36 =	vshll.u32 v8, $0x4  }
0x73: {  	v39 =	vshll.u32 v8, $0x2;
	v34 =	vld [tilespmem:s28+$0x1420];
	[tilespmem:s25+$0x3C30] =	vst v1;
	v1 =	vor.u32 v5, v12;
	v37 =	vshll.u32 v17, $0x3  }
0x74: {  	v40 =	vand.u32 $0x1C, v39;
	v42 =	vshll.u32 v18, $0x4;
	v43 =	vand.u32 $0x3, v17  }
0x75: {  	v44 =	vshll.u32 v33, $0x4;
	v18 =	vshll.u32 v18, $0x2;
	v16 =	vshll.u32 v33, $0x2  }
0x76: {  	v59 =	vand.u32 $0x3, v19;
	v35 =	vld [tilespmem:s28+$0x30];
	[tilespmem:s25+$0x3C40] =	vst v1;
	v1 =	vor.u32 v6, v10;
	v6 =	vand.u32 $0xFFFFFF80, v36  }
0x77: {  	v10 =	vand.u32 $0xFFFFFFE0, v37;
	v56 =	vand.u32 $0x1C, v18;
	v16 =	vand.u32 $0x1C, v16  }
0x78: {  	v38 =	vld [tilespmem:s28+$0x1430];
	[tilespmem:s25+$0x3C50] =	vst v1;
	v1 =	vor.u32 v7, v9;
	v6 =	vadd.s32 v6, v10;
	v9 =	vand.u32 $0xFFFFFF80, v42  }
0x79: {  	v10 =	vand.u32 $0xFFFFFF80, v44;
	v41 =	vld [tilespmem:s28+$0x40];
	v6 =	vor.u32 v40, v6;
	[tilespmem:s25+$0x3C60] =	vst v1;
	v1 =	vshll.u32 v19, $0x3  }
0x7a: {  	v46 =	vshll.u32 v2, $0x3;
	v2 =	vand.u32 $0x3, v2;
	v6 =	vor.u32 v43, v6  }
0x7b: {  	v1 =	vand.u32 $0xFFFFFFE0, v1;
	v47 =	vshll.u32 v3, $0x4;
	v12 =	vand.u32 $0xFFFFFFE0, v46  }
0x7c: {  	v45 =	vld [tilespmem:s28+$0x1440];
	v3 =	vshll.u32 v3, $0x2;
	[tilespmem:s28+$0x3C70] =	vst v6;
	v48 =	vshll.u32 v34, $0x3;
	v6 =	vand.u32 $0xFFFFFF80, v47  }
0x7d: {  	v49 =	vld [tilespmem:s28+$0x50];
	v1 =	vadd.s32 v9, v1;
	v52 =	vadd.s32 v10, v12;
	v3 =	vand.u32 $0x1C, v3  }
0x7e: {  	v50 =	vld [tilespmem:s28+$0x1450];
	v4 =	vand.u32 $0x3, v34;
	v13 =	vand.u32 $0xFFFFFFE0, v48;
	v51 =	vshll.u32 v35, $0x4  }
0x7f: {  	v21 =	vld [tilespmem:s28+$0x60];
	v5 =	vshll.u32 v35, $0x2;
	v1 =	vor.u32 v56, v1;
	v9 =	vor.u32 v16, v52  }
0x80: {  	v22 =	vld [tilespmem:s28+$0x1460];
	v20 =	vshll.u32 v38, $0x3;
	v17 =	vand.u32 $0xFFFFFF80, v51;
	v6 =	vadd.s32 v6, v13  }
0x81: {  	v5 =	vand.u32 $0x1C, v5;
	v1 =	vor.u32 v59, v1;
	v60 =	vand.u32 $0x3, v38  }
0x82: {  	v20 =	vand.u32 $0xFFFFFFE0, v20;
	v23 =	vshll.u32 v41, $0x4;
	v8 =	vshll.u32 v41, $0x2  }
0x83: {  	v3 =	vor.u32 v3, v6;
	[tilespmem:s28+$0x3C00] =	vst v1;
	v1 =	vor.u32 v2, v9;
	v24 =	vshll.u32 v45, $0x3  }
0x84: {  	v23 =	vand.u32 $0xFFFFFF80, v23;
	v25 =	vshll.u32 v49, $0x4;
	v26 =	vshll.u32 v50, $0x3  }
0x85: {  	v27 =	vshll.u32 v21, $0x4;
	v14 =	vshll.u32 v49, $0x2;
	v28 =	vshll.u32 v22, $0x3  }
0x86: {  	v21 =	vshll.u32 v21, $0x2;
	v54 =	vadd.s32 v17, v20;
	v8 =	vand.u32 $0x1C, v8  }
0x87: {  	v3 =	vor.u32 v4, v3;
	v61 =	vand.u32 $0x3, v45;
	v62 =	vand.u32 $0x3, v50  }
0x88: {  	v24 =	vand.u32 $0xFFFFFFE0, v24;
	v25 =	vand.u32 $0xFFFFFF80, v25;
	v26 =	vand.u32 $0xFFFFFFE0, v26  }
0x89: {  	v27 =	vand.u32 $0xFFFFFF80, v27;
	v53 =	vand.u32 $0xFFFFFFE0, v28;
	v14 =	vand.u32 $0x1C, v14  }
0x8a: {  	[tilespmem:s28+$0x3C10] =	vst v1;
	v58 =	vand.u32 $0x1C, v21;
	v2 =	vor.u32 v5, v54;
	v55 =	vadd.s32 v23, v24  }
0x8b: {  	[tilespmem:s28+$0x3C20] =	vst v3;
	v57 =	vadd.s32 v25, v26;
	v2 =	vor.u32 v60, v2;
	v1 =	vor.u32 v8, v55  }
0x8c: {  	v10 =	vadd.s32 v27, v53;
	v3 =	vor.u32 v14, v57;
	[tilespmem:s28+$0x3C30] =	vst v2;
	v1 =	vor.u32 v61, v1  }
0x8d: {  	v63 =	vand.u32 $0x3, v22;
	v2 =	vor.u32 v58, v10;
	v3 =	vor.u32 v62, v3;
	[tilespmem:s28+$0x3C40] =	vst v1  }
0x8e: {  	v1 =	vor.u32 v63, v2;
	[tilespmem:s28+$0x3C50] =	vst v3  }
0x8f: {  	[tilespmem:s28+$0x3C60] =	vst v1  }
0x90: {  	s21 =	simm.s32 $0x3C00;
	[bflag:$0x0] =	sbarrier.arrive $0xFFFF  }
0x91: {  	[tilespmem:s20], [sflag:$0x1] =	stream.indirect.gather [hbm4b:s4+s18], $0x20, s21, s18, $0xb8;
	[tilespmem:$0x14200] =	vst v63  }
0x92: {  	s28 =	simm.s32 $0x3C80  }
0x93: {  	[tilespmem:s22], [sflag:$0x2] =	stream.indirect.gather [hbm4b:s4+s18], $0x20, s28, s18, $0xb8;
	[tilespmem:$0x14200] =	vst v63  }
0x94: {  	s25 =	simm.s32 $0x3D00  }
0x95: {  	[tilespmem:s24], [sflag:$0x3] =	stream.indirect.gather [hbm4b:s4+s18], $0x20, s25, s18, $0xb8;
	[tilespmem:$0x14200] =	vst v63  }
0x96: {  	s28 =	simm.s32 $0x3D80  }
0x97: {  	[tilespmem:s26], [sflag:$0x4] =	stream.indirect.gather [hbm4b:s4+s18], $0x20, s28, s18, $0xb8;
	[tilespmem:$0x14200] =	vst v63  }
0x98: {  	s25 =	simm.s32 $0x3E00  }
0x99: {  	[tilespmem:s29], [sflag:$0x5] =	stream.indirect.gather [hbm4b:s4+s18], $0x20, s25, s18, $0xb8;
	[tilespmem:$0x14200] =	vst v63  }
0x9a: {  	_ =	swait.ge [sflag:s15], $0x1000  }
0x9b: {  	[sflag:s15] =	ssyncset.done $0x0  }
0x9c: {  	s28 =	simm.s32 $0x2800;
	[sflag:s15] =	ssyncadd.s32 $0xFFFFF000  }
0x9d: {  	[spmem:s2] =	stream.indirect.scatter.add.f32 [tilespmem:s20], [sflag:$0x6], $0x20, s28, s18, $0xb8;
	[tilespmem:$0x14200] =	vst v63  }
0x9e: {  	_ =	swait.ge [sflag:s30], $0x1000  }
0x9f: {  	[sflag:s30] =	ssyncset.done $0x0  }
0xa0: {  	s25 =	simm.s32 $0x3E80;
	[sflag:s30] =	ssyncadd.s32 $0xFFFFF000  }
0xa1: {  	[tilespmem:s20], [sflag:$0x1] =	stream.indirect.gather [hbm4b:s4+s18], $0x20, s25, s18, $0xb8;
	[tilespmem:$0x14200] =	vst v63  }
0xa2: {  	_ =	swait.ge [sflag:s16], $0x1000  }
0xa3: {  	[sflag:s16] =	ssyncset.done $0x0  }
0xa4: {  	s28 =	simm.s32 $0x2880;
	[sflag:s16] =	ssyncadd.s32 $0xFFFFF000  }
0xa5: {  	[spmem:s2] =	stream.indirect.scatter.add.f32 [tilespmem:s22], [sflag:$0x7], $0x20, s28, s18, $0xb8;
	[tilespmem:$0x14200] =	vst v63  }
0xa6: {  	_ =	swait.ge [sflag:s31], $0x1000  }
0xa7: {  	[sflag:s31] =	ssyncset.done $0x0  }
0xa8: {  	s25 =	simm.s32 $0x3F00;
	[sflag:s31] =	ssyncadd.s32 $0xFFFFF000  }
0xa9: {  	[tilespmem:s22], [sflag:$0x2] =	stream.indirect.gather [hbm4b:s4+s18], $0x20, s25, s18, $0xb8;
	[tilespmem:$0x14200] =	vst v63  }
0xaa: {  	_ =	swait.ge [sflag:s17], $0x1000  }
0xab: {  	[sflag:s17] =	ssyncset.done $0x0  }
0xac: {  	s28 =	simm.s32 $0x2900;
	[sflag:s17] =	ssyncadd.s32 $0xFFFFF000  }
0xad: {  	[spmem:s2] =	stream.indirect.scatter.add.f32 [tilespmem:s24], [sflag:$0x8], $0x20, s28, s18, $0xb8;
	[tilespmem:$0x14200] =	vst v63  }
0xae: {  	_ =	swait.ge [sflag:s1], $0x1000  }
0xaf: {  	[sflag:s1] =	ssyncset.done $0x0  }
0xb0: {  	s25 =	simm.s32 $0x3F80;
	[sflag:s1] =	ssyncadd.s32 $0xFFFFF000  }
0xb1: {  	[tilespmem:s24], [sflag:$0x3] =	stream.indirect.gather [hbm4b:s4+s18], $0x20, s25, s18, $0xb8;
	[tilespmem:$0x14200] =	vst v63  }
0xb2: {  	_ =	swait.ge [sflag:s0], $0x1000  }
0xb3: {  	[sflag:s0] =	ssyncset.done $0x0  }
0xb4: {  	s28 =	simm.s32 $0x2980;
	[sflag:s0] =	ssyncadd.s32 $0xFFFFF000  }
0xb5: {  	[spmem:s2] =	stream.indirect.scatter.add.f32 [tilespmem:s26], [sflag:$0x9], $0x20, s28, s18, $0xb8;
	[tilespmem:$0x14200] =	vst v63  }
0xb6: {  	_ =	swait.ge [sflag:s11], $0x1000  }
0xb7: {  	[sflag:s11] =	ssyncset.done $0x0  }
0xb8: {  	s25 =	simm.s32 $0x4000;
	[sflag:s11] =	ssyncadd.s32 $0xFFFFF000  }
0xb9: {  	[tilespmem:s26], [sflag:$0x4] =	stream.indirect.gather [hbm4b:s4+s18], $0x20, s25, s18, $0xb8;
	[tilespmem:$0x14200] =	vst v63  }
0xba: {  	_ =	swait.ge [sflag:s12], $0x1000  }
0xbb: {  	[sflag:s12] =	ssyncset.done $0x0  }
0xbc: {  	s28 =	simm.s32 $0x2A00;
	[sflag:s12] =	ssyncadd.s32 $0xFFFFF000  }
0xbd: {  	[spmem:s2] =	stream.indirect.scatter.add.f32 [tilespmem:s29], [sflag:$0xA], $0x20, s28, s18, $0xb8;
	[tilespmem:$0x14200] =	vst v63  }
0xbe: {  	_ =	swait.ge [sflag:s19], $0x1000  }
0xbf: {  	[sflag:s19] =	ssyncset.done $0x0  }
0xc0: {  	s21 =	simm.s32 $0xA00;
	s25 =	simm.s32 $0x4080;
	[sflag:s19] =	ssyncadd.s32 $0xFFFFF000  }
.LBB2_6:
0xc1: {  	[tilespmem:s29], [sflag:$0x5] =	stream.indirect.gather [hbm4b:s4+s18], $0x20, s25, s18, $0xb8;
	[tilespmem:$0x14200] =	vst v63  }
0xc2: {  	s25 =	smov.u32 s21  }
0xc3: {  	p0 =	sne.s32 s21, $0x3C00;
	s21 =	sadd.s32 $0xA00, s21;
	_ =	swait.ge [sflag:s15], $0x1000  }
0xc4: {  	s25 =	sshra.s32 s25, $0x2;
	[sflag:s15] =	ssyncset.done $0x0  }
0xc5: {  	s28 =	sadd.s32 $0x2800, s25;
	[sflag:s15] =	ssyncadd.s32 $0xFFFFF000  }
0xc6: {  	[spmem:s2] =	stream.indirect.scatter.add.f32 [tilespmem:s20], [sflag:$0x6], $0x20, s28, s18, $0xb8;
	[tilespmem:$0x14200] =	vst v63  }
0xc7: {  	_ =	swait.ge [sflag:s30], $0x1000  }
0xc8: {  	[sflag:s30] =	ssyncset.done $0x0  }
0xc9: {  	s28 =	sadd.s32 $0x3E80, s25;
	[sflag:s30] =	ssyncadd.s32 $0xFFFFF000  }
0xca: {  	[tilespmem:s20], [sflag:$0x1] =	stream.indirect.gather [hbm4b:s4+s18], $0x20, s28, s18, $0xb8;
	[tilespmem:$0x14200] =	vst v63  }
0xcb: {  	_ =	swait.ge [sflag:s16], $0x1000  }
0xcc: {  	[sflag:s16] =	ssyncset.done $0x0  }
0xcd: {  	s28 =	sadd.s32 $0x2880, s25;
	[sflag:s16] =	ssyncadd.s32 $0xFFFFF000  }
0xce: {  	[spmem:s2] =	stream.indirect.scatter.add.f32 [tilespmem:s22], [sflag:$0x7], $0x20, s28, s18, $0xb8;
	[tilespmem:$0x14200] =	vst v63  }
0xcf: {  	_ =	swait.ge [sflag:s31], $0x1000  }
0xd0: {  	[sflag:s31] =	ssyncset.done $0x0  }
0xd1: {  	s28 =	sadd.s32 $0x3F00, s25;
	[sflag:s31] =	ssyncadd.s32 $0xFFFFF000  }
0xd2: {  	[tilespmem:s22], [sflag:$0x2] =	stream.indirect.gather [hbm4b:s4+s18], $0x20, s28, s18, $0xb8;
	[tilespmem:$0x14200] =	vst v63  }
0xd3: {  	_ =	swait.ge [sflag:s17], $0x1000  }
0xd4: {  	[sflag:s17] =	ssyncset.done $0x0  }
0xd5: {  	s28 =	sadd.s32 $0x2900, s25;
	[sflag:s17] =	ssyncadd.s32 $0xFFFFF000  }
0xd6: {  	[spmem:s2] =	stream.indirect.scatter.add.f32 [tilespmem:s24], [sflag:$0x8], $0x20, s28, s18, $0xb8;
	[tilespmem:$0x14200] =	vst v63  }
0xd7: {  	_ =	swait.ge [sflag:s1], $0x1000  }
0xd8: {  	[sflag:s1] =	ssyncset.done $0x0  }
0xd9: {  	s28 =	sadd.s32 $0x3F80, s25;
	[sflag:s1] =	ssyncadd.s32 $0xFFFFF000  }
0xda: {  	[tilespmem:s24], [sflag:$0x3] =	stream.indirect.gather [hbm4b:s4+s18], $0x20, s28, s18, $0xb8;
	[tilespmem:$0x14200] =	vst v63  }
0xdb: {  	_ =	swait.ge [sflag:s0], $0x1000  }
0xdc: {  	[sflag:s0] =	ssyncset.done $0x0  }
0xdd: {  	s28 =	sadd.s32 $0x2980, s25;
	[sflag:s0] =	ssyncadd.s32 $0xFFFFF000  }
0xde: {  	[spmem:s2] =	stream.indirect.scatter.add.f32 [tilespmem:s26], [sflag:$0x9], $0x20, s28, s18, $0xb8;
	[tilespmem:$0x14200] =	vst v63  }
0xdf: {  	_ =	swait.ge [sflag:s11], $0x1000  }
0xe0: {  	[sflag:s11] =	ssyncset.done $0x0  }
0xe1: {  	s28 =	sadd.s32 $0x4000, s25;
	[sflag:s11] =	ssyncadd.s32 $0xFFFFF000  }
0xe2: {  	[tilespmem:s26], [sflag:$0x4] =	stream.indirect.gather [hbm4b:s4+s18], $0x20, s28, s18, $0xb8;
	[tilespmem:$0x14200] =	vst v63  }
0xe3: {  	_ =	swait.ge [sflag:s12], $0x1000  }
0xe4: {  	[sflag:s12] =	ssyncset.done $0x0  }
.Ltmp2:
0xe5: {  	s28 =	sadd.s32 $0x2A00, s25;
	[sflag:s12] =	ssyncadd.s32 $0xFFFFF000;
	(pc) =	sbr.rel @p0 .LBB2_6-.Ltmp2, $4  }
0xe6: {  	[spmem:s2] =	stream.indirect.scatter.add.f32 [tilespmem:s29], [sflag:$0xA], $0x20, s28, s18, $0xb8;
	[tilespmem:$0x14200] =	vst v63  }
0xe7: {  	_ =	swait.ge [sflag:s19], $0x1000  }
0xe8: {  	[sflag:s19] =	ssyncset.done $0x0  }
0xe9: {  	s25 =	sadd.s32 $0x4080, s25;
	[sflag:s19] =	ssyncadd.s32 $0xFFFFF000  }
0xea: {  	[tilespmem:s29], [sflag:$0x5] =	stream.indirect.gather [hbm4b:s4+s18], $0x20, s25, s18, $0xb8;
	[tilespmem:$0x14200] =	vst v63  }
0xeb: {  	_ =	swait.ge [sflag:s15], $0x1000  }
0xec: {  	[sflag:s15] =	ssyncset.done $0x0  }
0xed: {  	s21 =	simm.s32 $0x3980;
	[sflag:s15] =	ssyncadd.s32 $0xFFFFF000  }
0xee: {  	[spmem:s2] =	stream.indirect.scatter.add.f32 [tilespmem:s20], [sflag:$0x6], $0x20, s21, s18, $0xb8;
	[tilespmem:$0x14200] =	vst v63  }
0xef: {  	_ =	swait.ge [sflag:s16], $0x1000  }
0xf0: {  	[sflag:s16] =	ssyncset.done $0x0  }
0xf1: {  	s25 =	simm.s32 $0x3A00;
	[sflag:s16] =	ssyncadd.s32 $0xFFFFF000  }
0xf2: {  	[spmem:s2] =	stream.indirect.scatter.add.f32 [tilespmem:s22], [sflag:$0x7], $0x20, s25, s18, $0xb8;
	[tilespmem:$0x14200] =	vst v63  }
0xf3: {  	_ =	swait.ge [sflag:s17], $0x1000  }
0xf4: {  	[sflag:s17] =	ssyncset.done $0x0  }
0xf5: {  	s28 =	simm.s32 $0x3A80;
	[sflag:s17] =	ssyncadd.s32 $0xFFFFF000  }
0xf6: {  	[spmem:s2] =	stream.indirect.scatter.add.f32 [tilespmem:s24], [sflag:$0x8], $0x20, s28, s18, $0xb8;
	[tilespmem:$0x14200] =	vst v63  }
0xf7: {  	_ =	swait.ge [sflag:s0], $0x1000  }
0xf8: {  	[sflag:s0] =	ssyncset.done $0x0  }
0xf9: {  	s25 =	simm.s32 $0x3B00;
	[sflag:s0] =	ssyncadd.s32 $0xFFFFF000  }
0xfa: {  	[spmem:s2] =	stream.indirect.scatter.add.f32 [tilespmem:s26], [sflag:$0x9], $0x20, s25, s18, $0xb8;
	[tilespmem:$0x14200] =	vst v63  }
0xfb: {  	_ =	swait.ge [sflag:s12], $0x1000  }
0xfc: {  	[sflag:s12] =	ssyncset.done $0x0  }
0xfd: {  	s28 =	simm.s32 $0x3B80;
	[sflag:s12] =	ssyncadd.s32 $0xFFFFF000  }
0xfe: {  	[spmem:s2] =	stream.indirect.scatter.add.f32 [tilespmem:s29], [sflag:$0xA], $0x20, s28, s18, $0xb8;
	[tilespmem:$0x14200] =	vst v63  }
0xff: {  	_ =	swait.ge [sflag:s30], $0x1000  }
0x100: {  	[sflag:s30] =	ssyncset.done $0x0  }
0x101: {  	[sflag:s30] =	ssyncadd.s32 $0xFFFFF000  }
0x102: {  	_ =	swait.ge [sflag:s31], $0x1000  }
0x103: {  	[sflag:s31] =	ssyncset.done $0x0  }
0x104: {  	[sflag:s31] =	ssyncadd.s32 $0xFFFFF000  }
0x105: {  	_ =	swait.ge [sflag:s1], $0x1000  }
0x106: {  	[sflag:s1] =	ssyncset.done $0x0  }
0x107: {  	[sflag:s1] =	ssyncadd.s32 $0xFFFFF000  }
0x108: {  	_ =	swait.ge [sflag:s11], $0x1000  }
0x109: {  	[sflag:s11] =	ssyncset.done $0x0  }
0x10a: {  	[sflag:s11] =	ssyncadd.s32 $0xFFFFF000  }
0x10b: {  	_ =	swait.ge [sflag:s19], $0x1000  }
0x10c: {  	[sflag:s19] =	ssyncset.done $0x0  }
0x10d: {  	[sflag:s19] =	ssyncadd.s32 $0xFFFFF000  }
0x10e: {  	[bflag:$0x0] =	sbarrier.arrive $0xFFFF  }
0x10f: {  	[tilespmem:s13], [sflag:$0xB] =	stream.linear.gather [spmem:s8], $0x5100, $0x38;
	[tilespmem:$0x14200] =	vst v63  }
0x110: {  	s23 =	sadd.s32 $0x1, s23;
	_ =	swait.ge [sflag:s14], $0x5100  }
0x111: {  	p0 =	sne.s32 s23, s10;
	[sflag:s14] =	ssyncset.done $0x0  }
.Ltmp3:
0x112: {  	[sflag:s14] =	ssyncadd.s32 $0xFFFFAF00;
	(pc) =	sbr.rel @p0 .LBB2_1-.Ltmp3, $4  }
0x113: {  	[hbm4b:s9+s3] =	stream.linear.scatter [tilespmem:s13], [sflag:$0xB], $0x5100, $0x38;
	[tilespmem:$0x14200] =	vst v63  }
0x114: {  	_ =	swait.ge [sflag:s14], $0x5100  }
0x115: {  	[sflag:s14] =	ssyncset.done $0x0  }
0x116: {  	[sflag:s14] =	ssyncadd.s32 $0xFFFFAF00  }
0x117: {  	_ =	sfence.sel $0x180000  }
0x118: {  	[bflag:$0x0] =	sbarrier.arrive $0xFFFF  }
0x119: {  	_ =	strace $0x9000004D  }
0x11a: {  	s0 =	stileid.u32;
	[bflag:$0x2] =	sbarrier.arrive $0xFFFF  }
0x11b: {  	p0 =	sne.s32 s0, $0x0;
	s0 =	rddreg [dreg:$0x2]  }
0x11c: {  	s0 =	sadd.s32 @!p0 $0x100000, s0  }
0x11d: {  	[sflag:s0] =	ssyncadd.tile.s32 @!p0 $0x1;
	_ =	shalt  }
.Lfunc_end2:
_tile_overlayer_lowered:
.L_overlay_start_2:
0x11e: {  	(tag) =	ssettag $0x2  }
0x11f: {  	s0 =	rddreg [dreg:$0x0];
	s2 =	stileid.u32  }
0x120: {  	s1 =	rddreg [dreg:$0x1];
	p0 =	sne.s32 s2, $0x0  }
0x121: {  	s3 =	rddreg [dreg:$0x2];
	[bflag:$0x3] =	sbarrier.arrive $0xFFFF;
	s2 =	simm.s32 @!p0 $0x1C0B  }
0x122: {  	[timem:s3], [sflag:s2] =	dma.local @!p0 [hbm:s0], s1  }
0x123: {  	s0 =	simm.s32 @!p0 $0xB  }
0x124: {  	_ =	swait.ge @!p0 [sflag:s0], s1  }
0x125: {  	s1 =	ssub.s32 @!p0 $0x0, s1;
	[sflag:s0] =	ssyncset.done @!p0 $0x0  }
0x126: {  	[sflag:s0] =	ssyncadd.s32 @!p0 s1  }
0x127: {  	[bflag:$0x3] =	sbarrier.arrive $0xFFFF  }
0x128: {  	_ =	shalt  }

</sc_bundles>
